<compile_context>
chip_gen: v7x
topology: tpu7x:2x2x1
jax: 0.10.2.dev20260603
libtpu: 0.0.44.dev20260713+nightly
codegen_flags: <defaults>
</compile_context>

<pallas_src>
import functools

import jax
import jax.numpy as jnp
from jax import lax
from jax.experimental import pallas as pl
from jax.experimental.pallas import tpu as pltpu
from jax.experimental.pallas import tpu_sc as plsc

N_NODES = 10000
N_EDGES = 320000
IN_FEATS = 128
N_HIDDEN = 64

NC = 2
NS = 16
NW = NC * NS
MCH = 100
MCHUNK = N_EDGES // NW // MCH
NBUF = 5
NPAD = 10240
SROWS = NPAD // NS

_MESH = functools.partial(
    plsc.VectorSubcoreMesh, core_axis_name="c", subcore_axis_name="s",
    num_cores=NC, num_subcores=NS)

def _deg_body(src_hbm, dst_hbm, outdeg_hbm, indeg_hbm,
              idx_s, idx_d, ones_v, zbuf, degs_sh, degd_sh, ssem, dsem):
    c = lax.axis_index("c")
    s = lax.axis_index("s")
    wid = c * NS + s
    _Z16 = jnp.zeros((16,), jnp.float32)
    _O16 = jnp.ones((16,), jnp.float32)

    for k in range(128 // 16):
        ones_v[pl.ds(16 * k, 16)] = _O16

    def zrow(i, carry):
        zbuf[pl.ds(i * 16, 16)] = _Z16
        return carry
    lax.fori_loop(0, SROWS // 16, zrow, 0)

    pltpu.sync_copy(zbuf, degs_sh.at[pl.ds(s * SROWS, SROWS)])
    pltpu.sync_copy(zbuf, degd_sh.at[pl.ds(s * SROWS, SROWS)])
    plsc.subcore_barrier()

    pltpu.sync_copy(src_hbm.at[wid], idx_s)
    pltpu.sync_copy(dst_hbm.at[wid], idx_d)

    ones = ones_v.at[pl.ds(0, MCH)]

    def body(t, carry):
        j0 = NBUF * t
        for b in range(NBUF):
            @pl.when(t > 0)
            def _():
                pltpu.make_async_copy(
                    ones, degs_sh.at[idx_s.at[j0 + b - NBUF]],
                    ssem.at[b]).wait()
                pltpu.make_async_copy(
                    ones, degd_sh.at[idx_d.at[j0 + b - NBUF]],
                    dsem.at[b]).wait()
            pltpu.async_copy(ones, degs_sh.at[idx_s.at[j0 + b]],
                             ssem.at[b], add=True)
            pltpu.async_copy(ones, degd_sh.at[idx_d.at[j0 + b]],
                             dsem.at[b], add=True)
        return carry
    lax.fori_loop(0, MCHUNK // NBUF, body, 0)
    for b in range(NBUF):
        pltpu.make_async_copy(ones, degs_sh.at[idx_s.at[MCHUNK - NBUF + b]],
                              ssem.at[b]).wait()
        pltpu.make_async_copy(ones, degd_sh.at[idx_d.at[MCHUNK - NBUF + b]],
                              dsem.at[b]).wait()

    plsc.subcore_barrier()
    pltpu.sync_copy(degs_sh.at[pl.ds(s * SROWS, SROWS)], zbuf)
    pltpu.sync_copy(zbuf, outdeg_hbm.at[c, pl.ds(s * SROWS, SROWS)])
    pltpu.sync_copy(degd_sh.at[pl.ds(s * SROWS, SROWS)], zbuf)
    pltpu.sync_copy(zbuf, indeg_hbm.at[c, pl.ds(s * SROWS, SROWS)])


_deg_call = pl.kernel(
    _deg_body,
    out_type=(jax.ShapeDtypeStruct((NC, NPAD), jnp.float32),
              jax.ShapeDtypeStruct((NC, NPAD), jnp.float32)),
    mesh=_MESH(),
    scratch_types=[
        pltpu.VMEM((MCHUNK, MCH), jnp.int32),
        pltpu.VMEM((MCHUNK, MCH), jnp.int32),
        pltpu.VMEM((128,), jnp.float32),
        pltpu.VMEM((SROWS,), jnp.float32),
        pltpu.VMEM_SHARED((NPAD,), jnp.float32),
        pltpu.VMEM_SHARED((NPAD,), jnp.float32),
        pltpu.SemaphoreType.DMA((NBUF,)),
        pltpu.SemaphoreType.DMA((NBUF,)),
    ],
    compiler_params=pltpu.CompilerParams(use_tc_tiling_on_sc=False),
)


def _msg_body(hw_hbm, src_hbm, dst_hbm, out_hbm,
              idx_s, idx_d, rows, zbuf, wb, acc_sh, gsem, ssem, wsem):
    c = lax.axis_index("c")
    s = lax.axis_index("s")
    wid = c * NS + s
    _Z16 = jnp.zeros((16,), jnp.float32)

    def zrow(i, carry):
        for q in range(4):
            zbuf[i, pl.ds(q * 16, 16)] = _Z16
        return carry
    lax.fori_loop(0, 64, zrow, 0)
    for t in range(SROWS // 64):
        pltpu.async_copy(zbuf, acc_sh.at[pl.ds(s * SROWS + t * 64, 64)],
                         wsem.at[t % 2])
    for t in range(SROWS // 64):
        pltpu.make_async_copy(zbuf, acc_sh.at[pl.ds(s * SROWS + t * 64, 64)],
                              wsem.at[t % 2]).wait()
    plsc.subcore_barrier()

    pltpu.sync_copy(src_hbm.at[wid], idx_s)
    pltpu.sync_copy(dst_hbm.at[wid], idx_d)

    for b in range(NBUF):
        pltpu.async_copy(hw_hbm.at[idx_s.at[b]], rows.at[b], gsem.at[b])

    def body(t, carry):
        j0 = NBUF * t
        for b in range(NBUF):
            pltpu.make_async_copy(hw_hbm.at[idx_s.at[j0 + b]],
                                  rows.at[b], gsem.at[b]).wait()
            pltpu.async_copy(rows.at[b], acc_sh.at[idx_d.at[j0 + b]],
                             ssem.at[b], add=True)
        for b in range(NBUF):
            @pl.when(j0 + b + NBUF < MCHUNK)
            def _():
                pltpu.make_async_copy(rows.at[b],
                                      acc_sh.at[idx_d.at[j0 + b]],
                                      ssem.at[b]).wait()
                pltpu.async_copy(hw_hbm.at[idx_s.at[j0 + b + NBUF]],
                                 rows.at[b], gsem.at[b])
        return carry
    lax.fori_loop(0, MCHUNK // NBUF, body, 0)

    for b in range(NBUF):
        pltpu.make_async_copy(rows.at[b],
                              acc_sh.at[idx_d.at[MCHUNK - NBUF + b]],
                              ssem.at[b]).wait()

    plsc.subcore_barrier()
    quarter = SROWS // 4
    for q in range(4):
        b = q % 2
        if q >= 2:
            pltpu.make_async_copy(
                wb.at[b],
                out_hbm.at[c, pl.ds(s * SROWS + (q - 2) * quarter, quarter)],
                wsem.at[b]).wait()
        pltpu.sync_copy(acc_sh.at[pl.ds(s * SROWS + q * quarter, quarter)],
                        wb.at[b])
        pltpu.async_copy(wb.at[b],
                         out_hbm.at[c, pl.ds(s * SROWS + q * quarter, quarter)],
                         wsem.at[b])
    for q in range(2, 4):
        b = q % 2
        pltpu.make_async_copy(
            wb.at[b], out_hbm.at[c, pl.ds(s * SROWS + q * quarter, quarter)],
            wsem.at[b]).wait()


_msg_call = pl.kernel(
    _msg_body,
    out_type=jax.ShapeDtypeStruct((NC, NPAD, N_HIDDEN), jnp.float32),
    mesh=_MESH(),
    scratch_types=[
        pltpu.VMEM((MCHUNK, MCH), jnp.int32),
        pltpu.VMEM((MCHUNK, MCH), jnp.int32),
        pltpu.VMEM((NBUF, MCH, N_HIDDEN), jnp.float32),
        pltpu.VMEM((64, N_HIDDEN), jnp.float32),
        pltpu.VMEM((2, SROWS // 4, N_HIDDEN), jnp.float32),
        pltpu.VMEM_SHARED((NPAD, N_HIDDEN), jnp.float32),
        pltpu.SemaphoreType.DMA((NBUF,)),
        pltpu.SemaphoreType.DMA((NBUF,)),
        pltpu.SemaphoreType.DMA((2,)),
    ],
    compiler_params=pltpu.CompilerParams(use_tc_tiling_on_sc=False),
)



_RB = 1024


def _enc1_body(odeg, ideg, x_r, w1_r, ns_r, nd_r, hw1_r):
    ns = lax.rsqrt(jnp.maximum(odeg[0] + odeg[1], 1.0))
    nd = lax.rsqrt(jnp.maximum(ideg[0] + ideg[1], 1.0))
    ns_r[...] = ns
    nd_r[...] = nd
    hw1_r[...] = jnp.dot(x_r[...] * ns[:, None], w1_r[...],
                         preferred_element_type=jnp.float32)


def _enc1_call(odeg, ideg, x, w1):
    grid = (NPAD // _RB,)
    return pl.pallas_call(
        _enc1_body,
        grid=grid,
        in_specs=[
            pl.BlockSpec((NC, _RB), lambda i: (0, i)),
            pl.BlockSpec((NC, _RB), lambda i: (0, i)),
            pl.BlockSpec((_RB, IN_FEATS), lambda i: (i, 0)),
            pl.BlockSpec((IN_FEATS, N_HIDDEN), lambda i: (0, 0)),
        ],
        out_specs=[
            pl.BlockSpec((_RB,), lambda i: (i,)),
            pl.BlockSpec((_RB,), lambda i: (i,)),
            pl.BlockSpec((_RB, N_HIDDEN), lambda i: (i, 0)),
        ],
        out_shape=[
            jax.ShapeDtypeStruct((NPAD,), jnp.float32),
            jax.ShapeDtypeStruct((NPAD,), jnp.float32),
            jax.ShapeDtypeStruct((N_NODES, N_HIDDEN), jnp.float32),
        ],
    )(odeg, ideg, x, w1)


def _enc2_body(a_r, nd_r, ns_r, b1_r, w2_r, hw2_r):
    agg = (a_r[0] + a_r[1]) * nd_r[...][:, None] + b1_r[...]
    h1 = jnp.maximum(agg, 0.0)
    hw2_r[...] = jnp.dot(h1 * ns_r[...][:, None], w2_r[...],
                         preferred_element_type=jnp.float32)


def _enc2_call(a, nd, ns, b1, w2):
    grid = (NPAD // _RB,)
    return pl.pallas_call(
        _enc2_body,
        grid=grid,
        in_specs=[
            pl.BlockSpec((NC, _RB, N_HIDDEN), lambda i: (0, i, 0)),
            pl.BlockSpec((_RB,), lambda i: (i,)),
            pl.BlockSpec((_RB,), lambda i: (i,)),
            pl.BlockSpec((1, N_HIDDEN), lambda i: (0, 0)),
            pl.BlockSpec((N_HIDDEN, N_HIDDEN), lambda i: (0, 0)),
        ],
        out_specs=pl.BlockSpec((_RB, N_HIDDEN), lambda i: (i, 0)),
        out_shape=jax.ShapeDtypeStruct((N_NODES, N_HIDDEN), jnp.float32),
    )(a, nd, ns, b1, w2)


_DR = 256
_DC = NPAD


def _dec_body(ar, ac, ndr, ndc, b2_r, out_r):
    h2r = (ar[0] + ar[1]) * ndr[...][:, None] + b2_r[...]
    h2c = (ac[0] + ac[1]) * ndc[...][:, None] + b2_r[...]
    z = lax.dot_general(h2r, h2c, (((1,), (1,)), ((), ())),
                        preferred_element_type=jnp.float32)
    out_r[...] = 0.5 * jnp.tanh(z * 0.5) + 0.5


def _dec_call(a, nd, b2):
    grid = (NPAD // _DR,)
    return pl.pallas_call(
        _dec_body,
        grid=grid,
        in_specs=[
            pl.BlockSpec((NC, _DR, N_HIDDEN), lambda i: (0, i, 0)),
            pl.BlockSpec((NC, _DC, N_HIDDEN), lambda i: (0, 0, 0)),
            pl.BlockSpec((_DR,), lambda i: (i,)),
            pl.BlockSpec((_DC,), lambda i: (0,)),
            pl.BlockSpec((1, N_HIDDEN), lambda i: (0, 0)),
        ],
        out_specs=pl.BlockSpec((_DR, _DC), lambda i: (i, 0)),
        out_shape=jax.ShapeDtypeStruct((N_NODES, N_NODES), jnp.float32),
        compiler_params=pltpu.CompilerParams(
            dimension_semantics=("arbitrary",)),
    )(a, a, nd, nd, b2)


def kernel(x, edge_index, W1, b1, W2, b2):
    src = edge_index[0].astype(jnp.int32)
    dst = edge_index[1].astype(jnp.int32)
    src3 = src.reshape(NW, MCHUNK, MCH)
    dst3 = dst.reshape(NW, MCHUNK, MCH)

    outdeg_p, indeg_p = _deg_call(src3, dst3)
    ns, nd, hw1 = _enc1_call(outdeg_p, indeg_p, x, W1)
    agg1 = _msg_call(hw1, src3, dst3)
    hw2 = _enc2_call(agg1, nd, ns, b1.reshape(1, N_HIDDEN), W2)
    agg2 = _msg_call(hw2, src3, dst3)
    adj = _dec_call(agg2, nd, b2.reshape(1, N_HIDDEN))
    return adj

# --- scband reference (transcript-rebuilt; emitter-appended) ---
"""Pipeline reference for scband-gae-3504693313816 (READ-ONLY COPY).

The authoritative reference and input builder live on the scoring server;
editing this copy changes nothing except your own understanding.
"""

import jax, jax.numpy as jnp
import numpy as np

N_NODES = 10000
N_EDGES = 320000
IN_FEATS = 128
N_HIDDEN = 64


def setup_inputs(seed: int = 0) -> dict:
    key = jax.random.key(seed)
    k1, k2, k3, k4, k5, k6 = jax.random.split(key, 6)
    x = jax.random.normal(k1, (N_NODES, IN_FEATS), dtype=jnp.float32)
    edge_index = jax.random.randint(k2, (2, N_EDGES), 0, N_NODES, dtype=jnp.int64)
    # GraphConv params (glorot-ish init)
    W1 = jax.random.normal(k3, (IN_FEATS, N_HIDDEN), dtype=jnp.float32) * (1.0 / np.sqrt(IN_FEATS))
    b1 = jnp.zeros((N_HIDDEN,), dtype=jnp.float32)
    W2 = jax.random.normal(k4, (N_HIDDEN, N_HIDDEN), dtype=jnp.float32) * (1.0 / np.sqrt(N_HIDDEN))
    b2 = jnp.zeros((N_HIDDEN,), dtype=jnp.float32)
    return {"x": x, "edge_index": edge_index, "W1": W1, "b1": b1, "W2": W2, "b2": b2}


def _graph_conv(h, src, dst, W, b):
    # DGL GraphConv with norm='both', weight applied before aggregation.
    out_deg = jnp.zeros((N_NODES,), dtype=jnp.float32).at[src].add(1.0)
    in_deg = jnp.zeros((N_NODES,), dtype=jnp.float32).at[dst].add(1.0)
    norm_src = jnp.power(jnp.clip(out_deg, 1.0, None), -0.5)
    norm_dst = jnp.power(jnp.clip(in_deg, 1.0, None), -0.5)
    h = h * norm_src[:, None]
    h = h @ W
    msg = jnp.take(h, src, axis=0)
    agg = jnp.zeros((N_NODES, h.shape[1]), dtype=h.dtype).at[dst].add(msg)
    agg = agg * norm_dst[:, None]
    return agg + b


def reference(x, edge_index, W1, b1, W2, b2):
    src = edge_index[0]
    dst = edge_index[1]
    # encode (dropout=0.0 -> identity)
    h = _graph_conv(x, src, dst, W1, b1)
    h = jax.nn.relu(h)
    h = _graph_conv(h, src, dst, W2, b2)
    # decode: dense adjacency reconstruction
    adj_rec = jax.nn.sigmoid(h @ h.T)
    return adj_rec

if __name__ == "__main__":
    import jax
    _d = setup_inputs()
    print(jax.jit(kernel)(*tuple(_d.values())))

</pallas_src>

<mosaic_0001>
#map = affine_map<(d0, d1) -> (0, 0, 0)>
#map1 = affine_map<(d0, d1) -> (0, 0)>
module attributes {stable_mosaic.version = 14 : i64} {
  func.func @_deg_body(%arg0: i32, %arg1: i32, %arg2: memref<32x100x100xi32, #tpu.memory_space<hbm>>, %arg3: memref<32x100x100xi32, #tpu.memory_space<hbm>>, %arg4: memref<2x10240xf32, #tpu.memory_space<hbm>>, %arg5: memref<2x10240xf32, #tpu.memory_space<hbm>>, %arg6: memref<100x100xi32, #tpu.memory_space<vmem>>, %arg7: memref<100x100xi32, #tpu.memory_space<vmem>>, %arg8: memref<128xf32, #tpu.memory_space<vmem>>, %arg9: memref<640xf32, #tpu.memory_space<vmem>>, %arg10: memref<10240xf32, #tpu.memory_space<vmem_shared>>, %arg11: memref<10240xf32, #tpu.memory_space<vmem_shared>>, %arg12: memref<5x!tpu.dma_semaphore, #tpu.memory_space<semaphore_mem>>, %arg13: memref<5x!tpu.dma_semaphore, #tpu.memory_space<semaphore_mem>>) attributes {dimension_semantics = [#tpu.dimension_semantics<core_parallel>, #tpu.dimension_semantics<subcore_parallel>], iteration_bounds = array<i64: 2, 16>, scalar_prefetch = 0 : i64, scratch_operands = 8 : i64, tpu.core_type = #tpu.core_type<sc_vector_subcore>, window_params = [{transform_indices = #map}, {transform_indices = #map}, {transform_indices = #map1}, {transform_indices = #map1}]} {
    %mul3A = arith.constant 16 : i32
    %mul3A_0 = arith.muli %arg0, %mul3A : i32
    %add3A = arith.addi %mul3A_0, %arg1 : i32
    %broadcast_in_dim3A = arith.constant 0.000000e+00 : f32
    %broadcast_in_dim3A_1 = vector.broadcast %broadcast_in_dim3A : f32 to vector<16xf32>
    %broadcast_in_dim3A_2 = arith.constant 1.000000e+00 : f32
    %broadcast_in_dim3A_3 = vector.broadcast %broadcast_in_dim3A_2 : f32 to vector<16xf32>
    %swap3A = arith.constant 0 : index
    %swap3A_4 = tpu.vector_load %arg8[%swap3A] {strides = array<i32>} : memref<128xf32, #tpu.memory_space<vmem>>, vector<16xf32>,
    %swap3A_5 = vector.shape_cast %swap3A_4 : vector<16xf32> to vector<16xf32>
    %swap3A_6 = vector.shape_cast %broadcast_in_dim3A_3 : vector<16xf32> to vector<16xf32>
    tpu.vector_store %arg8[%swap3A], %swap3A_6 {strides = array<i32>} : memref<128xf32, #tpu.memory_space<vmem>>, vector<16xf32>,
    %swap3A_7 = arith.constant 16 : index
    %swap3A_8 = tpu.vector_load %arg8[%swap3A_7] {strides = array<i32>} : memref<128xf32, #tpu.memory_space<vmem>>, vector<16xf32>,
    %swap3A_9 = vector.shape_cast %swap3A_8 : vector<16xf32> to vector<16xf32>
    %swap3A_10 = vector.shape_cast %broadcast_in_dim3A_3 : vector<16xf32> to vector<16xf32>
    tpu.vector_store %arg8[%swap3A_7], %swap3A_10 {strides = array<i32>} : memref<128xf32, #tpu.memory_space<vmem>>, vector<16xf32>,
    %swap3A_11 = arith.constant 32 : index
    %swap3A_12 = tpu.vector_load %arg8[%swap3A_11] {strides = array<i32>} : memref<128xf32, #tpu.memory_space<vmem>>, vector<16xf32>,
    %swap3A_13 = vector.shape_cast %swap3A_12 : vector<16xf32> to vector<16xf32>
    %swap3A_14 = vector.shape_cast %broadcast_in_dim3A_3 : vector<16xf32> to vector<16xf32>
    tpu.vector_store %arg8[%swap3A_11], %swap3A_14 {strides = array<i32>} : memref<128xf32, #tpu.memory_space<vmem>>, vector<16xf32>,
    %swap3A_15 = arith.constant 48 : index
    %swap3A_16 = tpu.vector_load %arg8[%swap3A_15] {strides = array<i32>} : memref<128xf32, #tpu.memory_space<vmem>>, vector<16xf32>,
    %swap3A_17 = vector.shape_cast %swap3A_16 : vector<16xf32> to vector<16xf32>
    %swap3A_18 = vector.shape_cast %broadcast_in_dim3A_3 : vector<16xf32> to vector<16xf32>
    tpu.vector_store %arg8[%swap3A_15], %swap3A_18 {strides = array<i32>} : memref<128xf32, #tpu.memory_space<vmem>>, vector<16xf32>,
    %swap3A_19 = arith.constant 64 : index
    %swap3A_20 = tpu.vector_load %arg8[%swap3A_19] {strides = array<i32>} : memref<128xf32, #tpu.memory_space<vmem>>, vector<16xf32>,
    %swap3A_21 = vector.shape_cast %swap3A_20 : vector<16xf32> to vector<16xf32>
    %swap3A_22 = vector.shape_cast %broadcast_in_dim3A_3 : vector<16xf32> to vector<16xf32>
    tpu.vector_store %arg8[%swap3A_19], %swap3A_22 {strides = array<i32>} : memref<128xf32, #tpu.memory_space<vmem>>, vector<16xf32>,
    %swap3A_23 = arith.constant 80 : index
    %swap3A_24 = tpu.vector_load %arg8[%swap3A_23] {strides = array<i32>} : memref<128xf32, #tpu.memory_space<vmem>>, vector<16xf32>,
    %swap3A_25 = vector.shape_cast %swap3A_24 : vector<16xf32> to vector<16xf32>
    %swap3A_26 = vector.shape_cast %broadcast_in_dim3A_3 : vector<16xf32> to vector<16xf32>
    tpu.vector_store %arg8[%swap3A_23], %swap3A_26 {strides = array<i32>} : memref<128xf32, #tpu.memory_space<vmem>>, vector<16xf32>,
    %swap3A_27 = arith.constant 96 : index
    %swap3A_28 = tpu.vector_load %arg8[%swap3A_27] {strides = array<i32>} : memref<128xf32, #tpu.memory_space<vmem>>, vector<16xf32>,
    %swap3A_29 = vector.shape_cast %swap3A_28 : vector<16xf32> to vector<16xf32>
    %swap3A_30 = vector.shape_cast %broadcast_in_dim3A_3 : vector<16xf32> to vector<16xf32>
    tpu.vector_store %arg8[%swap3A_27], %swap3A_30 {strides = array<i32>} : memref<128xf32, #tpu.memory_space<vmem>>, vector<16xf32>,
    %swap3A_31 = arith.constant 112 : index
    %swap3A_32 = tpu.vector_load %arg8[%swap3A_31] {strides = array<i32>} : memref<128xf32, #tpu.memory_space<vmem>>, vector<16xf32>,
    %swap3A_33 = vector.shape_cast %swap3A_32 : vector<16xf32> to vector<16xf32>
    %swap3A_34 = vector.shape_cast %broadcast_in_dim3A_3 : vector<16xf32> to vector<16xf32>
    tpu.vector_store %arg8[%swap3A_31], %swap3A_34 {strides = array<i32>} : memref<128xf32, #tpu.memory_space<vmem>>, vector<16xf32>,
    %scan3A = arith.constant 0 : i32
    %scan3A_35 = arith.constant 0 : i32
    %scan3A_36 = arith.constant 40 : i32
    %scan3A_37 = arith.addi %scan3A_35, %scan3A_36 : i32
    %scan3A_38 = arith.constant 1 : i32
    scf.for %scan3A_168 = %scan3A_35 to %scan3A_37 step %scan3A_38  : i32 {
      %mul3A_169 = arith.constant 16 : i32
      %mul3A_170 = arith.muli %scan3A_168, %mul3A_169 : i32
      %swap3A_171 = arith.index_cast %mul3A_170 : i32 to index
      %swap3A_172 = tpu.vector_load %arg9[%swap3A_171] {strides = array<i32>} : memref<640xf32, #tpu.memory_space<vmem>>, vector<16xf32>,
      %swap3A_173 = vector.shape_cast %swap3A_172 : vector<16xf32> to vector<16xf32>
      %swap3A_174 = vector.shape_cast %broadcast_in_dim3A_1 : vector<16xf32> to vector<16xf32>
      tpu.vector_store %arg9[%swap3A_171], %swap3A_174 {strides = array<i32>} : memref<640xf32, #tpu.memory_space<vmem>>, vector<16xf32>,
    }
    %scan3A_39 = arith.constant 40 : i32
    %mul3A_40 = arith.constant 640 : i32
    %mul3A_41 = arith.muli %arg1, %mul3A_40 : i32
    "tpu.region"() ({
      %run_scoped3A = tpu.sem_alloc : memref<!tpu.dma_semaphore, #tpu.memory_space<semaphore_mem>>
      %dma_start3A = tpu.memref_slice %arg10[%mul3A_41] : memref<10240xf32, #tpu.memory_space<vmem_shared>> -> memref<640xf32, #tpu.memory_space<vmem_shared>>
      %dma_start3A_168 = tpu.memref_slice %arg10[%mul3A_41] : memref<10240xf32, #tpu.memory_space<vmem_shared>> -> memref<640xf32, #tpu.memory_space<vmem_shared>>
      tpu.enqueue_dma source(%arg9 : memref<640xf32, #tpu.memory_space<vmem>>) target(%dma_start3A_168 : memref<640xf32, #tpu.memory_space<vmem_shared>>) target_semaphore(%run_scoped3A : memref<!tpu.dma_semaphore, #tpu.memory_space<semaphore_mem>>)
      %dma_wait3A_169 = tpu.memref_slice %arg10[%mul3A_41] : memref<10240xf32, #tpu.memory_space<vmem_shared>> -> memref<640xf32, #tpu.memory_space<vmem_shared>>
      %dma_wait3A_170 = tpu.memref_slice %arg10[%mul3A_41] : memref<10240xf32, #tpu.memory_space<vmem_shared>> -> memref<640xf32, #tpu.memory_space<vmem_shared>>
      tpu.wait_dma2 semaphore(%run_scoped3A : memref<!tpu.dma_semaphore, #tpu.memory_space<semaphore_mem>>) src(%arg9 : memref<640xf32, #tpu.memory_space<vmem>>) dst(%dma_wait3A_170 : memref<640xf32, #tpu.memory_space<vmem_shared>>)
      tpu.yield
    }) : () -> ()
    %mul3A_42 = arith.constant 640 : i32
    %mul3A_43 = arith.muli %arg1, %mul3A_42 : i32
    "tpu.region"() ({
      %run_scoped3A = tpu.sem_alloc : memref<!tpu.dma_semaphore, #tpu.memory_space<semaphore_mem>>
      %dma_start3A = tpu.memref_slice %arg11[%mul3A_43] : memref<10240xf32, #tpu.memory_space<vmem_shared>> -> memref<640xf32, #tpu.memory_space<vmem_shared>>
      %dma_start3A_168 = tpu.memref_slice %arg11[%mul3A_43] : memref<10240xf32, #tpu.memory_space<vmem_shared>> -> memref<640xf32, #tpu.memory_space<vmem_shared>>
      tpu.enqueue_dma source(%arg9 : memref<640xf32, #tpu.memory_space<vmem>>) target(%dma_start3A_168 : memref<640xf32, #tpu.memory_space<vmem_shared>>) target_semaphore(%run_scoped3A : memref<!tpu.dma_semaphore, #tpu.memory_space<semaphore_mem>>)
      %dma_wait3A_169 = tpu.memref_slice %arg11[%mul3A_43] : memref<10240xf32, #tpu.memory_space<vmem_shared>> -> memref<640xf32, #tpu.memory_space<vmem_shared>>
      %dma_wait3A_170 = tpu.memref_slice %arg11[%mul3A_43] : memref<10240xf32, #tpu.memory_space<vmem_shared>> -> memref<640xf32, #tpu.memory_space<vmem_shared>>
      tpu.wait_dma2 semaphore(%run_scoped3A : memref<!tpu.dma_semaphore, #tpu.memory_space<semaphore_mem>>) src(%arg9 : memref<640xf32, #tpu.memory_space<vmem>>) dst(%dma_wait3A_170 : memref<640xf32, #tpu.memory_space<vmem_shared>>)
      tpu.yield
    }) : () -> ()
    %barrier3A = arith.constant 0 : index
    tpu.barrier barrier_id(%barrier3A)
    "tpu.region"() ({
      %run_scoped3A = tpu.sem_alloc : memref<!tpu.dma_semaphore, #tpu.memory_space<semaphore_mem>>
      %dma_start3A = arith.constant 0 : i32
      %dma_start3A_168 = arith.constant 0 : i32
      %dma_start3A_169 = tpu.memref_slice %arg2[%add3A, %dma_start3A, %dma_start3A_168] : memref<32x100x100xi32, #tpu.memory_space<hbm>> -> memref<1x100x100xi32, #tpu.memory_space<hbm>>
      %dma_start3A_170 = tpu.memref_squeeze %dma_start3A_169 : memref<1x100x100xi32, #tpu.memory_space<hbm>> -> memref<100x100xi32, #tpu.memory_space<hbm>>
      %dma_start3A_171 = arith.constant 0 : i32
      %dma_start3A_172 = arith.constant 0 : i32
      %dma_start3A_173 = tpu.memref_slice %arg2[%add3A, %dma_start3A_171, %dma_start3A_172] : memref<32x100x100xi32, #tpu.memory_space<hbm>> -> memref<1x100x100xi32, #tpu.memory_space<hbm>>
      %dma_start3A_174 = tpu.memref_squeeze %dma_start3A_173 : memref<1x100x100xi32, #tpu.memory_space<hbm>> -> memref<100x100xi32, #tpu.memory_space<hbm>>
      tpu.enqueue_dma source(%dma_start3A_174 : memref<100x100xi32, #tpu.memory_space<hbm>>) target(%arg6 : memref<100x100xi32, #tpu.memory_space<vmem>>) target_semaphore(%run_scoped3A : memref<!tpu.dma_semaphore, #tpu.memory_space<semaphore_mem>>)
      %dma_wait3A_175 = arith.constant 0 : i32
      %dma_wait3A_176 = arith.constant 0 : i32
      %dma_wait3A_177 = tpu.memref_slice %arg2[%add3A, %dma_wait3A_175, %dma_wait3A_176] : memref<32x100x100xi32, #tpu.memory_space<hbm>> -> memref<1x100x100xi32, #tpu.memory_space<hbm>>
      %dma_wait3A_178 = tpu.memref_squeeze %dma_wait3A_177 : memref<1x100x100xi32, #tpu.memory_space<hbm>> -> memref<100x100xi32, #tpu.memory_space<hbm>>
      %dma_wait3A_179 = arith.constant 0 : i32
      %dma_wait3A_180 = arith.constant 0 : i32
      %dma_wait3A_181 = tpu.memref_slice %arg2[%add3A, %dma_wait3A_179, %dma_wait3A_180] : memref<32x100x100xi32, #tpu.memory_space<hbm>> -> memref<1x100x100xi32, #tpu.memory_space<hbm>>
      %dma_wait3A_182 = tpu.memref_squeeze %dma_wait3A_181 : memref<1x100x100xi32, #tpu.memory_space<hbm>> -> memref<100x100xi32, #tpu.memory_space<hbm>>
      tpu.wait_dma2 semaphore(%run_scoped3A : memref<!tpu.dma_semaphore, #tpu.memory_space<semaphore_mem>>) src(%dma_wait3A_182 : memref<100x100xi32, #tpu.memory_space<hbm>>) dst(%arg6 : memref<100x100xi32, #tpu.memory_space<vmem>>)
      tpu.yield
    }) : () -> ()
    "tpu.region"() ({
      %run_scoped3A = tpu.sem_alloc : memref<!tpu.dma_semaphore, #tpu.memory_space<semaphore_mem>>
      %dma_start3A = arith.constant 0 : i32
      %dma_start3A_168 = arith.constant 0 : i32
      %dma_start3A_169 = tpu.memref_slice %arg3[%add3A, %dma_start3A, %dma_start3A_168] : memref<32x100x100xi32, #tpu.memory_space<hbm>> -> memref<1x100x100xi32, #tpu.memory_space<hbm>>
      %dma_start3A_170 = tpu.memref_squeeze %dma_start3A_169 : memref<1x100x100xi32, #tpu.memory_space<hbm>> -> memref<100x100xi32, #tpu.memory_space<hbm>>
      %dma_start3A_171 = arith.constant 0 : i32
      %dma_start3A_172 = arith.constant 0 : i32
      %dma_start3A_173 = tpu.memref_slice %arg3[%add3A, %dma_start3A_171, %dma_start3A_172] : memref<32x100x100xi32, #tpu.memory_space<hbm>> -> memref<1x100x100xi32, #tpu.memory_space<hbm>>
      %dma_start3A_174 = tpu.memref_squeeze %dma_start3A_173 : memref<1x100x100xi32, #tpu.memory_space<hbm>> -> memref<100x100xi32, #tpu.memory_space<hbm>>
      tpu.enqueue_dma source(%dma_start3A_174 : memref<100x100xi32, #tpu.memory_space<hbm>>) target(%arg7 : memref<100x100xi32, #tpu.memory_space<vmem>>) target_semaphore(%run_scoped3A : memref<!tpu.dma_semaphore, #tpu.memory_space<semaphore_mem>>)
      %dma_wait3A_175 = arith.constant 0 : i32
      %dma_wait3A_176 = arith.constant 0 : i32
      %dma_wait3A_177 = tpu.memref_slice %arg3[%add3A, %dma_wait3A_175, %dma_wait3A_176] : memref<32x100x100xi32, #tpu.memory_space<hbm>> -> memref<1x100x100xi32, #tpu.memory_space<hbm>>
      %dma_wait3A_178 = tpu.memref_squeeze %dma_wait3A_177 : memref<1x100x100xi32, #tpu.memory_space<hbm>> -> memref<100x100xi32, #tpu.memory_space<hbm>>
      %dma_wait3A_179 = arith.constant 0 : i32
      %dma_wait3A_180 = arith.constant 0 : i32
      %dma_wait3A_181 = tpu.memref_slice %arg3[%add3A, %dma_wait3A_179, %dma_wait3A_180] : memref<32x100x100xi32, #tpu.memory_space<hbm>> -> memref<1x100x100xi32, #tpu.memory_space<hbm>>
      %dma_wait3A_182 = tpu.memref_squeeze %dma_wait3A_181 : memref<1x100x100xi32, #tpu.memory_space<hbm>> -> memref<100x100xi32, #tpu.memory_space<hbm>>
      tpu.wait_dma2 semaphore(%run_scoped3A : memref<!tpu.dma_semaphore, #tpu.memory_space<semaphore_mem>>) src(%dma_wait3A_182 : memref<100x100xi32, #tpu.memory_space<hbm>>) dst(%arg7 : memref<100x100xi32, #tpu.memory_space<vmem>>)
      tpu.yield
    }) : () -> ()
    %scan3A_44 = arith.constant 0 : i32
    %scan3A_45 = arith.constant 0 : i32
    %scan3A_46 = arith.constant 20 : i32
    %scan3A_47 = arith.addi %scan3A_45, %scan3A_46 : i32
    %scan3A_48 = arith.constant 1 : i32
    scf.for %scan3A_168 = %scan3A_45 to %scan3A_47 step %scan3A_48  : i32 {
      %mul3A_169 = arith.constant 5 : i32
      %mul3A_170 = arith.muli %mul3A_169, %scan3A_168 : i32
      %gt3A = arith.constant 0 : i32
      %gt3A_171 = arith.cmpi sgt, %scan3A_168, %gt3A : i32
      %convert_element_type3A = arith.extui %gt3A_171 : i1 to i32
      %cond3A = arith.constant 0 : i32
      %cond3A_172 = arith.cmpi ne, %convert_element_type3A, %cond3A : i32
      scf.if %cond3A_172 {
        %add3A_312 = arith.constant 0 : i32
        %add3A_313 = arith.addi %mul3A_170, %add3A_312 : i32
        %sub3A = arith.constant 5 : i32
        %sub3A_314 = arith.subi %add3A_313, %sub3A : i32
        %dma_wait3A_315 = arith.constant 0 : i32
        %dma_wait3A_316 = arith.constant 0 : i32
        %dma_wait3A_317 = tpu.memref_slice %arg8[%dma_wait3A_316] : memref<128xf32, #tpu.memory_space<vmem>> -> memref<100xf32, #tpu.memory_space<vmem>>
        %dma_wait3A_318 = arith.constant 0 : i32
        %dma_wait3A_319 = tpu.memref_slice %arg6[%sub3A_314, %dma_wait3A_318] : memref<100x100xi32, #tpu.memory_space<vmem>> -> memref<1x100xi32, #tpu.memory_space<vmem>>
        %dma_wait3A_320 = tpu.memref_squeeze %dma_wait3A_319 : memref<1x100xi32, #tpu.memory_space<vmem>> -> memref<100xi32, #tpu.memory_space<vmem>>
        %dma_wait3A_321 = arith.constant 0 : i32
        %dma_wait3A_322 = tpu.memref_slice %arg10[%dma_wait3A_321] : memref<10240xf32, #tpu.memory_space<vmem_shared>> -> memref<10240xf32, #tpu.memory_space<vmem_shared>>
        %dma_wait3A_323 = tpu.memref_slice %arg12[%dma_wait3A_315] : memref<5x!tpu.dma_semaphore, #tpu.memory_space<semaphore_mem>> -> memref<1x!tpu.dma_semaphore, #tpu.memory_space<semaphore_mem>>
        %dma_wait3A_324 = tpu.memref_squeeze %dma_wait3A_323 : memref<1x!tpu.dma_semaphore, #tpu.memory_space<semaphore_mem>> -> memref<!tpu.dma_semaphore, #tpu.memory_space<semaphore_mem>>
        tpu.wait_indirect_dma semaphore(%dma_wait3A_324 : memref<!tpu.dma_semaphore, #tpu.memory_space<semaphore_mem>>) src(%dma_wait3A_317 : memref<100xf32, #tpu.memory_space<vmem>>) dst(%dma_wait3A_322 : memref<10240xf32, #tpu.memory_space<vmem_shared>>)
        %add3A_325 = arith.constant 0 : i32
        %add3A_326 = arith.addi %mul3A_170, %add3A_325 : i32
        %sub3A_327 = arith.constant 5 : i32
        %sub3A_328 = arith.subi %add3A_326, %sub3A_327 : i32
        %dma_wait3A_329 = arith.constant 0 : i32
        %dma_wait3A_330 = arith.constant 0 : i32
        %dma_wait3A_331 = tpu.memref_slice %arg8[%dma_wait3A_330] : memref<128xf32, #tpu.memory_space<vmem>> -> memref<100xf32, #tpu.memory_space<vmem>>
        %dma_wait3A_332 = arith.constant 0 : i32
        %dma_wait3A_333 = tpu.memref_slice %arg7[%sub3A_328, %dma_wait3A_332] : memref<100x100xi32, #tpu.memory_space<vmem>> -> memref<1x100xi32, #tpu.memory_space<vmem>>
        %dma_wait3A_334 = tpu.memref_squeeze %dma_wait3A_333 : memref<1x100xi32, #tpu.memory_space<vmem>> -> memref<100xi32, #tpu.memory_space<vmem>>
        %dma_wait3A_335 = arith.constant 0 : i32
        %dma_wait3A_336 = tpu.memref_slice %arg11[%dma_wait3A_335] : memref<10240xf32, #tpu.memory_space<vmem_shared>> -> memref<10240xf32, #tpu.memory_space<vmem_shared>>
        %dma_wait3A_337 = tpu.memref_slice %arg13[%dma_wait3A_329] : memref<5x!tpu.dma_semaphore, #tpu.memory_space<semaphore_mem>> -> memref<1x!tpu.dma_semaphore, #tpu.memory_space<semaphore_mem>>
        %dma_wait3A_338 = tpu.memref_squeeze %dma_wait3A_337 : memref<1x!tpu.dma_semaphore, #tpu.memory_space<semaphore_mem>> -> memref<!tpu.dma_semaphore, #tpu.memory_space<semaphore_mem>>
        tpu.wait_indirect_dma semaphore(%dma_wait3A_338 : memref<!tpu.dma_semaphore, #tpu.memory_space<semaphore_mem>>) src(%dma_wait3A_331 : memref<100xf32, #tpu.memory_space<vmem>>) dst(%dma_wait3A_336 : memref<10240xf32, #tpu.memory_space<vmem_shared>>)
      } else {
      }
      %add3A_173 = arith.constant 0 : i32
      %add3A_174 = arith.addi %mul3A_170, %add3A_173 : i32
      %dma_start3A = arith.constant 0 : i32
      %dma_start3A_175 = arith.constant 0 : i32
      %dma_start3A_176 = tpu.memref_slice %arg8[%dma_start3A_175] : memref<128xf32, #tpu.memory_space<vmem>> -> memref<100xf32, #tpu.memory_space<vmem>>
      %dma_start3A_177 = arith.constant 0 : i32
      %dma_start3A_178 = tpu.memref_slice %arg6[%add3A_174, %dma_start3A_177] : memref<100x100xi32, #tpu.memory_space<vmem>> -> memref<1x100xi32, #tpu.memory_space<vmem>>
      %dma_start3A_179 = tpu.memref_squeeze %dma_start3A_178 : memref<1x100xi32, #tpu.memory_space<vmem>> -> memref<100xi32, #tpu.memory_space<vmem>>
      %dma_start3A_180 = arith.constant 0 : i32
      %dma_start3A_181 = tpu.memref_slice %arg10[%dma_start3A_180] : memref<10240xf32, #tpu.memory_space<vmem_shared>> -> memref<10240xf32, #tpu.memory_space<vmem_shared>>
      %dma_start3A_182 = tpu.memref_slice %arg12[%dma_start3A] : memref<5x!tpu.dma_semaphore, #tpu.memory_space<semaphore_mem>> -> memref<1x!tpu.dma_semaphore, #tpu.memory_space<semaphore_mem>>
      %dma_start3A_183 = tpu.memref_squeeze %dma_start3A_182 : memref<1x!tpu.dma_semaphore, #tpu.memory_space<semaphore_mem>> -> memref<!tpu.dma_semaphore, #tpu.memory_space<semaphore_mem>>
      tpu.enqueue_indirect_dma source(%dma_start3A_176 : memref<100xf32, #tpu.memory_space<vmem>>) target(%dma_start3A_181 : memref<10240xf32, #tpu.memory_space<vmem_shared>>) offsets(%dma_start3A_179 : memref<100xi32, #tpu.memory_space<vmem>>) semaphore(%dma_start3A_183 : memref<!tpu.dma_semaphore, #tpu.memory_space<semaphore_mem>>) {add = true}
      %add3A_184 = arith.constant 0 : i32
      %add3A_185 = arith.addi %mul3A_170, %add3A_184 : i32
      %dma_start3A_186 = arith.constant 0 : i32
      %dma_start3A_187 = arith.constant 0 : i32
      %dma_start3A_188 = tpu.memref_slice %arg8[%dma_start3A_187] : memref<128xf32, #tpu.memory_space<vmem>> -> memref<100xf32, #tpu.memory_space<vmem>>
      %dma_start3A_189 = arith.constant 0 : i32
      %dma_start3A_190 = tpu.memref_slice %arg7[%add3A_185, %dma_start3A_189] : memref<100x100xi32, #tpu.memory_space<vmem>> -> memref<1x100xi32, #tpu.memory_space<vmem>>
      %dma_start3A_191 = tpu.memref_squeeze %dma_start3A_190 : memref<1x100xi32, #tpu.memory_space<vmem>> -> memref<100xi32, #tpu.memory_space<vmem>>
      %dma_start3A_192 = arith.constant 0 : i32
      %dma_start3A_193 = tpu.memref_slice %arg11[%dma_start3A_192] : memref<10240xf32, #tpu.memory_space<vmem_shared>> -> memref<10240xf32, #tpu.memory_space<vmem_shared>>
      %dma_start3A_194 = tpu.memref_slice %arg13[%dma_start3A_186] : memref<5x!tpu.dma_semaphore, #tpu.memory_space<semaphore_mem>> -> memref<1x!tpu.dma_semaphore, #tpu.memory_space<semaphore_mem>>
      %dma_start3A_195 = tpu.memref_squeeze %dma_start3A_194 : memref<1x!tpu.dma_semaphore, #tpu.memory_space<semaphore_mem>> -> memref<!tpu.dma_semaphore, #tpu.memory_space<semaphore_mem>>
      tpu.enqueue_indirect_dma source(%dma_start3A_188 : memref<100xf32, #tpu.memory_space<vmem>>) target(%dma_start3A_193 : memref<10240xf32, #tpu.memory_space<vmem_shared>>) offsets(%dma_start3A_191 : memref<100xi32, #tpu.memory_space<vmem>>) semaphore(%dma_start3A_195 : memref<!tpu.dma_semaphore, #tpu.memory_space<semaphore_mem>>) {add = true}
      %gt3A_196 = arith.constant 0 : i32
      %gt3A_197 = arith.cmpi sgt, %scan3A_168, %gt3A_196 : i32
      %convert_element_type3A_198 = arith.extui %gt3A_197 : i1 to i32
      %cond3A_199 = arith.constant 0 : i32
      %cond3A_200 = arith.cmpi ne, %convert_element_type3A_198, %cond3A_199 : i32
      scf.if %cond3A_200 {
        %add3A_312 = arith.constant 1 : i32
        %add3A_313 = arith.addi %mul3A_170, %add3A_312 : i32
        %sub3A = arith.constant 5 : i32
        %sub3A_314 = arith.subi %add3A_313, %sub3A : i32
        %dma_wait3A_315 = arith.constant 1 : i32
        %dma_wait3A_316 = arith.constant 0 : i32
        %dma_wait3A_317 = tpu.memref_slice %arg8[%dma_wait3A_316] : memref<128xf32, #tpu.memory_space<vmem>> -> memref<100xf32, #tpu.memory_space<vmem>>
        %dma_wait3A_318 = arith.constant 0 : i32
        %dma_wait3A_319 = tpu.memref_slice %arg6[%sub3A_314, %dma_wait3A_318] : memref<100x100xi32, #tpu.memory_space<vmem>> -> memref<1x100xi32, #tpu.memory_space<vmem>>
        %dma_wait3A_320 = tpu.memref_squeeze %dma_wait3A_319 : memref<1x100xi32, #tpu.memory_space<vmem>> -> memref<100xi32, #tpu.memory_space<vmem>>
        %dma_wait3A_321 = arith.constant 0 : i32
        %dma_wait3A_322 = tpu.memref_slice %arg10[%dma_wait3A_321] : memref<10240xf32, #tpu.memory_space<vmem_shared>> -> memref<10240xf32, #tpu.memory_space<vmem_shared>>
        %dma_wait3A_323 = tpu.memref_slice %arg12[%dma_wait3A_315] : memref<5x!tpu.dma_semaphore, #tpu.memory_space<semaphore_mem>> -> memref<1x!tpu.dma_semaphore, #tpu.memory_space<semaphore_mem>>
        %dma_wait3A_324 = tpu.memref_squeeze %dma_wait3A_323 : memref<1x!tpu.dma_semaphore, #tpu.memory_space<semaphore_mem>> -> memref<!tpu.dma_semaphore, #tpu.memory_space<semaphore_mem>>
        tpu.wait_indirect_dma semaphore(%dma_wait3A_324 : memref<!tpu.dma_semaphore, #tpu.memory_space<semaphore_mem>>) src(%dma_wait3A_317 : memref<100xf32, #tpu.memory_space<vmem>>) dst(%dma_wait3A_322 : memref<10240xf32, #tpu.memory_space<vmem_shared>>)
        %add3A_325 = arith.constant 1 : i32
        %add3A_326 = arith.addi %mul3A_170, %add3A_325 : i32
        %sub3A_327 = arith.constant 5 : i32
        %sub3A_328 = arith.subi %add3A_326, %sub3A_327 : i32
        %dma_wait3A_329 = arith.constant 1 : i32
        %dma_wait3A_330 = arith.constant 0 : i32
        %dma_wait3A_331 = tpu.memref_slice %arg8[%dma_wait3A_330] : memref<128xf32, #tpu.memory_space<vmem>> -> memref<100xf32, #tpu.memory_space<vmem>>
        %dma_wait3A_332 = arith.constant 0 : i32
        %dma_wait3A_333 = tpu.memref_slice %arg7[%sub3A_328, %dma_wait3A_332] : memref<100x100xi32, #tpu.memory_space<vmem>> -> memref<1x100xi32, #tpu.memory_space<vmem>>
        %dma_wait3A_334 = tpu.memref_squeeze %dma_wait3A_333 : memref<1x100xi32, #tpu.memory_space<vmem>> -> memref<100xi32, #tpu.memory_space<vmem>>
        %dma_wait3A_335 = arith.constant 0 : i32
        %dma_wait3A_336 = tpu.memref_slice %arg11[%dma_wait3A_335] : memref<10240xf32, #tpu.memory_space<vmem_shared>> -> memref<10240xf32, #tpu.memory_space<vmem_shared>>
        %dma_wait3A_337 = tpu.memref_slice %arg13[%dma_wait3A_329] : memref<5x!tpu.dma_semaphore, #tpu.memory_space<semaphore_mem>> -> memref<1x!tpu.dma_semaphore, #tpu.memory_space<semaphore_mem>>
        %dma_wait3A_338 = tpu.memref_squeeze %dma_wait3A_337 : memref<1x!tpu.dma_semaphore, #tpu.memory_space<semaphore_mem>> -> memref<!tpu.dma_semaphore, #tpu.memory_space<semaphore_mem>>
        tpu.wait_indirect_dma semaphore(%dma_wait3A_338 : memref<!tpu.dma_semaphore, #tpu.memory_space<semaphore_mem>>) src(%dma_wait3A_331 : memref<100xf32, #tpu.memory_space<vmem>>) dst(%dma_wait3A_336 : memref<10240xf32, #tpu.memory_space<vmem_shared>>)
      } else {
      }
      %add3A_201 = arith.constant 1 : i32
      %add3A_202 = arith.addi %mul3A_170, %add3A_201 : i32
      %dma_start3A_203 = arith.constant 1 : i32
      %dma_start3A_204 = arith.constant 0 : i32
      %dma_start3A_205 = tpu.memref_slice %arg8[%dma_start3A_204] : memref<128xf32, #tpu.memory_space<vmem>> -> memref<100xf32, #tpu.memory_space<vmem>>
      %dma_start3A_206 = arith.constant 0 : i32
      %dma_start3A_207 = tpu.memref_slice %arg6[%add3A_202, %dma_start3A_206] : memref<100x100xi32, #tpu.memory_space<vmem>> -> memref<1x100xi32, #tpu.memory_space<vmem>>
      %dma_start3A_208 = tpu.memref_squeeze %dma_start3A_207 : memref<1x100xi32, #tpu.memory_space<vmem>> -> memref<100xi32, #tpu.memory_space<vmem>>
      %dma_start3A_209 = arith.constant 0 : i32
      %dma_start3A_210 = tpu.memref_slice %arg10[%dma_start3A_209] : memref<10240xf32, #tpu.memory_space<vmem_shared>> -> memref<10240xf32, #tpu.memory_space<vmem_shared>>
      %dma_start3A_211 = tpu.memref_slice %arg12[%dma_start3A_203] : memref<5x!tpu.dma_semaphore, #tpu.memory_space<semaphore_mem>> -> memref<1x!tpu.dma_semaphore, #tpu.memory_space<semaphore_mem>>
      %dma_start3A_212 = tpu.memref_squeeze %dma_start3A_211 : memref<1x!tpu.dma_semaphore, #tpu.memory_space<semaphore_mem>> -> memref<!tpu.dma_semaphore, #tpu.memory_space<semaphore_mem>>
      tpu.enqueue_indirect_dma source(%dma_start3A_205 : memref<100xf32, #tpu.memory_space<vmem>>) target(%dma_start3A_210 : memref<10240xf32, #tpu.memory_space<vmem_shared>>) offsets(%dma_start3A_208 : memref<100xi32, #tpu.memory_space<vmem>>) semaphore(%dma_start3A_212 : memref<!tpu.dma_semaphore, #tpu.memory_space<semaphore_mem>>) {add = true}
      %add3A_213 = arith.constant 1 : i32
      %add3A_214 = arith.addi %mul3A_170, %add3A_213 : i32
      %dma_start3A_215 = arith.constant 1 : i32
      %dma_start3A_216 = arith.constant 0 : i32
      %dma_start3A_217 = tpu.memref_slice %arg8[%dma_start3A_216] : memref<128xf32, #tpu.memory_space<vmem>> -> memref<100xf32, #tpu.memory_space<vmem>>
      %dma_start3A_218 = arith.constant 0 : i32
      %dma_start3A_219 = tpu.memref_slice %arg7[%add3A_214, %dma_start3A_218] : memref<100x100xi32, #tpu.memory_space<vmem>> -> memref<1x100xi32, #tpu.memory_space<vmem>>
      %dma_start3A_220 = tpu.memref_squeeze %dma_start3A_219 : memref<1x100xi32, #tpu.memory_space<vmem>> -> memref<100xi32, #tpu.memory_space<vmem>>
      %dma_start3A_221 = arith.constant 0 : i32
      %dma_start3A_222 = tpu.memref_slice %arg11[%dma_start3A_221] : memref<10240xf32, #tpu.memory_space<vmem_shared>> -> memref<10240xf32, #tpu.memory_space<vmem_shared>>
      %dma_start3A_223 = tpu.memref_slice %arg13[%dma_start3A_215] : memref<5x!tpu.dma_semaphore, #tpu.memory_space<semaphore_mem>> -> memref<1x!tpu.dma_semaphore, #tpu.memory_space<semaphore_mem>>
      %dma_start3A_224 = tpu.memref_squeeze %dma_start3A_223 : memref<1x!tpu.dma_semaphore, #tpu.memory_space<semaphore_mem>> -> memref<!tpu.dma_semaphore, #tpu.memory_space<semaphore_mem>>
      tpu.enqueue_indirect_dma source(%dma_start3A_217 : memref<100xf32, #tpu.memory_space<vmem>>) target(%dma_start3A_222 : memref<10240xf32, #tpu.memory_space<vmem_shared>>) offsets(%dma_start3A_220 : memref<100xi32, #tpu.memory_space<vmem>>) semaphore(%dma_start3A_224 : memref<!tpu.dma_semaphore, #tpu.memory_space<semaphore_mem>>) {add = true}
      %gt3A_225 = arith.constant 0 : i32
      %gt3A_226 = arith.cmpi sgt, %scan3A_168, %gt3A_225 : i32
      %convert_element_type3A_227 = arith.extui %gt3A_226 : i1 to i32
      %cond3A_228 = arith.constant 0 : i32
      %cond3A_229 = arith.cmpi ne, %convert_element_type3A_227, %cond3A_228 : i32
      scf.if %cond3A_229 {
        %add3A_312 = arith.constant 2 : i32
        %add3A_313 = arith.addi %mul3A_170, %add3A_312 : i32
        %sub3A = arith.constant 5 : i32
        %sub3A_314 = arith.subi %add3A_313, %sub3A : i32
        %dma_wait3A_315 = arith.constant 2 : i32
        %dma_wait3A_316 = arith.constant 0 : i32
        %dma_wait3A_317 = tpu.memref_slice %arg8[%dma_wait3A_316] : memref<128xf32, #tpu.memory_space<vmem>> -> memref<100xf32, #tpu.memory_space<vmem>>
        %dma_wait3A_318 = arith.constant 0 : i32
        %dma_wait3A_319 = tpu.memref_slice %arg6[%sub3A_314, %dma_wait3A_318] : memref<100x100xi32, #tpu.memory_space<vmem>> -> memref<1x100xi32, #tpu.memory_space<vmem>>
        %dma_wait3A_320 = tpu.memref_squeeze %dma_wait3A_319 : memref<1x100xi32, #tpu.memory_space<vmem>> -> memref<100xi32, #tpu.memory_space<vmem>>
        %dma_wait3A_321 = arith.constant 0 : i32
        %dma_wait3A_322 = tpu.memref_slice %arg10[%dma_wait3A_321] : memref<10240xf32, #tpu.memory_space<vmem_shared>> -> memref<10240xf32, #tpu.memory_space<vmem_shared>>
        %dma_wait3A_323 = tpu.memref_slice %arg12[%dma_wait3A_315] : memref<5x!tpu.dma_semaphore, #tpu.memory_space<semaphore_mem>> -> memref<1x!tpu.dma_semaphore, #tpu.memory_space<semaphore_mem>>
        %dma_wait3A_324 = tpu.memref_squeeze %dma_wait3A_323 : memref<1x!tpu.dma_semaphore, #tpu.memory_space<semaphore_mem>> -> memref<!tpu.dma_semaphore, #tpu.memory_space<semaphore_mem>>
        tpu.wait_indirect_dma semaphore(%dma_wait3A_324 : memref<!tpu.dma_semaphore, #tpu.memory_space<semaphore_mem>>) src(%dma_wait3A_317 : memref<100xf32, #tpu.memory_space<vmem>>) dst(%dma_wait3A_322 : memref<10240xf32, #tpu.memory_space<vmem_shared>>)
        %add3A_325 = arith.constant 2 : i32
        %add3A_326 = arith.addi %mul3A_170, %add3A_325 : i32
        %sub3A_327 = arith.constant 5 : i32
        %sub3A_328 = arith.subi %add3A_326, %sub3A_327 : i32
        %dma_wait3A_329 = arith.constant 2 : i32
        %dma_wait3A_330 = arith.constant 0 : i32
        %dma_wait3A_331 = tpu.memref_slice %arg8[%dma_wait3A_330] : memref<128xf32, #tpu.memory_space<vmem>> -> memref<100xf32, #tpu.memory_space<vmem>>
        %dma_wait3A_332 = arith.constant 0 : i32
        %dma_wait3A_333 = tpu.memref_slice %arg7[%sub3A_328, %dma_wait3A_332] : memref<100x100xi32, #tpu.memory_space<vmem>> -> memref<1x100xi32, #tpu.memory_space<vmem>>
        %dma_wait3A_334 = tpu.memref_squeeze %dma_wait3A_333 : memref<1x100xi32, #tpu.memory_space<vmem>> -> memref<100xi32, #tpu.memory_space<vmem>>
        %dma_wait3A_335 = arith.constant 0 : i32
        %dma_wait3A_336 = tpu.memref_slice %arg11[%dma_wait3A_335] : memref<10240xf32, #tpu.memory_space<vmem_shared>> -> memref<10240xf32, #tpu.memory_space<vmem_shared>>
        %dma_wait3A_337 = tpu.memref_slice %arg13[%dma_wait3A_329] : memref<5x!tpu.dma_semaphore, #tpu.memory_space<semaphore_mem>> -> memref<1x!tpu.dma_semaphore, #tpu.memory_space<semaphore_mem>>
        %dma_wait3A_338 = tpu.memref_squeeze %dma_wait3A_337 : memref<1x!tpu.dma_semaphore, #tpu.memory_space<semaphore_mem>> -> memref<!tpu.dma_semaphore, #tpu.memory_space<semaphore_mem>>
        tpu.wait_indirect_dma semaphore(%dma_wait3A_338 : memref<!tpu.dma_semaphore, #tpu.memory_space<semaphore_mem>>) src(%dma_wait3A_331 : memref<100xf32, #tpu.memory_space<vmem>>) dst(%dma_wait3A_336 : memref<10240xf32, #tpu.memory_space<vmem_shared>>)
      } else {
      }
      %add3A_230 = arith.constant 2 : i32
      %add3A_231 = arith.addi %mul3A_170, %add3A_230 : i32
      %dma_start3A_232 = arith.constant 2 : i32
      %dma_start3A_233 = arith.constant 0 : i32
      %dma_start3A_234 = tpu.memref_slice %arg8[%dma_start3A_233] : memref<128xf32, #tpu.memory_space<vmem>> -> memref<100xf32, #tpu.memory_space<vmem>>
      %dma_start3A_235 = arith.constant 0 : i32
      %dma_start3A_236 = tpu.memref_slice %arg6[%add3A_231, %dma_start3A_235] : memref<100x100xi32, #tpu.memory_space<vmem>> -> memref<1x100xi32, #tpu.memory_space<vmem>>
      %dma_start3A_237 = tpu.memref_squeeze %dma_start3A_236 : memref<1x100xi32, #tpu.memory_space<vmem>> -> memref<100xi32, #tpu.memory_space<vmem>>
      %dma_start3A_238 = arith.constant 0 : i32
      %dma_start3A_239 = tpu.memref_slice %arg10[%dma_start3A_238] : memref<10240xf32, #tpu.memory_space<vmem_shared>> -> memref<10240xf32, #tpu.memory_space<vmem_shared>>
      %dma_start3A_240 = tpu.memref_slice %arg12[%dma_start3A_232] : memref<5x!tpu.dma_semaphore, #tpu.memory_space<semaphore_mem>> -> memref<1x!tpu.dma_semaphore, #tpu.memory_space<semaphore_mem>>
      %dma_start3A_241 = tpu.memref_squeeze %dma_start3A_240 : memref<1x!tpu.dma_semaphore, #tpu.memory_space<semaphore_mem>> -> memref<!tpu.dma_semaphore, #tpu.memory_space<semaphore_mem>>
      tpu.enqueue_indirect_dma source(%dma_start3A_234 : memref<100xf32, #tpu.memory_space<vmem>>) target(%dma_start3A_239 : memref<10240xf32, #tpu.memory_space<vmem_shared>>) offsets(%dma_start3A_237 : memref<100xi32, #tpu.memory_space<vmem>>) semaphore(%dma_start3A_241 : memref<!tpu.dma_semaphore, #tpu.memory_space<semaphore_mem>>) {add = true}
      %add3A_242 = arith.constant 2 : i32
      %add3A_243 = arith.addi %mul3A_170, %add3A_242 : i32
      %dma_start3A_244 = arith.constant 2 : i32
      %dma_start3A_245 = arith.constant 0 : i32
      %dma_start3A_246 = tpu.memref_slice %arg8[%dma_start3A_245] : memref<128xf32, #tpu.memory_space<vmem>> -> memref<100xf32, #tpu.memory_space<vmem>>
      %dma_start3A_247 = arith.constant 0 : i32
      %dma_start3A_248 = tpu.memref_slice %arg7[%add3A_243, %dma_start3A_247] : memref<100x100xi32, #tpu.memory_space<vmem>> -> memref<1x100xi32, #tpu.memory_space<vmem>>
      %dma_start3A_249 = tpu.memref_squeeze %dma_start3A_248 : memref<1x100xi32, #tpu.memory_space<vmem>> -> memref<100xi32, #tpu.memory_space<vmem>>
      %dma_start3A_250 = arith.constant 0 : i32
      %dma_start3A_251 = tpu.memref_slice %arg11[%dma_start3A_250] : memref<10240xf32, #tpu.memory_space<vmem_shared>> -> memref<10240xf32, #tpu.memory_space<vmem_shared>>
      %dma_start3A_252 = tpu.memref_slice %arg13[%dma_start3A_244] : memref<5x!tpu.dma_semaphore, #tpu.memory_space<semaphore_mem>> -> memref<1x!tpu.dma_semaphore, #tpu.memory_space<semaphore_mem>>
      %dma_start3A_253 = tpu.memref_squeeze %dma_start3A_252 : memref<1x!tpu.dma_semaphore, #tpu.memory_space<semaphore_mem>> -> memref<!tpu.dma_semaphore, #tpu.memory_space<semaphore_mem>>
      tpu.enqueue_indirect_dma source(%dma_start3A_246 : memref<100xf32, #tpu.memory_space<vmem>>) target(%dma_start3A_251 : memref<10240xf32, #tpu.memory_space<vmem_shared>>) offsets(%dma_start3A_249 : memref<100xi32, #tpu.memory_space<vmem>>) semaphore(%dma_start3A_253 : memref<!tpu.dma_semaphore, #tpu.memory_space<semaphore_mem>>) {add = true}
      %gt3A_254 = arith.constant 0 : i32
      %gt3A_255 = arith.cmpi sgt, %scan3A_168, %gt3A_254 : i32
      %convert_element_type3A_256 = arith.extui %gt3A_255 : i1 to i32
      %cond3A_257 = arith.constant 0 : i32
      %cond3A_258 = arith.cmpi ne, %convert_element_type3A_256, %cond3A_257 : i32
      scf.if %cond3A_258 {
        %add3A_312 = arith.constant 3 : i32
        %add3A_313 = arith.addi %mul3A_170, %add3A_312 : i32
        %sub3A = arith.constant 5 : i32
        %sub3A_314 = arith.subi %add3A_313, %sub3A : i32
        %dma_wait3A_315 = arith.constant 3 : i32
        %dma_wait3A_316 = arith.constant 0 : i32
        %dma_wait3A_317 = tpu.memref_slice %arg8[%dma_wait3A_316] : memref<128xf32, #tpu.memory_space<vmem>> -> memref<100xf32, #tpu.memory_space<vmem>>
        %dma_wait3A_318 = arith.constant 0 : i32
        %dma_wait3A_319 = tpu.memref_slice %arg6[%sub3A_314, %dma_wait3A_318] : memref<100x100xi32, #tpu.memory_space<vmem>> -> memref<1x100xi32, #tpu.memory_space<vmem>>
        %dma_wait3A_320 = tpu.memref_squeeze %dma_wait3A_319 : memref<1x100xi32, #tpu.memory_space<vmem>> -> memref<100xi32, #tpu.memory_space<vmem>>
        %dma_wait3A_321 = arith.constant 0 : i32
        %dma_wait3A_322 = tpu.memref_slice %arg10[%dma_wait3A_321] : memref<10240xf32, #tpu.memory_space<vmem_shared>> -> memref<10240xf32, #tpu.memory_space<vmem_shared>>
        %dma_wait3A_323 = tpu.memref_slice %arg12[%dma_wait3A_315] : memref<5x!tpu.dma_semaphore, #tpu.memory_space<semaphore_mem>> -> memref<1x!tpu.dma_semaphore, #tpu.memory_space<semaphore_mem>>
        %dma_wait3A_324 = tpu.memref_squeeze %dma_wait3A_323 : memref<1x!tpu.dma_semaphore, #tpu.memory_space<semaphore_mem>> -> memref<!tpu.dma_semaphore, #tpu.memory_space<semaphore_mem>>
        tpu.wait_indirect_dma semaphore(%dma_wait3A_324 : memref<!tpu.dma_semaphore, #tpu.memory_space<semaphore_mem>>) src(%dma_wait3A_317 : memref<100xf32, #tpu.memory_space<vmem>>) dst(%dma_wait3A_322 : memref<10240xf32, #tpu.memory_space<vmem_shared>>)
        %add3A_325 = arith.constant 3 : i32
        %add3A_326 = arith.addi %mul3A_170, %add3A_325 : i32
        %sub3A_327 = arith.constant 5 : i32
        %sub3A_328 = arith.subi %add3A_326, %sub3A_327 : i32
        %dma_wait3A_329 = arith.constant 3 : i32
        %dma_wait3A_330 = arith.constant 0 : i32
        %dma_wait3A_331 = tpu.memref_slice %arg8[%dma_wait3A_330] : memref<128xf32, #tpu.memory_space<vmem>> -> memref<100xf32, #tpu.memory_space<vmem>>
        %dma_wait3A_332 = arith.constant 0 : i32
        %dma_wait3A_333 = tpu.memref_slice %arg7[%sub3A_328, %dma_wait3A_332] : memref<100x100xi32, #tpu.memory_space<vmem>> -> memref<1x100xi32, #tpu.memory_space<vmem>>
        %dma_wait3A_334 = tpu.memref_squeeze %dma_wait3A_333 : memref<1x100xi32, #tpu.memory_space<vmem>> -> memref<100xi32, #tpu.memory_space<vmem>>
        %dma_wait3A_335 = arith.constant 0 : i32
        %dma_wait3A_336 = tpu.memref_slice %arg11[%dma_wait3A_335] : memref<10240xf32, #tpu.memory_space<vmem_shared>> -> memref<10240xf32, #tpu.memory_space<vmem_shared>>
        %dma_wait3A_337 = tpu.memref_slice %arg13[%dma_wait3A_329] : memref<5x!tpu.dma_semaphore, #tpu.memory_space<semaphore_mem>> -> memref<1x!tpu.dma_semaphore, #tpu.memory_space<semaphore_mem>>
        %dma_wait3A_338 = tpu.memref_squeeze %dma_wait3A_337 : memref<1x!tpu.dma_semaphore, #tpu.memory_space<semaphore_mem>> -> memref<!tpu.dma_semaphore, #tpu.memory_space<semaphore_mem>>
        tpu.wait_indirect_dma semaphore(%dma_wait3A_338 : memref<!tpu.dma_semaphore, #tpu.memory_space<semaphore_mem>>) src(%dma_wait3A_331 : memref<100xf32, #tpu.memory_space<vmem>>) dst(%dma_wait3A_336 : memref<10240xf32, #tpu.memory_space<vmem_shared>>)
      } else {
      }
      %add3A_259 = arith.constant 3 : i32
      %add3A_260 = arith.addi %mul3A_170, %add3A_259 : i32
      %dma_start3A_261 = arith.constant 3 : i32
      %dma_start3A_262 = arith.constant 0 : i32
      %dma_start3A_263 = tpu.memref_slice %arg8[%dma_start3A_262] : memref<128xf32, #tpu.memory_space<vmem>> -> memref<100xf32, #tpu.memory_space<vmem>>
      %dma_start3A_264 = arith.constant 0 : i32
      %dma_start3A_265 = tpu.memref_slice %arg6[%add3A_260, %dma_start3A_264] : memref<100x100xi32, #tpu.memory_space<vmem>> -> memref<1x100xi32, #tpu.memory_space<vmem>>
      %dma_start3A_266 = tpu.memref_squeeze %dma_start3A_265 : memref<1x100xi32, #tpu.memory_space<vmem>> -> memref<100xi32, #tpu.memory_space<vmem>>
      %dma_start3A_267 = arith.constant 0 : i32
      %dma_start3A_268 = tpu.memref_slice %arg10[%dma_start3A_267] : memref<10240xf32, #tpu.memory_space<vmem_shared>> -> memref<10240xf32, #tpu.memory_space<vmem_shared>>
      %dma_start3A_269 = tpu.memref_slice %arg12[%dma_start3A_261] : memref<5x!tpu.dma_semaphore, #tpu.memory_space<semaphore_mem>> -> memref<1x!tpu.dma_semaphore, #tpu.memory_space<semaphore_mem>>
      %dma_start3A_270 = tpu.memref_squeeze %dma_start3A_269 : memref<1x!tpu.dma_semaphore, #tpu.memory_space<semaphore_mem>> -> memref<!tpu.dma_semaphore, #tpu.memory_space<semaphore_mem>>
      tpu.enqueue_indirect_dma source(%dma_start3A_263 : memref<100xf32, #tpu.memory_space<vmem>>) target(%dma_start3A_268 : memref<10240xf32, #tpu.memory_space<vmem_shared>>) offsets(%dma_start3A_266 : memref<100xi32, #tpu.memory_space<vmem>>) semaphore(%dma_start3A_270 : memref<!tpu.dma_semaphore, #tpu.memory_space<semaphore_mem>>) {add = true}
      %add3A_271 = arith.constant 3 : i32
      %add3A_272 = arith.addi %mul3A_170, %add3A_271 : i32
      %dma_start3A_273 = arith.constant 3 : i32
      %dma_start3A_274 = arith.constant 0 : i32
      %dma_start3A_275 = tpu.memref_slice %arg8[%dma_start3A_274] : memref<128xf32, #tpu.memory_space<vmem>> -> memref<100xf32, #tpu.memory_space<vmem>>
      %dma_start3A_276 = arith.constant 0 : i32
      %dma_start3A_277 = tpu.memref_slice %arg7[%add3A_272, %dma_start3A_276] : memref<100x100xi32, #tpu.memory_space<vmem>> -> memref<1x100xi32, #tpu.memory_space<vmem>>
      %dma_start3A_278 = tpu.memref_squeeze %dma_start3A_277 : memref<1x100xi32, #tpu.memory_space<vmem>> -> memref<100xi32, #tpu.memory_space<vmem>>
      %dma_start3A_279 = arith.constant 0 : i32
      %dma_start3A_280 = tpu.memref_slice %arg11[%dma_start3A_279] : memref<10240xf32, #tpu.memory_space<vmem_shared>> -> memref<10240xf32, #tpu.memory_space<vmem_shared>>
      %dma_start3A_281 = tpu.memref_slice %arg13[%dma_start3A_273] : memref<5x!tpu.dma_semaphore, #tpu.memory_space<semaphore_mem>> -> memref<1x!tpu.dma_semaphore, #tpu.memory_space<semaphore_mem>>
      %dma_start3A_282 = tpu.memref_squeeze %dma_start3A_281 : memref<1x!tpu.dma_semaphore, #tpu.memory_space<semaphore_mem>> -> memref<!tpu.dma_semaphore, #tpu.memory_space<semaphore_mem>>
      tpu.enqueue_indirect_dma source(%dma_start3A_275 : memref<100xf32, #tpu.memory_space<vmem>>) target(%dma_start3A_280 : memref<10240xf32, #tpu.memory_space<vmem_shared>>) offsets(%dma_start3A_278 : memref<100xi32, #tpu.memory_space<vmem>>) semaphore(%dma_start3A_282 : memref<!tpu.dma_semaphore, #tpu.memory_space<semaphore_mem>>) {add = true}
      %gt3A_283 = arith.constant 0 : i32
      %gt3A_284 = arith.cmpi sgt, %scan3A_168, %gt3A_283 : i32
      %convert_element_type3A_285 = arith.extui %gt3A_284 : i1 to i32
      %cond3A_286 = arith.constant 0 : i32
      %cond3A_287 = arith.cmpi ne, %convert_element_type3A_285, %cond3A_286 : i32
      scf.if %cond3A_287 {
        %add3A_312 = arith.constant 4 : i32
        %add3A_313 = arith.addi %mul3A_170, %add3A_312 : i32
        %sub3A = arith.constant 5 : i32
        %sub3A_314 = arith.subi %add3A_313, %sub3A : i32
        %dma_wait3A_315 = arith.constant 4 : i32
        %dma_wait3A_316 = arith.constant 0 : i32
        %dma_wait3A_317 = tpu.memref_slice %arg8[%dma_wait3A_316] : memref<128xf32, #tpu.memory_space<vmem>> -> memref<100xf32, #tpu.memory_space<vmem>>
        %dma_wait3A_318 = arith.constant 0 : i32
        %dma_wait3A_319 = tpu.memref_slice %arg6[%sub3A_314, %dma_wait3A_318] : memref<100x100xi32, #tpu.memory_space<vmem>> -> memref<1x100xi32, #tpu.memory_space<vmem>>
        %dma_wait3A_320 = tpu.memref_squeeze %dma_wait3A_319 : memref<1x100xi32, #tpu.memory_space<vmem>> -> memref<100xi32, #tpu.memory_space<vmem>>
        %dma_wait3A_321 = arith.constant 0 : i32
        %dma_wait3A_322 = tpu.memref_slice %arg10[%dma_wait3A_321] : memref<10240xf32, #tpu.memory_space<vmem_shared>> -> memref<10240xf32, #tpu.memory_space<vmem_shared>>
        %dma_wait3A_323 = tpu.memref_slice %arg12[%dma_wait3A_315] : memref<5x!tpu.dma_semaphore, #tpu.memory_space<semaphore_mem>> -> memref<1x!tpu.dma_semaphore, #tpu.memory_space<semaphore_mem>>
        %dma_wait3A_324 = tpu.memref_squeeze %dma_wait3A_323 : memref<1x!tpu.dma_semaphore, #tpu.memory_space<semaphore_mem>> -> memref<!tpu.dma_semaphore, #tpu.memory_space<semaphore_mem>>
        tpu.wait_indirect_dma semaphore(%dma_wait3A_324 : memref<!tpu.dma_semaphore, #tpu.memory_space<semaphore_mem>>) src(%dma_wait3A_317 : memref<100xf32, #tpu.memory_space<vmem>>) dst(%dma_wait3A_322 : memref<10240xf32, #tpu.memory_space<vmem_shared>>)
        %add3A_325 = arith.constant 4 : i32
        %add3A_326 = arith.addi %mul3A_170, %add3A_325 : i32
        %sub3A_327 = arith.constant 5 : i32
        %sub3A_328 = arith.subi %add3A_326, %sub3A_327 : i32
        %dma_wait3A_329 = arith.constant 4 : i32
        %dma_wait3A_330 = arith.constant 0 : i32
        %dma_wait3A_331 = tpu.memref_slice %arg8[%dma_wait3A_330] : memref<128xf32, #tpu.memory_space<vmem>> -> memref<100xf32, #tpu.memory_space<vmem>>
        %dma_wait3A_332 = arith.constant 0 : i32
        %dma_wait3A_333 = tpu.memref_slice %arg7[%sub3A_328, %dma_wait3A_332] : memref<100x100xi32, #tpu.memory_space<vmem>> -> memref<1x100xi32, #tpu.memory_space<vmem>>
        %dma_wait3A_334 = tpu.memref_squeeze %dma_wait3A_333 : memref<1x100xi32, #tpu.memory_space<vmem>> -> memref<100xi32, #tpu.memory_space<vmem>>
        %dma_wait3A_335 = arith.constant 0 : i32
        %dma_wait3A_336 = tpu.memref_slice %arg11[%dma_wait3A_335] : memref<10240xf32, #tpu.memory_space<vmem_shared>> -> memref<10240xf32, #tpu.memory_space<vmem_shared>>
        %dma_wait3A_337 = tpu.memref_slice %arg13[%dma_wait3A_329] : memref<5x!tpu.dma_semaphore, #tpu.memory_space<semaphore_mem>> -> memref<1x!tpu.dma_semaphore, #tpu.memory_space<semaphore_mem>>
        %dma_wait3A_338 = tpu.memref_squeeze %dma_wait3A_337 : memref<1x!tpu.dma_semaphore, #tpu.memory_space<semaphore_mem>> -> memref<!tpu.dma_semaphore, #tpu.memory_space<semaphore_mem>>
        tpu.wait_indirect_dma semaphore(%dma_wait3A_338 : memref<!tpu.dma_semaphore, #tpu.memory_space<semaphore_mem>>) src(%dma_wait3A_331 : memref<100xf32, #tpu.memory_space<vmem>>) dst(%dma_wait3A_336 : memref<10240xf32, #tpu.memory_space<vmem_shared>>)
      } else {
      }
      %add3A_288 = arith.constant 4 : i32
      %add3A_289 = arith.addi %mul3A_170, %add3A_288 : i32
      %dma_start3A_290 = arith.constant 4 : i32
      %dma_start3A_291 = arith.constant 0 : i32
      %dma_start3A_292 = tpu.memref_slice %arg8[%dma_start3A_291] : memref<128xf32, #tpu.memory_space<vmem>> -> memref<100xf32, #tpu.memory_space<vmem>>
      %dma_start3A_293 = arith.constant 0 : i32
      %dma_start3A_294 = tpu.memref_slice %arg6[%add3A_289, %dma_start3A_293] : memref<100x100xi32, #tpu.memory_space<vmem>> -> memref<1x100xi32, #tpu.memory_space<vmem>>
      %dma_start3A_295 = tpu.memref_squeeze %dma_start3A_294 : memref<1x100xi32, #tpu.memory_space<vmem>> -> memref<100xi32, #tpu.memory_space<vmem>>
      %dma_start3A_296 = arith.constant 0 : i32
      %dma_start3A_297 = tpu.memref_slice %arg10[%dma_start3A_296] : memref<10240xf32, #tpu.memory_space<vmem_shared>> -> memref<10240xf32, #tpu.memory_space<vmem_shared>>
      %dma_start3A_298 = tpu.memref_slice %arg12[%dma_start3A_290] : memref<5x!tpu.dma_semaphore, #tpu.memory_space<semaphore_mem>> -> memref<1x!tpu.dma_semaphore, #tpu.memory_space<semaphore_mem>>
      %dma_start3A_299 = tpu.memref_squeeze %dma_start3A_298 : memref<1x!tpu.dma_semaphore, #tpu.memory_space<semaphore_mem>> -> memref<!tpu.dma_semaphore, #tpu.memory_space<semaphore_mem>>
      tpu.enqueue_indirect_dma source(%dma_start3A_292 : memref<100xf32, #tpu.memory_space<vmem>>) target(%dma_start3A_297 : memref<10240xf32, #tpu.memory_space<vmem_shared>>) offsets(%dma_start3A_295 : memref<100xi32, #tpu.memory_space<vmem>>) semaphore(%dma_start3A_299 : memref<!tpu.dma_semaphore, #tpu.memory_space<semaphore_mem>>) {add = true}
      %add3A_300 = arith.constant 4 : i32
      %add3A_301 = arith.addi %mul3A_170, %add3A_300 : i32
      %dma_start3A_302 = arith.constant 4 : i32
      %dma_start3A_303 = arith.constant 0 : i32
      %dma_start3A_304 = tpu.memref_slice %arg8[%dma_start3A_303] : memref<128xf32, #tpu.memory_space<vmem>> -> memref<100xf32, #tpu.memory_space<vmem>>
      %dma_start3A_305 = arith.constant 0 : i32
      %dma_start3A_306 = tpu.memref_slice %arg7[%add3A_301, %dma_start3A_305] : memref<100x100xi32, #tpu.memory_space<vmem>> -> memref<1x100xi32, #tpu.memory_space<vmem>>
      %dma_start3A_307 = tpu.memref_squeeze %dma_start3A_306 : memref<1x100xi32, #tpu.memory_space<vmem>> -> memref<100xi32, #tpu.memory_space<vmem>>
      %dma_start3A_308 = arith.constant 0 : i32
      %dma_start3A_309 = tpu.memref_slice %arg11[%dma_start3A_308] : memref<10240xf32, #tpu.memory_space<vmem_shared>> -> memref<10240xf32, #tpu.memory_space<vmem_shared>>
      %dma_start3A_310 = tpu.memref_slice %arg13[%dma_start3A_302] : memref<5x!tpu.dma_semaphore, #tpu.memory_space<semaphore_mem>> -> memref<1x!tpu.dma_semaphore, #tpu.memory_space<semaphore_mem>>
      %dma_start3A_311 = tpu.memref_squeeze %dma_start3A_310 : memref<1x!tpu.dma_semaphore, #tpu.memory_space<semaphore_mem>> -> memref<!tpu.dma_semaphore, #tpu.memory_space<semaphore_mem>>
      tpu.enqueue_indirect_dma source(%dma_start3A_304 : memref<100xf32, #tpu.memory_space<vmem>>) target(%dma_start3A_309 : memref<10240xf32, #tpu.memory_space<vmem_shared>>) offsets(%dma_start3A_307 : memref<100xi32, #tpu.memory_space<vmem>>) semaphore(%dma_start3A_311 : memref<!tpu.dma_semaphore, #tpu.memory_space<semaphore_mem>>) {add = true}
    }
    %scan3A_49 = arith.constant 20 : i32
    %dma_wait3A = arith.constant 95 : i32
    %dma_wait3A_50 = arith.constant 0 : i32
    %dma_wait3A_51 = arith.constant 0 : i32
    %dma_wait3A_52 = tpu.memref_slice %arg8[%dma_wait3A_51] : memref<128xf32, #tpu.memory_space<vmem>> -> memref<100xf32, #tpu.memory_space<vmem>>
    %dma_wait3A_53 = arith.constant 0 : i32
    %dma_wait3A_54 = tpu.memref_slice %arg6[%dma_wait3A, %dma_wait3A_53] : memref<100x100xi32, #tpu.memory_space<vmem>> -> memref<1x100xi32, #tpu.memory_space<vmem>>
    %dma_wait3A_55 = tpu.memref_squeeze %dma_wait3A_54 : memref<1x100xi32, #tpu.memory_space<vmem>> -> memref<100xi32, #tpu.memory_space<vmem>>
    %dma_wait3A_56 = arith.constant 0 : i32
    %dma_wait3A_57 = tpu.memref_slice %arg10[%dma_wait3A_56] : memref<10240xf32, #tpu.memory_space<vmem_shared>> -> memref<10240xf32, #tpu.memory_space<vmem_shared>>
    %dma_wait3A_58 = tpu.memref_slice %arg12[%dma_wait3A_50] : memref<5x!tpu.dma_semaphore, #tpu.memory_space<semaphore_mem>> -> memref<1x!tpu.dma_semaphore, #tpu.memory_space<semaphore_mem>>
    %dma_wait3A_59 = tpu.memref_squeeze %dma_wait3A_58 : memref<1x!tpu.dma_semaphore, #tpu.memory_space<semaphore_mem>> -> memref<!tpu.dma_semaphore, #tpu.memory_space<semaphore_mem>>
    tpu.wait_indirect_dma semaphore(%dma_wait3A_59 : memref<!tpu.dma_semaphore, #tpu.memory_space<semaphore_mem>>) src(%dma_wait3A_52 : memref<100xf32, #tpu.memory_space<vmem>>) dst(%dma_wait3A_57 : memref<10240xf32, #tpu.memory_space<vmem_shared>>)
    %dma_wait3A_60 = arith.constant 95 : i32
    %dma_wait3A_61 = arith.constant 0 : i32
    %dma_wait3A_62 = arith.constant 0 : i32
    %dma_wait3A_63 = tpu.memref_slice %arg8[%dma_wait3A_62] : memref<128xf32, #tpu.memory_space<vmem>> -> memref<100xf32, #tpu.memory_space<vmem>>
    %dma_wait3A_64 = arith.constant 0 : i32
    %dma_wait3A_65 = tpu.memref_slice %arg7[%dma_wait3A_60, %dma_wait3A_64] : memref<100x100xi32, #tpu.memory_space<vmem>> -> memref<1x100xi32, #tpu.memory_space<vmem>>
    %dma_wait3A_66 = tpu.memref_squeeze %dma_wait3A_65 : memref<1x100xi32, #tpu.memory_space<vmem>> -> memref<100xi32, #tpu.memory_space<vmem>>
    %dma_wait3A_67 = arith.constant 0 : i32
    %dma_wait3A_68 = tpu.memref_slice %arg11[%dma_wait3A_67] : memref<10240xf32, #tpu.memory_space<vmem_shared>> -> memref<10240xf32, #tpu.memory_space<vmem_shared>>
    %dma_wait3A_69 = tpu.memref_slice %arg13[%dma_wait3A_61] : memref<5x!tpu.dma_semaphore, #tpu.memory_space<semaphore_mem>> -> memref<1x!tpu.dma_semaphore, #tpu.memory_space<semaphore_mem>>
    %dma_wait3A_70 = tpu.memref_squeeze %dma_wait3A_69 : memref<1x!tpu.dma_semaphore, #tpu.memory_space<semaphore_mem>> -> memref<!tpu.dma_semaphore, #tpu.memory_space<semaphore_mem>>
    tpu.wait_indirect_dma semaphore(%dma_wait3A_70 : memref<!tpu.dma_semaphore, #tpu.memory_space<semaphore_mem>>) src(%dma_wait3A_63 : memref<100xf32, #tpu.memory_space<vmem>>) dst(%dma_wait3A_68 : memref<10240xf32, #tpu.memory_space<vmem_shared>>)
    %dma_wait3A_71 = arith.constant 96 : i32
    %dma_wait3A_72 = arith.constant 1 : i32
    %dma_wait3A_73 = arith.constant 0 : i32
    %dma_wait3A_74 = tpu.memref_slice %arg8[%dma_wait3A_73] : memref<128xf32, #tpu.memory_space<vmem>> -> memref<100xf32, #tpu.memory_space<vmem>>
    %dma_wait3A_75 = arith.constant 0 : i32
    %dma_wait3A_76 = tpu.memref_slice %arg6[%dma_wait3A_71, %dma_wait3A_75] : memref<100x100xi32, #tpu.memory_space<vmem>> -> memref<1x100xi32, #tpu.memory_space<vmem>>
    %dma_wait3A_77 = tpu.memref_squeeze %dma_wait3A_76 : memref<1x100xi32, #tpu.memory_space<vmem>> -> memref<100xi32, #tpu.memory_space<vmem>>
    %dma_wait3A_78 = arith.constant 0 : i32
    %dma_wait3A_79 = tpu.memref_slice %arg10[%dma_wait3A_78] : memref<10240xf32, #tpu.memory_space<vmem_shared>> -> memref<10240xf32, #tpu.memory_space<vmem_shared>>
    %dma_wait3A_80 = tpu.memref_slice %arg12[%dma_wait3A_72] : memref<5x!tpu.dma_semaphore, #tpu.memory_space<semaphore_mem>> -> memref<1x!tpu.dma_semaphore, #tpu.memory_space<semaphore_mem>>
    %dma_wait3A_81 = tpu.memref_squeeze %dma_wait3A_80 : memref<1x!tpu.dma_semaphore, #tpu.memory_space<semaphore_mem>> -> memref<!tpu.dma_semaphore, #tpu.memory_space<semaphore_mem>>
    tpu.wait_indirect_dma semaphore(%dma_wait3A_81 : memref<!tpu.dma_semaphore, #tpu.memory_space<semaphore_mem>>) src(%dma_wait3A_74 : memref<100xf32, #tpu.memory_space<vmem>>) dst(%dma_wait3A_79 : memref<10240xf32, #tpu.memory_space<vmem_shared>>)
    %dma_wait3A_82 = arith.constant 96 : i32
    %dma_wait3A_83 = arith.constant 1 : i32
    %dma_wait3A_84 = arith.constant 0 : i32
    %dma_wait3A_85 = tpu.memref_slice %arg8[%dma_wait3A_84] : memref<128xf32, #tpu.memory_space<vmem>> -> memref<100xf32, #tpu.memory_space<vmem>>
    %dma_wait3A_86 = arith.constant 0 : i32
    %dma_wait3A_87 = tpu.memref_slice %arg7[%dma_wait3A_82, %dma_wait3A_86] : memref<100x100xi32, #tpu.memory_space<vmem>> -> memref<1x100xi32, #tpu.memory_space<vmem>>
    %dma_wait3A_88 = tpu.memref_squeeze %dma_wait3A_87 : memref<1x100xi32, #tpu.memory_space<vmem>> -> memref<100xi32, #tpu.memory_space<vmem>>
    %dma_wait3A_89 = arith.constant 0 : i32
    %dma_wait3A_90 = tpu.memref_slice %arg11[%dma_wait3A_89] : memref<10240xf32, #tpu.memory_space<vmem_shared>> -> memref<10240xf32, #tpu.memory_space<vmem_shared>>
    %dma_wait3A_91 = tpu.memref_slice %arg13[%dma_wait3A_83] : memref<5x!tpu.dma_semaphore, #tpu.memory_space<semaphore_mem>> -> memref<1x!tpu.dma_semaphore, #tpu.memory_space<semaphore_mem>>
    %dma_wait3A_92 = tpu.memref_squeeze %dma_wait3A_91 : memref<1x!tpu.dma_semaphore, #tpu.memory_space<semaphore_mem>> -> memref<!tpu.dma_semaphore, #tpu.memory_space<semaphore_mem>>
    tpu.wait_indirect_dma semaphore(%dma_wait3A_92 : memref<!tpu.dma_semaphore, #tpu.memory_space<semaphore_mem>>) src(%dma_wait3A_85 : memref<100xf32, #tpu.memory_space<vmem>>) dst(%dma_wait3A_90 : memref<10240xf32, #tpu.memory_space<vmem_shared>>)
    %dma_wait3A_93 = arith.constant 97 : i32
    %dma_wait3A_94 = arith.constant 2 : i32
    %dma_wait3A_95 = arith.constant 0 : i32
    %dma_wait3A_96 = tpu.memref_slice %arg8[%dma_wait3A_95] : memref<128xf32, #tpu.memory_space<vmem>> -> memref<100xf32, #tpu.memory_space<vmem>>
    %dma_wait3A_97 = arith.constant 0 : i32
    %dma_wait3A_98 = tpu.memref_slice %arg6[%dma_wait3A_93, %dma_wait3A_97] : memref<100x100xi32, #tpu.memory_space<vmem>> -> memref<1x100xi32, #tpu.memory_space<vmem>>
    %dma_wait3A_99 = tpu.memref_squeeze %dma_wait3A_98 : memref<1x100xi32, #tpu.memory_space<vmem>> -> memref<100xi32, #tpu.memory_space<vmem>>
    %dma_wait3A_100 = arith.constant 0 : i32
    %dma_wait3A_101 = tpu.memref_slice %arg10[%dma_wait3A_100] : memref<10240xf32, #tpu.memory_space<vmem_shared>> -> memref<10240xf32, #tpu.memory_space<vmem_shared>>
    %dma_wait3A_102 = tpu.memref_slice %arg12[%dma_wait3A_94] : memref<5x!tpu.dma_semaphore, #tpu.memory_space<semaphore_mem>> -> memref<1x!tpu.dma_semaphore, #tpu.memory_space<semaphore_mem>>
    %dma_wait3A_103 = tpu.memref_squeeze %dma_wait3A_102 : memref<1x!tpu.dma_semaphore, #tpu.memory_space<semaphore_mem>> -> memref<!tpu.dma_semaphore, #tpu.memory_space<semaphore_mem>>
    tpu.wait_indirect_dma semaphore(%dma_wait3A_103 : memref<!tpu.dma_semaphore, #tpu.memory_space<semaphore_mem>>) src(%dma_wait3A_96 : memref<100xf32, #tpu.memory_space<vmem>>) dst(%dma_wait3A_101 : memref<10240xf32, #tpu.memory_space<vmem_shared>>)
    %dma_wait3A_104 = arith.constant 97 : i32
    %dma_wait3A_105 = arith.constant 2 : i32
    %dma_wait3A_106 = arith.constant 0 : i32
    %dma_wait3A_107 = tpu.memref_slice %arg8[%dma_wait3A_106] : memref<128xf32, #tpu.memory_space<vmem>> -> memref<100xf32, #tpu.memory_space<vmem>>
    %dma_wait3A_108 = arith.constant 0 : i32
    %dma_wait3A_109 = tpu.memref_slice %arg7[%dma_wait3A_104, %dma_wait3A_108] : memref<100x100xi32, #tpu.memory_space<vmem>> -> memref<1x100xi32, #tpu.memory_space<vmem>>
    %dma_wait3A_110 = tpu.memref_squeeze %dma_wait3A_109 : memref<1x100xi32, #tpu.memory_space<vmem>> -> memref<100xi32, #tpu.memory_space<vmem>>
    %dma_wait3A_111 = arith.constant 0 : i32
    %dma_wait3A_112 = tpu.memref_slice %arg11[%dma_wait3A_111] : memref<10240xf32, #tpu.memory_space<vmem_shared>> -> memref<10240xf32, #tpu.memory_space<vmem_shared>>
    %dma_wait3A_113 = tpu.memref_slice %arg13[%dma_wait3A_105] : memref<5x!tpu.dma_semaphore, #tpu.memory_space<semaphore_mem>> -> memref<1x!tpu.dma_semaphore, #tpu.memory_space<semaphore_mem>>
    %dma_wait3A_114 = tpu.memref_squeeze %dma_wait3A_113 : memref<1x!tpu.dma_semaphore, #tpu.memory_space<semaphore_mem>> -> memref<!tpu.dma_semaphore, #tpu.memory_space<semaphore_mem>>
    tpu.wait_indirect_dma semaphore(%dma_wait3A_114 : memref<!tpu.dma_semaphore, #tpu.memory_space<semaphore_mem>>) src(%dma_wait3A_107 : memref<100xf32, #tpu.memory_space<vmem>>) dst(%dma_wait3A_112 : memref<10240xf32, #tpu.memory_space<vmem_shared>>)
    %dma_wait3A_115 = arith.constant 98 : i32
    %dma_wait3A_116 = arith.constant 3 : i32
    %dma_wait3A_117 = arith.constant 0 : i32
    %dma_wait3A_118 = tpu.memref_slice %arg8[%dma_wait3A_117] : memref<128xf32, #tpu.memory_space<vmem>> -> memref<100xf32, #tpu.memory_space<vmem>>
    %dma_wait3A_119 = arith.constant 0 : i32
    %dma_wait3A_120 = tpu.memref_slice %arg6[%dma_wait3A_115, %dma_wait3A_119] : memref<100x100xi32, #tpu.memory_space<vmem>> -> memref<1x100xi32, #tpu.memory_space<vmem>>
    %dma_wait3A_121 = tpu.memref_squeeze %dma_wait3A_120 : memref<1x100xi32, #tpu.memory_space<vmem>> -> memref<100xi32, #tpu.memory_space<vmem>>
    %dma_wait3A_122 = arith.constant 0 : i32
    %dma_wait3A_123 = tpu.memref_slice %arg10[%dma_wait3A_122] : memref<10240xf32, #tpu.memory_space<vmem_shared>> -> memref<10240xf32, #tpu.memory_space<vmem_shared>>
    %dma_wait3A_124 = tpu.memref_slice %arg12[%dma_wait3A_116] : memref<5x!tpu.dma_semaphore, #tpu.memory_space<semaphore_mem>> -> memref<1x!tpu.dma_semaphore, #tpu.memory_space<semaphore_mem>>
    %dma_wait3A_125 = tpu.memref_squeeze %dma_wait3A_124 : memref<1x!tpu.dma_semaphore, #tpu.memory_space<semaphore_mem>> -> memref<!tpu.dma_semaphore, #tpu.memory_space<semaphore_mem>>
    tpu.wait_indirect_dma semaphore(%dma_wait3A_125 : memref<!tpu.dma_semaphore, #tpu.memory_space<semaphore_mem>>) src(%dma_wait3A_118 : memref<100xf32, #tpu.memory_space<vmem>>) dst(%dma_wait3A_123 : memref<10240xf32, #tpu.memory_space<vmem_shared>>)
    %dma_wait3A_126 = arith.constant 98 : i32
    %dma_wait3A_127 = arith.constant 3 : i32
    %dma_wait3A_128 = arith.constant 0 : i32
    %dma_wait3A_129 = tpu.memref_slice %arg8[%dma_wait3A_128] : memref<128xf32, #tpu.memory_space<vmem>> -> memref<100xf32, #tpu.memory_space<vmem>>
    %dma_wait3A_130 = arith.constant 0 : i32
    %dma_wait3A_131 = tpu.memref_slice %arg7[%dma_wait3A_126, %dma_wait3A_130] : memref<100x100xi32, #tpu.memory_space<vmem>> -> memref<1x100xi32, #tpu.memory_space<vmem>>
    %dma_wait3A_132 = tpu.memref_squeeze %dma_wait3A_131 : memref<1x100xi32, #tpu.memory_space<vmem>> -> memref<100xi32, #tpu.memory_space<vmem>>
    %dma_wait3A_133 = arith.constant 0 : i32
    %dma_wait3A_134 = tpu.memref_slice %arg11[%dma_wait3A_133] : memref<10240xf32, #tpu.memory_space<vmem_shared>> -> memref<10240xf32, #tpu.memory_space<vmem_shared>>
    %dma_wait3A_135 = tpu.memref_slice %arg13[%dma_wait3A_127] : memref<5x!tpu.dma_semaphore, #tpu.memory_space<semaphore_mem>> -> memref<1x!tpu.dma_semaphore, #tpu.memory_space<semaphore_mem>>
    %dma_wait3A_136 = tpu.memref_squeeze %dma_wait3A_135 : memref<1x!tpu.dma_semaphore, #tpu.memory_space<semaphore_mem>> -> memref<!tpu.dma_semaphore, #tpu.memory_space<semaphore_mem>>
    tpu.wait_indirect_dma semaphore(%dma_wait3A_136 : memref<!tpu.dma_semaphore, #tpu.memory_space<semaphore_mem>>) src(%dma_wait3A_129 : memref<100xf32, #tpu.memory_space<vmem>>) dst(%dma_wait3A_134 : memref<10240xf32, #tpu.memory_space<vmem_shared>>)
    %dma_wait3A_137 = arith.constant 99 : i32
    %dma_wait3A_138 = arith.constant 4 : i32
    %dma_wait3A_139 = arith.constant 0 : i32
    %dma_wait3A_140 = tpu.memref_slice %arg8[%dma_wait3A_139] : memref<128xf32, #tpu.memory_space<vmem>> -> memref<100xf32, #tpu.memory_space<vmem>>
    %dma_wait3A_141 = arith.constant 0 : i32
    %dma_wait3A_142 = tpu.memref_slice %arg6[%dma_wait3A_137, %dma_wait3A_141] : memref<100x100xi32, #tpu.memory_space<vmem>> -> memref<1x100xi32, #tpu.memory_space<vmem>>
    %dma_wait3A_143 = tpu.memref_squeeze %dma_wait3A_142 : memref<1x100xi32, #tpu.memory_space<vmem>> -> memref<100xi32, #tpu.memory_space<vmem>>
    %dma_wait3A_144 = arith.constant 0 : i32
    %dma_wait3A_145 = tpu.memref_slice %arg10[%dma_wait3A_144] : memref<10240xf32, #tpu.memory_space<vmem_shared>> -> memref<10240xf32, #tpu.memory_space<vmem_shared>>
    %dma_wait3A_146 = tpu.memref_slice %arg12[%dma_wait3A_138] : memref<5x!tpu.dma_semaphore, #tpu.memory_space<semaphore_mem>> -> memref<1x!tpu.dma_semaphore, #tpu.memory_space<semaphore_mem>>
    %dma_wait3A_147 = tpu.memref_squeeze %dma_wait3A_146 : memref<1x!tpu.dma_semaphore, #tpu.memory_space<semaphore_mem>> -> memref<!tpu.dma_semaphore, #tpu.memory_space<semaphore_mem>>
    tpu.wait_indirect_dma semaphore(%dma_wait3A_147 : memref<!tpu.dma_semaphore, #tpu.memory_space<semaphore_mem>>) src(%dma_wait3A_140 : memref<100xf32, #tpu.memory_space<vmem>>) dst(%dma_wait3A_145 : memref<10240xf32, #tpu.memory_space<vmem_shared>>)
    %dma_wait3A_148 = arith.constant 99 : i32
    %dma_wait3A_149 = arith.constant 4 : i32
    %dma_wait3A_150 = arith.constant 0 : i32
    %dma_wait3A_151 = tpu.memref_slice %arg8[%dma_wait3A_150] : memref<128xf32, #tpu.memory_space<vmem>> -> memref<100xf32, #tpu.memory_space<vmem>>
    %dma_wait3A_152 = arith.constant 0 : i32
    %dma_wait3A_153 = tpu.memref_slice %arg7[%dma_wait3A_148, %dma_wait3A_152] : memref<100x100xi32, #tpu.memory_space<vmem>> -> memref<1x100xi32, #tpu.memory_space<vmem>>
    %dma_wait3A_154 = tpu.memref_squeeze %dma_wait3A_153 : memref<1x100xi32, #tpu.memory_space<vmem>> -> memref<100xi32, #tpu.memory_space<vmem>>
    %dma_wait3A_155 = arith.constant 0 : i32
    %dma_wait3A_156 = tpu.memref_slice %arg11[%dma_wait3A_155] : memref<10240xf32, #tpu.memory_space<vmem_shared>> -> memref<10240xf32, #tpu.memory_space<vmem_shared>>
    %dma_wait3A_157 = tpu.memref_slice %arg13[%dma_wait3A_149] : memref<5x!tpu.dma_semaphore, #tpu.memory_space<semaphore_mem>> -> memref<1x!tpu.dma_semaphore, #tpu.memory_space<semaphore_mem>>
    %dma_wait3A_158 = tpu.memref_squeeze %dma_wait3A_157 : memref<1x!tpu.dma_semaphore, #tpu.memory_space<semaphore_mem>> -> memref<!tpu.dma_semaphore, #tpu.memory_space<semaphore_mem>>
    tpu.wait_indirect_dma semaphore(%dma_wait3A_158 : memref<!tpu.dma_semaphore, #tpu.memory_space<semaphore_mem>>) src(%dma_wait3A_151 : memref<100xf32, #tpu.memory_space<vmem>>) dst(%dma_wait3A_156 : memref<10240xf32, #tpu.memory_space<vmem_shared>>)
    %barrier3A_159 = arith.constant 0 : index
    tpu.barrier barrier_id(%barrier3A_159)
    %mul3A_160 = arith.constant 640 : i32
    %mul3A_161 = arith.muli %arg1, %mul3A_160 : i32
    "tpu.region"() ({
      %run_scoped3A = tpu.sem_alloc : memref<!tpu.dma_semaphore, #tpu.memory_space<semaphore_mem>>
      %dma_start3A = tpu.memref_slice %arg10[%mul3A_161] : memref<10240xf32, #tpu.memory_space<vmem_shared>> -> memref<640xf32, #tpu.memory_space<vmem_shared>>
      %dma_start3A_168 = tpu.memref_slice %arg10[%mul3A_161] : memref<10240xf32, #tpu.memory_space<vmem_shared>> -> memref<640xf32, #tpu.memory_space<vmem_shared>>
      tpu.enqueue_dma source(%dma_start3A_168 : memref<640xf32, #tpu.memory_space<vmem_shared>>) target(%arg9 : memref<640xf32, #tpu.memory_space<vmem>>) target_semaphore(%run_scoped3A : memref<!tpu.dma_semaphore, #tpu.memory_space<semaphore_mem>>)
      %dma_wait3A_169 = tpu.memref_slice %arg10[%mul3A_161] : memref<10240xf32, #tpu.memory_space<vmem_shared>> -> memref<640xf32, #tpu.memory_space<vmem_shared>>
      %dma_wait3A_170 = tpu.memref_slice %arg10[%mul3A_161] : memref<10240xf32, #tpu.memory_space<vmem_shared>> -> memref<640xf32, #tpu.memory_space<vmem_shared>>
      tpu.wait_dma2 semaphore(%run_scoped3A : memref<!tpu.dma_semaphore, #tpu.memory_space<semaphore_mem>>) src(%dma_wait3A_170 : memref<640xf32, #tpu.memory_space<vmem_shared>>) dst(%arg9 : memref<640xf32, #tpu.memory_space<vmem>>)
      tpu.yield
    }) : () -> ()
    %mul3A_162 = arith.constant 640 : i32
    %mul3A_163 = arith.muli %arg1, %mul3A_162 : i32
    "tpu.region"() ({
      %run_scoped3A = tpu.sem_alloc : memref<!tpu.dma_semaphore, #tpu.memory_space<semaphore_mem>>
      %dma_start3A = tpu.memref_slice %arg4[%arg0, %mul3A_163] : memref<2x10240xf32, #tpu.memory_space<hbm>> -> memref<1x640xf32, #tpu.memory_space<hbm>>
      %dma_start3A_168 = tpu.memref_squeeze %dma_start3A : memref<1x640xf32, #tpu.memory_space<hbm>> -> memref<640xf32, #tpu.memory_space<hbm>>
      %dma_start3A_169 = tpu.memref_slice %arg4[%arg0, %mul3A_163] : memref<2x10240xf32, #tpu.memory_space<hbm>> -> memref<1x640xf32, #tpu.memory_space<hbm>>
      %dma_start3A_170 = tpu.memref_squeeze %dma_start3A_169 : memref<1x640xf32, #tpu.memory_space<hbm>> -> memref<640xf32, #tpu.memory_space<hbm>>
      tpu.enqueue_dma source(%arg9 : memref<640xf32, #tpu.memory_space<vmem>>) target(%dma_start3A_170 : memref<640xf32, #tpu.memory_space<hbm>>) target_semaphore(%run_scoped3A : memref<!tpu.dma_semaphore, #tpu.memory_space<semaphore_mem>>)
      %dma_wait3A_171 = tpu.memref_slice %arg4[%arg0, %mul3A_163] : memref<2x10240xf32, #tpu.memory_space<hbm>> -> memref<1x640xf32, #tpu.memory_space<hbm>>
      %dma_wait3A_172 = tpu.memref_squeeze %dma_wait3A_171 : memref<1x640xf32, #tpu.memory_space<hbm>> -> memref<640xf32, #tpu.memory_space<hbm>>
      %dma_wait3A_173 = tpu.memref_slice %arg4[%arg0, %mul3A_163] : memref<2x10240xf32, #tpu.memory_space<hbm>> -> memref<1x640xf32, #tpu.memory_space<hbm>>
      %dma_wait3A_174 = tpu.memref_squeeze %dma_wait3A_173 : memref<1x640xf32, #tpu.memory_space<hbm>> -> memref<640xf32, #tpu.memory_space<hbm>>
      tpu.wait_dma2 semaphore(%run_scoped3A : memref<!tpu.dma_semaphore, #tpu.memory_space<semaphore_mem>>) src(%arg9 : memref<640xf32, #tpu.memory_space<vmem>>) dst(%dma_wait3A_174 : memref<640xf32, #tpu.memory_space<hbm>>)
      tpu.yield
    }) : () -> ()
    %mul3A_164 = arith.constant 640 : i32
    %mul3A_165 = arith.muli %arg1, %mul3A_164 : i32
    "tpu.region"() ({
      %run_scoped3A = tpu.sem_alloc : memref<!tpu.dma_semaphore, #tpu.memory_space<semaphore_mem>>
      %dma_start3A = tpu.memref_slice %arg11[%mul3A_165] : memref<10240xf32, #tpu.memory_space<vmem_shared>> -> memref<640xf32, #tpu.memory_space<vmem_shared>>
      %dma_start3A_168 = tpu.memref_slice %arg11[%mul3A_165] : memref<10240xf32, #tpu.memory_space<vmem_shared>> -> memref<640xf32, #tpu.memory_space<vmem_shared>>
      tpu.enqueue_dma source(%dma_start3A_168 : memref<640xf32, #tpu.memory_space<vmem_shared>>) target(%arg9 : memref<640xf32, #tpu.memory_space<vmem>>) target_semaphore(%run_scoped3A : memref<!tpu.dma_semaphore, #tpu.memory_space<semaphore_mem>>)
      %dma_wait3A_169 = tpu.memref_slice %arg11[%mul3A_165] : memref<10240xf32, #tpu.memory_space<vmem_shared>> -> memref<640xf32, #tpu.memory_space<vmem_shared>>
      %dma_wait3A_170 = tpu.memref_slice %arg11[%mul3A_165] : memref<10240xf32, #tpu.memory_space<vmem_shared>> -> memref<640xf32, #tpu.memory_space<vmem_shared>>
      tpu.wait_dma2 semaphore(%run_scoped3A : memref<!tpu.dma_semaphore, #tpu.memory_space<semaphore_mem>>) src(%dma_wait3A_170 : memref<640xf32, #tpu.memory_space<vmem_shared>>) dst(%arg9 : memref<640xf32, #tpu.memory_space<vmem>>)
      tpu.yield
    }) : () -> ()
    %mul3A_166 = arith.constant 640 : i32
    %mul3A_167 = arith.muli %arg1, %mul3A_166 : i32
    "tpu.region"() ({
      %run_scoped3A = tpu.sem_alloc : memref<!tpu.dma_semaphore, #tpu.memory_space<semaphore_mem>>
      %dma_start3A = tpu.memref_slice %arg5[%arg0, %mul3A_167] : memref<2x10240xf32, #tpu.memory_space<hbm>> -> memref<1x640xf32, #tpu.memory_space<hbm>>
      %dma_start3A_168 = tpu.memref_squeeze %dma_start3A : memref<1x640xf32, #tpu.memory_space<hbm>> -> memref<640xf32, #tpu.memory_space<hbm>>
      %dma_start3A_169 = tpu.memref_slice %arg5[%arg0, %mul3A_167] : memref<2x10240xf32, #tpu.memory_space<hbm>> -> memref<1x640xf32, #tpu.memory_space<hbm>>
      %dma_start3A_170 = tpu.memref_squeeze %dma_start3A_169 : memref<1x640xf32, #tpu.memory_space<hbm>> -> memref<640xf32, #tpu.memory_space<hbm>>
      tpu.enqueue_dma source(%arg9 : memref<640xf32, #tpu.memory_space<vmem>>) target(%dma_start3A_170 : memref<640xf32, #tpu.memory_space<hbm>>) target_semaphore(%run_scoped3A : memref<!tpu.dma_semaphore, #tpu.memory_space<semaphore_mem>>)
      %dma_wait3A_171 = tpu.memref_slice %arg5[%arg0, %mul3A_167] : memref<2x10240xf32, #tpu.memory_space<hbm>> -> memref<1x640xf32, #tpu.memory_space<hbm>>
      %dma_wait3A_172 = tpu.memref_squeeze %dma_wait3A_171 : memref<1x640xf32, #tpu.memory_space<hbm>> -> memref<640xf32, #tpu.memory_space<hbm>>
      %dma_wait3A_173 = tpu.memref_slice %arg5[%arg0, %mul3A_167] : memref<2x10240xf32, #tpu.memory_space<hbm>> -> memref<1x640xf32, #tpu.memory_space<hbm>>
      %dma_wait3A_174 = tpu.memref_squeeze %dma_wait3A_173 : memref<1x640xf32, #tpu.memory_space<hbm>> -> memref<640xf32, #tpu.memory_space<hbm>>
      tpu.wait_dma2 semaphore(%run_scoped3A : memref<!tpu.dma_semaphore, #tpu.memory_space<semaphore_mem>>) src(%arg9 : memref<640xf32, #tpu.memory_space<vmem>>) dst(%dma_wait3A_174 : memref<640xf32, #tpu.memory_space<hbm>>)
      tpu.yield
    }) : () -> ()
    return
  }
}

#map = affine_map<(d0, d1) -> (0, 0)>
#map1 = affine_map<(d0, d1) -> (0, 0, 0)>
module attributes {stable_mosaic.version = 14 : i64} {
  func.func @_msg_body(%arg0: i32, %arg1: i32, %arg2: memref<10000x64xf32, #tpu.memory_space<hbm>>, %arg3: memref<32x100x100xi32, #tpu.memory_space<hbm>>, %arg4: memref<32x100x100xi32, #tpu.memory_space<hbm>>, %arg5: memref<2x10240x64xf32, #tpu.memory_space<hbm>>, %arg6: memref<100x100xi32, #tpu.memory_space<vmem>>, %arg7: memref<100x100xi32, #tpu.memory_space<vmem>>, %arg8: memref<5x100x64xf32, #tpu.memory_space<vmem>>, %arg9: memref<64x64xf32, #tpu.memory_space<vmem>>, %arg10: memref<2x160x64xf32, #tpu.memory_space<vmem>>, %arg11: memref<10240x64xf32, #tpu.memory_space<vmem_shared>>, %arg12: memref<5x!tpu.dma_semaphore, #tpu.memory_space<semaphore_mem>>, %arg13: memref<5x!tpu.dma_semaphore, #tpu.memory_space<semaphore_mem>>, %arg14: memref<2x!tpu.dma_semaphore, #tpu.memory_space<semaphore_mem>>) attributes {dimension_semantics = [#tpu.dimension_semantics<core_parallel>, #tpu.dimension_semantics<subcore_parallel>], iteration_bounds = array<i64: 2, 16>, scalar_prefetch = 0 : i64, scratch_operands = 9 : i64, tpu.core_type = #tpu.core_type<sc_vector_subcore>, window_params = [{transform_indices = #map}, {transform_indices = #map1}, {transform_indices = #map1}, {transform_indices = #map1}]} {
    %mul3A = arith.constant 16 : i32
    %mul3A_0 = arith.muli %arg0, %mul3A : i32
    %add3A = arith.addi %mul3A_0, %arg1 : i32
    %broadcast_in_dim3A = arith.constant 0.000000e+00 : f32
    %broadcast_in_dim3A_1 = vector.broadcast %broadcast_in_dim3A : f32 to vector<16xf32>
    %scan3A = arith.constant 0 : i32
    %scan3A_2 = arith.constant 0 : i32
    %scan3A_3 = arith.constant 64 : i32
    %scan3A_4 = arith.addi %scan3A_2, %scan3A_3 : i32
    %scan3A_5 = arith.constant 1 : i32
    scf.for %scan3A_577 = %scan3A_2 to %scan3A_4 step %scan3A_5  : i32 {
      %swap3A = arith.index_cast %scan3A_577 : i32 to index
      %swap3A_578 = arith.constant 0 : index
      %swap3A_579 = tpu.vector_load %arg9[%swap3A, %swap3A_578] {strides = array<i32>} : memref<64x64xf32, #tpu.memory_space<vmem>>, vector<1x16xf32>,
      %swap3A_580 = vector.shape_cast %swap3A_579 : vector<1x16xf32> to vector<16xf32>
      %swap3A_581 = vector.shape_cast %broadcast_in_dim3A_1 : vector<16xf32> to vector<1x16xf32>
      tpu.vector_store %arg9[%swap3A, %swap3A_578], %swap3A_581 {strides = array<i32>} : memref<64x64xf32, #tpu.memory_space<vmem>>, vector<1x16xf32>,
      %swap3A_582 = arith.index_cast %scan3A_577 : i32 to index
      %swap3A_583 = arith.constant 16 : index
      %swap3A_584 = tpu.vector_load %arg9[%swap3A_582, %swap3A_583] {strides = array<i32>} : memref<64x64xf32, #tpu.memory_space<vmem>>, vector<1x16xf32>,
      %swap3A_585 = vector.shape_cast %swap3A_584 : vector<1x16xf32> to vector<16xf32>
      %swap3A_586 = vector.shape_cast %broadcast_in_dim3A_1 : vector<16xf32> to vector<1x16xf32>
      tpu.vector_store %arg9[%swap3A_582, %swap3A_583], %swap3A_586 {strides = array<i32>} : memref<64x64xf32, #tpu.memory_space<vmem>>, vector<1x16xf32>,
      %swap3A_587 = arith.index_cast %scan3A_577 : i32 to index
      %swap3A_588 = arith.constant 32 : index
      %swap3A_589 = tpu.vector_load %arg9[%swap3A_587, %swap3A_588] {strides = array<i32>} : memref<64x64xf32, #tpu.memory_space<vmem>>, vector<1x16xf32>,
      %swap3A_590 = vector.shape_cast %swap3A_589 : vector<1x16xf32> to vector<16xf32>
      %swap3A_591 = vector.shape_cast %broadcast_in_dim3A_1 : vector<16xf32> to vector<1x16xf32>
      tpu.vector_store %arg9[%swap3A_587, %swap3A_588], %swap3A_591 {strides = array<i32>} : memref<64x64xf32, #tpu.memory_space<vmem>>, vector<1x16xf32>,
      %swap3A_592 = arith.index_cast %scan3A_577 : i32 to index
      %swap3A_593 = arith.constant 48 : index
      %swap3A_594 = tpu.vector_load %arg9[%swap3A_592, %swap3A_593] {strides = array<i32>} : memref<64x64xf32, #tpu.memory_space<vmem>>, vector<1x16xf32>,
      %swap3A_595 = vector.shape_cast %swap3A_594 : vector<1x16xf32> to vector<16xf32>
      %swap3A_596 = vector.shape_cast %broadcast_in_dim3A_1 : vector<16xf32> to vector<1x16xf32>
      tpu.vector_store %arg9[%swap3A_592, %swap3A_593], %swap3A_596 {strides = array<i32>} : memref<64x64xf32, #tpu.memory_space<vmem>>, vector<1x16xf32>,
    }
    %scan3A_6 = arith.constant 64 : i32
    %mul3A_7 = arith.constant 640 : i32
    %mul3A_8 = arith.muli %arg1, %mul3A_7 : i32
    %add3A_9 = arith.constant 0 : i32
    %add3A_10 = arith.addi %mul3A_8, %add3A_9 : i32
    %dma_start3A = arith.constant 0 : i32
    %dma_start3A_11 = arith.constant 0 : i32
    %dma_start3A_12 = tpu.memref_slice %arg11[%add3A_10, %dma_start3A_11] : memref<10240x64xf32, #tpu.memory_space<vmem_shared>> -> memref<64x64xf32, #tpu.memory_space<vmem_shared>>
    %dma_start3A_13 = tpu.memref_slice %arg14[%dma_start3A] : memref<2x!tpu.dma_semaphore, #tpu.memory_space<semaphore_mem>> -> memref<1x!tpu.dma_semaphore, #tpu.memory_space<semaphore_mem>>
    %dma_start3A_14 = tpu.memref_squeeze %dma_start3A_13 : memref<1x!tpu.dma_semaphore, #tpu.memory_space<semaphore_mem>> -> memref<!tpu.dma_semaphore, #tpu.memory_space<semaphore_mem>>
    %dma_start3A_15 = arith.constant 0 : i32
    %dma_start3A_16 = tpu.memref_slice %arg11[%add3A_10, %dma_start3A_15] : memref<10240x64xf32, #tpu.memory_space<vmem_shared>> -> memref<64x64xf32, #tpu.memory_space<vmem_shared>>
    tpu.enqueue_dma source(%arg9 : memref<64x64xf32, #tpu.memory_space<vmem>>) target(%dma_start3A_16 : memref<64x64xf32, #tpu.memory_space<vmem_shared>>) target_semaphore(%dma_start3A_14 : memref<!tpu.dma_semaphore, #tpu.memory_space<semaphore_mem>>)
    %mul3A_17 = arith.constant 640 : i32
    %mul3A_18 = arith.muli %arg1, %mul3A_17 : i32
    %add3A_19 = arith.constant 64 : i32
    %add3A_20 = arith.addi %mul3A_18, %add3A_19 : i32
    %dma_start3A_21 = arith.constant 1 : i32
    %dma_start3A_22 = arith.constant 0 : i32
    %dma_start3A_23 = tpu.memref_slice %arg11[%add3A_20, %dma_start3A_22] : memref<10240x64xf32, #tpu.memory_space<vmem_shared>> -> memref<64x64xf32, #tpu.memory_space<vmem_shared>>
    %dma_start3A_24 = tpu.memref_slice %arg14[%dma_start3A_21] : memref<2x!tpu.dma_semaphore, #tpu.memory_space<semaphore_mem>> -> memref<1x!tpu.dma_semaphore, #tpu.memory_space<semaphore_mem>>
    %dma_start3A_25 = tpu.memref_squeeze %dma_start3A_24 : memref<1x!tpu.dma_semaphore, #tpu.memory_space<semaphore_mem>> -> memref<!tpu.dma_semaphore, #tpu.memory_space<semaphore_mem>>
    %dma_start3A_26 = arith.constant 0 : i32
    %dma_start3A_27 = tpu.memref_slice %arg11[%add3A_20, %dma_start3A_26] : memref<10240x64xf32, #tpu.memory_space<vmem_shared>> -> memref<64x64xf32, #tpu.memory_space<vmem_shared>>
    tpu.enqueue_dma source(%arg9 : memref<64x64xf32, #tpu.memory_space<vmem>>) target(%dma_start3A_27 : memref<64x64xf32, #tpu.memory_space<vmem_shared>>) target_semaphore(%dma_start3A_25 : memref<!tpu.dma_semaphore, #tpu.memory_space<semaphore_mem>>)
    %mul3A_28 = arith.constant 640 : i32
    %mul3A_29 = arith.muli %arg1, %mul3A_28 : i32
    %add3A_30 = arith.constant 128 : i32
    %add3A_31 = arith.addi %mul3A_29, %add3A_30 : i32
    %dma_start3A_32 = arith.constant 0 : i32
    %dma_start3A_33 = arith.constant 0 : i32
    %dma_start3A_34 = tpu.memref_slice %arg11[%add3A_31, %dma_start3A_33] : memref<10240x64xf32, #tpu.memory_space<vmem_shared>> -> memref<64x64xf32, #tpu.memory_space<vmem_shared>>
    %dma_start3A_35 = tpu.memref_slice %arg14[%dma_start3A_32] : memref<2x!tpu.dma_semaphore, #tpu.memory_space<semaphore_mem>> -> memref<1x!tpu.dma_semaphore, #tpu.memory_space<semaphore_mem>>
    %dma_start3A_36 = tpu.memref_squeeze %dma_start3A_35 : memref<1x!tpu.dma_semaphore, #tpu.memory_space<semaphore_mem>> -> memref<!tpu.dma_semaphore, #tpu.memory_space<semaphore_mem>>
    %dma_start3A_37 = arith.constant 0 : i32
    %dma_start3A_38 = tpu.memref_slice %arg11[%add3A_31, %dma_start3A_37] : memref<10240x64xf32, #tpu.memory_space<vmem_shared>> -> memref<64x64xf32, #tpu.memory_space<vmem_shared>>
    tpu.enqueue_dma source(%arg9 : memref<64x64xf32, #tpu.memory_space<vmem>>) target(%dma_start3A_38 : memref<64x64xf32, #tpu.memory_space<vmem_shared>>) target_semaphore(%dma_start3A_36 : memref<!tpu.dma_semaphore, #tpu.memory_space<semaphore_mem>>)
    %mul3A_39 = arith.constant 640 : i32
    %mul3A_40 = arith.muli %arg1, %mul3A_39 : i32
    %add3A_41 = arith.constant 192 : i32
    %add3A_42 = arith.addi %mul3A_40, %add3A_41 : i32
    %dma_start3A_43 = arith.constant 1 : i32
    %dma_start3A_44 = arith.constant 0 : i32
    %dma_start3A_45 = tpu.memref_slice %arg11[%add3A_42, %dma_start3A_44] : memref<10240x64xf32, #tpu.memory_space<vmem_shared>> -> memref<64x64xf32, #tpu.memory_space<vmem_shared>>
    %dma_start3A_46 = tpu.memref_slice %arg14[%dma_start3A_43] : memref<2x!tpu.dma_semaphore, #tpu.memory_space<semaphore_mem>> -> memref<1x!tpu.dma_semaphore, #tpu.memory_space<semaphore_mem>>
    %dma_start3A_47 = tpu.memref_squeeze %dma_start3A_46 : memref<1x!tpu.dma_semaphore, #tpu.memory_space<semaphore_mem>> -> memref<!tpu.dma_semaphore, #tpu.memory_space<semaphore_mem>>
    %dma_start3A_48 = arith.constant 0 : i32
    %dma_start3A_49 = tpu.memref_slice %arg11[%add3A_42, %dma_start3A_48] : memref<10240x64xf32, #tpu.memory_space<vmem_shared>> -> memref<64x64xf32, #tpu.memory_space<vmem_shared>>
    tpu.enqueue_dma source(%arg9 : memref<64x64xf32, #tpu.memory_space<vmem>>) target(%dma_start3A_49 : memref<64x64xf32, #tpu.memory_space<vmem_shared>>) target_semaphore(%dma_start3A_47 : memref<!tpu.dma_semaphore, #tpu.memory_space<semaphore_mem>>)
    %mul3A_50 = arith.constant 640 : i32
    %mul3A_51 = arith.muli %arg1, %mul3A_50 : i32
    %add3A_52 = arith.constant 256 : i32
    %add3A_53 = arith.addi %mul3A_51, %add3A_52 : i32
    %dma_start3A_54 = arith.constant 0 : i32
    %dma_start3A_55 = arith.constant 0 : i32
    %dma_start3A_56 = tpu.memref_slice %arg11[%add3A_53, %dma_start3A_55] : memref<10240x64xf32, #tpu.memory_space<vmem_shared>> -> memref<64x64xf32, #tpu.memory_space<vmem_shared>>
    %dma_start3A_57 = tpu.memref_slice %arg14[%dma_start3A_54] : memref<2x!tpu.dma_semaphore, #tpu.memory_space<semaphore_mem>> -> memref<1x!tpu.dma_semaphore, #tpu.memory_space<semaphore_mem>>
    %dma_start3A_58 = tpu.memref_squeeze %dma_start3A_57 : memref<1x!tpu.dma_semaphore, #tpu.memory_space<semaphore_mem>> -> memref<!tpu.dma_semaphore, #tpu.memory_space<semaphore_mem>>
    %dma_start3A_59 = arith.constant 0 : i32
    %dma_start3A_60 = tpu.memref_slice %arg11[%add3A_53, %dma_start3A_59] : memref<10240x64xf32, #tpu.memory_space<vmem_shared>> -> memref<64x64xf32, #tpu.memory_space<vmem_shared>>
    tpu.enqueue_dma source(%arg9 : memref<64x64xf32, #tpu.memory_space<vmem>>) target(%dma_start3A_60 : memref<64x64xf32, #tpu.memory_space<vmem_shared>>) target_semaphore(%dma_start3A_58 : memref<!tpu.dma_semaphore, #tpu.memory_space<semaphore_mem>>)
    %mul3A_61 = arith.constant 640 : i32
    %mul3A_62 = arith.muli %arg1, %mul3A_61 : i32
    %add3A_63 = arith.constant 320 : i32
    %add3A_64 = arith.addi %mul3A_62, %add3A_63 : i32
    %dma_start3A_65 = arith.constant 1 : i32
    %dma_start3A_66 = arith.constant 0 : i32
    %dma_start3A_67 = tpu.memref_slice %arg11[%add3A_64, %dma_start3A_66] : memref<10240x64xf32, #tpu.memory_space<vmem_shared>> -> memref<64x64xf32, #tpu.memory_space<vmem_shared>>
    %dma_start3A_68 = tpu.memref_slice %arg14[%dma_start3A_65] : memref<2x!tpu.dma_semaphore, #tpu.memory_space<semaphore_mem>> -> memref<1x!tpu.dma_semaphore, #tpu.memory_space<semaphore_mem>>
    %dma_start3A_69 = tpu.memref_squeeze %dma_start3A_68 : memref<1x!tpu.dma_semaphore, #tpu.memory_space<semaphore_mem>> -> memref<!tpu.dma_semaphore, #tpu.memory_space<semaphore_mem>>
    %dma_start3A_70 = arith.constant 0 : i32
    %dma_start3A_71 = tpu.memref_slice %arg11[%add3A_64, %dma_start3A_70] : memref<10240x64xf32, #tpu.memory_space<vmem_shared>> -> memref<64x64xf32, #tpu.memory_space<vmem_shared>>
    tpu.enqueue_dma source(%arg9 : memref<64x64xf32, #tpu.memory_space<vmem>>) target(%dma_start3A_71 : memref<64x64xf32, #tpu.memory_space<vmem_shared>>) target_semaphore(%dma_start3A_69 : memref<!tpu.dma_semaphore, #tpu.memory_space<semaphore_mem>>)
    %mul3A_72 = arith.constant 640 : i32
    %mul3A_73 = arith.muli %arg1, %mul3A_72 : i32
    %add3A_74 = arith.constant 384 : i32
    %add3A_75 = arith.addi %mul3A_73, %add3A_74 : i32
    %dma_start3A_76 = arith.constant 0 : i32
    %dma_start3A_77 = arith.constant 0 : i32
    %dma_start3A_78 = tpu.memref_slice %arg11[%add3A_75, %dma_start3A_77] : memref<10240x64xf32, #tpu.memory_space<vmem_shared>> -> memref<64x64xf32, #tpu.memory_space<vmem_shared>>
    %dma_start3A_79 = tpu.memref_slice %arg14[%dma_start3A_76] : memref<2x!tpu.dma_semaphore, #tpu.memory_space<semaphore_mem>> -> memref<1x!tpu.dma_semaphore, #tpu.memory_space<semaphore_mem>>
    %dma_start3A_80 = tpu.memref_squeeze %dma_start3A_79 : memref<1x!tpu.dma_semaphore, #tpu.memory_space<semaphore_mem>> -> memref<!tpu.dma_semaphore, #tpu.memory_space<semaphore_mem>>
    %dma_start3A_81 = arith.constant 0 : i32
    %dma_start3A_82 = tpu.memref_slice %arg11[%add3A_75, %dma_start3A_81] : memref<10240x64xf32, #tpu.memory_space<vmem_shared>> -> memref<64x64xf32, #tpu.memory_space<vmem_shared>>
    tpu.enqueue_dma source(%arg9 : memref<64x64xf32, #tpu.memory_space<vmem>>) target(%dma_start3A_82 : memref<64x64xf32, #tpu.memory_space<vmem_shared>>) target_semaphore(%dma_start3A_80 : memref<!tpu.dma_semaphore, #tpu.memory_space<semaphore_mem>>)
    %mul3A_83 = arith.constant 640 : i32
    %mul3A_84 = arith.muli %arg1, %mul3A_83 : i32
    %add3A_85 = arith.constant 448 : i32
    %add3A_86 = arith.addi %mul3A_84, %add3A_85 : i32
    %dma_start3A_87 = arith.constant 1 : i32
    %dma_start3A_88 = arith.constant 0 : i32
    %dma_start3A_89 = tpu.memref_slice %arg11[%add3A_86, %dma_start3A_88] : memref<10240x64xf32, #tpu.memory_space<vmem_shared>> -> memref<64x64xf32, #tpu.memory_space<vmem_shared>>
    %dma_start3A_90 = tpu.memref_slice %arg14[%dma_start3A_87] : memref<2x!tpu.dma_semaphore, #tpu.memory_space<semaphore_mem>> -> memref<1x!tpu.dma_semaphore, #tpu.memory_space<semaphore_mem>>
    %dma_start3A_91 = tpu.memref_squeeze %dma_start3A_90 : memref<1x!tpu.dma_semaphore, #tpu.memory_space<semaphore_mem>> -> memref<!tpu.dma_semaphore, #tpu.memory_space<semaphore_mem>>
    %dma_start3A_92 = arith.constant 0 : i32
    %dma_start3A_93 = tpu.memref_slice %arg11[%add3A_86, %dma_start3A_92] : memref<10240x64xf32, #tpu.memory_space<vmem_shared>> -> memref<64x64xf32, #tpu.memory_space<vmem_shared>>
    tpu.enqueue_dma source(%arg9 : memref<64x64xf32, #tpu.memory_space<vmem>>) target(%dma_start3A_93 : memref<64x64xf32, #tpu.memory_space<vmem_shared>>) target_semaphore(%dma_start3A_91 : memref<!tpu.dma_semaphore, #tpu.memory_space<semaphore_mem>>)
    %mul3A_94 = arith.constant 640 : i32
    %mul3A_95 = arith.muli %arg1, %mul3A_94 : i32
    %add3A_96 = arith.constant 512 : i32
    %add3A_97 = arith.addi %mul3A_95, %add3A_96 : i32
    %dma_start3A_98 = arith.constant 0 : i32
    %dma_start3A_99 = arith.constant 0 : i32
    %dma_start3A_100 = tpu.memref_slice %arg11[%add3A_97, %dma_start3A_99] : memref<10240x64xf32, #tpu.memory_space<vmem_shared>> -> memref<64x64xf32, #tpu.memory_space<vmem_shared>>
    %dma_start3A_101 = tpu.memref_slice %arg14[%dma_start3A_98] : memref<2x!tpu.dma_semaphore, #tpu.memory_space<semaphore_mem>> -> memref<1x!tpu.dma_semaphore, #tpu.memory_space<semaphore_mem>>
    %dma_start3A_102 = tpu.memref_squeeze %dma_start3A_101 : memref<1x!tpu.dma_semaphore, #tpu.memory_space<semaphore_mem>> -> memref<!tpu.dma_semaphore, #tpu.memory_space<semaphore_mem>>
    %dma_start3A_103 = arith.constant 0 : i32
    %dma_start3A_104 = tpu.memref_slice %arg11[%add3A_97, %dma_start3A_103] : memref<10240x64xf32, #tpu.memory_space<vmem_shared>> -> memref<64x64xf32, #tpu.memory_space<vmem_shared>>
    tpu.enqueue_dma source(%arg9 : memref<64x64xf32, #tpu.memory_space<vmem>>) target(%dma_start3A_104 : memref<64x64xf32, #tpu.memory_space<vmem_shared>>) target_semaphore(%dma_start3A_102 : memref<!tpu.dma_semaphore, #tpu.memory_space<semaphore_mem>>)
    %mul3A_105 = arith.constant 640 : i32
    %mul3A_106 = arith.muli %arg1, %mul3A_105 : i32
    %add3A_107 = arith.constant 576 : i32
    %add3A_108 = arith.addi %mul3A_106, %add3A_107 : i32
    %dma_start3A_109 = arith.constant 1 : i32
    %dma_start3A_110 = arith.constant 0 : i32
    %dma_start3A_111 = tpu.memref_slice %arg11[%add3A_108, %dma_start3A_110] : memref<10240x64xf32, #tpu.memory_space<vmem_shared>> -> memref<64x64xf32, #tpu.memory_space<vmem_shared>>
    %dma_start3A_112 = tpu.memref_slice %arg14[%dma_start3A_109] : memref<2x!tpu.dma_semaphore, #tpu.memory_space<semaphore_mem>> -> memref<1x!tpu.dma_semaphore, #tpu.memory_space<semaphore_mem>>
    %dma_start3A_113 = tpu.memref_squeeze %dma_start3A_112 : memref<1x!tpu.dma_semaphore, #tpu.memory_space<semaphore_mem>> -> memref<!tpu.dma_semaphore, #tpu.memory_space<semaphore_mem>>
    %dma_start3A_114 = arith.constant 0 : i32
    %dma_start3A_115 = tpu.memref_slice %arg11[%add3A_108, %dma_start3A_114] : memref<10240x64xf32, #tpu.memory_space<vmem_shared>> -> memref<64x64xf32, #tpu.memory_space<vmem_shared>>
    tpu.enqueue_dma source(%arg9 : memref<64x64xf32, #tpu.memory_space<vmem>>) target(%dma_start3A_115 : memref<64x64xf32, #tpu.memory_space<vmem_shared>>) target_semaphore(%dma_start3A_113 : memref<!tpu.dma_semaphore, #tpu.memory_space<semaphore_mem>>)
    %mul3A_116 = arith.constant 640 : i32
    %mul3A_117 = arith.muli %arg1, %mul3A_116 : i32
    %add3A_118 = arith.constant 0 : i32
    %add3A_119 = arith.addi %mul3A_117, %add3A_118 : i32
    %dma_wait3A = arith.constant 0 : i32
    %dma_wait3A_120 = arith.constant 0 : i32
    %dma_wait3A_121 = tpu.memref_slice %arg11[%add3A_119, %dma_wait3A_120] : memref<10240x64xf32, #tpu.memory_space<vmem_shared>> -> memref<64x64xf32, #tpu.memory_space<vmem_shared>>
    %dma_wait3A_122 = tpu.memref_slice %arg14[%dma_wait3A] : memref<2x!tpu.dma_semaphore, #tpu.memory_space<semaphore_mem>> -> memref<1x!tpu.dma_semaphore, #tpu.memory_space<semaphore_mem>>
    %dma_wait3A_123 = tpu.memref_squeeze %dma_wait3A_122 : memref<1x!tpu.dma_semaphore, #tpu.memory_space<semaphore_mem>> -> memref<!tpu.dma_semaphore, #tpu.memory_space<semaphore_mem>>
    %dma_wait3A_124 = arith.constant 0 : i32
    %dma_wait3A_125 = tpu.memref_slice %arg11[%add3A_119, %dma_wait3A_124] : memref<10240x64xf32, #tpu.memory_space<vmem_shared>> -> memref<64x64xf32, #tpu.memory_space<vmem_shared>>
    tpu.wait_dma2 semaphore(%dma_wait3A_123 : memref<!tpu.dma_semaphore, #tpu.memory_space<semaphore_mem>>) src(%arg9 : memref<64x64xf32, #tpu.memory_space<vmem>>) dst(%dma_wait3A_125 : memref<64x64xf32, #tpu.memory_space<vmem_shared>>)
    %mul3A_126 = arith.constant 640 : i32
    %mul3A_127 = arith.muli %arg1, %mul3A_126 : i32
    %add3A_128 = arith.constant 64 : i32
    %add3A_129 = arith.addi %mul3A_127, %add3A_128 : i32
    %dma_wait3A_130 = arith.constant 1 : i32
    %dma_wait3A_131 = arith.constant 0 : i32
    %dma_wait3A_132 = tpu.memref_slice %arg11[%add3A_129, %dma_wait3A_131] : memref<10240x64xf32, #tpu.memory_space<vmem_shared>> -> memref<64x64xf32, #tpu.memory_space<vmem_shared>>
    %dma_wait3A_133 = tpu.memref_slice %arg14[%dma_wait3A_130] : memref<2x!tpu.dma_semaphore, #tpu.memory_space<semaphore_mem>> -> memref<1x!tpu.dma_semaphore, #tpu.memory_space<semaphore_mem>>
    %dma_wait3A_134 = tpu.memref_squeeze %dma_wait3A_133 : memref<1x!tpu.dma_semaphore, #tpu.memory_space<semaphore_mem>> -> memref<!tpu.dma_semaphore, #tpu.memory_space<semaphore_mem>>
    %dma_wait3A_135 = arith.constant 0 : i32
    %dma_wait3A_136 = tpu.memref_slice %arg11[%add3A_129, %dma_wait3A_135] : memref<10240x64xf32, #tpu.memory_space<vmem_shared>> -> memref<64x64xf32, #tpu.memory_space<vmem_shared>>
    tpu.wait_dma2 semaphore(%dma_wait3A_134 : memref<!tpu.dma_semaphore, #tpu.memory_space<semaphore_mem>>) src(%arg9 : memref<64x64xf32, #tpu.memory_space<vmem>>) dst(%dma_wait3A_136 : memref<64x64xf32, #tpu.memory_space<vmem_shared>>)
    %mul3A_137 = arith.constant 640 : i32
    %mul3A_138 = arith.muli %arg1, %mul3A_137 : i32
    %add3A_139 = arith.constant 128 : i32
    %add3A_140 = arith.addi %mul3A_138, %add3A_139 : i32
    %dma_wait3A_141 = arith.constant 0 : i32
    %dma_wait3A_142 = arith.constant 0 : i32
    %dma_wait3A_143 = tpu.memref_slice %arg11[%add3A_140, %dma_wait3A_142] : memref<10240x64xf32, #tpu.memory_space<vmem_shared>> -> memref<64x64xf32, #tpu.memory_space<vmem_shared>>
    %dma_wait3A_144 = tpu.memref_slice %arg14[%dma_wait3A_141] : memref<2x!tpu.dma_semaphore, #tpu.memory_space<semaphore_mem>> -> memref<1x!tpu.dma_semaphore, #tpu.memory_space<semaphore_mem>>
    %dma_wait3A_145 = tpu.memref_squeeze %dma_wait3A_144 : memref<1x!tpu.dma_semaphore, #tpu.memory_space<semaphore_mem>> -> memref<!tpu.dma_semaphore, #tpu.memory_space<semaphore_mem>>
    %dma_wait3A_146 = arith.constant 0 : i32
    %dma_wait3A_147 = tpu.memref_slice %arg11[%add3A_140, %dma_wait3A_146] : memref<10240x64xf32, #tpu.memory_space<vmem_shared>> -> memref<64x64xf32, #tpu.memory_space<vmem_shared>>
    tpu.wait_dma2 semaphore(%dma_wait3A_145 : memref<!tpu.dma_semaphore, #tpu.memory_space<semaphore_mem>>) src(%arg9 : memref<64x64xf32, #tpu.memory_space<vmem>>) dst(%dma_wait3A_147 : memref<64x64xf32, #tpu.memory_space<vmem_shared>>)
    %mul3A_148 = arith.constant 640 : i32
    %mul3A_149 = arith.muli %arg1, %mul3A_148 : i32
    %add3A_150 = arith.constant 192 : i32
    %add3A_151 = arith.addi %mul3A_149, %add3A_150 : i32
    %dma_wait3A_152 = arith.constant 1 : i32
    %dma_wait3A_153 = arith.constant 0 : i32
    %dma_wait3A_154 = tpu.memref_slice %arg11[%add3A_151, %dma_wait3A_153] : memref<10240x64xf32, #tpu.memory_space<vmem_shared>> -> memref<64x64xf32, #tpu.memory_space<vmem_shared>>
    %dma_wait3A_155 = tpu.memref_slice %arg14[%dma_wait3A_152] : memref<2x!tpu.dma_semaphore, #tpu.memory_space<semaphore_mem>> -> memref<1x!tpu.dma_semaphore, #tpu.memory_space<semaphore_mem>>
    %dma_wait3A_156 = tpu.memref_squeeze %dma_wait3A_155 : memref<1x!tpu.dma_semaphore, #tpu.memory_space<semaphore_mem>> -> memref<!tpu.dma_semaphore, #tpu.memory_space<semaphore_mem>>
    %dma_wait3A_157 = arith.constant 0 : i32
    %dma_wait3A_158 = tpu.memref_slice %arg11[%add3A_151, %dma_wait3A_157] : memref<10240x64xf32, #tpu.memory_space<vmem_shared>> -> memref<64x64xf32, #tpu.memory_space<vmem_shared>>
    tpu.wait_dma2 semaphore(%dma_wait3A_156 : memref<!tpu.dma_semaphore, #tpu.memory_space<semaphore_mem>>) src(%arg9 : memref<64x64xf32, #tpu.memory_space<vmem>>) dst(%dma_wait3A_158 : memref<64x64xf32, #tpu.memory_space<vmem_shared>>)
    %mul3A_159 = arith.constant 640 : i32
    %mul3A_160 = arith.muli %arg1, %mul3A_159 : i32
    %add3A_161 = arith.constant 256 : i32
    %add3A_162 = arith.addi %mul3A_160, %add3A_161 : i32
    %dma_wait3A_163 = arith.constant 0 : i32
    %dma_wait3A_164 = arith.constant 0 : i32
    %dma_wait3A_165 = tpu.memref_slice %arg11[%add3A_162, %dma_wait3A_164] : memref<10240x64xf32, #tpu.memory_space<vmem_shared>> -> memref<64x64xf32, #tpu.memory_space<vmem_shared>>
    %dma_wait3A_166 = tpu.memref_slice %arg14[%dma_wait3A_163] : memref<2x!tpu.dma_semaphore, #tpu.memory_space<semaphore_mem>> -> memref<1x!tpu.dma_semaphore, #tpu.memory_space<semaphore_mem>>
    %dma_wait3A_167 = tpu.memref_squeeze %dma_wait3A_166 : memref<1x!tpu.dma_semaphore, #tpu.memory_space<semaphore_mem>> -> memref<!tpu.dma_semaphore, #tpu.memory_space<semaphore_mem>>
    %dma_wait3A_168 = arith.constant 0 : i32
    %dma_wait3A_169 = tpu.memref_slice %arg11[%add3A_162, %dma_wait3A_168] : memref<10240x64xf32, #tpu.memory_space<vmem_shared>> -> memref<64x64xf32, #tpu.memory_space<vmem_shared>>
    tpu.wait_dma2 semaphore(%dma_wait3A_167 : memref<!tpu.dma_semaphore, #tpu.memory_space<semaphore_mem>>) src(%arg9 : memref<64x64xf32, #tpu.memory_space<vmem>>) dst(%dma_wait3A_169 : memref<64x64xf32, #tpu.memory_space<vmem_shared>>)
    %mul3A_170 = arith.constant 640 : i32
    %mul3A_171 = arith.muli %arg1, %mul3A_170 : i32
    %add3A_172 = arith.constant 320 : i32
    %add3A_173 = arith.addi %mul3A_171, %add3A_172 : i32
    %dma_wait3A_174 = arith.constant 1 : i32
    %dma_wait3A_175 = arith.constant 0 : i32
    %dma_wait3A_176 = tpu.memref_slice %arg11[%add3A_173, %dma_wait3A_175] : memref<10240x64xf32, #tpu.memory_space<vmem_shared>> -> memref<64x64xf32, #tpu.memory_space<vmem_shared>>
    %dma_wait3A_177 = tpu.memref_slice %arg14[%dma_wait3A_174] : memref<2x!tpu.dma_semaphore, #tpu.memory_space<semaphore_mem>> -> memref<1x!tpu.dma_semaphore, #tpu.memory_space<semaphore_mem>>
    %dma_wait3A_178 = tpu.memref_squeeze %dma_wait3A_177 : memref<1x!tpu.dma_semaphore, #tpu.memory_space<semaphore_mem>> -> memref<!tpu.dma_semaphore, #tpu.memory_space<semaphore_mem>>
    %dma_wait3A_179 = arith.constant 0 : i32
    %dma_wait3A_180 = tpu.memref_slice %arg11[%add3A_173, %dma_wait3A_179] : memref<10240x64xf32, #tpu.memory_space<vmem_shared>> -> memref<64x64xf32, #tpu.memory_space<vmem_shared>>
    tpu.wait_dma2 semaphore(%dma_wait3A_178 : memref<!tpu.dma_semaphore, #tpu.memory_space<semaphore_mem>>) src(%arg9 : memref<64x64xf32, #tpu.memory_space<vmem>>) dst(%dma_wait3A_180 : memref<64x64xf32, #tpu.memory_space<vmem_shared>>)
    %mul3A_181 = arith.constant 640 : i32
    %mul3A_182 = arith.muli %arg1, %mul3A_181 : i32
    %add3A_183 = arith.constant 384 : i32
    %add3A_184 = arith.addi %mul3A_182, %add3A_183 : i32
    %dma_wait3A_185 = arith.constant 0 : i32
    %dma_wait3A_186 = arith.constant 0 : i32
    %dma_wait3A_187 = tpu.memref_slice %arg11[%add3A_184, %dma_wait3A_186] : memref<10240x64xf32, #tpu.memory_space<vmem_shared>> -> memref<64x64xf32, #tpu.memory_space<vmem_shared>>
    %dma_wait3A_188 = tpu.memref_slice %arg14[%dma_wait3A_185] : memref<2x!tpu.dma_semaphore, #tpu.memory_space<semaphore_mem>> -> memref<1x!tpu.dma_semaphore, #tpu.memory_space<semaphore_mem>>
    %dma_wait3A_189 = tpu.memref_squeeze %dma_wait3A_188 : memref<1x!tpu.dma_semaphore, #tpu.memory_space<semaphore_mem>> -> memref<!tpu.dma_semaphore, #tpu.memory_space<semaphore_mem>>
    %dma_wait3A_190 = arith.constant 0 : i32
    %dma_wait3A_191 = tpu.memref_slice %arg11[%add3A_184, %dma_wait3A_190] : memref<10240x64xf32, #tpu.memory_space<vmem_shared>> -> memref<64x64xf32, #tpu.memory_space<vmem_shared>>
    tpu.wait_dma2 semaphore(%dma_wait3A_189 : memref<!tpu.dma_semaphore, #tpu.memory_space<semaphore_mem>>) src(%arg9 : memref<64x64xf32, #tpu.memory_space<vmem>>) dst(%dma_wait3A_191 : memref<64x64xf32, #tpu.memory_space<vmem_shared>>)
    %mul3A_192 = arith.constant 640 : i32
    %mul3A_193 = arith.muli %arg1, %mul3A_192 : i32
    %add3A_194 = arith.constant 448 : i32
    %add3A_195 = arith.addi %mul3A_193, %add3A_194 : i32
    %dma_wait3A_196 = arith.constant 1 : i32
    %dma_wait3A_197 = arith.constant 0 : i32
    %dma_wait3A_198 = tpu.memref_slice %arg11[%add3A_195, %dma_wait3A_197] : memref<10240x64xf32, #tpu.memory_space<vmem_shared>> -> memref<64x64xf32, #tpu.memory_space<vmem_shared>>
    %dma_wait3A_199 = tpu.memref_slice %arg14[%dma_wait3A_196] : memref<2x!tpu.dma_semaphore, #tpu.memory_space<semaphore_mem>> -> memref<1x!tpu.dma_semaphore, #tpu.memory_space<semaphore_mem>>
    %dma_wait3A_200 = tpu.memref_squeeze %dma_wait3A_199 : memref<1x!tpu.dma_semaphore, #tpu.memory_space<semaphore_mem>> -> memref<!tpu.dma_semaphore, #tpu.memory_space<semaphore_mem>>
    %dma_wait3A_201 = arith.constant 0 : i32
    %dma_wait3A_202 = tpu.memref_slice %arg11[%add3A_195, %dma_wait3A_201] : memref<10240x64xf32, #tpu.memory_space<vmem_shared>> -> memref<64x64xf32, #tpu.memory_space<vmem_shared>>
    tpu.wait_dma2 semaphore(%dma_wait3A_200 : memref<!tpu.dma_semaphore, #tpu.memory_space<semaphore_mem>>) src(%arg9 : memref<64x64xf32, #tpu.memory_space<vmem>>) dst(%dma_wait3A_202 : memref<64x64xf32, #tpu.memory_space<vmem_shared>>)
    %mul3A_203 = arith.constant 640 : i32
    %mul3A_204 = arith.muli %arg1, %mul3A_203 : i32
    %add3A_205 = arith.constant 512 : i32
    %add3A_206 = arith.addi %mul3A_204, %add3A_205 : i32
    %dma_wait3A_207 = arith.constant 0 : i32
    %dma_wait3A_208 = arith.constant 0 : i32
    %dma_wait3A_209 = tpu.memref_slice %arg11[%add3A_206, %dma_wait3A_208] : memref<10240x64xf32, #tpu.memory_space<vmem_shared>> -> memref<64x64xf32, #tpu.memory_space<vmem_shared>>
    %dma_wait3A_210 = tpu.memref_slice %arg14[%dma_wait3A_207] : memref<2x!tpu.dma_semaphore, #tpu.memory_space<semaphore_mem>> -> memref<1x!tpu.dma_semaphore, #tpu.memory_space<semaphore_mem>>
    %dma_wait3A_211 = tpu.memref_squeeze %dma_wait3A_210 : memref<1x!tpu.dma_semaphore, #tpu.memory_space<semaphore_mem>> -> memref<!tpu.dma_semaphore, #tpu.memory_space<semaphore_mem>>
    %dma_wait3A_212 = arith.constant 0 : i32
    %dma_wait3A_213 = tpu.memref_slice %arg11[%add3A_206, %dma_wait3A_212] : memref<10240x64xf32, #tpu.memory_space<vmem_shared>> -> memref<64x64xf32, #tpu.memory_space<vmem_shared>>
    tpu.wait_dma2 semaphore(%dma_wait3A_211 : memref<!tpu.dma_semaphore, #tpu.memory_space<semaphore_mem>>) src(%arg9 : memref<64x64xf32, #tpu.memory_space<vmem>>) dst(%dma_wait3A_213 : memref<64x64xf32, #tpu.memory_space<vmem_shared>>)
    %mul3A_214 = arith.constant 640 : i32
    %mul3A_215 = arith.muli %arg1, %mul3A_214 : i32
    %add3A_216 = arith.constant 576 : i32
    %add3A_217 = arith.addi %mul3A_215, %add3A_216 : i32
    %dma_wait3A_218 = arith.constant 1 : i32
    %dma_wait3A_219 = arith.constant 0 : i32
    %dma_wait3A_220 = tpu.memref_slice %arg11[%add3A_217, %dma_wait3A_219] : memref<10240x64xf32, #tpu.memory_space<vmem_shared>> -> memref<64x64xf32, #tpu.memory_space<vmem_shared>>
    %dma_wait3A_221 = tpu.memref_slice %arg14[%dma_wait3A_218] : memref<2x!tpu.dma_semaphore, #tpu.memory_space<semaphore_mem>> -> memref<1x!tpu.dma_semaphore, #tpu.memory_space<semaphore_mem>>
    %dma_wait3A_222 = tpu.memref_squeeze %dma_wait3A_221 : memref<1x!tpu.dma_semaphore, #tpu.memory_space<semaphore_mem>> -> memref<!tpu.dma_semaphore, #tpu.memory_space<semaphore_mem>>
    %dma_wait3A_223 = arith.constant 0 : i32
    %dma_wait3A_224 = tpu.memref_slice %arg11[%add3A_217, %dma_wait3A_223] : memref<10240x64xf32, #tpu.memory_space<vmem_shared>> -> memref<64x64xf32, #tpu.memory_space<vmem_shared>>
    tpu.wait_dma2 semaphore(%dma_wait3A_222 : memref<!tpu.dma_semaphore, #tpu.memory_space<semaphore_mem>>) src(%arg9 : memref<64x64xf32, #tpu.memory_space<vmem>>) dst(%dma_wait3A_224 : memref<64x64xf32, #tpu.memory_space<vmem_shared>>)
    %barrier3A = arith.constant 0 : index
    tpu.barrier barrier_id(%barrier3A)
    "tpu.region"() ({
      %run_scoped3A_577 = tpu.sem_alloc : memref<!tpu.dma_semaphore, #tpu.memory_space<semaphore_mem>>
      %dma_start3A_578 = arith.constant 0 : i32
      %dma_start3A_579 = arith.constant 0 : i32
      %dma_start3A_580 = tpu.memref_slice %arg3[%add3A, %dma_start3A_578, %dma_start3A_579] : memref<32x100x100xi32, #tpu.memory_space<hbm>> -> memref<1x100x100xi32, #tpu.memory_space<hbm>>
      %dma_start3A_581 = tpu.memref_squeeze %dma_start3A_580 : memref<1x100x100xi32, #tpu.memory_space<hbm>> -> memref<100x100xi32, #tpu.memory_space<hbm>>
      %dma_start3A_582 = arith.constant 0 : i32
      %dma_start3A_583 = arith.constant 0 : i32
      %dma_start3A_584 = tpu.memref_slice %arg3[%add3A, %dma_start3A_582, %dma_start3A_583] : memref<32x100x100xi32, #tpu.memory_space<hbm>> -> memref<1x100x100xi32, #tpu.memory_space<hbm>>
      %dma_start3A_585 = tpu.memref_squeeze %dma_start3A_584 : memref<1x100x100xi32, #tpu.memory_space<hbm>> -> memref<100x100xi32, #tpu.memory_space<hbm>>
      tpu.enqueue_dma source(%dma_start3A_585 : memref<100x100xi32, #tpu.memory_space<hbm>>) target(%arg6 : memref<100x100xi32, #tpu.memory_space<vmem>>) target_semaphore(%run_scoped3A_577 : memref<!tpu.dma_semaphore, #tpu.memory_space<semaphore_mem>>)
      %dma_wait3A_586 = arith.constant 0 : i32
      %dma_wait3A_587 = arith.constant 0 : i32
      %dma_wait3A_588 = tpu.memref_slice %arg3[%add3A, %dma_wait3A_586, %dma_wait3A_587] : memref<32x100x100xi32, #tpu.memory_space<hbm>> -> memref<1x100x100xi32, #tpu.memory_space<hbm>>
      %dma_wait3A_589 = tpu.memref_squeeze %dma_wait3A_588 : memref<1x100x100xi32, #tpu.memory_space<hbm>> -> memref<100x100xi32, #tpu.memory_space<hbm>>
      %dma_wait3A_590 = arith.constant 0 : i32
      %dma_wait3A_591 = arith.constant 0 : i32
      %dma_wait3A_592 = tpu.memref_slice %arg3[%add3A, %dma_wait3A_590, %dma_wait3A_591] : memref<32x100x100xi32, #tpu.memory_space<hbm>> -> memref<1x100x100xi32, #tpu.memory_space<hbm>>
      %dma_wait3A_593 = tpu.memref_squeeze %dma_wait3A_592 : memref<1x100x100xi32, #tpu.memory_space<hbm>> -> memref<100x100xi32, #tpu.memory_space<hbm>>
      tpu.wait_dma2 semaphore(%run_scoped3A_577 : memref<!tpu.dma_semaphore, #tpu.memory_space<semaphore_mem>>) src(%dma_wait3A_593 : memref<100x100xi32, #tpu.memory_space<hbm>>) dst(%arg6 : memref<100x100xi32, #tpu.memory_space<vmem>>)
      tpu.yield
    }) : () -> ()
    "tpu.region"() ({
      %run_scoped3A_577 = tpu.sem_alloc : memref<!tpu.dma_semaphore, #tpu.memory_space<semaphore_mem>>
      %dma_start3A_578 = arith.constant 0 : i32
      %dma_start3A_579 = arith.constant 0 : i32
      %dma_start3A_580 = tpu.memref_slice %arg4[%add3A, %dma_start3A_578, %dma_start3A_579] : memref<32x100x100xi32, #tpu.memory_space<hbm>> -> memref<1x100x100xi32, #tpu.memory_space<hbm>>
      %dma_start3A_581 = tpu.memref_squeeze %dma_start3A_580 : memref<1x100x100xi32, #tpu.memory_space<hbm>> -> memref<100x100xi32, #tpu.memory_space<hbm>>
      %dma_start3A_582 = arith.constant 0 : i32
      %dma_start3A_583 = arith.constant 0 : i32
      %dma_start3A_584 = tpu.memref_slice %arg4[%add3A, %dma_start3A_582, %dma_start3A_583] : memref<32x100x100xi32, #tpu.memory_space<hbm>> -> memref<1x100x100xi32, #tpu.memory_space<hbm>>
      %dma_start3A_585 = tpu.memref_squeeze %dma_start3A_584 : memref<1x100x100xi32, #tpu.memory_space<hbm>> -> memref<100x100xi32, #tpu.memory_space<hbm>>
      tpu.enqueue_dma source(%dma_start3A_585 : memref<100x100xi32, #tpu.memory_space<hbm>>) target(%arg7 : memref<100x100xi32, #tpu.memory_space<vmem>>) target_semaphore(%run_scoped3A_577 : memref<!tpu.dma_semaphore, #tpu.memory_space<semaphore_mem>>)
      %dma_wait3A_586 = arith.constant 0 : i32
      %dma_wait3A_587 = arith.constant 0 : i32
      %dma_wait3A_588 = tpu.memref_slice %arg4[%add3A, %dma_wait3A_586, %dma_wait3A_587] : memref<32x100x100xi32, #tpu.memory_space<hbm>> -> memref<1x100x100xi32, #tpu.memory_space<hbm>>
      %dma_wait3A_589 = tpu.memref_squeeze %dma_wait3A_588 : memref<1x100x100xi32, #tpu.memory_space<hbm>> -> memref<100x100xi32, #tpu.memory_space<hbm>>
      %dma_wait3A_590 = arith.constant 0 : i32
      %dma_wait3A_591 = arith.constant 0 : i32
      %dma_wait3A_592 = tpu.memref_slice %arg4[%add3A, %dma_wait3A_590, %dma_wait3A_591] : memref<32x100x100xi32, #tpu.memory_space<hbm>> -> memref<1x100x100xi32, #tpu.memory_space<hbm>>
      %dma_wait3A_593 = tpu.memref_squeeze %dma_wait3A_592 : memref<1x100x100xi32, #tpu.memory_space<hbm>> -> memref<100x100xi32, #tpu.memory_space<hbm>>
      tpu.wait_dma2 semaphore(%run_scoped3A_577 : memref<!tpu.dma_semaphore, #tpu.memory_space<semaphore_mem>>) src(%dma_wait3A_593 : memref<100x100xi32, #tpu.memory_space<hbm>>) dst(%arg7 : memref<100x100xi32, #tpu.memory_space<vmem>>)
      tpu.yield
    }) : () -> ()
    %dma_start3A_225 = arith.constant 0 : i32
    %dma_start3A_226 = arith.constant 0 : i32
    %dma_start3A_227 = arith.constant 0 : i32
    %dma_start3A_228 = arith.constant 0 : i32
    %dma_start3A_229 = arith.constant 0 : i32
    %dma_start3A_230 = tpu.memref_slice %arg8[%dma_start3A_226, %dma_start3A_228, %dma_start3A_229] : memref<5x100x64xf32, #tpu.memory_space<vmem>> -> memref<1x100x64xf32, #tpu.memory_space<vmem>>
    %dma_start3A_231 = tpu.memref_squeeze %dma_start3A_230 : memref<1x100x64xf32, #tpu.memory_space<vmem>> -> memref<100x64xf32, #tpu.memory_space<vmem>>
    %dma_start3A_232 = arith.constant 0 : i32
    %dma_start3A_233 = tpu.memref_slice %arg6[%dma_start3A_225, %dma_start3A_232] : memref<100x100xi32, #tpu.memory_space<vmem>> -> memref<1x100xi32, #tpu.memory_space<vmem>>
    %dma_start3A_234 = tpu.memref_squeeze %dma_start3A_233 : memref<1x100xi32, #tpu.memory_space<vmem>> -> memref<100xi32, #tpu.memory_space<vmem>>
    %dma_start3A_235 = arith.constant 0 : i32
    %dma_start3A_236 = arith.constant 0 : i32
    %dma_start3A_237 = tpu.memref_slice %arg2[%dma_start3A_235, %dma_start3A_236] : memref<10000x64xf32, #tpu.memory_space<hbm>> -> memref<10000x64xf32, #tpu.memory_space<hbm>>
    %dma_start3A_238 = tpu.memref_slice %arg12[%dma_start3A_227] : memref<5x!tpu.dma_semaphore, #tpu.memory_space<semaphore_mem>> -> memref<1x!tpu.dma_semaphore, #tpu.memory_space<semaphore_mem>>
    %dma_start3A_239 = tpu.memref_squeeze %dma_start3A_238 : memref<1x!tpu.dma_semaphore, #tpu.memory_space<semaphore_mem>> -> memref<!tpu.dma_semaphore, #tpu.memory_space<semaphore_mem>>
    tpu.enqueue_indirect_dma source(%dma_start3A_237 : memref<10000x64xf32, #tpu.memory_space<hbm>>) target(%dma_start3A_231 : memref<100x64xf32, #tpu.memory_space<vmem>>) offsets(%dma_start3A_234 : memref<100xi32, #tpu.memory_space<vmem>>) semaphore(%dma_start3A_239 : memref<!tpu.dma_semaphore, #tpu.memory_space<semaphore_mem>>)
    %dma_start3A_240 = arith.constant 1 : i32
    %dma_start3A_241 = arith.constant 1 : i32
    %dma_start3A_242 = arith.constant 1 : i32
    %dma_start3A_243 = arith.constant 0 : i32
    %dma_start3A_244 = arith.constant 0 : i32
    %dma_start3A_245 = tpu.memref_slice %arg8[%dma_start3A_241, %dma_start3A_243, %dma_start3A_244] : memref<5x100x64xf32, #tpu.memory_space<vmem>> -> memref<1x100x64xf32, #tpu.memory_space<vmem>>
    %dma_start3A_246 = tpu.memref_squeeze %dma_start3A_245 : memref<1x100x64xf32, #tpu.memory_space<vmem>> -> memref<100x64xf32, #tpu.memory_space<vmem>>
    %dma_start3A_247 = arith.constant 0 : i32
    %dma_start3A_248 = tpu.memref_slice %arg6[%dma_start3A_240, %dma_start3A_247] : memref<100x100xi32, #tpu.memory_space<vmem>> -> memref<1x100xi32, #tpu.memory_space<vmem>>
    %dma_start3A_249 = tpu.memref_squeeze %dma_start3A_248 : memref<1x100xi32, #tpu.memory_space<vmem>> -> memref<100xi32, #tpu.memory_space<vmem>>
    %dma_start3A_250 = arith.constant 0 : i32
    %dma_start3A_251 = arith.constant 0 : i32
    %dma_start3A_252 = tpu.memref_slice %arg2[%dma_start3A_250, %dma_start3A_251] : memref<10000x64xf32, #tpu.memory_space<hbm>> -> memref<10000x64xf32, #tpu.memory_space<hbm>>
    %dma_start3A_253 = tpu.memref_slice %arg12[%dma_start3A_242] : memref<5x!tpu.dma_semaphore, #tpu.memory_space<semaphore_mem>> -> memref<1x!tpu.dma_semaphore, #tpu.memory_space<semaphore_mem>>
    %dma_start3A_254 = tpu.memref_squeeze %dma_start3A_253 : memref<1x!tpu.dma_semaphore, #tpu.memory_space<semaphore_mem>> -> memref<!tpu.dma_semaphore, #tpu.memory_space<semaphore_mem>>
    tpu.enqueue_indirect_dma source(%dma_start3A_252 : memref<10000x64xf32, #tpu.memory_space<hbm>>) target(%dma_start3A_246 : memref<100x64xf32, #tpu.memory_space<vmem>>) offsets(%dma_start3A_249 : memref<100xi32, #tpu.memory_space<vmem>>) semaphore(%dma_start3A_254 : memref<!tpu.dma_semaphore, #tpu.memory_space<semaphore_mem>>)
    %dma_start3A_255 = arith.constant 2 : i32
    %dma_start3A_256 = arith.constant 2 : i32
    %dma_start3A_257 = arith.constant 2 : i32
    %dma_start3A_258 = arith.constant 0 : i32
    %dma_start3A_259 = arith.constant 0 : i32
    %dma_start3A_260 = tpu.memref_slice %arg8[%dma_start3A_256, %dma_start3A_258, %dma_start3A_259] : memref<5x100x64xf32, #tpu.memory_space<vmem>> -> memref<1x100x64xf32, #tpu.memory_space<vmem>>
    %dma_start3A_261 = tpu.memref_squeeze %dma_start3A_260 : memref<1x100x64xf32, #tpu.memory_space<vmem>> -> memref<100x64xf32, #tpu.memory_space<vmem>>
    %dma_start3A_262 = arith.constant 0 : i32
    %dma_start3A_263 = tpu.memref_slice %arg6[%dma_start3A_255, %dma_start3A_262] : memref<100x100xi32, #tpu.memory_space<vmem>> -> memref<1x100xi32, #tpu.memory_space<vmem>>
    %dma_start3A_264 = tpu.memref_squeeze %dma_start3A_263 : memref<1x100xi32, #tpu.memory_space<vmem>> -> memref<100xi32, #tpu.memory_space<vmem>>
    %dma_start3A_265 = arith.constant 0 : i32
    %dma_start3A_266 = arith.constant 0 : i32
    %dma_start3A_267 = tpu.memref_slice %arg2[%dma_start3A_265, %dma_start3A_266] : memref<10000x64xf32, #tpu.memory_space<hbm>> -> memref<10000x64xf32, #tpu.memory_space<hbm>>
    %dma_start3A_268 = tpu.memref_slice %arg12[%dma_start3A_257] : memref<5x!tpu.dma_semaphore, #tpu.memory_space<semaphore_mem>> -> memref<1x!tpu.dma_semaphore, #tpu.memory_space<semaphore_mem>>
    %dma_start3A_269 = tpu.memref_squeeze %dma_start3A_268 : memref<1x!tpu.dma_semaphore, #tpu.memory_space<semaphore_mem>> -> memref<!tpu.dma_semaphore, #tpu.memory_space<semaphore_mem>>
    tpu.enqueue_indirect_dma source(%dma_start3A_267 : memref<10000x64xf32, #tpu.memory_space<hbm>>) target(%dma_start3A_261 : memref<100x64xf32, #tpu.memory_space<vmem>>) offsets(%dma_start3A_264 : memref<100xi32, #tpu.memory_space<vmem>>) semaphore(%dma_start3A_269 : memref<!tpu.dma_semaphore, #tpu.memory_space<semaphore_mem>>)
    %dma_start3A_270 = arith.constant 3 : i32
    %dma_start3A_271 = arith.constant 3 : i32
    %dma_start3A_272 = arith.constant 3 : i32
    %dma_start3A_273 = arith.constant 0 : i32
    %dma_start3A_274 = arith.constant 0 : i32
    %dma_start3A_275 = tpu.memref_slice %arg8[%dma_start3A_271, %dma_start3A_273, %dma_start3A_274] : memref<5x100x64xf32, #tpu.memory_space<vmem>> -> memref<1x100x64xf32, #tpu.memory_space<vmem>>
    %dma_start3A_276 = tpu.memref_squeeze %dma_start3A_275 : memref<1x100x64xf32, #tpu.memory_space<vmem>> -> memref<100x64xf32, #tpu.memory_space<vmem>>
    %dma_start3A_277 = arith.constant 0 : i32
    %dma_start3A_278 = tpu.memref_slice %arg6[%dma_start3A_270, %dma_start3A_277] : memref<100x100xi32, #tpu.memory_space<vmem>> -> memref<1x100xi32, #tpu.memory_space<vmem>>
    %dma_start3A_279 = tpu.memref_squeeze %dma_start3A_278 : memref<1x100xi32, #tpu.memory_space<vmem>> -> memref<100xi32, #tpu.memory_space<vmem>>
    %dma_start3A_280 = arith.constant 0 : i32
    %dma_start3A_281 = arith.constant 0 : i32
    %dma_start3A_282 = tpu.memref_slice %arg2[%dma_start3A_280, %dma_start3A_281] : memref<10000x64xf32, #tpu.memory_space<hbm>> -> memref<10000x64xf32, #tpu.memory_space<hbm>>
    %dma_start3A_283 = tpu.memref_slice %arg12[%dma_start3A_272] : memref<5x!tpu.dma_semaphore, #tpu.memory_space<semaphore_mem>> -> memref<1x!tpu.dma_semaphore, #tpu.memory_space<semaphore_mem>>
    %dma_start3A_284 = tpu.memref_squeeze %dma_start3A_283 : memref<1x!tpu.dma_semaphore, #tpu.memory_space<semaphore_mem>> -> memref<!tpu.dma_semaphore, #tpu.memory_space<semaphore_mem>>
    tpu.enqueue_indirect_dma source(%dma_start3A_282 : memref<10000x64xf32, #tpu.memory_space<hbm>>) target(%dma_start3A_276 : memref<100x64xf32, #tpu.memory_space<vmem>>) offsets(%dma_start3A_279 : memref<100xi32, #tpu.memory_space<vmem>>) semaphore(%dma_start3A_284 : memref<!tpu.dma_semaphore, #tpu.memory_space<semaphore_mem>>)
    %dma_start3A_285 = arith.constant 4 : i32
    %dma_start3A_286 = arith.constant 4 : i32
    %dma_start3A_287 = arith.constant 4 : i32
    %dma_start3A_288 = arith.constant 0 : i32
    %dma_start3A_289 = arith.constant 0 : i32
    %dma_start3A_290 = tpu.memref_slice %arg8[%dma_start3A_286, %dma_start3A_288, %dma_start3A_289] : memref<5x100x64xf32, #tpu.memory_space<vmem>> -> memref<1x100x64xf32, #tpu.memory_space<vmem>>
    %dma_start3A_291 = tpu.memref_squeeze %dma_start3A_290 : memref<1x100x64xf32, #tpu.memory_space<vmem>> -> memref<100x64xf32, #tpu.memory_space<vmem>>
    %dma_start3A_292 = arith.constant 0 : i32
    %dma_start3A_293 = tpu.memref_slice %arg6[%dma_start3A_285, %dma_start3A_292] : memref<100x100xi32, #tpu.memory_space<vmem>> -> memref<1x100xi32, #tpu.memory_space<vmem>>
    %dma_start3A_294 = tpu.memref_squeeze %dma_start3A_293 : memref<1x100xi32, #tpu.memory_space<vmem>> -> memref<100xi32, #tpu.memory_space<vmem>>
    %dma_start3A_295 = arith.constant 0 : i32
    %dma_start3A_296 = arith.constant 0 : i32
    %dma_start3A_297 = tpu.memref_slice %arg2[%dma_start3A_295, %dma_start3A_296] : memref<10000x64xf32, #tpu.memory_space<hbm>> -> memref<10000x64xf32, #tpu.memory_space<hbm>>
    %dma_start3A_298 = tpu.memref_slice %arg12[%dma_start3A_287] : memref<5x!tpu.dma_semaphore, #tpu.memory_space<semaphore_mem>> -> memref<1x!tpu.dma_semaphore, #tpu.memory_space<semaphore_mem>>
    %dma_start3A_299 = tpu.memref_squeeze %dma_start3A_298 : memref<1x!tpu.dma_semaphore, #tpu.memory_space<semaphore_mem>> -> memref<!tpu.dma_semaphore, #tpu.memory_space<semaphore_mem>>
    tpu.enqueue_indirect_dma source(%dma_start3A_297 : memref<10000x64xf32, #tpu.memory_space<hbm>>) target(%dma_start3A_291 : memref<100x64xf32, #tpu.memory_space<vmem>>) offsets(%dma_start3A_294 : memref<100xi32, #tpu.memory_space<vmem>>) semaphore(%dma_start3A_299 : memref<!tpu.dma_semaphore, #tpu.memory_space<semaphore_mem>>)
    %scan3A_300 = arith.constant 0 : i32
    %scan3A_301 = arith.constant 0 : i32
    %scan3A_302 = arith.constant 20 : i32
    %scan3A_303 = arith.addi %scan3A_301, %scan3A_302 : i32
    %scan3A_304 = arith.constant 1 : i32
    scf.for %scan3A_577 = %scan3A_301 to %scan3A_303 step %scan3A_304  : i32 {
      %mul3A_578 = arith.constant 5 : i32
      %mul3A_579 = arith.muli %mul3A_578, %scan3A_577 : i32
      %add3A_580 = arith.constant 0 : i32
      %add3A_581 = arith.addi %mul3A_579, %add3A_580 : i32
      %dma_wait3A_582 = arith.constant 0 : i32
      %dma_wait3A_583 = arith.constant 0 : i32
      %dma_wait3A_584 = arith.constant 0 : i32
      %dma_wait3A_585 = arith.constant 0 : i32
      %dma_wait3A_586 = tpu.memref_slice %arg8[%dma_wait3A_582, %dma_wait3A_584, %dma_wait3A_585] : memref<5x100x64xf32, #tpu.memory_space<vmem>> -> memref<1x100x64xf32, #tpu.memory_space<vmem>>
      %dma_wait3A_587 = tpu.memref_squeeze %dma_wait3A_586 : memref<1x100x64xf32, #tpu.memory_space<vmem>> -> memref<100x64xf32, #tpu.memory_space<vmem>>
      %dma_wait3A_588 = arith.constant 0 : i32
      %dma_wait3A_589 = tpu.memref_slice %arg6[%add3A_581, %dma_wait3A_588] : memref<100x100xi32, #tpu.memory_space<vmem>> -> memref<1x100xi32, #tpu.memory_space<vmem>>
      %dma_wait3A_590 = tpu.memref_squeeze %dma_wait3A_589 : memref<1x100xi32, #tpu.memory_space<vmem>> -> memref<100xi32, #tpu.memory_space<vmem>>
      %dma_wait3A_591 = arith.constant 0 : i32
      %dma_wait3A_592 = arith.constant 0 : i32
      %dma_wait3A_593 = tpu.memref_slice %arg2[%dma_wait3A_591, %dma_wait3A_592] : memref<10000x64xf32, #tpu.memory_space<hbm>> -> memref<10000x64xf32, #tpu.memory_space<hbm>>
      %dma_wait3A_594 = tpu.memref_slice %arg12[%dma_wait3A_583] : memref<5x!tpu.dma_semaphore, #tpu.memory_space<semaphore_mem>> -> memref<1x!tpu.dma_semaphore, #tpu.memory_space<semaphore_mem>>
      %dma_wait3A_595 = tpu.memref_squeeze %dma_wait3A_594 : memref<1x!tpu.dma_semaphore, #tpu.memory_space<semaphore_mem>> -> memref<!tpu.dma_semaphore, #tpu.memory_space<semaphore_mem>>
      tpu.wait_indirect_dma semaphore(%dma_wait3A_595 : memref<!tpu.dma_semaphore, #tpu.memory_space<semaphore_mem>>) src(%dma_wait3A_593 : memref<10000x64xf32, #tpu.memory_space<hbm>>) dst(%dma_wait3A_587 : memref<100x64xf32, #tpu.memory_space<vmem>>)
      %add3A_596 = arith.constant 0 : i32
      %add3A_597 = arith.addi %mul3A_579, %add3A_596 : i32
      %dma_start3A_598 = arith.constant 0 : i32
      %dma_start3A_599 = arith.constant 0 : i32
      %dma_start3A_600 = arith.constant 0 : i32
      %dma_start3A_601 = arith.constant 0 : i32
      %dma_start3A_602 = tpu.memref_slice %arg8[%dma_start3A_598, %dma_start3A_600, %dma_start3A_601] : memref<5x100x64xf32, #tpu.memory_space<vmem>> -> memref<1x100x64xf32, #tpu.memory_space<vmem>>
      %dma_start3A_603 = tpu.memref_squeeze %dma_start3A_602 : memref<1x100x64xf32, #tpu.memory_space<vmem>> -> memref<100x64xf32, #tpu.memory_space<vmem>>
      %dma_start3A_604 = arith.constant 0 : i32
      %dma_start3A_605 = tpu.memref_slice %arg7[%add3A_597, %dma_start3A_604] : memref<100x100xi32, #tpu.memory_space<vmem>> -> memref<1x100xi32, #tpu.memory_space<vmem>>
      %dma_start3A_606 = tpu.memref_squeeze %dma_start3A_605 : memref<1x100xi32, #tpu.memory_space<vmem>> -> memref<100xi32, #tpu.memory_space<vmem>>
      %dma_start3A_607 = arith.constant 0 : i32
      %dma_start3A_608 = arith.constant 0 : i32
      %dma_start3A_609 = tpu.memref_slice %arg11[%dma_start3A_607, %dma_start3A_608] : memref<10240x64xf32, #tpu.memory_space<vmem_shared>> -> memref<10240x64xf32, #tpu.memory_space<vmem_shared>>
      %dma_start3A_610 = tpu.memref_slice %arg13[%dma_start3A_599] : memref<5x!tpu.dma_semaphore, #tpu.memory_space<semaphore_mem>> -> memref<1x!tpu.dma_semaphore, #tpu.memory_space<semaphore_mem>>
      %dma_start3A_611 = tpu.memref_squeeze %dma_start3A_610 : memref<1x!tpu.dma_semaphore, #tpu.memory_space<semaphore_mem>> -> memref<!tpu.dma_semaphore, #tpu.memory_space<semaphore_mem>>
      tpu.enqueue_indirect_dma source(%dma_start3A_603 : memref<100x64xf32, #tpu.memory_space<vmem>>) target(%dma_start3A_609 : memref<10240x64xf32, #tpu.memory_space<vmem_shared>>) offsets(%dma_start3A_606 : memref<100xi32, #tpu.memory_space<vmem>>) semaphore(%dma_start3A_611 : memref<!tpu.dma_semaphore, #tpu.memory_space<semaphore_mem>>) {add = true}
      %add3A_612 = arith.constant 1 : i32
      %add3A_613 = arith.addi %mul3A_579, %add3A_612 : i32
      %dma_wait3A_614 = arith.constant 1 : i32
      %dma_wait3A_615 = arith.constant 1 : i32
      %dma_wait3A_616 = arith.constant 0 : i32
      %dma_wait3A_617 = arith.constant 0 : i32
      %dma_wait3A_618 = tpu.memref_slice %arg8[%dma_wait3A_614, %dma_wait3A_616, %dma_wait3A_617] : memref<5x100x64xf32, #tpu.memory_space<vmem>> -> memref<1x100x64xf32, #tpu.memory_space<vmem>>
      %dma_wait3A_619 = tpu.memref_squeeze %dma_wait3A_618 : memref<1x100x64xf32, #tpu.memory_space<vmem>> -> memref<100x64xf32, #tpu.memory_space<vmem>>
      %dma_wait3A_620 = arith.constant 0 : i32
      %dma_wait3A_621 = tpu.memref_slice %arg6[%add3A_613, %dma_wait3A_620] : memref<100x100xi32, #tpu.memory_space<vmem>> -> memref<1x100xi32, #tpu.memory_space<vmem>>
      %dma_wait3A_622 = tpu.memref_squeeze %dma_wait3A_621 : memref<1x100xi32, #tpu.memory_space<vmem>> -> memref<100xi32, #tpu.memory_space<vmem>>
      %dma_wait3A_623 = arith.constant 0 : i32
      %dma_wait3A_624 = arith.constant 0 : i32
      %dma_wait3A_625 = tpu.memref_slice %arg2[%dma_wait3A_623, %dma_wait3A_624] : memref<10000x64xf32, #tpu.memory_space<hbm>> -> memref<10000x64xf32, #tpu.memory_space<hbm>>
      %dma_wait3A_626 = tpu.memref_slice %arg12[%dma_wait3A_615] : memref<5x!tpu.dma_semaphore, #tpu.memory_space<semaphore_mem>> -> memref<1x!tpu.dma_semaphore, #tpu.memory_space<semaphore_mem>>
      %dma_wait3A_627 = tpu.memref_squeeze %dma_wait3A_626 : memref<1x!tpu.dma_semaphore, #tpu.memory_space<semaphore_mem>> -> memref<!tpu.dma_semaphore, #tpu.memory_space<semaphore_mem>>
      tpu.wait_indirect_dma semaphore(%dma_wait3A_627 : memref<!tpu.dma_semaphore, #tpu.memory_space<semaphore_mem>>) src(%dma_wait3A_625 : memref<10000x64xf32, #tpu.memory_space<hbm>>) dst(%dma_wait3A_619 : memref<100x64xf32, #tpu.memory_space<vmem>>)
      %add3A_628 = arith.constant 1 : i32
      %add3A_629 = arith.addi %mul3A_579, %add3A_628 : i32
      %dma_start3A_630 = arith.constant 1 : i32
      %dma_start3A_631 = arith.constant 1 : i32
      %dma_start3A_632 = arith.constant 0 : i32
      %dma_start3A_633 = arith.constant 0 : i32
      %dma_start3A_634 = tpu.memref_slice %arg8[%dma_start3A_630, %dma_start3A_632, %dma_start3A_633] : memref<5x100x64xf32, #tpu.memory_space<vmem>> -> memref<1x100x64xf32, #tpu.memory_space<vmem>>
      %dma_start3A_635 = tpu.memref_squeeze %dma_start3A_634 : memref<1x100x64xf32, #tpu.memory_space<vmem>> -> memref<100x64xf32, #tpu.memory_space<vmem>>
      %dma_start3A_636 = arith.constant 0 : i32
      %dma_start3A_637 = tpu.memref_slice %arg7[%add3A_629, %dma_start3A_636] : memref<100x100xi32, #tpu.memory_space<vmem>> -> memref<1x100xi32, #tpu.memory_space<vmem>>
      %dma_start3A_638 = tpu.memref_squeeze %dma_start3A_637 : memref<1x100xi32, #tpu.memory_space<vmem>> -> memref<100xi32, #tpu.memory_space<vmem>>
      %dma_start3A_639 = arith.constant 0 : i32
      %dma_start3A_640 = arith.constant 0 : i32
      %dma_start3A_641 = tpu.memref_slice %arg11[%dma_start3A_639, %dma_start3A_640] : memref<10240x64xf32, #tpu.memory_space<vmem_shared>> -> memref<10240x64xf32, #tpu.memory_space<vmem_shared>>
      %dma_start3A_642 = tpu.memref_slice %arg13[%dma_start3A_631] : memref<5x!tpu.dma_semaphore, #tpu.memory_space<semaphore_mem>> -> memref<1x!tpu.dma_semaphore, #tpu.memory_space<semaphore_mem>>
      %dma_start3A_643 = tpu.memref_squeeze %dma_start3A_642 : memref<1x!tpu.dma_semaphore, #tpu.memory_space<semaphore_mem>> -> memref<!tpu.dma_semaphore, #tpu.memory_space<semaphore_mem>>
      tpu.enqueue_indirect_dma source(%dma_start3A_635 : memref<100x64xf32, #tpu.memory_space<vmem>>) target(%dma_start3A_641 : memref<10240x64xf32, #tpu.memory_space<vmem_shared>>) offsets(%dma_start3A_638 : memref<100xi32, #tpu.memory_space<vmem>>) semaphore(%dma_start3A_643 : memref<!tpu.dma_semaphore, #tpu.memory_space<semaphore_mem>>) {add = true}
      %add3A_644 = arith.constant 2 : i32
      %add3A_645 = arith.addi %mul3A_579, %add3A_644 : i32
      %dma_wait3A_646 = arith.constant 2 : i32
      %dma_wait3A_647 = arith.constant 2 : i32
      %dma_wait3A_648 = arith.constant 0 : i32
      %dma_wait3A_649 = arith.constant 0 : i32
      %dma_wait3A_650 = tpu.memref_slice %arg8[%dma_wait3A_646, %dma_wait3A_648, %dma_wait3A_649] : memref<5x100x64xf32, #tpu.memory_space<vmem>> -> memref<1x100x64xf32, #tpu.memory_space<vmem>>
      %dma_wait3A_651 = tpu.memref_squeeze %dma_wait3A_650 : memref<1x100x64xf32, #tpu.memory_space<vmem>> -> memref<100x64xf32, #tpu.memory_space<vmem>>
      %dma_wait3A_652 = arith.constant 0 : i32
      %dma_wait3A_653 = tpu.memref_slice %arg6[%add3A_645, %dma_wait3A_652] : memref<100x100xi32, #tpu.memory_space<vmem>> -> memref<1x100xi32, #tpu.memory_space<vmem>>
      %dma_wait3A_654 = tpu.memref_squeeze %dma_wait3A_653 : memref<1x100xi32, #tpu.memory_space<vmem>> -> memref<100xi32, #tpu.memory_space<vmem>>
      %dma_wait3A_655 = arith.constant 0 : i32
      %dma_wait3A_656 = arith.constant 0 : i32
      %dma_wait3A_657 = tpu.memref_slice %arg2[%dma_wait3A_655, %dma_wait3A_656] : memref<10000x64xf32, #tpu.memory_space<hbm>> -> memref<10000x64xf32, #tpu.memory_space<hbm>>
      %dma_wait3A_658 = tpu.memref_slice %arg12[%dma_wait3A_647] : memref<5x!tpu.dma_semaphore, #tpu.memory_space<semaphore_mem>> -> memref<1x!tpu.dma_semaphore, #tpu.memory_space<semaphore_mem>>
      %dma_wait3A_659 = tpu.memref_squeeze %dma_wait3A_658 : memref<1x!tpu.dma_semaphore, #tpu.memory_space<semaphore_mem>> -> memref<!tpu.dma_semaphore, #tpu.memory_space<semaphore_mem>>
      tpu.wait_indirect_dma semaphore(%dma_wait3A_659 : memref<!tpu.dma_semaphore, #tpu.memory_space<semaphore_mem>>) src(%dma_wait3A_657 : memref<10000x64xf32, #tpu.memory_space<hbm>>) dst(%dma_wait3A_651 : memref<100x64xf32, #tpu.memory_space<vmem>>)
      %add3A_660 = arith.constant 2 : i32
      %add3A_661 = arith.addi %mul3A_579, %add3A_660 : i32
      %dma_start3A_662 = arith.constant 2 : i32
      %dma_start3A_663 = arith.constant 2 : i32
      %dma_start3A_664 = arith.constant 0 : i32
      %dma_start3A_665 = arith.constant 0 : i32
      %dma_start3A_666 = tpu.memref_slice %arg8[%dma_start3A_662, %dma_start3A_664, %dma_start3A_665] : memref<5x100x64xf32, #tpu.memory_space<vmem>> -> memref<1x100x64xf32, #tpu.memory_space<vmem>>
      %dma_start3A_667 = tpu.memref_squeeze %dma_start3A_666 : memref<1x100x64xf32, #tpu.memory_space<vmem>> -> memref<100x64xf32, #tpu.memory_space<vmem>>
      %dma_start3A_668 = arith.constant 0 : i32
      %dma_start3A_669 = tpu.memref_slice %arg7[%add3A_661, %dma_start3A_668] : memref<100x100xi32, #tpu.memory_space<vmem>> -> memref<1x100xi32, #tpu.memory_space<vmem>>
      %dma_start3A_670 = tpu.memref_squeeze %dma_start3A_669 : memref<1x100xi32, #tpu.memory_space<vmem>> -> memref<100xi32, #tpu.memory_space<vmem>>
      %dma_start3A_671 = arith.constant 0 : i32
      %dma_start3A_672 = arith.constant 0 : i32
      %dma_start3A_673 = tpu.memref_slice %arg11[%dma_start3A_671, %dma_start3A_672] : memref<10240x64xf32, #tpu.memory_space<vmem_shared>> -> memref<10240x64xf32, #tpu.memory_space<vmem_shared>>
      %dma_start3A_674 = tpu.memref_slice %arg13[%dma_start3A_663] : memref<5x!tpu.dma_semaphore, #tpu.memory_space<semaphore_mem>> -> memref<1x!tpu.dma_semaphore, #tpu.memory_space<semaphore_mem>>
      %dma_start3A_675 = tpu.memref_squeeze %dma_start3A_674 : memref<1x!tpu.dma_semaphore, #tpu.memory_space<semaphore_mem>> -> memref<!tpu.dma_semaphore, #tpu.memory_space<semaphore_mem>>
      tpu.enqueue_indirect_dma source(%dma_start3A_667 : memref<100x64xf32, #tpu.memory_space<vmem>>) target(%dma_start3A_673 : memref<10240x64xf32, #tpu.memory_space<vmem_shared>>) offsets(%dma_start3A_670 : memref<100xi32, #tpu.memory_space<vmem>>) semaphore(%dma_start3A_675 : memref<!tpu.dma_semaphore, #tpu.memory_space<semaphore_mem>>) {add = true}
      %add3A_676 = arith.constant 3 : i32
      %add3A_677 = arith.addi %mul3A_579, %add3A_676 : i32
      %dma_wait3A_678 = arith.constant 3 : i32
      %dma_wait3A_679 = arith.constant 3 : i32
      %dma_wait3A_680 = arith.constant 0 : i32
      %dma_wait3A_681 = arith.constant 0 : i32
      %dma_wait3A_682 = tpu.memref_slice %arg8[%dma_wait3A_678, %dma_wait3A_680, %dma_wait3A_681] : memref<5x100x64xf32, #tpu.memory_space<vmem>> -> memref<1x100x64xf32, #tpu.memory_space<vmem>>
      %dma_wait3A_683 = tpu.memref_squeeze %dma_wait3A_682 : memref<1x100x64xf32, #tpu.memory_space<vmem>> -> memref<100x64xf32, #tpu.memory_space<vmem>>
      %dma_wait3A_684 = arith.constant 0 : i32
      %dma_wait3A_685 = tpu.memref_slice %arg6[%add3A_677, %dma_wait3A_684] : memref<100x100xi32, #tpu.memory_space<vmem>> -> memref<1x100xi32, #tpu.memory_space<vmem>>
      %dma_wait3A_686 = tpu.memref_squeeze %dma_wait3A_685 : memref<1x100xi32, #tpu.memory_space<vmem>> -> memref<100xi32, #tpu.memory_space<vmem>>
      %dma_wait3A_687 = arith.constant 0 : i32
      %dma_wait3A_688 = arith.constant 0 : i32
      %dma_wait3A_689 = tpu.memref_slice %arg2[%dma_wait3A_687, %dma_wait3A_688] : memref<10000x64xf32, #tpu.memory_space<hbm>> -> memref<10000x64xf32, #tpu.memory_space<hbm>>
      %dma_wait3A_690 = tpu.memref_slice %arg12[%dma_wait3A_679] : memref<5x!tpu.dma_semaphore, #tpu.memory_space<semaphore_mem>> -> memref<1x!tpu.dma_semaphore, #tpu.memory_space<semaphore_mem>>
      %dma_wait3A_691 = tpu.memref_squeeze %dma_wait3A_690 : memref<1x!tpu.dma_semaphore, #tpu.memory_space<semaphore_mem>> -> memref<!tpu.dma_semaphore, #tpu.memory_space<semaphore_mem>>
      tpu.wait_indirect_dma semaphore(%dma_wait3A_691 : memref<!tpu.dma_semaphore, #tpu.memory_space<semaphore_mem>>) src(%dma_wait3A_689 : memref<10000x64xf32, #tpu.memory_space<hbm>>) dst(%dma_wait3A_683 : memref<100x64xf32, #tpu.memory_space<vmem>>)
      %add3A_692 = arith.constant 3 : i32
      %add3A_693 = arith.addi %mul3A_579, %add3A_692 : i32
      %dma_start3A_694 = arith.constant 3 : i32
      %dma_start3A_695 = arith.constant 3 : i32
      %dma_start3A_696 = arith.constant 0 : i32
      %dma_start3A_697 = arith.constant 0 : i32
      %dma_start3A_698 = tpu.memref_slice %arg8[%dma_start3A_694, %dma_start3A_696, %dma_start3A_697] : memref<5x100x64xf32, #tpu.memory_space<vmem>> -> memref<1x100x64xf32, #tpu.memory_space<vmem>>
      %dma_start3A_699 = tpu.memref_squeeze %dma_start3A_698 : memref<1x100x64xf32, #tpu.memory_space<vmem>> -> memref<100x64xf32, #tpu.memory_space<vmem>>
      %dma_start3A_700 = arith.constant 0 : i32
      %dma_start3A_701 = tpu.memref_slice %arg7[%add3A_693, %dma_start3A_700] : memref<100x100xi32, #tpu.memory_space<vmem>> -> memref<1x100xi32, #tpu.memory_space<vmem>>
      %dma_start3A_702 = tpu.memref_squeeze %dma_start3A_701 : memref<1x100xi32, #tpu.memory_space<vmem>> -> memref<100xi32, #tpu.memory_space<vmem>>
      %dma_start3A_703 = arith.constant 0 : i32
      %dma_start3A_704 = arith.constant 0 : i32
      %dma_start3A_705 = tpu.memref_slice %arg11[%dma_start3A_703, %dma_start3A_704] : memref<10240x64xf32, #tpu.memory_space<vmem_shared>> -> memref<10240x64xf32, #tpu.memory_space<vmem_shared>>
      %dma_start3A_706 = tpu.memref_slice %arg13[%dma_start3A_695] : memref<5x!tpu.dma_semaphore, #tpu.memory_space<semaphore_mem>> -> memref<1x!tpu.dma_semaphore, #tpu.memory_space<semaphore_mem>>
      %dma_start3A_707 = tpu.memref_squeeze %dma_start3A_706 : memref<1x!tpu.dma_semaphore, #tpu.memory_space<semaphore_mem>> -> memref<!tpu.dma_semaphore, #tpu.memory_space<semaphore_mem>>
      tpu.enqueue_indirect_dma source(%dma_start3A_699 : memref<100x64xf32, #tpu.memory_space<vmem>>) target(%dma_start3A_705 : memref<10240x64xf32, #tpu.memory_space<vmem_shared>>) offsets(%dma_start3A_702 : memref<100xi32, #tpu.memory_space<vmem>>) semaphore(%dma_start3A_707 : memref<!tpu.dma_semaphore, #tpu.memory_space<semaphore_mem>>) {add = true}
      %add3A_708 = arith.constant 4 : i32
      %add3A_709 = arith.addi %mul3A_579, %add3A_708 : i32
      %dma_wait3A_710 = arith.constant 4 : i32
      %dma_wait3A_711 = arith.constant 4 : i32
      %dma_wait3A_712 = arith.constant 0 : i32
      %dma_wait3A_713 = arith.constant 0 : i32
      %dma_wait3A_714 = tpu.memref_slice %arg8[%dma_wait3A_710, %dma_wait3A_712, %dma_wait3A_713] : memref<5x100x64xf32, #tpu.memory_space<vmem>> -> memref<1x100x64xf32, #tpu.memory_space<vmem>>
      %dma_wait3A_715 = tpu.memref_squeeze %dma_wait3A_714 : memref<1x100x64xf32, #tpu.memory_space<vmem>> -> memref<100x64xf32, #tpu.memory_space<vmem>>
      %dma_wait3A_716 = arith.constant 0 : i32
      %dma_wait3A_717 = tpu.memref_slice %arg6[%add3A_709, %dma_wait3A_716] : memref<100x100xi32, #tpu.memory_space<vmem>> -> memref<1x100xi32, #tpu.memory_space<vmem>>
      %dma_wait3A_718 = tpu.memref_squeeze %dma_wait3A_717 : memref<1x100xi32, #tpu.memory_space<vmem>> -> memref<100xi32, #tpu.memory_space<vmem>>
      %dma_wait3A_719 = arith.constant 0 : i32
      %dma_wait3A_720 = arith.constant 0 : i32
      %dma_wait3A_721 = tpu.memref_slice %arg2[%dma_wait3A_719, %dma_wait3A_720] : memref<10000x64xf32, #tpu.memory_space<hbm>> -> memref<10000x64xf32, #tpu.memory_space<hbm>>
      %dma_wait3A_722 = tpu.memref_slice %arg12[%dma_wait3A_711] : memref<5x!tpu.dma_semaphore, #tpu.memory_space<semaphore_mem>> -> memref<1x!tpu.dma_semaphore, #tpu.memory_space<semaphore_mem>>
      %dma_wait3A_723 = tpu.memref_squeeze %dma_wait3A_722 : memref<1x!tpu.dma_semaphore, #tpu.memory_space<semaphore_mem>> -> memref<!tpu.dma_semaphore, #tpu.memory_space<semaphore_mem>>
      tpu.wait_indirect_dma semaphore(%dma_wait3A_723 : memref<!tpu.dma_semaphore, #tpu.memory_space<semaphore_mem>>) src(%dma_wait3A_721 : memref<10000x64xf32, #tpu.memory_space<hbm>>) dst(%dma_wait3A_715 : memref<100x64xf32, #tpu.memory_space<vmem>>)
      %add3A_724 = arith.constant 4 : i32
      %add3A_725 = arith.addi %mul3A_579, %add3A_724 : i32
      %dma_start3A_726 = arith.constant 4 : i32
      %dma_start3A_727 = arith.constant 4 : i32
      %dma_start3A_728 = arith.constant 0 : i32
      %dma_start3A_729 = arith.constant 0 : i32
      %dma_start3A_730 = tpu.memref_slice %arg8[%dma_start3A_726, %dma_start3A_728, %dma_start3A_729] : memref<5x100x64xf32, #tpu.memory_space<vmem>> -> memref<1x100x64xf32, #tpu.memory_space<vmem>>
      %dma_start3A_731 = tpu.memref_squeeze %dma_start3A_730 : memref<1x100x64xf32, #tpu.memory_space<vmem>> -> memref<100x64xf32, #tpu.memory_space<vmem>>
      %dma_start3A_732 = arith.constant 0 : i32
      %dma_start3A_733 = tpu.memref_slice %arg7[%add3A_725, %dma_start3A_732] : memref<100x100xi32, #tpu.memory_space<vmem>> -> memref<1x100xi32, #tpu.memory_space<vmem>>
      %dma_start3A_734 = tpu.memref_squeeze %dma_start3A_733 : memref<1x100xi32, #tpu.memory_space<vmem>> -> memref<100xi32, #tpu.memory_space<vmem>>
      %dma_start3A_735 = arith.constant 0 : i32
      %dma_start3A_736 = arith.constant 0 : i32
      %dma_start3A_737 = tpu.memref_slice %arg11[%dma_start3A_735, %dma_start3A_736] : memref<10240x64xf32, #tpu.memory_space<vmem_shared>> -> memref<10240x64xf32, #tpu.memory_space<vmem_shared>>
      %dma_start3A_738 = tpu.memref_slice %arg13[%dma_start3A_727] : memref<5x!tpu.dma_semaphore, #tpu.memory_space<semaphore_mem>> -> memref<1x!tpu.dma_semaphore, #tpu.memory_space<semaphore_mem>>
      %dma_start3A_739 = tpu.memref_squeeze %dma_start3A_738 : memref<1x!tpu.dma_semaphore, #tpu.memory_space<semaphore_mem>> -> memref<!tpu.dma_semaphore, #tpu.memory_space<semaphore_mem>>
      tpu.enqueue_indirect_dma source(%dma_start3A_731 : memref<100x64xf32, #tpu.memory_space<vmem>>) target(%dma_start3A_737 : memref<10240x64xf32, #tpu.memory_space<vmem_shared>>) offsets(%dma_start3A_734 : memref<100xi32, #tpu.memory_space<vmem>>) semaphore(%dma_start3A_739 : memref<!tpu.dma_semaphore, #tpu.memory_space<semaphore_mem>>) {add = true}
      %add3A_740 = arith.constant 0 : i32
      %add3A_741 = arith.addi %mul3A_579, %add3A_740 : i32
      %add3A_742 = arith.constant 5 : i32
      %add3A_743 = arith.addi %add3A_741, %add3A_742 : i32
      %lt3A = arith.constant 100 : i32
      %lt3A_744 = arith.cmpi slt, %add3A_743, %lt3A : i32
      %convert_element_type3A = arith.extui %lt3A_744 : i1 to i32
      %cond3A = arith.constant 0 : i32
      %cond3A_745 = arith.cmpi ne, %convert_element_type3A, %cond3A : i32
      scf.if %cond3A_745 {
        %add3A_782 = arith.constant 0 : i32
        %add3A_783 = arith.addi %mul3A_579, %add3A_782 : i32
        %dma_wait3A_784 = arith.constant 0 : i32
        %dma_wait3A_785 = arith.constant 0 : i32
        %dma_wait3A_786 = arith.constant 0 : i32
        %dma_wait3A_787 = arith.constant 0 : i32
        %dma_wait3A_788 = tpu.memref_slice %arg8[%dma_wait3A_784, %dma_wait3A_786, %dma_wait3A_787] : memref<5x100x64xf32, #tpu.memory_space<vmem>> -> memref<1x100x64xf32, #tpu.memory_space<vmem>>
        %dma_wait3A_789 = tpu.memref_squeeze %dma_wait3A_788 : memref<1x100x64xf32, #tpu.memory_space<vmem>> -> memref<100x64xf32, #tpu.memory_space<vmem>>
        %dma_wait3A_790 = arith.constant 0 : i32
        %dma_wait3A_791 = tpu.memref_slice %arg7[%add3A_783, %dma_wait3A_790] : memref<100x100xi32, #tpu.memory_space<vmem>> -> memref<1x100xi32, #tpu.memory_space<vmem>>
        %dma_wait3A_792 = tpu.memref_squeeze %dma_wait3A_791 : memref<1x100xi32, #tpu.memory_space<vmem>> -> memref<100xi32, #tpu.memory_space<vmem>>
        %dma_wait3A_793 = arith.constant 0 : i32
        %dma_wait3A_794 = arith.constant 0 : i32
        %dma_wait3A_795 = tpu.memref_slice %arg11[%dma_wait3A_793, %dma_wait3A_794] : memref<10240x64xf32, #tpu.memory_space<vmem_shared>> -> memref<10240x64xf32, #tpu.memory_space<vmem_shared>>
        %dma_wait3A_796 = tpu.memref_slice %arg13[%dma_wait3A_785] : memref<5x!tpu.dma_semaphore, #tpu.memory_space<semaphore_mem>> -> memref<1x!tpu.dma_semaphore, #tpu.memory_space<semaphore_mem>>
        %dma_wait3A_797 = tpu.memref_squeeze %dma_wait3A_796 : memref<1x!tpu.dma_semaphore, #tpu.memory_space<semaphore_mem>> -> memref<!tpu.dma_semaphore, #tpu.memory_space<semaphore_mem>>
        tpu.wait_indirect_dma semaphore(%dma_wait3A_797 : memref<!tpu.dma_semaphore, #tpu.memory_space<semaphore_mem>>) src(%dma_wait3A_789 : memref<100x64xf32, #tpu.memory_space<vmem>>) dst(%dma_wait3A_795 : memref<10240x64xf32, #tpu.memory_space<vmem_shared>>)
        %add3A_798 = arith.constant 0 : i32
        %add3A_799 = arith.addi %mul3A_579, %add3A_798 : i32
        %add3A_800 = arith.constant 5 : i32
        %add3A_801 = arith.addi %add3A_799, %add3A_800 : i32
        %dma_start3A_802 = arith.constant 0 : i32
        %dma_start3A_803 = arith.constant 0 : i32
        %dma_start3A_804 = arith.constant 0 : i32
        %dma_start3A_805 = arith.constant 0 : i32
        %dma_start3A_806 = tpu.memref_slice %arg8[%dma_start3A_802, %dma_start3A_804, %dma_start3A_805] : memref<5x100x64xf32, #tpu.memory_space<vmem>> -> memref<1x100x64xf32, #tpu.memory_space<vmem>>
        %dma_start3A_807 = tpu.memref_squeeze %dma_start3A_806 : memref<1x100x64xf32, #tpu.memory_space<vmem>> -> memref<100x64xf32, #tpu.memory_space<vmem>>
        %dma_start3A_808 = arith.constant 0 : i32
        %dma_start3A_809 = tpu.memref_slice %arg6[%add3A_801, %dma_start3A_808] : memref<100x100xi32, #tpu.memory_space<vmem>> -> memref<1x100xi32, #tpu.memory_space<vmem>>
        %dma_start3A_810 = tpu.memref_squeeze %dma_start3A_809 : memref<1x100xi32, #tpu.memory_space<vmem>> -> memref<100xi32, #tpu.memory_space<vmem>>
        %dma_start3A_811 = arith.constant 0 : i32
        %dma_start3A_812 = arith.constant 0 : i32
        %dma_start3A_813 = tpu.memref_slice %arg2[%dma_start3A_811, %dma_start3A_812] : memref<10000x64xf32, #tpu.memory_space<hbm>> -> memref<10000x64xf32, #tpu.memory_space<hbm>>
        %dma_start3A_814 = tpu.memref_slice %arg12[%dma_start3A_803] : memref<5x!tpu.dma_semaphore, #tpu.memory_space<semaphore_mem>> -> memref<1x!tpu.dma_semaphore, #tpu.memory_space<semaphore_mem>>
        %dma_start3A_815 = tpu.memref_squeeze %dma_start3A_814 : memref<1x!tpu.dma_semaphore, #tpu.memory_space<semaphore_mem>> -> memref<!tpu.dma_semaphore, #tpu.memory_space<semaphore_mem>>
        tpu.enqueue_indirect_dma source(%dma_start3A_813 : memref<10000x64xf32, #tpu.memory_space<hbm>>) target(%dma_start3A_807 : memref<100x64xf32, #tpu.memory_space<vmem>>) offsets(%dma_start3A_810 : memref<100xi32, #tpu.memory_space<vmem>>) semaphore(%dma_start3A_815 : memref<!tpu.dma_semaphore, #tpu.memory_space<semaphore_mem>>)
      } else {
      }
      %add3A_746 = arith.constant 1 : i32
      %add3A_747 = arith.addi %mul3A_579, %add3A_746 : i32
      %add3A_748 = arith.constant 5 : i32
      %add3A_749 = arith.addi %add3A_747, %add3A_748 : i32
      %lt3A_750 = arith.constant 100 : i32
      %lt3A_751 = arith.cmpi slt, %add3A_749, %lt3A_750 : i32
      %convert_element_type3A_752 = arith.extui %lt3A_751 : i1 to i32
      %cond3A_753 = arith.constant 0 : i32
      %cond3A_754 = arith.cmpi ne, %convert_element_type3A_752, %cond3A_753 : i32
      scf.if %cond3A_754 {
        %add3A_782 = arith.constant 1 : i32
        %add3A_783 = arith.addi %mul3A_579, %add3A_782 : i32
        %dma_wait3A_784 = arith.constant 1 : i32
        %dma_wait3A_785 = arith.constant 1 : i32
        %dma_wait3A_786 = arith.constant 0 : i32
        %dma_wait3A_787 = arith.constant 0 : i32
        %dma_wait3A_788 = tpu.memref_slice %arg8[%dma_wait3A_784, %dma_wait3A_786, %dma_wait3A_787] : memref<5x100x64xf32, #tpu.memory_space<vmem>> -> memref<1x100x64xf32, #tpu.memory_space<vmem>>
        %dma_wait3A_789 = tpu.memref_squeeze %dma_wait3A_788 : memref<1x100x64xf32, #tpu.memory_space<vmem>> -> memref<100x64xf32, #tpu.memory_space<vmem>>
        %dma_wait3A_790 = arith.constant 0 : i32
        %dma_wait3A_791 = tpu.memref_slice %arg7[%add3A_783, %dma_wait3A_790] : memref<100x100xi32, #tpu.memory_space<vmem>> -> memref<1x100xi32, #tpu.memory_space<vmem>>
        %dma_wait3A_792 = tpu.memref_squeeze %dma_wait3A_791 : memref<1x100xi32, #tpu.memory_space<vmem>> -> memref<100xi32, #tpu.memory_space<vmem>>
        %dma_wait3A_793 = arith.constant 0 : i32
        %dma_wait3A_794 = arith.constant 0 : i32
        %dma_wait3A_795 = tpu.memref_slice %arg11[%dma_wait3A_793, %dma_wait3A_794] : memref<10240x64xf32, #tpu.memory_space<vmem_shared>> -> memref<10240x64xf32, #tpu.memory_space<vmem_shared>>
        %dma_wait3A_796 = tpu.memref_slice %arg13[%dma_wait3A_785] : memref<5x!tpu.dma_semaphore, #tpu.memory_space<semaphore_mem>> -> memref<1x!tpu.dma_semaphore, #tpu.memory_space<semaphore_mem>>
        %dma_wait3A_797 = tpu.memref_squeeze %dma_wait3A_796 : memref<1x!tpu.dma_semaphore, #tpu.memory_space<semaphore_mem>> -> memref<!tpu.dma_semaphore, #tpu.memory_space<semaphore_mem>>
        tpu.wait_indirect_dma semaphore(%dma_wait3A_797 : memref<!tpu.dma_semaphore, #tpu.memory_space<semaphore_mem>>) src(%dma_wait3A_789 : memref<100x64xf32, #tpu.memory_space<vmem>>) dst(%dma_wait3A_795 : memref<10240x64xf32, #tpu.memory_space<vmem_shared>>)
        %add3A_798 = arith.constant 1 : i32
        %add3A_799 = arith.addi %mul3A_579, %add3A_798 : i32
        %add3A_800 = arith.constant 5 : i32
        %add3A_801 = arith.addi %add3A_799, %add3A_800 : i32
        %dma_start3A_802 = arith.constant 1 : i32
        %dma_start3A_803 = arith.constant 1 : i32
        %dma_start3A_804 = arith.constant 0 : i32
        %dma_start3A_805 = arith.constant 0 : i32
        %dma_start3A_806 = tpu.memref_slice %arg8[%dma_start3A_802, %dma_start3A_804, %dma_start3A_805] : memref<5x100x64xf32, #tpu.memory_space<vmem>> -> memref<1x100x64xf32, #tpu.memory_space<vmem>>
        %dma_start3A_807 = tpu.memref_squeeze %dma_start3A_806 : memref<1x100x64xf32, #tpu.memory_space<vmem>> -> memref<100x64xf32, #tpu.memory_space<vmem>>
        %dma_start3A_808 = arith.constant 0 : i32
        %dma_start3A_809 = tpu.memref_slice %arg6[%add3A_801, %dma_start3A_808] : memref<100x100xi32, #tpu.memory_space<vmem>> -> memref<1x100xi32, #tpu.memory_space<vmem>>
        %dma_start3A_810 = tpu.memref_squeeze %dma_start3A_809 : memref<1x100xi32, #tpu.memory_space<vmem>> -> memref<100xi32, #tpu.memory_space<vmem>>
        %dma_start3A_811 = arith.constant 0 : i32
        %dma_start3A_812 = arith.constant 0 : i32
        %dma_start3A_813 = tpu.memref_slice %arg2[%dma_start3A_811, %dma_start3A_812] : memref<10000x64xf32, #tpu.memory_space<hbm>> -> memref<10000x64xf32, #tpu.memory_space<hbm>>
        %dma_start3A_814 = tpu.memref_slice %arg12[%dma_start3A_803] : memref<5x!tpu.dma_semaphore, #tpu.memory_space<semaphore_mem>> -> memref<1x!tpu.dma_semaphore, #tpu.memory_space<semaphore_mem>>
        %dma_start3A_815 = tpu.memref_squeeze %dma_start3A_814 : memref<1x!tpu.dma_semaphore, #tpu.memory_space<semaphore_mem>> -> memref<!tpu.dma_semaphore, #tpu.memory_space<semaphore_mem>>
        tpu.enqueue_indirect_dma source(%dma_start3A_813 : memref<10000x64xf32, #tpu.memory_space<hbm>>) target(%dma_start3A_807 : memref<100x64xf32, #tpu.memory_space<vmem>>) offsets(%dma_start3A_810 : memref<100xi32, #tpu.memory_space<vmem>>) semaphore(%dma_start3A_815 : memref<!tpu.dma_semaphore, #tpu.memory_space<semaphore_mem>>)
      } else {
      }
      %add3A_755 = arith.constant 2 : i32
      %add3A_756 = arith.addi %mul3A_579, %add3A_755 : i32
      %add3A_757 = arith.constant 5 : i32
      %add3A_758 = arith.addi %add3A_756, %add3A_757 : i32
      %lt3A_759 = arith.constant 100 : i32
      %lt3A_760 = arith.cmpi slt, %add3A_758, %lt3A_759 : i32
      %convert_element_type3A_761 = arith.extui %lt3A_760 : i1 to i32
      %cond3A_762 = arith.constant 0 : i32
      %cond3A_763 = arith.cmpi ne, %convert_element_type3A_761, %cond3A_762 : i32
      scf.if %cond3A_763 {
        %add3A_782 = arith.constant 2 : i32
        %add3A_783 = arith.addi %mul3A_579, %add3A_782 : i32
        %dma_wait3A_784 = arith.constant 2 : i32
        %dma_wait3A_785 = arith.constant 2 : i32
        %dma_wait3A_786 = arith.constant 0 : i32
        %dma_wait3A_787 = arith.constant 0 : i32
        %dma_wait3A_788 = tpu.memref_slice %arg8[%dma_wait3A_784, %dma_wait3A_786, %dma_wait3A_787] : memref<5x100x64xf32, #tpu.memory_space<vmem>> -> memref<1x100x64xf32, #tpu.memory_space<vmem>>
        %dma_wait3A_789 = tpu.memref_squeeze %dma_wait3A_788 : memref<1x100x64xf32, #tpu.memory_space<vmem>> -> memref<100x64xf32, #tpu.memory_space<vmem>>
        %dma_wait3A_790 = arith.constant 0 : i32
        %dma_wait3A_791 = tpu.memref_slice %arg7[%add3A_783, %dma_wait3A_790] : memref<100x100xi32, #tpu.memory_space<vmem>> -> memref<1x100xi32, #tpu.memory_space<vmem>>
        %dma_wait3A_792 = tpu.memref_squeeze %dma_wait3A_791 : memref<1x100xi32, #tpu.memory_space<vmem>> -> memref<100xi32, #tpu.memory_space<vmem>>
        %dma_wait3A_793 = arith.constant 0 : i32
        %dma_wait3A_794 = arith.constant 0 : i32
        %dma_wait3A_795 = tpu.memref_slice %arg11[%dma_wait3A_793, %dma_wait3A_794] : memref<10240x64xf32, #tpu.memory_space<vmem_shared>> -> memref<10240x64xf32, #tpu.memory_space<vmem_shared>>
        %dma_wait3A_796 = tpu.memref_slice %arg13[%dma_wait3A_785] : memref<5x!tpu.dma_semaphore, #tpu.memory_space<semaphore_mem>> -> memref<1x!tpu.dma_semaphore, #tpu.memory_space<semaphore_mem>>
        %dma_wait3A_797 = tpu.memref_squeeze %dma_wait3A_796 : memref<1x!tpu.dma_semaphore, #tpu.memory_space<semaphore_mem>> -> memref<!tpu.dma_semaphore, #tpu.memory_space<semaphore_mem>>
        tpu.wait_indirect_dma semaphore(%dma_wait3A_797 : memref<!tpu.dma_semaphore, #tpu.memory_space<semaphore_mem>>) src(%dma_wait3A_789 : memref<100x64xf32, #tpu.memory_space<vmem>>) dst(%dma_wait3A_795 : memref<10240x64xf32, #tpu.memory_space<vmem_shared>>)
        %add3A_798 = arith.constant 2 : i32
        %add3A_799 = arith.addi %mul3A_579, %add3A_798 : i32
        %add3A_800 = arith.constant 5 : i32
        %add3A_801 = arith.addi %add3A_799, %add3A_800 : i32
        %dma_start3A_802 = arith.constant 2 : i32
        %dma_start3A_803 = arith.constant 2 : i32
        %dma_start3A_804 = arith.constant 0 : i32
        %dma_start3A_805 = arith.constant 0 : i32
        %dma_start3A_806 = tpu.memref_slice %arg8[%dma_start3A_802, %dma_start3A_804, %dma_start3A_805] : memref<5x100x64xf32, #tpu.memory_space<vmem>> -> memref<1x100x64xf32, #tpu.memory_space<vmem>>
        %dma_start3A_807 = tpu.memref_squeeze %dma_start3A_806 : memref<1x100x64xf32, #tpu.memory_space<vmem>> -> memref<100x64xf32, #tpu.memory_space<vmem>>
        %dma_start3A_808 = arith.constant 0 : i32
        %dma_start3A_809 = tpu.memref_slice %arg6[%add3A_801, %dma_start3A_808] : memref<100x100xi32, #tpu.memory_space<vmem>> -> memref<1x100xi32, #tpu.memory_space<vmem>>
        %dma_start3A_810 = tpu.memref_squeeze %dma_start3A_809 : memref<1x100xi32, #tpu.memory_space<vmem>> -> memref<100xi32, #tpu.memory_space<vmem>>
        %dma_start3A_811 = arith.constant 0 : i32
        %dma_start3A_812 = arith.constant 0 : i32
        %dma_start3A_813 = tpu.memref_slice %arg2[%dma_start3A_811, %dma_start3A_812] : memref<10000x64xf32, #tpu.memory_space<hbm>> -> memref<10000x64xf32, #tpu.memory_space<hbm>>
        %dma_start3A_814 = tpu.memref_slice %arg12[%dma_start3A_803] : memref<5x!tpu.dma_semaphore, #tpu.memory_space<semaphore_mem>> -> memref<1x!tpu.dma_semaphore, #tpu.memory_space<semaphore_mem>>
        %dma_start3A_815 = tpu.memref_squeeze %dma_start3A_814 : memref<1x!tpu.dma_semaphore, #tpu.memory_space<semaphore_mem>> -> memref<!tpu.dma_semaphore, #tpu.memory_space<semaphore_mem>>
        tpu.enqueue_indirect_dma source(%dma_start3A_813 : memref<10000x64xf32, #tpu.memory_space<hbm>>) target(%dma_start3A_807 : memref<100x64xf32, #tpu.memory_space<vmem>>) offsets(%dma_start3A_810 : memref<100xi32, #tpu.memory_space<vmem>>) semaphore(%dma_start3A_815 : memref<!tpu.dma_semaphore, #tpu.memory_space<semaphore_mem>>)
      } else {
      }
      %add3A_764 = arith.constant 3 : i32
      %add3A_765 = arith.addi %mul3A_579, %add3A_764 : i32
      %add3A_766 = arith.constant 5 : i32
      %add3A_767 = arith.addi %add3A_765, %add3A_766 : i32
      %lt3A_768 = arith.constant 100 : i32
      %lt3A_769 = arith.cmpi slt, %add3A_767, %lt3A_768 : i32
      %convert_element_type3A_770 = arith.extui %lt3A_769 : i1 to i32
      %cond3A_771 = arith.constant 0 : i32
      %cond3A_772 = arith.cmpi ne, %convert_element_type3A_770, %cond3A_771 : i32
      scf.if %cond3A_772 {
        %add3A_782 = arith.constant 3 : i32
        %add3A_783 = arith.addi %mul3A_579, %add3A_782 : i32
        %dma_wait3A_784 = arith.constant 3 : i32
        %dma_wait3A_785 = arith.constant 3 : i32
        %dma_wait3A_786 = arith.constant 0 : i32
        %dma_wait3A_787 = arith.constant 0 : i32
        %dma_wait3A_788 = tpu.memref_slice %arg8[%dma_wait3A_784, %dma_wait3A_786, %dma_wait3A_787] : memref<5x100x64xf32, #tpu.memory_space<vmem>> -> memref<1x100x64xf32, #tpu.memory_space<vmem>>
        %dma_wait3A_789 = tpu.memref_squeeze %dma_wait3A_788 : memref<1x100x64xf32, #tpu.memory_space<vmem>> -> memref<100x64xf32, #tpu.memory_space<vmem>>
        %dma_wait3A_790 = arith.constant 0 : i32
        %dma_wait3A_791 = tpu.memref_slice %arg7[%add3A_783, %dma_wait3A_790] : memref<100x100xi32, #tpu.memory_space<vmem>> -> memref<1x100xi32, #tpu.memory_space<vmem>>
        %dma_wait3A_792 = tpu.memref_squeeze %dma_wait3A_791 : memref<1x100xi32, #tpu.memory_space<vmem>> -> memref<100xi32, #tpu.memory_space<vmem>>
        %dma_wait3A_793 = arith.constant 0 : i32
        %dma_wait3A_794 = arith.constant 0 : i32
        %dma_wait3A_795 = tpu.memref_slice %arg11[%dma_wait3A_793, %dma_wait3A_794] : memref<10240x64xf32, #tpu.memory_space<vmem_shared>> -> memref<10240x64xf32, #tpu.memory_space<vmem_shared>>
        %dma_wait3A_796 = tpu.memref_slice %arg13[%dma_wait3A_785] : memref<5x!tpu.dma_semaphore, #tpu.memory_space<semaphore_mem>> -> memref<1x!tpu.dma_semaphore, #tpu.memory_space<semaphore_mem>>
        %dma_wait3A_797 = tpu.memref_squeeze %dma_wait3A_796 : memref<1x!tpu.dma_semaphore, #tpu.memory_space<semaphore_mem>> -> memref<!tpu.dma_semaphore, #tpu.memory_space<semaphore_mem>>
        tpu.wait_indirect_dma semaphore(%dma_wait3A_797 : memref<!tpu.dma_semaphore, #tpu.memory_space<semaphore_mem>>) src(%dma_wait3A_789 : memref<100x64xf32, #tpu.memory_space<vmem>>) dst(%dma_wait3A_795 : memref<10240x64xf32, #tpu.memory_space<vmem_shared>>)
        %add3A_798 = arith.constant 3 : i32
        %add3A_799 = arith.addi %mul3A_579, %add3A_798 : i32
        %add3A_800 = arith.constant 5 : i32
        %add3A_801 = arith.addi %add3A_799, %add3A_800 : i32
        %dma_start3A_802 = arith.constant 3 : i32
        %dma_start3A_803 = arith.constant 3 : i32
        %dma_start3A_804 = arith.constant 0 : i32
        %dma_start3A_805 = arith.constant 0 : i32
        %dma_start3A_806 = tpu.memref_slice %arg8[%dma_start3A_802, %dma_start3A_804, %dma_start3A_805] : memref<5x100x64xf32, #tpu.memory_space<vmem>> -> memref<1x100x64xf32, #tpu.memory_space<vmem>>
        %dma_start3A_807 = tpu.memref_squeeze %dma_start3A_806 : memref<1x100x64xf32, #tpu.memory_space<vmem>> -> memref<100x64xf32, #tpu.memory_space<vmem>>
        %dma_start3A_808 = arith.constant 0 : i32
        %dma_start3A_809 = tpu.memref_slice %arg6[%add3A_801, %dma_start3A_808] : memref<100x100xi32, #tpu.memory_space<vmem>> -> memref<1x100xi32, #tpu.memory_space<vmem>>
        %dma_start3A_810 = tpu.memref_squeeze %dma_start3A_809 : memref<1x100xi32, #tpu.memory_space<vmem>> -> memref<100xi32, #tpu.memory_space<vmem>>
        %dma_start3A_811 = arith.constant 0 : i32
        %dma_start3A_812 = arith.constant 0 : i32
        %dma_start3A_813 = tpu.memref_slice %arg2[%dma_start3A_811, %dma_start3A_812] : memref<10000x64xf32, #tpu.memory_space<hbm>> -> memref<10000x64xf32, #tpu.memory_space<hbm>>
        %dma_start3A_814 = tpu.memref_slice %arg12[%dma_start3A_803] : memref<5x!tpu.dma_semaphore, #tpu.memory_space<semaphore_mem>> -> memref<1x!tpu.dma_semaphore, #tpu.memory_space<semaphore_mem>>
        %dma_start3A_815 = tpu.memref_squeeze %dma_start3A_814 : memref<1x!tpu.dma_semaphore, #tpu.memory_space<semaphore_mem>> -> memref<!tpu.dma_semaphore, #tpu.memory_space<semaphore_mem>>
        tpu.enqueue_indirect_dma source(%dma_start3A_813 : memref<10000x64xf32, #tpu.memory_space<hbm>>) target(%dma_start3A_807 : memref<100x64xf32, #tpu.memory_space<vmem>>) offsets(%dma_start3A_810 : memref<100xi32, #tpu.memory_space<vmem>>) semaphore(%dma_start3A_815 : memref<!tpu.dma_semaphore, #tpu.memory_space<semaphore_mem>>)
      } else {
      }
      %add3A_773 = arith.constant 4 : i32
      %add3A_774 = arith.addi %mul3A_579, %add3A_773 : i32
      %add3A_775 = arith.constant 5 : i32
      %add3A_776 = arith.addi %add3A_774, %add3A_775 : i32
      %lt3A_777 = arith.constant 100 : i32
      %lt3A_778 = arith.cmpi slt, %add3A_776, %lt3A_777 : i32
      %convert_element_type3A_779 = arith.extui %lt3A_778 : i1 to i32
      %cond3A_780 = arith.constant 0 : i32
      %cond3A_781 = arith.cmpi ne, %convert_element_type3A_779, %cond3A_780 : i32
      scf.if %cond3A_781 {
        %add3A_782 = arith.constant 4 : i32
        %add3A_783 = arith.addi %mul3A_579, %add3A_782 : i32
        %dma_wait3A_784 = arith.constant 4 : i32
        %dma_wait3A_785 = arith.constant 4 : i32
        %dma_wait3A_786 = arith.constant 0 : i32
        %dma_wait3A_787 = arith.constant 0 : i32
        %dma_wait3A_788 = tpu.memref_slice %arg8[%dma_wait3A_784, %dma_wait3A_786, %dma_wait3A_787] : memref<5x100x64xf32, #tpu.memory_space<vmem>> -> memref<1x100x64xf32, #tpu.memory_space<vmem>>
        %dma_wait3A_789 = tpu.memref_squeeze %dma_wait3A_788 : memref<1x100x64xf32, #tpu.memory_space<vmem>> -> memref<100x64xf32, #tpu.memory_space<vmem>>
        %dma_wait3A_790 = arith.constant 0 : i32
        %dma_wait3A_791 = tpu.memref_slice %arg7[%add3A_783, %dma_wait3A_790] : memref<100x100xi32, #tpu.memory_space<vmem>> -> memref<1x100xi32, #tpu.memory_space<vmem>>
        %dma_wait3A_792 = tpu.memref_squeeze %dma_wait3A_791 : memref<1x100xi32, #tpu.memory_space<vmem>> -> memref<100xi32, #tpu.memory_space<vmem>>
        %dma_wait3A_793 = arith.constant 0 : i32
        %dma_wait3A_794 = arith.constant 0 : i32
        %dma_wait3A_795 = tpu.memref_slice %arg11[%dma_wait3A_793, %dma_wait3A_794] : memref<10240x64xf32, #tpu.memory_space<vmem_shared>> -> memref<10240x64xf32, #tpu.memory_space<vmem_shared>>
        %dma_wait3A_796 = tpu.memref_slice %arg13[%dma_wait3A_785] : memref<5x!tpu.dma_semaphore, #tpu.memory_space<semaphore_mem>> -> memref<1x!tpu.dma_semaphore, #tpu.memory_space<semaphore_mem>>
        %dma_wait3A_797 = tpu.memref_squeeze %dma_wait3A_796 : memref<1x!tpu.dma_semaphore, #tpu.memory_space<semaphore_mem>> -> memref<!tpu.dma_semaphore, #tpu.memory_space<semaphore_mem>>
        tpu.wait_indirect_dma semaphore(%dma_wait3A_797 : memref<!tpu.dma_semaphore, #tpu.memory_space<semaphore_mem>>) src(%dma_wait3A_789 : memref<100x64xf32, #tpu.memory_space<vmem>>) dst(%dma_wait3A_795 : memref<10240x64xf32, #tpu.memory_space<vmem_shared>>)
        %add3A_798 = arith.constant 4 : i32
        %add3A_799 = arith.addi %mul3A_579, %add3A_798 : i32
        %add3A_800 = arith.constant 5 : i32
        %add3A_801 = arith.addi %add3A_799, %add3A_800 : i32
        %dma_start3A_802 = arith.constant 4 : i32
        %dma_start3A_803 = arith.constant 4 : i32
        %dma_start3A_804 = arith.constant 0 : i32
        %dma_start3A_805 = arith.constant 0 : i32
        %dma_start3A_806 = tpu.memref_slice %arg8[%dma_start3A_802, %dma_start3A_804, %dma_start3A_805] : memref<5x100x64xf32, #tpu.memory_space<vmem>> -> memref<1x100x64xf32, #tpu.memory_space<vmem>>
        %dma_start3A_807 = tpu.memref_squeeze %dma_start3A_806 : memref<1x100x64xf32, #tpu.memory_space<vmem>> -> memref<100x64xf32, #tpu.memory_space<vmem>>
        %dma_start3A_808 = arith.constant 0 : i32
        %dma_start3A_809 = tpu.memref_slice %arg6[%add3A_801, %dma_start3A_808] : memref<100x100xi32, #tpu.memory_space<vmem>> -> memref<1x100xi32, #tpu.memory_space<vmem>>
        %dma_start3A_810 = tpu.memref_squeeze %dma_start3A_809 : memref<1x100xi32, #tpu.memory_space<vmem>> -> memref<100xi32, #tpu.memory_space<vmem>>
        %dma_start3A_811 = arith.constant 0 : i32
        %dma_start3A_812 = arith.constant 0 : i32
        %dma_start3A_813 = tpu.memref_slice %arg2[%dma_start3A_811, %dma_start3A_812] : memref<10000x64xf32, #tpu.memory_space<hbm>> -> memref<10000x64xf32, #tpu.memory_space<hbm>>
        %dma_start3A_814 = tpu.memref_slice %arg12[%dma_start3A_803] : memref<5x!tpu.dma_semaphore, #tpu.memory_space<semaphore_mem>> -> memref<1x!tpu.dma_semaphore, #tpu.memory_space<semaphore_mem>>
        %dma_start3A_815 = tpu.memref_squeeze %dma_start3A_814 : memref<1x!tpu.dma_semaphore, #tpu.memory_space<semaphore_mem>> -> memref<!tpu.dma_semaphore, #tpu.memory_space<semaphore_mem>>
        tpu.enqueue_indirect_dma source(%dma_start3A_813 : memref<10000x64xf32, #tpu.memory_space<hbm>>) target(%dma_start3A_807 : memref<100x64xf32, #tpu.memory_space<vmem>>) offsets(%dma_start3A_810 : memref<100xi32, #tpu.memory_space<vmem>>) semaphore(%dma_start3A_815 : memref<!tpu.dma_semaphore, #tpu.memory_space<semaphore_mem>>)
      } else {
      }
    }
    %scan3A_305 = arith.constant 20 : i32
    %dma_wait3A_306 = arith.constant 0 : i32
    %dma_wait3A_307 = arith.constant 95 : i32
    %dma_wait3A_308 = arith.constant 0 : i32
    %dma_wait3A_309 = arith.constant 0 : i32
    %dma_wait3A_310 = arith.constant 0 : i32
    %dma_wait3A_311 = tpu.memref_slice %arg8[%dma_wait3A_306, %dma_wait3A_309, %dma_wait3A_310] : memref<5x100x64xf32, #tpu.memory_space<vmem>> -> memref<1x100x64xf32, #tpu.memory_space<vmem>>
    %dma_wait3A_312 = tpu.memref_squeeze %dma_wait3A_311 : memref<1x100x64xf32, #tpu.memory_space<vmem>> -> memref<100x64xf32, #tpu.memory_space<vmem>>
    %dma_wait3A_313 = arith.constant 0 : i32
    %dma_wait3A_314 = tpu.memref_slice %arg7[%dma_wait3A_307, %dma_wait3A_313] : memref<100x100xi32, #tpu.memory_space<vmem>> -> memref<1x100xi32, #tpu.memory_space<vmem>>
    %dma_wait3A_315 = tpu.memref_squeeze %dma_wait3A_314 : memref<1x100xi32, #tpu.memory_space<vmem>> -> memref<100xi32, #tpu.memory_space<vmem>>
    %dma_wait3A_316 = arith.constant 0 : i32
    %dma_wait3A_317 = arith.constant 0 : i32
    %dma_wait3A_318 = tpu.memref_slice %arg11[%dma_wait3A_316, %dma_wait3A_317] : memref<10240x64xf32, #tpu.memory_space<vmem_shared>> -> memref<10240x64xf32, #tpu.memory_space<vmem_shared>>
    %dma_wait3A_319 = tpu.memref_slice %arg13[%dma_wait3A_308] : memref<5x!tpu.dma_semaphore, #tpu.memory_space<semaphore_mem>> -> memref<1x!tpu.dma_semaphore, #tpu.memory_space<semaphore_mem>>
    %dma_wait3A_320 = tpu.memref_squeeze %dma_wait3A_319 : memref<1x!tpu.dma_semaphore, #tpu.memory_space<semaphore_mem>> -> memref<!tpu.dma_semaphore, #tpu.memory_space<semaphore_mem>>
    tpu.wait_indirect_dma semaphore(%dma_wait3A_320 : memref<!tpu.dma_semaphore, #tpu.memory_space<semaphore_mem>>) src(%dma_wait3A_312 : memref<100x64xf32, #tpu.memory_space<vmem>>) dst(%dma_wait3A_318 : memref<10240x64xf32, #tpu.memory_space<vmem_shared>>)
    %dma_wait3A_321 = arith.constant 1 : i32
    %dma_wait3A_322 = arith.constant 96 : i32
    %dma_wait3A_323 = arith.constant 1 : i32
    %dma_wait3A_324 = arith.constant 0 : i32
    %dma_wait3A_325 = arith.constant 0 : i32
    %dma_wait3A_326 = tpu.memref_slice %arg8[%dma_wait3A_321, %dma_wait3A_324, %dma_wait3A_325] : memref<5x100x64xf32, #tpu.memory_space<vmem>> -> memref<1x100x64xf32, #tpu.memory_space<vmem>>
    %dma_wait3A_327 = tpu.memref_squeeze %dma_wait3A_326 : memref<1x100x64xf32, #tpu.memory_space<vmem>> -> memref<100x64xf32, #tpu.memory_space<vmem>>
    %dma_wait3A_328 = arith.constant 0 : i32
    %dma_wait3A_329 = tpu.memref_slice %arg7[%dma_wait3A_322, %dma_wait3A_328] : memref<100x100xi32, #tpu.memory_space<vmem>> -> memref<1x100xi32, #tpu.memory_space<vmem>>
    %dma_wait3A_330 = tpu.memref_squeeze %dma_wait3A_329 : memref<1x100xi32, #tpu.memory_space<vmem>> -> memref<100xi32, #tpu.memory_space<vmem>>
    %dma_wait3A_331 = arith.constant 0 : i32
    %dma_wait3A_332 = arith.constant 0 : i32
    %dma_wait3A_333 = tpu.memref_slice %arg11[%dma_wait3A_331, %dma_wait3A_332] : memref<10240x64xf32, #tpu.memory_space<vmem_shared>> -> memref<10240x64xf32, #tpu.memory_space<vmem_shared>>
    %dma_wait3A_334 = tpu.memref_slice %arg13[%dma_wait3A_323] : memref<5x!tpu.dma_semaphore, #tpu.memory_space<semaphore_mem>> -> memref<1x!tpu.dma_semaphore, #tpu.memory_space<semaphore_mem>>
    %dma_wait3A_335 = tpu.memref_squeeze %dma_wait3A_334 : memref<1x!tpu.dma_semaphore, #tpu.memory_space<semaphore_mem>> -> memref<!tpu.dma_semaphore, #tpu.memory_space<semaphore_mem>>
    tpu.wait_indirect_dma semaphore(%dma_wait3A_335 : memref<!tpu.dma_semaphore, #tpu.memory_space<semaphore_mem>>) src(%dma_wait3A_327 : memref<100x64xf32, #tpu.memory_space<vmem>>) dst(%dma_wait3A_333 : memref<10240x64xf32, #tpu.memory_space<vmem_shared>>)
    %dma_wait3A_336 = arith.constant 2 : i32
    %dma_wait3A_337 = arith.constant 97 : i32
    %dma_wait3A_338 = arith.constant 2 : i32
    %dma_wait3A_339 = arith.constant 0 : i32
    %dma_wait3A_340 = arith.constant 0 : i32
    %dma_wait3A_341 = tpu.memref_slice %arg8[%dma_wait3A_336, %dma_wait3A_339, %dma_wait3A_340] : memref<5x100x64xf32, #tpu.memory_space<vmem>> -> memref<1x100x64xf32, #tpu.memory_space<vmem>>
    %dma_wait3A_342 = tpu.memref_squeeze %dma_wait3A_341 : memref<1x100x64xf32, #tpu.memory_space<vmem>> -> memref<100x64xf32, #tpu.memory_space<vmem>>
    %dma_wait3A_343 = arith.constant 0 : i32
    %dma_wait3A_344 = tpu.memref_slice %arg7[%dma_wait3A_337, %dma_wait3A_343] : memref<100x100xi32, #tpu.memory_space<vmem>> -> memref<1x100xi32, #tpu.memory_space<vmem>>
    %dma_wait3A_345 = tpu.memref_squeeze %dma_wait3A_344 : memref<1x100xi32, #tpu.memory_space<vmem>> -> memref<100xi32, #tpu.memory_space<vmem>>
    %dma_wait3A_346 = arith.constant 0 : i32
    %dma_wait3A_347 = arith.constant 0 : i32
    %dma_wait3A_348 = tpu.memref_slice %arg11[%dma_wait3A_346, %dma_wait3A_347] : memref<10240x64xf32, #tpu.memory_space<vmem_shared>> -> memref<10240x64xf32, #tpu.memory_space<vmem_shared>>
    %dma_wait3A_349 = tpu.memref_slice %arg13[%dma_wait3A_338] : memref<5x!tpu.dma_semaphore, #tpu.memory_space<semaphore_mem>> -> memref<1x!tpu.dma_semaphore, #tpu.memory_space<semaphore_mem>>
    %dma_wait3A_350 = tpu.memref_squeeze %dma_wait3A_349 : memref<1x!tpu.dma_semaphore, #tpu.memory_space<semaphore_mem>> -> memref<!tpu.dma_semaphore, #tpu.memory_space<semaphore_mem>>
    tpu.wait_indirect_dma semaphore(%dma_wait3A_350 : memref<!tpu.dma_semaphore, #tpu.memory_space<semaphore_mem>>) src(%dma_wait3A_342 : memref<100x64xf32, #tpu.memory_space<vmem>>) dst(%dma_wait3A_348 : memref<10240x64xf32, #tpu.memory_space<vmem_shared>>)
    %dma_wait3A_351 = arith.constant 3 : i32
    %dma_wait3A_352 = arith.constant 98 : i32
    %dma_wait3A_353 = arith.constant 3 : i32
    %dma_wait3A_354 = arith.constant 0 : i32
    %dma_wait3A_355 = arith.constant 0 : i32
    %dma_wait3A_356 = tpu.memref_slice %arg8[%dma_wait3A_351, %dma_wait3A_354, %dma_wait3A_355] : memref<5x100x64xf32, #tpu.memory_space<vmem>> -> memref<1x100x64xf32, #tpu.memory_space<vmem>>
    %dma_wait3A_357 = tpu.memref_squeeze %dma_wait3A_356 : memref<1x100x64xf32, #tpu.memory_space<vmem>> -> memref<100x64xf32, #tpu.memory_space<vmem>>
    %dma_wait3A_358 = arith.constant 0 : i32
    %dma_wait3A_359 = tpu.memref_slice %arg7[%dma_wait3A_352, %dma_wait3A_358] : memref<100x100xi32, #tpu.memory_space<vmem>> -> memref<1x100xi32, #tpu.memory_space<vmem>>
    %dma_wait3A_360 = tpu.memref_squeeze %dma_wait3A_359 : memref<1x100xi32, #tpu.memory_space<vmem>> -> memref<100xi32, #tpu.memory_space<vmem>>
    %dma_wait3A_361 = arith.constant 0 : i32
    %dma_wait3A_362 = arith.constant 0 : i32
    %dma_wait3A_363 = tpu.memref_slice %arg11[%dma_wait3A_361, %dma_wait3A_362] : memref<10240x64xf32, #tpu.memory_space<vmem_shared>> -> memref<10240x64xf32, #tpu.memory_space<vmem_shared>>
    %dma_wait3A_364 = tpu.memref_slice %arg13[%dma_wait3A_353] : memref<5x!tpu.dma_semaphore, #tpu.memory_space<semaphore_mem>> -> memref<1x!tpu.dma_semaphore, #tpu.memory_space<semaphore_mem>>
    %dma_wait3A_365 = tpu.memref_squeeze %dma_wait3A_364 : memref<1x!tpu.dma_semaphore, #tpu.memory_space<semaphore_mem>> -> memref<!tpu.dma_semaphore, #tpu.memory_space<semaphore_mem>>
    tpu.wait_indirect_dma semaphore(%dma_wait3A_365 : memref<!tpu.dma_semaphore, #tpu.memory_space<semaphore_mem>>) src(%dma_wait3A_357 : memref<100x64xf32, #tpu.memory_space<vmem>>) dst(%dma_wait3A_363 : memref<10240x64xf32, #tpu.memory_space<vmem_shared>>)
    %dma_wait3A_366 = arith.constant 4 : i32
    %dma_wait3A_367 = arith.constant 99 : i32
    %dma_wait3A_368 = arith.constant 4 : i32
    %dma_wait3A_369 = arith.constant 0 : i32
    %dma_wait3A_370 = arith.constant 0 : i32
    %dma_wait3A_371 = tpu.memref_slice %arg8[%dma_wait3A_366, %dma_wait3A_369, %dma_wait3A_370] : memref<5x100x64xf32, #tpu.memory_space<vmem>> -> memref<1x100x64xf32, #tpu.memory_space<vmem>>
    %dma_wait3A_372 = tpu.memref_squeeze %dma_wait3A_371 : memref<1x100x64xf32, #tpu.memory_space<vmem>> -> memref<100x64xf32, #tpu.memory_space<vmem>>
    %dma_wait3A_373 = arith.constant 0 : i32
    %dma_wait3A_374 = tpu.memref_slice %arg7[%dma_wait3A_367, %dma_wait3A_373] : memref<100x100xi32, #tpu.memory_space<vmem>> -> memref<1x100xi32, #tpu.memory_space<vmem>>
    %dma_wait3A_375 = tpu.memref_squeeze %dma_wait3A_374 : memref<1x100xi32, #tpu.memory_space<vmem>> -> memref<100xi32, #tpu.memory_space<vmem>>
    %dma_wait3A_376 = arith.constant 0 : i32
    %dma_wait3A_377 = arith.constant 0 : i32
    %dma_wait3A_378 = tpu.memref_slice %arg11[%dma_wait3A_376, %dma_wait3A_377] : memref<10240x64xf32, #tpu.memory_space<vmem_shared>> -> memref<10240x64xf32, #tpu.memory_space<vmem_shared>>
    %dma_wait3A_379 = tpu.memref_slice %arg13[%dma_wait3A_368] : memref<5x!tpu.dma_semaphore, #tpu.memory_space<semaphore_mem>> -> memref<1x!tpu.dma_semaphore, #tpu.memory_space<semaphore_mem>>
    %dma_wait3A_380 = tpu.memref_squeeze %dma_wait3A_379 : memref<1x!tpu.dma_semaphore, #tpu.memory_space<semaphore_mem>> -> memref<!tpu.dma_semaphore, #tpu.memory_space<semaphore_mem>>
    tpu.wait_indirect_dma semaphore(%dma_wait3A_380 : memref<!tpu.dma_semaphore, #tpu.memory_space<semaphore_mem>>) src(%dma_wait3A_372 : memref<100x64xf32, #tpu.memory_space<vmem>>) dst(%dma_wait3A_378 : memref<10240x64xf32, #tpu.memory_space<vmem_shared>>)
    %barrier3A_381 = arith.constant 0 : index
    tpu.barrier barrier_id(%barrier3A_381)
    %mul3A_382 = arith.constant 640 : i32
    %mul3A_383 = arith.muli %arg1, %mul3A_382 : i32
    %add3A_384 = arith.constant 0 : i32
    %add3A_385 = arith.addi %mul3A_383, %add3A_384 : i32
    %run_scoped3A = arith.constant 0 : i32
    "tpu.region"() ({
      %run_scoped3A_577 = tpu.sem_alloc : memref<!tpu.dma_semaphore, #tpu.memory_space<semaphore_mem>>
      %dma_start3A_578 = arith.constant 0 : i32
      %dma_start3A_579 = arith.constant 0 : i32
      %dma_start3A_580 = tpu.memref_slice %arg10[%run_scoped3A, %dma_start3A_578, %dma_start3A_579] : memref<2x160x64xf32, #tpu.memory_space<vmem>> -> memref<1x160x64xf32, #tpu.memory_space<vmem>>
      %dma_start3A_581 = tpu.memref_squeeze %dma_start3A_580 : memref<1x160x64xf32, #tpu.memory_space<vmem>> -> memref<160x64xf32, #tpu.memory_space<vmem>>
      %dma_start3A_582 = arith.constant 0 : i32
      %dma_start3A_583 = tpu.memref_slice %arg11[%add3A_385, %dma_start3A_582] : memref<10240x64xf32, #tpu.memory_space<vmem_shared>> -> memref<160x64xf32, #tpu.memory_space<vmem_shared>>
      %dma_start3A_584 = arith.constant 0 : i32
      %dma_start3A_585 = arith.constant 0 : i32
      %dma_start3A_586 = tpu.memref_slice %arg10[%run_scoped3A, %dma_start3A_584, %dma_start3A_585] : memref<2x160x64xf32, #tpu.memory_space<vmem>> -> memref<1x160x64xf32, #tpu.memory_space<vmem>>
      %dma_start3A_587 = tpu.memref_squeeze %dma_start3A_586 : memref<1x160x64xf32, #tpu.memory_space<vmem>> -> memref<160x64xf32, #tpu.memory_space<vmem>>
      %dma_start3A_588 = arith.constant 0 : i32
      %dma_start3A_589 = tpu.memref_slice %arg11[%add3A_385, %dma_start3A_588] : memref<10240x64xf32, #tpu.memory_space<vmem_shared>> -> memref<160x64xf32, #tpu.memory_space<vmem_shared>>
      tpu.enqueue_dma source(%dma_start3A_589 : memref<160x64xf32, #tpu.memory_space<vmem_shared>>) target(%dma_start3A_587 : memref<160x64xf32, #tpu.memory_space<vmem>>) target_semaphore(%run_scoped3A_577 : memref<!tpu.dma_semaphore, #tpu.memory_space<semaphore_mem>>)
      %dma_wait3A_590 = arith.constant 0 : i32
      %dma_wait3A_591 = arith.constant 0 : i32
      %dma_wait3A_592 = tpu.memref_slice %arg10[%run_scoped3A, %dma_wait3A_590, %dma_wait3A_591] : memref<2x160x64xf32, #tpu.memory_space<vmem>> -> memref<1x160x64xf32, #tpu.memory_space<vmem>>
      %dma_wait3A_593 = tpu.memref_squeeze %dma_wait3A_592 : memref<1x160x64xf32, #tpu.memory_space<vmem>> -> memref<160x64xf32, #tpu.memory_space<vmem>>
      %dma_wait3A_594 = arith.constant 0 : i32
      %dma_wait3A_595 = tpu.memref_slice %arg11[%add3A_385, %dma_wait3A_594] : memref<10240x64xf32, #tpu.memory_space<vmem_shared>> -> memref<160x64xf32, #tpu.memory_space<vmem_shared>>
      %dma_wait3A_596 = arith.constant 0 : i32
      %dma_wait3A_597 = arith.constant 0 : i32
      %dma_wait3A_598 = tpu.memref_slice %arg10[%run_scoped3A, %dma_wait3A_596, %dma_wait3A_597] : memref<2x160x64xf32, #tpu.memory_space<vmem>> -> memref<1x160x64xf32, #tpu.memory_space<vmem>>
      %dma_wait3A_599 = tpu.memref_squeeze %dma_wait3A_598 : memref<1x160x64xf32, #tpu.memory_space<vmem>> -> memref<160x64xf32, #tpu.memory_space<vmem>>
      %dma_wait3A_600 = arith.constant 0 : i32
      %dma_wait3A_601 = tpu.memref_slice %arg11[%add3A_385, %dma_wait3A_600] : memref<10240x64xf32, #tpu.memory_space<vmem_shared>> -> memref<160x64xf32, #tpu.memory_space<vmem_shared>>
      tpu.wait_dma2 semaphore(%run_scoped3A_577 : memref<!tpu.dma_semaphore, #tpu.memory_space<semaphore_mem>>) src(%dma_wait3A_601 : memref<160x64xf32, #tpu.memory_space<vmem_shared>>) dst(%dma_wait3A_599 : memref<160x64xf32, #tpu.memory_space<vmem>>)
      tpu.yield
    }) : () -> ()
    %mul3A_386 = arith.constant 640 : i32
    %mul3A_387 = arith.muli %arg1, %mul3A_386 : i32
    %add3A_388 = arith.constant 0 : i32
    %add3A_389 = arith.addi %mul3A_387, %add3A_388 : i32
    %dma_start3A_390 = arith.constant 0 : i32
    %dma_start3A_391 = arith.constant 0 : i32
    %dma_start3A_392 = arith.constant 0 : i32
    %dma_start3A_393 = arith.constant 0 : i32
    %dma_start3A_394 = tpu.memref_slice %arg10[%dma_start3A_390, %dma_start3A_392, %dma_start3A_393] : memref<2x160x64xf32, #tpu.memory_space<vmem>> -> memref<1x160x64xf32, #tpu.memory_space<vmem>>
    %dma_start3A_395 = tpu.memref_squeeze %dma_start3A_394 : memref<1x160x64xf32, #tpu.memory_space<vmem>> -> memref<160x64xf32, #tpu.memory_space<vmem>>
    %dma_start3A_396 = arith.constant 0 : i32
    %dma_start3A_397 = tpu.memref_slice %arg5[%arg0, %add3A_389, %dma_start3A_396] : memref<2x10240x64xf32, #tpu.memory_space<hbm>> -> memref<1x160x64xf32, #tpu.memory_space<hbm>>
    %dma_start3A_398 = tpu.memref_squeeze %dma_start3A_397 : memref<1x160x64xf32, #tpu.memory_space<hbm>> -> memref<160x64xf32, #tpu.memory_space<hbm>>
    %dma_start3A_399 = tpu.memref_slice %arg14[%dma_start3A_391] : memref<2x!tpu.dma_semaphore, #tpu.memory_space<semaphore_mem>> -> memref<1x!tpu.dma_semaphore, #tpu.memory_space<semaphore_mem>>
    %dma_start3A_400 = tpu.memref_squeeze %dma_start3A_399 : memref<1x!tpu.dma_semaphore, #tpu.memory_space<semaphore_mem>> -> memref<!tpu.dma_semaphore, #tpu.memory_space<semaphore_mem>>
    %dma_start3A_401 = arith.constant 0 : i32
    %dma_start3A_402 = tpu.memref_slice %arg5[%arg0, %add3A_389, %dma_start3A_401] : memref<2x10240x64xf32, #tpu.memory_space<hbm>> -> memref<1x160x64xf32, #tpu.memory_space<hbm>>
    %dma_start3A_403 = tpu.memref_squeeze %dma_start3A_402 : memref<1x160x64xf32, #tpu.memory_space<hbm>> -> memref<160x64xf32, #tpu.memory_space<hbm>>
    %dma_start3A_404 = arith.constant 0 : i32
    %dma_start3A_405 = arith.constant 0 : i32
    %dma_start3A_406 = tpu.memref_slice %arg10[%dma_start3A_390, %dma_start3A_404, %dma_start3A_405] : memref<2x160x64xf32, #tpu.memory_space<vmem>> -> memref<1x160x64xf32, #tpu.memory_space<vmem>>
    %dma_start3A_407 = tpu.memref_squeeze %dma_start3A_406 : memref<1x160x64xf32, #tpu.memory_space<vmem>> -> memref<160x64xf32, #tpu.memory_space<vmem>>
    tpu.enqueue_dma source(%dma_start3A_407 : memref<160x64xf32, #tpu.memory_space<vmem>>) target(%dma_start3A_403 : memref<160x64xf32, #tpu.memory_space<hbm>>) target_semaphore(%dma_start3A_400 : memref<!tpu.dma_semaphore, #tpu.memory_space<semaphore_mem>>)
    %mul3A_408 = arith.constant 640 : i32
    %mul3A_409 = arith.muli %arg1, %mul3A_408 : i32
    %add3A_410 = arith.constant 160 : i32
    %add3A_411 = arith.addi %mul3A_409, %add3A_410 : i32
    %run_scoped3A_412 = arith.constant 1 : i32
    "tpu.region"() ({
      %run_scoped3A_577 = tpu.sem_alloc : memref<!tpu.dma_semaphore, #tpu.memory_space<semaphore_mem>>
      %dma_start3A_578 = arith.constant 0 : i32
      %dma_start3A_579 = arith.constant 0 : i32
      %dma_start3A_580 = tpu.memref_slice %arg10[%run_scoped3A_412, %dma_start3A_578, %dma_start3A_579] : memref<2x160x64xf32, #tpu.memory_space<vmem>> -> memref<1x160x64xf32, #tpu.memory_space<vmem>>
      %dma_start3A_581 = tpu.memref_squeeze %dma_start3A_580 : memref<1x160x64xf32, #tpu.memory_space<vmem>> -> memref<160x64xf32, #tpu.memory_space<vmem>>
      %dma_start3A_582 = arith.constant 0 : i32
      %dma_start3A_583 = tpu.memref_slice %arg11[%add3A_411, %dma_start3A_582] : memref<10240x64xf32, #tpu.memory_space<vmem_shared>> -> memref<160x64xf32, #tpu.memory_space<vmem_shared>>
      %dma_start3A_584 = arith.constant 0 : i32
      %dma_start3A_585 = arith.constant 0 : i32
      %dma_start3A_586 = tpu.memref_slice %arg10[%run_scoped3A_412, %dma_start3A_584, %dma_start3A_585] : memref<2x160x64xf32, #tpu.memory_space<vmem>> -> memref<1x160x64xf32, #tpu.memory_space<vmem>>
      %dma_start3A_587 = tpu.memref_squeeze %dma_start3A_586 : memref<1x160x64xf32, #tpu.memory_space<vmem>> -> memref<160x64xf32, #tpu.memory_space<vmem>>
      %dma_start3A_588 = arith.constant 0 : i32
      %dma_start3A_589 = tpu.memref_slice %arg11[%add3A_411, %dma_start3A_588] : memref<10240x64xf32, #tpu.memory_space<vmem_shared>> -> memref<160x64xf32, #tpu.memory_space<vmem_shared>>
      tpu.enqueue_dma source(%dma_start3A_589 : memref<160x64xf32, #tpu.memory_space<vmem_shared>>) target(%dma_start3A_587 : memref<160x64xf32, #tpu.memory_space<vmem>>) target_semaphore(%run_scoped3A_577 : memref<!tpu.dma_semaphore, #tpu.memory_space<semaphore_mem>>)
      %dma_wait3A_590 = arith.constant 0 : i32
      %dma_wait3A_591 = arith.constant 0 : i32
      %dma_wait3A_592 = tpu.memref_slice %arg10[%run_scoped3A_412, %dma_wait3A_590, %dma_wait3A_591] : memref<2x160x64xf32, #tpu.memory_space<vmem>> -> memref<1x160x64xf32, #tpu.memory_space<vmem>>
      %dma_wait3A_593 = tpu.memref_squeeze %dma_wait3A_592 : memref<1x160x64xf32, #tpu.memory_space<vmem>> -> memref<160x64xf32, #tpu.memory_space<vmem>>
      %dma_wait3A_594 = arith.constant 0 : i32
      %dma_wait3A_595 = tpu.memref_slice %arg11[%add3A_411, %dma_wait3A_594] : memref<10240x64xf32, #tpu.memory_space<vmem_shared>> -> memref<160x64xf32, #tpu.memory_space<vmem_shared>>
      %dma_wait3A_596 = arith.constant 0 : i32
      %dma_wait3A_597 = arith.constant 0 : i32
      %dma_wait3A_598 = tpu.memref_slice %arg10[%run_scoped3A_412, %dma_wait3A_596, %dma_wait3A_597] : memref<2x160x64xf32, #tpu.memory_space<vmem>> -> memref<1x160x64xf32, #tpu.memory_space<vmem>>
      %dma_wait3A_599 = tpu.memref_squeeze %dma_wait3A_598 : memref<1x160x64xf32, #tpu.memory_space<vmem>> -> memref<160x64xf32, #tpu.memory_space<vmem>>
      %dma_wait3A_600 = arith.constant 0 : i32
      %dma_wait3A_601 = tpu.memref_slice %arg11[%add3A_411, %dma_wait3A_600] : memref<10240x64xf32, #tpu.memory_space<vmem_shared>> -> memref<160x64xf32, #tpu.memory_space<vmem_shared>>
      tpu.wait_dma2 semaphore(%run_scoped3A_577 : memref<!tpu.dma_semaphore, #tpu.memory_space<semaphore_mem>>) src(%dma_wait3A_601 : memref<160x64xf32, #tpu.memory_space<vmem_shared>>) dst(%dma_wait3A_599 : memref<160x64xf32, #tpu.memory_space<vmem>>)
      tpu.yield
    }) : () -> ()
    %mul3A_413 = arith.constant 640 : i32
    %mul3A_414 = arith.muli %arg1, %mul3A_413 : i32
    %add3A_415 = arith.constant 160 : i32
    %add3A_416 = arith.addi %mul3A_414, %add3A_415 : i32
    %dma_start3A_417 = arith.constant 1 : i32
    %dma_start3A_418 = arith.constant 1 : i32
    %dma_start3A_419 = arith.constant 0 : i32
    %dma_start3A_420 = arith.constant 0 : i32
    %dma_start3A_421 = tpu.memref_slice %arg10[%dma_start3A_417, %dma_start3A_419, %dma_start3A_420] : memref<2x160x64xf32, #tpu.memory_space<vmem>> -> memref<1x160x64xf32, #tpu.memory_space<vmem>>
    %dma_start3A_422 = tpu.memref_squeeze %dma_start3A_421 : memref<1x160x64xf32, #tpu.memory_space<vmem>> -> memref<160x64xf32, #tpu.memory_space<vmem>>
    %dma_start3A_423 = arith.constant 0 : i32
    %dma_start3A_424 = tpu.memref_slice %arg5[%arg0, %add3A_416, %dma_start3A_423] : memref<2x10240x64xf32, #tpu.memory_space<hbm>> -> memref<1x160x64xf32, #tpu.memory_space<hbm>>
    %dma_start3A_425 = tpu.memref_squeeze %dma_start3A_424 : memref<1x160x64xf32, #tpu.memory_space<hbm>> -> memref<160x64xf32, #tpu.memory_space<hbm>>
    %dma_start3A_426 = tpu.memref_slice %arg14[%dma_start3A_418] : memref<2x!tpu.dma_semaphore, #tpu.memory_space<semaphore_mem>> -> memref<1x!tpu.dma_semaphore, #tpu.memory_space<semaphore_mem>>
    %dma_start3A_427 = tpu.memref_squeeze %dma_start3A_426 : memref<1x!tpu.dma_semaphore, #tpu.memory_space<semaphore_mem>> -> memref<!tpu.dma_semaphore, #tpu.memory_space<semaphore_mem>>
    %dma_start3A_428 = arith.constant 0 : i32
    %dma_start3A_429 = tpu.memref_slice %arg5[%arg0, %add3A_416, %dma_start3A_428] : memref<2x10240x64xf32, #tpu.memory_space<hbm>> -> memref<1x160x64xf32, #tpu.memory_space<hbm>>
    %dma_start3A_430 = tpu.memref_squeeze %dma_start3A_429 : memref<1x160x64xf32, #tpu.memory_space<hbm>> -> memref<160x64xf32, #tpu.memory_space<hbm>>
    %dma_start3A_431 = arith.constant 0 : i32
    %dma_start3A_432 = arith.constant 0 : i32
    %dma_start3A_433 = tpu.memref_slice %arg10[%dma_start3A_417, %dma_start3A_431, %dma_start3A_432] : memref<2x160x64xf32, #tpu.memory_space<vmem>> -> memref<1x160x64xf32, #tpu.memory_space<vmem>>
    %dma_start3A_434 = tpu.memref_squeeze %dma_start3A_433 : memref<1x160x64xf32, #tpu.memory_space<vmem>> -> memref<160x64xf32, #tpu.memory_space<vmem>>
    tpu.enqueue_dma source(%dma_start3A_434 : memref<160x64xf32, #tpu.memory_space<vmem>>) target(%dma_start3A_430 : memref<160x64xf32, #tpu.memory_space<hbm>>) target_semaphore(%dma_start3A_427 : memref<!tpu.dma_semaphore, #tpu.memory_space<semaphore_mem>>)
    %mul3A_435 = arith.constant 640 : i32
    %mul3A_436 = arith.muli %arg1, %mul3A_435 : i32
    %add3A_437 = arith.constant 0 : i32
    %add3A_438 = arith.addi %mul3A_436, %add3A_437 : i32
    %dma_wait3A_439 = arith.constant 0 : i32
    %dma_wait3A_440 = arith.constant 0 : i32
    %dma_wait3A_441 = arith.constant 0 : i32
    %dma_wait3A_442 = arith.constant 0 : i32
    %dma_wait3A_443 = tpu.memref_slice %arg10[%dma_wait3A_439, %dma_wait3A_441, %dma_wait3A_442] : memref<2x160x64xf32, #tpu.memory_space<vmem>> -> memref<1x160x64xf32, #tpu.memory_space<vmem>>
    %dma_wait3A_444 = tpu.memref_squeeze %dma_wait3A_443 : memref<1x160x64xf32, #tpu.memory_space<vmem>> -> memref<160x64xf32, #tpu.memory_space<vmem>>
    %dma_wait3A_445 = arith.constant 0 : i32
    %dma_wait3A_446 = tpu.memref_slice %arg5[%arg0, %add3A_438, %dma_wait3A_445] : memref<2x10240x64xf32, #tpu.memory_space<hbm>> -> memref<1x160x64xf32, #tpu.memory_space<hbm>>
    %dma_wait3A_447 = tpu.memref_squeeze %dma_wait3A_446 : memref<1x160x64xf32, #tpu.memory_space<hbm>> -> memref<160x64xf32, #tpu.memory_space<hbm>>
    %dma_wait3A_448 = tpu.memref_slice %arg14[%dma_wait3A_440] : memref<2x!tpu.dma_semaphore, #tpu.memory_space<semaphore_mem>> -> memref<1x!tpu.dma_semaphore, #tpu.memory_space<semaphore_mem>>
    %dma_wait3A_449 = tpu.memref_squeeze %dma_wait3A_448 : memref<1x!tpu.dma_semaphore, #tpu.memory_space<semaphore_mem>> -> memref<!tpu.dma_semaphore, #tpu.memory_space<semaphore_mem>>
    %dma_wait3A_450 = arith.constant 0 : i32
    %dma_wait3A_451 = tpu.memref_slice %arg5[%arg0, %add3A_438, %dma_wait3A_450] : memref<2x10240x64xf32, #tpu.memory_space<hbm>> -> memref<1x160x64xf32, #tpu.memory_space<hbm>>
    %dma_wait3A_452 = tpu.memref_squeeze %dma_wait3A_451 : memref<1x160x64xf32, #tpu.memory_space<hbm>> -> memref<160x64xf32, #tpu.memory_space<hbm>>
    %dma_wait3A_453 = arith.constant 0 : i32
    %dma_wait3A_454 = arith.constant 0 : i32
    %dma_wait3A_455 = tpu.memref_slice %arg10[%dma_wait3A_439, %dma_wait3A_453, %dma_wait3A_454] : memref<2x160x64xf32, #tpu.memory_space<vmem>> -> memref<1x160x64xf32, #tpu.memory_space<vmem>>
    %dma_wait3A_456 = tpu.memref_squeeze %dma_wait3A_455 : memref<1x160x64xf32, #tpu.memory_space<vmem>> -> memref<160x64xf32, #tpu.memory_space<vmem>>
    tpu.wait_dma2 semaphore(%dma_wait3A_449 : memref<!tpu.dma_semaphore, #tpu.memory_space<semaphore_mem>>) src(%dma_wait3A_456 : memref<160x64xf32, #tpu.memory_space<vmem>>) dst(%dma_wait3A_452 : memref<160x64xf32, #tpu.memory_space<hbm>>)
    %mul3A_457 = arith.constant 640 : i32
    %mul3A_458 = arith.muli %arg1, %mul3A_457 : i32
    %add3A_459 = arith.constant 320 : i32
    %add3A_460 = arith.addi %mul3A_458, %add3A_459 : i32
    %run_scoped3A_461 = arith.constant 0 : i32
    "tpu.region"() ({
      %run_scoped3A_577 = tpu.sem_alloc : memref<!tpu.dma_semaphore, #tpu.memory_space<semaphore_mem>>
      %dma_start3A_578 = arith.constant 0 : i32
      %dma_start3A_579 = arith.constant 0 : i32
      %dma_start3A_580 = tpu.memref_slice %arg10[%run_scoped3A_461, %dma_start3A_578, %dma_start3A_579] : memref<2x160x64xf32, #tpu.memory_space<vmem>> -> memref<1x160x64xf32, #tpu.memory_space<vmem>>
      %dma_start3A_581 = tpu.memref_squeeze %dma_start3A_580 : memref<1x160x64xf32, #tpu.memory_space<vmem>> -> memref<160x64xf32, #tpu.memory_space<vmem>>
      %dma_start3A_582 = arith.constant 0 : i32
      %dma_start3A_583 = tpu.memref_slice %arg11[%add3A_460, %dma_start3A_582] : memref<10240x64xf32, #tpu.memory_space<vmem_shared>> -> memref<160x64xf32, #tpu.memory_space<vmem_shared>>
      %dma_start3A_584 = arith.constant 0 : i32
      %dma_start3A_585 = arith.constant 0 : i32
      %dma_start3A_586 = tpu.memref_slice %arg10[%run_scoped3A_461, %dma_start3A_584, %dma_start3A_585] : memref<2x160x64xf32, #tpu.memory_space<vmem>> -> memref<1x160x64xf32, #tpu.memory_space<vmem>>
      %dma_start3A_587 = tpu.memref_squeeze %dma_start3A_586 : memref<1x160x64xf32, #tpu.memory_space<vmem>> -> memref<160x64xf32, #tpu.memory_space<vmem>>
      %dma_start3A_588 = arith.constant 0 : i32
      %dma_start3A_589 = tpu.memref_slice %arg11[%add3A_460, %dma_start3A_588] : memref<10240x64xf32, #tpu.memory_space<vmem_shared>> -> memref<160x64xf32, #tpu.memory_space<vmem_shared>>
      tpu.enqueue_dma source(%dma_start3A_589 : memref<160x64xf32, #tpu.memory_space<vmem_shared>>) target(%dma_start3A_587 : memref<160x64xf32, #tpu.memory_space<vmem>>) target_semaphore(%run_scoped3A_577 : memref<!tpu.dma_semaphore, #tpu.memory_space<semaphore_mem>>)
      %dma_wait3A_590 = arith.constant 0 : i32
      %dma_wait3A_591 = arith.constant 0 : i32
      %dma_wait3A_592 = tpu.memref_slice %arg10[%run_scoped3A_461, %dma_wait3A_590, %dma_wait3A_591] : memref<2x160x64xf32, #tpu.memory_space<vmem>> -> memref<1x160x64xf32, #tpu.memory_space<vmem>>
      %dma_wait3A_593 = tpu.memref_squeeze %dma_wait3A_592 : memref<1x160x64xf32, #tpu.memory_space<vmem>> -> memref<160x64xf32, #tpu.memory_space<vmem>>
      %dma_wait3A_594 = arith.constant 0 : i32
      %dma_wait3A_595 = tpu.memref_slice %arg11[%add3A_460, %dma_wait3A_594] : memref<10240x64xf32, #tpu.memory_space<vmem_shared>> -> memref<160x64xf32, #tpu.memory_space<vmem_shared>>
      %dma_wait3A_596 = arith.constant 0 : i32
      %dma_wait3A_597 = arith.constant 0 : i32
      %dma_wait3A_598 = tpu.memref_slice %arg10[%run_scoped3A_461, %dma_wait3A_596, %dma_wait3A_597] : memref<2x160x64xf32, #tpu.memory_space<vmem>> -> memref<1x160x64xf32, #tpu.memory_space<vmem>>
      %dma_wait3A_599 = tpu.memref_squeeze %dma_wait3A_598 : memref<1x160x64xf32, #tpu.memory_space<vmem>> -> memref<160x64xf32, #tpu.memory_space<vmem>>
      %dma_wait3A_600 = arith.constant 0 : i32
      %dma_wait3A_601 = tpu.memref_slice %arg11[%add3A_460, %dma_wait3A_600] : memref<10240x64xf32, #tpu.memory_space<vmem_shared>> -> memref<160x64xf32, #tpu.memory_space<vmem_shared>>
      tpu.wait_dma2 semaphore(%run_scoped3A_577 : memref<!tpu.dma_semaphore, #tpu.memory_space<semaphore_mem>>) src(%dma_wait3A_601 : memref<160x64xf32, #tpu.memory_space<vmem_shared>>) dst(%dma_wait3A_599 : memref<160x64xf32, #tpu.memory_space<vmem>>)
      tpu.yield
    }) : () -> ()
    %mul3A_462 = arith.constant 640 : i32
    %mul3A_463 = arith.muli %arg1, %mul3A_462 : i32
    %add3A_464 = arith.constant 320 : i32
    %add3A_465 = arith.addi %mul3A_463, %add3A_464 : i32
    %dma_start3A_466 = arith.constant 0 : i32
    %dma_start3A_467 = arith.constant 0 : i32
    %dma_start3A_468 = arith.constant 0 : i32
    %dma_start3A_469 = arith.constant 0 : i32
    %dma_start3A_470 = tpu.memref_slice %arg10[%dma_start3A_466, %dma_start3A_468, %dma_start3A_469] : memref<2x160x64xf32, #tpu.memory_space<vmem>> -> memref<1x160x64xf32, #tpu.memory_space<vmem>>
    %dma_start3A_471 = tpu.memref_squeeze %dma_start3A_470 : memref<1x160x64xf32, #tpu.memory_space<vmem>> -> memref<160x64xf32, #tpu.memory_space<vmem>>
    %dma_start3A_472 = arith.constant 0 : i32
    %dma_start3A_473 = tpu.memref_slice %arg5[%arg0, %add3A_465, %dma_start3A_472] : memref<2x10240x64xf32, #tpu.memory_space<hbm>> -> memref<1x160x64xf32, #tpu.memory_space<hbm>>
    %dma_start3A_474 = tpu.memref_squeeze %dma_start3A_473 : memref<1x160x64xf32, #tpu.memory_space<hbm>> -> memref<160x64xf32, #tpu.memory_space<hbm>>
    %dma_start3A_475 = tpu.memref_slice %arg14[%dma_start3A_467] : memref<2x!tpu.dma_semaphore, #tpu.memory_space<semaphore_mem>> -> memref<1x!tpu.dma_semaphore, #tpu.memory_space<semaphore_mem>>
    %dma_start3A_476 = tpu.memref_squeeze %dma_start3A_475 : memref<1x!tpu.dma_semaphore, #tpu.memory_space<semaphore_mem>> -> memref<!tpu.dma_semaphore, #tpu.memory_space<semaphore_mem>>
    %dma_start3A_477 = arith.constant 0 : i32
    %dma_start3A_478 = tpu.memref_slice %arg5[%arg0, %add3A_465, %dma_start3A_477] : memref<2x10240x64xf32, #tpu.memory_space<hbm>> -> memref<1x160x64xf32, #tpu.memory_space<hbm>>
    %dma_start3A_479 = tpu.memref_squeeze %dma_start3A_478 : memref<1x160x64xf32, #tpu.memory_space<hbm>> -> memref<160x64xf32, #tpu.memory_space<hbm>>
    %dma_start3A_480 = arith.constant 0 : i32
    %dma_start3A_481 = arith.constant 0 : i32
    %dma_start3A_482 = tpu.memref_slice %arg10[%dma_start3A_466, %dma_start3A_480, %dma_start3A_481] : memref<2x160x64xf32, #tpu.memory_space<vmem>> -> memref<1x160x64xf32, #tpu.memory_space<vmem>>
    %dma_start3A_483 = tpu.memref_squeeze %dma_start3A_482 : memref<1x160x64xf32, #tpu.memory_space<vmem>> -> memref<160x64xf32, #tpu.memory_space<vmem>>
    tpu.enqueue_dma source(%dma_start3A_483 : memref<160x64xf32, #tpu.memory_space<vmem>>) target(%dma_start3A_479 : memref<160x64xf32, #tpu.memory_space<hbm>>) target_semaphore(%dma_start3A_476 : memref<!tpu.dma_semaphore, #tpu.memory_space<semaphore_mem>>)
    %mul3A_484 = arith.constant 640 : i32
    %mul3A_485 = arith.muli %arg1, %mul3A_484 : i32
    %add3A_486 = arith.constant 160 : i32
    %add3A_487 = arith.addi %mul3A_485, %add3A_486 : i32
    %dma_wait3A_488 = arith.constant 1 : i32
    %dma_wait3A_489 = arith.constant 1 : i32
    %dma_wait3A_490 = arith.constant 0 : i32
    %dma_wait3A_491 = arith.constant 0 : i32
    %dma_wait3A_492 = tpu.memref_slice %arg10[%dma_wait3A_488, %dma_wait3A_490, %dma_wait3A_491] : memref<2x160x64xf32, #tpu.memory_space<vmem>> -> memref<1x160x64xf32, #tpu.memory_space<vmem>>
    %dma_wait3A_493 = tpu.memref_squeeze %dma_wait3A_492 : memref<1x160x64xf32, #tpu.memory_space<vmem>> -> memref<160x64xf32, #tpu.memory_space<vmem>>
    %dma_wait3A_494 = arith.constant 0 : i32
    %dma_wait3A_495 = tpu.memref_slice %arg5[%arg0, %add3A_487, %dma_wait3A_494] : memref<2x10240x64xf32, #tpu.memory_space<hbm>> -> memref<1x160x64xf32, #tpu.memory_space<hbm>>
    %dma_wait3A_496 = tpu.memref_squeeze %dma_wait3A_495 : memref<1x160x64xf32, #tpu.memory_space<hbm>> -> memref<160x64xf32, #tpu.memory_space<hbm>>
    %dma_wait3A_497 = tpu.memref_slice %arg14[%dma_wait3A_489] : memref<2x!tpu.dma_semaphore, #tpu.memory_space<semaphore_mem>> -> memref<1x!tpu.dma_semaphore, #tpu.memory_space<semaphore_mem>>
    %dma_wait3A_498 = tpu.memref_squeeze %dma_wait3A_497 : memref<1x!tpu.dma_semaphore, #tpu.memory_space<semaphore_mem>> -> memref<!tpu.dma_semaphore, #tpu.memory_space<semaphore_mem>>
    %dma_wait3A_499 = arith.constant 0 : i32
    %dma_wait3A_500 = tpu.memref_slice %arg5[%arg0, %add3A_487, %dma_wait3A_499] : memref<2x10240x64xf32, #tpu.memory_space<hbm>> -> memref<1x160x64xf32, #tpu.memory_space<hbm>>
    %dma_wait3A_501 = tpu.memref_squeeze %dma_wait3A_500 : memref<1x160x64xf32, #tpu.memory_space<hbm>> -> memref<160x64xf32, #tpu.memory_space<hbm>>
    %dma_wait3A_502 = arith.constant 0 : i32
    %dma_wait3A_503 = arith.constant 0 : i32
    %dma_wait3A_504 = tpu.memref_slice %arg10[%dma_wait3A_488, %dma_wait3A_502, %dma_wait3A_503] : memref<2x160x64xf32, #tpu.memory_space<vmem>> -> memref<1x160x64xf32, #tpu.memory_space<vmem>>
    %dma_wait3A_505 = tpu.memref_squeeze %dma_wait3A_504 : memref<1x160x64xf32, #tpu.memory_space<vmem>> -> memref<160x64xf32, #tpu.memory_space<vmem>>
    tpu.wait_dma2 semaphore(%dma_wait3A_498 : memref<!tpu.dma_semaphore, #tpu.memory_space<semaphore_mem>>) src(%dma_wait3A_505 : memref<160x64xf32, #tpu.memory_space<vmem>>) dst(%dma_wait3A_501 : memref<160x64xf32, #tpu.memory_space<hbm>>)
    %mul3A_506 = arith.constant 640 : i32
    %mul3A_507 = arith.muli %arg1, %mul3A_506 : i32
    %add3A_508 = arith.constant 480 : i32
    %add3A_509 = arith.addi %mul3A_507, %add3A_508 : i32
    %run_scoped3A_510 = arith.constant 1 : i32
    "tpu.region"() ({
      %run_scoped3A_577 = tpu.sem_alloc : memref<!tpu.dma_semaphore, #tpu.memory_space<semaphore_mem>>
      %dma_start3A_578 = arith.constant 0 : i32
      %dma_start3A_579 = arith.constant 0 : i32
      %dma_start3A_580 = tpu.memref_slice %arg10[%run_scoped3A_510, %dma_start3A_578, %dma_start3A_579] : memref<2x160x64xf32, #tpu.memory_space<vmem>> -> memref<1x160x64xf32, #tpu.memory_space<vmem>>
      %dma_start3A_581 = tpu.memref_squeeze %dma_start3A_580 : memref<1x160x64xf32, #tpu.memory_space<vmem>> -> memref<160x64xf32, #tpu.memory_space<vmem>>
      %dma_start3A_582 = arith.constant 0 : i32
      %dma_start3A_583 = tpu.memref_slice %arg11[%add3A_509, %dma_start3A_582] : memref<10240x64xf32, #tpu.memory_space<vmem_shared>> -> memref<160x64xf32, #tpu.memory_space<vmem_shared>>
      %dma_start3A_584 = arith.constant 0 : i32
      %dma_start3A_585 = arith.constant 0 : i32
      %dma_start3A_586 = tpu.memref_slice %arg10[%run_scoped3A_510, %dma_start3A_584, %dma_start3A_585] : memref<2x160x64xf32, #tpu.memory_space<vmem>> -> memref<1x160x64xf32, #tpu.memory_space<vmem>>
      %dma_start3A_587 = tpu.memref_squeeze %dma_start3A_586 : memref<1x160x64xf32, #tpu.memory_space<vmem>> -> memref<160x64xf32, #tpu.memory_space<vmem>>
      %dma_start3A_588 = arith.constant 0 : i32
      %dma_start3A_589 = tpu.memref_slice %arg11[%add3A_509, %dma_start3A_588] : memref<10240x64xf32, #tpu.memory_space<vmem_shared>> -> memref<160x64xf32, #tpu.memory_space<vmem_shared>>
      tpu.enqueue_dma source(%dma_start3A_589 : memref<160x64xf32, #tpu.memory_space<vmem_shared>>) target(%dma_start3A_587 : memref<160x64xf32, #tpu.memory_space<vmem>>) target_semaphore(%run_scoped3A_577 : memref<!tpu.dma_semaphore, #tpu.memory_space<semaphore_mem>>)
      %dma_wait3A_590 = arith.constant 0 : i32
      %dma_wait3A_591 = arith.constant 0 : i32
      %dma_wait3A_592 = tpu.memref_slice %arg10[%run_scoped3A_510, %dma_wait3A_590, %dma_wait3A_591] : memref<2x160x64xf32, #tpu.memory_space<vmem>> -> memref<1x160x64xf32, #tpu.memory_space<vmem>>
      %dma_wait3A_593 = tpu.memref_squeeze %dma_wait3A_592 : memref<1x160x64xf32, #tpu.memory_space<vmem>> -> memref<160x64xf32, #tpu.memory_space<vmem>>
      %dma_wait3A_594 = arith.constant 0 : i32
      %dma_wait3A_595 = tpu.memref_slice %arg11[%add3A_509, %dma_wait3A_594] : memref<10240x64xf32, #tpu.memory_space<vmem_shared>> -> memref<160x64xf32, #tpu.memory_space<vmem_shared>>
      %dma_wait3A_596 = arith.constant 0 : i32
      %dma_wait3A_597 = arith.constant 0 : i32
      %dma_wait3A_598 = tpu.memref_slice %arg10[%run_scoped3A_510, %dma_wait3A_596, %dma_wait3A_597] : memref<2x160x64xf32, #tpu.memory_space<vmem>> -> memref<1x160x64xf32, #tpu.memory_space<vmem>>
      %dma_wait3A_599 = tpu.memref_squeeze %dma_wait3A_598 : memref<1x160x64xf32, #tpu.memory_space<vmem>> -> memref<160x64xf32, #tpu.memory_space<vmem>>
      %dma_wait3A_600 = arith.constant 0 : i32
      %dma_wait3A_601 = tpu.memref_slice %arg11[%add3A_509, %dma_wait3A_600] : memref<10240x64xf32, #tpu.memory_space<vmem_shared>> -> memref<160x64xf32, #tpu.memory_space<vmem_shared>>
      tpu.wait_dma2 semaphore(%run_scoped3A_577 : memref<!tpu.dma_semaphore, #tpu.memory_space<semaphore_mem>>) src(%dma_wait3A_601 : memref<160x64xf32, #tpu.memory_space<vmem_shared>>) dst(%dma_wait3A_599 : memref<160x64xf32, #tpu.memory_space<vmem>>)
      tpu.yield
    }) : () -> ()
    %mul3A_511 = arith.constant 640 : i32
    %mul3A_512 = arith.muli %arg1, %mul3A_511 : i32
    %add3A_513 = arith.constant 480 : i32
    %add3A_514 = arith.addi %mul3A_512, %add3A_513 : i32
    %dma_start3A_515 = arith.constant 1 : i32
    %dma_start3A_516 = arith.constant 1 : i32
    %dma_start3A_517 = arith.constant 0 : i32
    %dma_start3A_518 = arith.constant 0 : i32
    %dma_start3A_519 = tpu.memref_slice %arg10[%dma_start3A_515, %dma_start3A_517, %dma_start3A_518] : memref<2x160x64xf32, #tpu.memory_space<vmem>> -> memref<1x160x64xf32, #tpu.memory_space<vmem>>
    %dma_start3A_520 = tpu.memref_squeeze %dma_start3A_519 : memref<1x160x64xf32, #tpu.memory_space<vmem>> -> memref<160x64xf32, #tpu.memory_space<vmem>>
    %dma_start3A_521 = arith.constant 0 : i32
    %dma_start3A_522 = tpu.memref_slice %arg5[%arg0, %add3A_514, %dma_start3A_521] : memref<2x10240x64xf32, #tpu.memory_space<hbm>> -> memref<1x160x64xf32, #tpu.memory_space<hbm>>
    %dma_start3A_523 = tpu.memref_squeeze %dma_start3A_522 : memref<1x160x64xf32, #tpu.memory_space<hbm>> -> memref<160x64xf32, #tpu.memory_space<hbm>>
    %dma_start3A_524 = tpu.memref_slice %arg14[%dma_start3A_516] : memref<2x!tpu.dma_semaphore, #tpu.memory_space<semaphore_mem>> -> memref<1x!tpu.dma_semaphore, #tpu.memory_space<semaphore_mem>>
    %dma_start3A_525 = tpu.memref_squeeze %dma_start3A_524 : memref<1x!tpu.dma_semaphore, #tpu.memory_space<semaphore_mem>> -> memref<!tpu.dma_semaphore, #tpu.memory_space<semaphore_mem>>
    %dma_start3A_526 = arith.constant 0 : i32
    %dma_start3A_527 = tpu.memref_slice %arg5[%arg0, %add3A_514, %dma_start3A_526] : memref<2x10240x64xf32, #tpu.memory_space<hbm>> -> memref<1x160x64xf32, #tpu.memory_space<hbm>>
    %dma_start3A_528 = tpu.memref_squeeze %dma_start3A_527 : memref<1x160x64xf32, #tpu.memory_space<hbm>> -> memref<160x64xf32, #tpu.memory_space<hbm>>
    %dma_start3A_529 = arith.constant 0 : i32
    %dma_start3A_530 = arith.constant 0 : i32
    %dma_start3A_531 = tpu.memref_slice %arg10[%dma_start3A_515, %dma_start3A_529, %dma_start3A_530] : memref<2x160x64xf32, #tpu.memory_space<vmem>> -> memref<1x160x64xf32, #tpu.memory_space<vmem>>
    %dma_start3A_532 = tpu.memref_squeeze %dma_start3A_531 : memref<1x160x64xf32, #tpu.memory_space<vmem>> -> memref<160x64xf32, #tpu.memory_space<vmem>>
    tpu.enqueue_dma source(%dma_start3A_532 : memref<160x64xf32, #tpu.memory_space<vmem>>) target(%dma_start3A_528 : memref<160x64xf32, #tpu.memory_space<hbm>>) target_semaphore(%dma_start3A_525 : memref<!tpu.dma_semaphore, #tpu.memory_space<semaphore_mem>>)
    %mul3A_533 = arith.constant 640 : i32
    %mul3A_534 = arith.muli %arg1, %mul3A_533 : i32
    %add3A_535 = arith.constant 320 : i32
    %add3A_536 = arith.addi %mul3A_534, %add3A_535 : i32
    %dma_wait3A_537 = arith.constant 0 : i32
    %dma_wait3A_538 = arith.constant 0 : i32
    %dma_wait3A_539 = arith.constant 0 : i32
    %dma_wait3A_540 = arith.constant 0 : i32
    %dma_wait3A_541 = tpu.memref_slice %arg10[%dma_wait3A_537, %dma_wait3A_539, %dma_wait3A_540] : memref<2x160x64xf32, #tpu.memory_space<vmem>> -> memref<1x160x64xf32, #tpu.memory_space<vmem>>
    %dma_wait3A_542 = tpu.memref_squeeze %dma_wait3A_541 : memref<1x160x64xf32, #tpu.memory_space<vmem>> -> memref<160x64xf32, #tpu.memory_space<vmem>>
    %dma_wait3A_543 = arith.constant 0 : i32
    %dma_wait3A_544 = tpu.memref_slice %arg5[%arg0, %add3A_536, %dma_wait3A_543] : memref<2x10240x64xf32, #tpu.memory_space<hbm>> -> memref<1x160x64xf32, #tpu.memory_space<hbm>>
    %dma_wait3A_545 = tpu.memref_squeeze %dma_wait3A_544 : memref<1x160x64xf32, #tpu.memory_space<hbm>> -> memref<160x64xf32, #tpu.memory_space<hbm>>
    %dma_wait3A_546 = tpu.memref_slice %arg14[%dma_wait3A_538] : memref<2x!tpu.dma_semaphore, #tpu.memory_space<semaphore_mem>> -> memref<1x!tpu.dma_semaphore, #tpu.memory_space<semaphore_mem>>
    %dma_wait3A_547 = tpu.memref_squeeze %dma_wait3A_546 : memref<1x!tpu.dma_semaphore, #tpu.memory_space<semaphore_mem>> -> memref<!tpu.dma_semaphore, #tpu.memory_space<semaphore_mem>>
    %dma_wait3A_548 = arith.constant 0 : i32
    %dma_wait3A_549 = tpu.memref_slice %arg5[%arg0, %add3A_536, %dma_wait3A_548] : memref<2x10240x64xf32, #tpu.memory_space<hbm>> -> memref<1x160x64xf32, #tpu.memory_space<hbm>>
    %dma_wait3A_550 = tpu.memref_squeeze %dma_wait3A_549 : memref<1x160x64xf32, #tpu.memory_space<hbm>> -> memref<160x64xf32, #tpu.memory_space<hbm>>
    %dma_wait3A_551 = arith.constant 0 : i32
    %dma_wait3A_552 = arith.constant 0 : i32
    %dma_wait3A_553 = tpu.memref_slice %arg10[%dma_wait3A_537, %dma_wait3A_551, %dma_wait3A_552] : memref<2x160x64xf32, #tpu.memory_space<vmem>> -> memref<1x160x64xf32, #tpu.memory_space<vmem>>
    %dma_wait3A_554 = tpu.memref_squeeze %dma_wait3A_553 : memref<1x160x64xf32, #tpu.memory_space<vmem>> -> memref<160x64xf32, #tpu.memory_space<vmem>>
    tpu.wait_dma2 semaphore(%dma_wait3A_547 : memref<!tpu.dma_semaphore, #tpu.memory_space<semaphore_mem>>) src(%dma_wait3A_554 : memref<160x64xf32, #tpu.memory_space<vmem>>) dst(%dma_wait3A_550 : memref<160x64xf32, #tpu.memory_space<hbm>>)
    %mul3A_555 = arith.constant 640 : i32
    %mul3A_556 = arith.muli %arg1, %mul3A_555 : i32
    %add3A_557 = arith.constant 480 : i32
    %add3A_558 = arith.addi %mul3A_556, %add3A_557 : i32
    %dma_wait3A_559 = arith.constant 1 : i32
    %dma_wait3A_560 = arith.constant 1 : i32
    %dma_wait3A_561 = arith.constant 0 : i32
    %dma_wait3A_562 = arith.constant 0 : i32
    %dma_wait3A_563 = tpu.memref_slice %arg10[%dma_wait3A_559, %dma_wait3A_561, %dma_wait3A_562] : memref<2x160x64xf32, #tpu.memory_space<vmem>> -> memref<1x160x64xf32, #tpu.memory_space<vmem>>
    %dma_wait3A_564 = tpu.memref_squeeze %dma_wait3A_563 : memref<1x160x64xf32, #tpu.memory_space<vmem>> -> memref<160x64xf32, #tpu.memory_space<vmem>>
    %dma_wait3A_565 = arith.constant 0 : i32
    %dma_wait3A_566 = tpu.memref_slice %arg5[%arg0, %add3A_558, %dma_wait3A_565] : memref<2x10240x64xf32, #tpu.memory_space<hbm>> -> memref<1x160x64xf32, #tpu.memory_space<hbm>>
    %dma_wait3A_567 = tpu.memref_squeeze %dma_wait3A_566 : memref<1x160x64xf32, #tpu.memory_space<hbm>> -> memref<160x64xf32, #tpu.memory_space<hbm>>
    %dma_wait3A_568 = tpu.memref_slice %arg14[%dma_wait3A_560] : memref<2x!tpu.dma_semaphore, #tpu.memory_space<semaphore_mem>> -> memref<1x!tpu.dma_semaphore, #tpu.memory_space<semaphore_mem>>
    %dma_wait3A_569 = tpu.memref_squeeze %dma_wait3A_568 : memref<1x!tpu.dma_semaphore, #tpu.memory_space<semaphore_mem>> -> memref<!tpu.dma_semaphore, #tpu.memory_space<semaphore_mem>>
    %dma_wait3A_570 = arith.constant 0 : i32
    %dma_wait3A_571 = tpu.memref_slice %arg5[%arg0, %add3A_558, %dma_wait3A_570] : memref<2x10240x64xf32, #tpu.memory_space<hbm>> -> memref<1x160x64xf32, #tpu.memory_space<hbm>>
    %dma_wait3A_572 = tpu.memref_squeeze %dma_wait3A_571 : memref<1x160x64xf32, #tpu.memory_space<hbm>> -> memref<160x64xf32, #tpu.memory_space<hbm>>
    %dma_wait3A_573 = arith.constant 0 : i32
    %dma_wait3A_574 = arith.constant 0 : i32
    %dma_wait3A_575 = tpu.memref_slice %arg10[%dma_wait3A_559, %dma_wait3A_573, %dma_wait3A_574] : memref<2x160x64xf32, #tpu.memory_space<vmem>> -> memref<1x160x64xf32, #tpu.memory_space<vmem>>
    %dma_wait3A_576 = tpu.memref_squeeze %dma_wait3A_575 : memref<1x160x64xf32, #tpu.memory_space<vmem>> -> memref<160x64xf32, #tpu.memory_space<vmem>>
    tpu.wait_dma2 semaphore(%dma_wait3A_569 : memref<!tpu.dma_semaphore, #tpu.memory_space<semaphore_mem>>) src(%dma_wait3A_576 : memref<160x64xf32, #tpu.memory_space<vmem>>) dst(%dma_wait3A_572 : memref<160x64xf32, #tpu.memory_space<hbm>>)
    return
  }
}

#map = affine_map<(d0, d1) -> (0, 0)>
#map1 = affine_map<(d0, d1) -> (0, 0, 0)>
module attributes {stable_mosaic.version = 14 : i64} {
  func.func @_msg_body(%arg0: i32, %arg1: i32, %arg2: memref<10000x64xf32, #tpu.memory_space<hbm>>, %arg3: memref<32x100x100xi32, #tpu.memory_space<hbm>>, %arg4: memref<32x100x100xi32, #tpu.memory_space<hbm>>, %arg5: memref<2x10240x64xf32, #tpu.memory_space<hbm>>, %arg6: memref<100x100xi32, #tpu.memory_space<vmem>>, %arg7: memref<100x100xi32, #tpu.memory_space<vmem>>, %arg8: memref<5x100x64xf32, #tpu.memory_space<vmem>>, %arg9: memref<64x64xf32, #tpu.memory_space<vmem>>, %arg10: memref<2x160x64xf32, #tpu.memory_space<vmem>>, %arg11: memref<10240x64xf32, #tpu.memory_space<vmem_shared>>, %arg12: memref<5x!tpu.dma_semaphore, #tpu.memory_space<semaphore_mem>>, %arg13: memref<5x!tpu.dma_semaphore, #tpu.memory_space<semaphore_mem>>, %arg14: memref<2x!tpu.dma_semaphore, #tpu.memory_space<semaphore_mem>>) attributes {dimension_semantics = [#tpu.dimension_semantics<core_parallel>, #tpu.dimension_semantics<subcore_parallel>], iteration_bounds = array<i64: 2, 16>, scalar_prefetch = 0 : i64, scratch_operands = 9 : i64, tpu.core_type = #tpu.core_type<sc_vector_subcore>, window_params = [{transform_indices = #map}, {transform_indices = #map1}, {transform_indices = #map1}, {transform_indices = #map1}]} {
    %mul3A = arith.constant 16 : i32
    %mul3A_0 = arith.muli %arg0, %mul3A : i32
    %add3A = arith.addi %mul3A_0, %arg1 : i32
    %broadcast_in_dim3A = arith.constant 0.000000e+00 : f32
    %broadcast_in_dim3A_1 = vector.broadcast %broadcast_in_dim3A : f32 to vector<16xf32>
    %scan3A = arith.constant 0 : i32
    %scan3A_2 = arith.constant 0 : i32
    %scan3A_3 = arith.constant 64 : i32
    %scan3A_4 = arith.addi %scan3A_2, %scan3A_3 : i32
    %scan3A_5 = arith.constant 1 : i32
    scf.for %scan3A_577 = %scan3A_2 to %scan3A_4 step %scan3A_5  : i32 {
      %swap3A = arith.index_cast %scan3A_577 : i32 to index
      %swap3A_578 = arith.constant 0 : index
      %swap3A_579 = tpu.vector_load %arg9[%swap3A, %swap3A_578] {strides = array<i32>} : memref<64x64xf32, #tpu.memory_space<vmem>>, vector<1x16xf32>,
      %swap3A_580 = vector.shape_cast %swap3A_579 : vector<1x16xf32> to vector<16xf32>
      %swap3A_581 = vector.shape_cast %broadcast_in_dim3A_1 : vector<16xf32> to vector<1x16xf32>
      tpu.vector_store %arg9[%swap3A, %swap3A_578], %swap3A_581 {strides = array<i32>} : memref<64x64xf32, #tpu.memory_space<vmem>>, vector<1x16xf32>,
      %swap3A_582 = arith.index_cast %scan3A_577 : i32 to index
      %swap3A_583 = arith.constant 16 : index
      %swap3A_584 = tpu.vector_load %arg9[%swap3A_582, %swap3A_583] {strides = array<i32>} : memref<64x64xf32, #tpu.memory_space<vmem>>, vector<1x16xf32>,
      %swap3A_585 = vector.shape_cast %swap3A_584 : vector<1x16xf32> to vector<16xf32>
      %swap3A_586 = vector.shape_cast %broadcast_in_dim3A_1 : vector<16xf32> to vector<1x16xf32>
      tpu.vector_store %arg9[%swap3A_582, %swap3A_583], %swap3A_586 {strides = array<i32>} : memref<64x64xf32, #tpu.memory_space<vmem>>, vector<1x16xf32>,
      %swap3A_587 = arith.index_cast %scan3A_577 : i32 to index
      %swap3A_588 = arith.constant 32 : index
      %swap3A_589 = tpu.vector_load %arg9[%swap3A_587, %swap3A_588] {strides = array<i32>} : memref<64x64xf32, #tpu.memory_space<vmem>>, vector<1x16xf32>,
      %swap3A_590 = vector.shape_cast %swap3A_589 : vector<1x16xf32> to vector<16xf32>
      %swap3A_591 = vector.shape_cast %broadcast_in_dim3A_1 : vector<16xf32> to vector<1x16xf32>
      tpu.vector_store %arg9[%swap3A_587, %swap3A_588], %swap3A_591 {strides = array<i32>} : memref<64x64xf32, #tpu.memory_space<vmem>>, vector<1x16xf32>,
      %swap3A_592 = arith.index_cast %scan3A_577 : i32 to index
      %swap3A_593 = arith.constant 48 : index
      %swap3A_594 = tpu.vector_load %arg9[%swap3A_592, %swap3A_593] {strides = array<i32>} : memref<64x64xf32, #tpu.memory_space<vmem>>, vector<1x16xf32>,
      %swap3A_595 = vector.shape_cast %swap3A_594 : vector<1x16xf32> to vector<16xf32>
      %swap3A_596 = vector.shape_cast %broadcast_in_dim3A_1 : vector<16xf32> to vector<1x16xf32>
      tpu.vector_store %arg9[%swap3A_592, %swap3A_593], %swap3A_596 {strides = array<i32>} : memref<64x64xf32, #tpu.memory_space<vmem>>, vector<1x16xf32>,
    }
    %scan3A_6 = arith.constant 64 : i32
    %mul3A_7 = arith.constant 640 : i32
    %mul3A_8 = arith.muli %arg1, %mul3A_7 : i32
    %add3A_9 = arith.constant 0 : i32
    %add3A_10 = arith.addi %mul3A_8, %add3A_9 : i32
    %dma_start3A = arith.constant 0 : i32
    %dma_start3A_11 = arith.constant 0 : i32
    %dma_start3A_12 = tpu.memref_slice %arg11[%add3A_10, %dma_start3A_11] : memref<10240x64xf32, #tpu.memory_space<vmem_shared>> -> memref<64x64xf32, #tpu.memory_space<vmem_shared>>
    %dma_start3A_13 = tpu.memref_slice %arg14[%dma_start3A] : memref<2x!tpu.dma_semaphore, #tpu.memory_space<semaphore_mem>> -> memref<1x!tpu.dma_semaphore, #tpu.memory_space<semaphore_mem>>
    %dma_start3A_14 = tpu.memref_squeeze %dma_start3A_13 : memref<1x!tpu.dma_semaphore, #tpu.memory_space<semaphore_mem>> -> memref<!tpu.dma_semaphore, #tpu.memory_space<semaphore_mem>>
    %dma_start3A_15 = arith.constant 0 : i32
    %dma_start3A_16 = tpu.memref_slice %arg11[%add3A_10, %dma_start3A_15] : memref<10240x64xf32, #tpu.memory_space<vmem_shared>> -> memref<64x64xf32, #tpu.memory_space<vmem_shared>>
    tpu.enqueue_dma source(%arg9 : memref<64x64xf32, #tpu.memory_space<vmem>>) target(%dma_start3A_16 : memref<64x64xf32, #tpu.memory_space<vmem_shared>>) target_semaphore(%dma_start3A_14 : memref<!tpu.dma_semaphore, #tpu.memory_space<semaphore_mem>>)
    %mul3A_17 = arith.constant 640 : i32
    %mul3A_18 = arith.muli %arg1, %mul3A_17 : i32
    %add3A_19 = arith.constant 64 : i32
    %add3A_20 = arith.addi %mul3A_18, %add3A_19 : i32
    %dma_start3A_21 = arith.constant 1 : i32
    %dma_start3A_22 = arith.constant 0 : i32
    %dma_start3A_23 = tpu.memref_slice %arg11[%add3A_20, %dma_start3A_22] : memref<10240x64xf32, #tpu.memory_space<vmem_shared>> -> memref<64x64xf32, #tpu.memory_space<vmem_shared>>
    %dma_start3A_24 = tpu.memref_slice %arg14[%dma_start3A_21] : memref<2x!tpu.dma_semaphore, #tpu.memory_space<semaphore_mem>> -> memref<1x!tpu.dma_semaphore, #tpu.memory_space<semaphore_mem>>
    %dma_start3A_25 = tpu.memref_squeeze %dma_start3A_24 : memref<1x!tpu.dma_semaphore, #tpu.memory_space<semaphore_mem>> -> memref<!tpu.dma_semaphore, #tpu.memory_space<semaphore_mem>>
    %dma_start3A_26 = arith.constant 0 : i32
    %dma_start3A_27 = tpu.memref_slice %arg11[%add3A_20, %dma_start3A_26] : memref<10240x64xf32, #tpu.memory_space<vmem_shared>> -> memref<64x64xf32, #tpu.memory_space<vmem_shared>>
    tpu.enqueue_dma source(%arg9 : memref<64x64xf32, #tpu.memory_space<vmem>>) target(%dma_start3A_27 : memref<64x64xf32, #tpu.memory_space<vmem_shared>>) target_semaphore(%dma_start3A_25 : memref<!tpu.dma_semaphore, #tpu.memory_space<semaphore_mem>>)
    %mul3A_28 = arith.constant 640 : i32
    %mul3A_29 = arith.muli %arg1, %mul3A_28 : i32
    %add3A_30 = arith.constant 128 : i32
    %add3A_31 = arith.addi %mul3A_29, %add3A_30 : i32
    %dma_start3A_32 = arith.constant 0 : i32
    %dma_start3A_33 = arith.constant 0 : i32
    %dma_start3A_34 = tpu.memref_slice %arg11[%add3A_31, %dma_start3A_33] : memref<10240x64xf32, #tpu.memory_space<vmem_shared>> -> memref<64x64xf32, #tpu.memory_space<vmem_shared>>
    %dma_start3A_35 = tpu.memref_slice %arg14[%dma_start3A_32] : memref<2x!tpu.dma_semaphore, #tpu.memory_space<semaphore_mem>> -> memref<1x!tpu.dma_semaphore, #tpu.memory_space<semaphore_mem>>
    %dma_start3A_36 = tpu.memref_squeeze %dma_start3A_35 : memref<1x!tpu.dma_semaphore, #tpu.memory_space<semaphore_mem>> -> memref<!tpu.dma_semaphore, #tpu.memory_space<semaphore_mem>>
    %dma_start3A_37 = arith.constant 0 : i32
    %dma_start3A_38 = tpu.memref_slice %arg11[%add3A_31, %dma_start3A_37] : memref<10240x64xf32, #tpu.memory_space<vmem_shared>> -> memref<64x64xf32, #tpu.memory_space<vmem_shared>>
    tpu.enqueue_dma source(%arg9 : memref<64x64xf32, #tpu.memory_space<vmem>>) target(%dma_start3A_38 : memref<64x64xf32, #tpu.memory_space<vmem_shared>>) target_semaphore(%dma_start3A_36 : memref<!tpu.dma_semaphore, #tpu.memory_space<semaphore_mem>>)
    %mul3A_39 = arith.constant 640 : i32
    %mul3A_40 = arith.muli %arg1, %mul3A_39 : i32
    %add3A_41 = arith.constant 192 : i32
    %add3A_42 = arith.addi %mul3A_40, %add3A_41 : i32
    %dma_start3A_43 = arith.constant 1 : i32
    %dma_start3A_44 = arith.constant 0 : i32
    %dma_start3A_45 = tpu.memref_slice %arg11[%add3A_42, %dma_start3A_44] : memref<10240x64xf32, #tpu.memory_space<vmem_shared>> -> memref<64x64xf32, #tpu.memory_space<vmem_shared>>
    %dma_start3A_46 = tpu.memref_slice %arg14[%dma_start3A_43] : memref<2x!tpu.dma_semaphore, #tpu.memory_space<semaphore_mem>> -> memref<1x!tpu.dma_semaphore, #tpu.memory_space<semaphore_mem>>
    %dma_start3A_47 = tpu.memref_squeeze %dma_start3A_46 : memref<1x!tpu.dma_semaphore, #tpu.memory_space<semaphore_mem>> -> memref<!tpu.dma_semaphore, #tpu.memory_space<semaphore_mem>>
    %dma_start3A_48 = arith.constant 0 : i32
    %dma_start3A_49 = tpu.memref_slice %arg11[%add3A_42, %dma_start3A_48] : memref<10240x64xf32, #tpu.memory_space<vmem_shared>> -> memref<64x64xf32, #tpu.memory_space<vmem_shared>>
    tpu.enqueue_dma source(%arg9 : memref<64x64xf32, #tpu.memory_space<vmem>>) target(%dma_start3A_49 : memref<64x64xf32, #tpu.memory_space<vmem_shared>>) target_semaphore(%dma_start3A_47 : memref<!tpu.dma_semaphore, #tpu.memory_space<semaphore_mem>>)
    %mul3A_50 = arith.constant 640 : i32
    %mul3A_51 = arith.muli %arg1, %mul3A_50 : i32
    %add3A_52 = arith.constant 256 : i32
    %add3A_53 = arith.addi %mul3A_51, %add3A_52 : i32
    %dma_start3A_54 = arith.constant 0 : i32
    %dma_start3A_55 = arith.constant 0 : i32
    %dma_start3A_56 = tpu.memref_slice %arg11[%add3A_53, %dma_start3A_55] : memref<10240x64xf32, #tpu.memory_space<vmem_shared>> -> memref<64x64xf32, #tpu.memory_space<vmem_shared>>
    %dma_start3A_57 = tpu.memref_slice %arg14[%dma_start3A_54] : memref<2x!tpu.dma_semaphore, #tpu.memory_space<semaphore_mem>> -> memref<1x!tpu.dma_semaphore, #tpu.memory_space<semaphore_mem>>
    %dma_start3A_58 = tpu.memref_squeeze %dma_start3A_57 : memref<1x!tpu.dma_semaphore, #tpu.memory_space<semaphore_mem>> -> memref<!tpu.dma_semaphore, #tpu.memory_space<semaphore_mem>>
    %dma_start3A_59 = arith.constant 0 : i32
    %dma_start3A_60 = tpu.memref_slice %arg11[%add3A_53, %dma_start3A_59] : memref<10240x64xf32, #tpu.memory_space<vmem_shared>> -> memref<64x64xf32, #tpu.memory_space<vmem_shared>>
    tpu.enqueue_dma source(%arg9 : memref<64x64xf32, #tpu.memory_space<vmem>>) target(%dma_start3A_60 : memref<64x64xf32, #tpu.memory_space<vmem_shared>>) target_semaphore(%dma_start3A_58 : memref<!tpu.dma_semaphore, #tpu.memory_space<semaphore_mem>>)
    %mul3A_61 = arith.constant 640 : i32
    %mul3A_62 = arith.muli %arg1, %mul3A_61 : i32
    %add3A_63 = arith.constant 320 : i32
    %add3A_64 = arith.addi %mul3A_62, %add3A_63 : i32
    %dma_start3A_65 = arith.constant 1 : i32
    %dma_start3A_66 = arith.constant 0 : i32
    %dma_start3A_67 = tpu.memref_slice %arg11[%add3A_64, %dma_start3A_66] : memref<10240x64xf32, #tpu.memory_space<vmem_shared>> -> memref<64x64xf32, #tpu.memory_space<vmem_shared>>
    %dma_start3A_68 = tpu.memref_slice %arg14[%dma_start3A_65] : memref<2x!tpu.dma_semaphore, #tpu.memory_space<semaphore_mem>> -> memref<1x!tpu.dma_semaphore, #tpu.memory_space<semaphore_mem>>
    %dma_start3A_69 = tpu.memref_squeeze %dma_start3A_68 : memref<1x!tpu.dma_semaphore, #tpu.memory_space<semaphore_mem>> -> memref<!tpu.dma_semaphore, #tpu.memory_space<semaphore_mem>>
    %dma_start3A_70 = arith.constant 0 : i32
    %dma_start3A_71 = tpu.memref_slice %arg11[%add3A_64, %dma_start3A_70] : memref<10240x64xf32, #tpu.memory_space<vmem_shared>> -> memref<64x64xf32, #tpu.memory_space<vmem_shared>>
    tpu.enqueue_dma source(%arg9 : memref<64x64xf32, #tpu.memory_space<vmem>>) target(%dma_start3A_71 : memref<64x64xf32, #tpu.memory_space<vmem_shared>>) target_semaphore(%dma_start3A_69 : memref<!tpu.dma_semaphore, #tpu.memory_space<semaphore_mem>>)
    %mul3A_72 = arith.constant 640 : i32
    %mul3A_73 = arith.muli %arg1, %mul3A_72 : i32
    %add3A_74 = arith.constant 384 : i32
    %add3A_75 = arith.addi %mul3A_73, %add3A_74 : i32
    %dma_start3A_76 = arith.constant 0 : i32
    %dma_start3A_77 = arith.constant 0 : i32
    %dma_start3A_78 = tpu.memref_slice %arg11[%add3A_75, %dma_start3A_77] : memref<10240x64xf32, #tpu.memory_space<vmem_shared>> -> memref<64x64xf32, #tpu.memory_space<vmem_shared>>
    %dma_start3A_79 = tpu.memref_slice %arg14[%dma_start3A_76] : memref<2x!tpu.dma_semaphore, #tpu.memory_space<semaphore_mem>> -> memref<1x!tpu.dma_semaphore, #tpu.memory_space<semaphore_mem>>
    %dma_start3A_80 = tpu.memref_squeeze %dma_start3A_79 : memref<1x!tpu.dma_semaphore, #tpu.memory_space<semaphore_mem>> -> memref<!tpu.dma_semaphore, #tpu.memory_space<semaphore_mem>>
    %dma_start3A_81 = arith.constant 0 : i32
    %dma_start3A_82 = tpu.memref_slice %arg11[%add3A_75, %dma_start3A_81] : memref<10240x64xf32, #tpu.memory_space<vmem_shared>> -> memref<64x64xf32, #tpu.memory_space<vmem_shared>>
    tpu.enqueue_dma source(%arg9 : memref<64x64xf32, #tpu.memory_space<vmem>>) target(%dma_start3A_82 : memref<64x64xf32, #tpu.memory_space<vmem_shared>>) target_semaphore(%dma_start3A_80 : memref<!tpu.dma_semaphore, #tpu.memory_space<semaphore_mem>>)
    %mul3A_83 = arith.constant 640 : i32
    %mul3A_84 = arith.muli %arg1, %mul3A_83 : i32
    %add3A_85 = arith.constant 448 : i32
    %add3A_86 = arith.addi %mul3A_84, %add3A_85 : i32
    %dma_start3A_87 = arith.constant 1 : i32
    %dma_start3A_88 = arith.constant 0 : i32
    %dma_start3A_89 = tpu.memref_slice %arg11[%add3A_86, %dma_start3A_88] : memref<10240x64xf32, #tpu.memory_space<vmem_shared>> -> memref<64x64xf32, #tpu.memory_space<vmem_shared>>
    %dma_start3A_90 = tpu.memref_slice %arg14[%dma_start3A_87] : memref<2x!tpu.dma_semaphore, #tpu.memory_space<semaphore_mem>> -> memref<1x!tpu.dma_semaphore, #tpu.memory_space<semaphore_mem>>
    %dma_start3A_91 = tpu.memref_squeeze %dma_start3A_90 : memref<1x!tpu.dma_semaphore, #tpu.memory_space<semaphore_mem>> -> memref<!tpu.dma_semaphore, #tpu.memory_space<semaphore_mem>>
    %dma_start3A_92 = arith.constant 0 : i32
    %dma_start3A_93 = tpu.memref_slice %arg11[%add3A_86, %dma_start3A_92] : memref<10240x64xf32, #tpu.memory_space<vmem_shared>> -> memref<64x64xf32, #tpu.memory_space<vmem_shared>>
    tpu.enqueue_dma source(%arg9 : memref<64x64xf32, #tpu.memory_space<vmem>>) target(%dma_start3A_93 : memref<64x64xf32, #tpu.memory_space<vmem_shared>>) target_semaphore(%dma_start3A_91 : memref<!tpu.dma_semaphore, #tpu.memory_space<semaphore_mem>>)
    %mul3A_94 = arith.constant 640 : i32
    %mul3A_95 = arith.muli %arg1, %mul3A_94 : i32
    %add3A_96 = arith.constant 512 : i32
    %add3A_97 = arith.addi %mul3A_95, %add3A_96 : i32
    %dma_start3A_98 = arith.constant 0 : i32
    %dma_start3A_99 = arith.constant 0 : i32
    %dma_start3A_100 = tpu.memref_slice %arg11[%add3A_97, %dma_start3A_99] : memref<10240x64xf32, #tpu.memory_space<vmem_shared>> -> memref<64x64xf32, #tpu.memory_space<vmem_shared>>
    %dma_start3A_101 = tpu.memref_slice %arg14[%dma_start3A_98] : memref<2x!tpu.dma_semaphore, #tpu.memory_space<semaphore_mem>> -> memref<1x!tpu.dma_semaphore, #tpu.memory_space<semaphore_mem>>
    %dma_start3A_102 = tpu.memref_squeeze %dma_start3A_101 : memref<1x!tpu.dma_semaphore, #tpu.memory_space<semaphore_mem>> -> memref<!tpu.dma_semaphore, #tpu.memory_space<semaphore_mem>>
    %dma_start3A_103 = arith.constant 0 : i32
    %dma_start3A_104 = tpu.memref_slice %arg11[%add3A_97, %dma_start3A_103] : memref<10240x64xf32, #tpu.memory_space<vmem_shared>> -> memref<64x64xf32, #tpu.memory_space<vmem_shared>>
    tpu.enqueue_dma source(%arg9 : memref<64x64xf32, #tpu.memory_space<vmem>>) target(%dma_start3A_104 : memref<64x64xf32, #tpu.memory_space<vmem_shared>>) target_semaphore(%dma_start3A_102 : memref<!tpu.dma_semaphore, #tpu.memory_space<semaphore_mem>>)
    %mul3A_105 = arith.constant 640 : i32
    %mul3A_106 = arith.muli %arg1, %mul3A_105 : i32
    %add3A_107 = arith.constant 576 : i32
    %add3A_108 = arith.addi %mul3A_106, %add3A_107 : i32
    %dma_start3A_109 = arith.constant 1 : i32
    %dma_start3A_110 = arith.constant 0 : i32
    %dma_start3A_111 = tpu.memref_slice %arg11[%add3A_108, %dma_start3A_110] : memref<10240x64xf32, #tpu.memory_space<vmem_shared>> -> memref<64x64xf32, #tpu.memory_space<vmem_shared>>
    %dma_start3A_112 = tpu.memref_slice %arg14[%dma_start3A_109] : memref<2x!tpu.dma_semaphore, #tpu.memory_space<semaphore_mem>> -> memref<1x!tpu.dma_semaphore, #tpu.memory_space<semaphore_mem>>
    %dma_start3A_113 = tpu.memref_squeeze %dma_start3A_112 : memref<1x!tpu.dma_semaphore, #tpu.memory_space<semaphore_mem>> -> memref<!tpu.dma_semaphore, #tpu.memory_space<semaphore_mem>>
    %dma_start3A_114 = arith.constant 0 : i32
    %dma_start3A_115 = tpu.memref_slice %arg11[%add3A_108, %dma_start3A_114] : memref<10240x64xf32, #tpu.memory_space<vmem_shared>> -> memref<64x64xf32, #tpu.memory_space<vmem_shared>>
    tpu.enqueue_dma source(%arg9 : memref<64x64xf32, #tpu.memory_space<vmem>>) target(%dma_start3A_115 : memref<64x64xf32, #tpu.memory_space<vmem_shared>>) target_semaphore(%dma_start3A_113 : memref<!tpu.dma_semaphore, #tpu.memory_space<semaphore_mem>>)
    %mul3A_116 = arith.constant 640 : i32
    %mul3A_117 = arith.muli %arg1, %mul3A_116 : i32
    %add3A_118 = arith.constant 0 : i32
    %add3A_119 = arith.addi %mul3A_117, %add3A_118 : i32
    %dma_wait3A = arith.constant 0 : i32
    %dma_wait3A_120 = arith.constant 0 : i32
    %dma_wait3A_121 = tpu.memref_slice %arg11[%add3A_119, %dma_wait3A_120] : memref<10240x64xf32, #tpu.memory_space<vmem_shared>> -> memref<64x64xf32, #tpu.memory_space<vmem_shared>>
    %dma_wait3A_122 = tpu.memref_slice %arg14[%dma_wait3A] : memref<2x!tpu.dma_semaphore, #tpu.memory_space<semaphore_mem>> -> memref<1x!tpu.dma_semaphore, #tpu.memory_space<semaphore_mem>>
    %dma_wait3A_123 = tpu.memref_squeeze %dma_wait3A_122 : memref<1x!tpu.dma_semaphore, #tpu.memory_space<semaphore_mem>> -> memref<!tpu.dma_semaphore, #tpu.memory_space<semaphore_mem>>
    %dma_wait3A_124 = arith.constant 0 : i32
    %dma_wait3A_125 = tpu.memref_slice %arg11[%add3A_119, %dma_wait3A_124] : memref<10240x64xf32, #tpu.memory_space<vmem_shared>> -> memref<64x64xf32, #tpu.memory_space<vmem_shared>>
    tpu.wait_dma2 semaphore(%dma_wait3A_123 : memref<!tpu.dma_semaphore, #tpu.memory_space<semaphore_mem>>) src(%arg9 : memref<64x64xf32, #tpu.memory_space<vmem>>) dst(%dma_wait3A_125 : memref<64x64xf32, #tpu.memory_space<vmem_shared>>)
    %mul3A_126 = arith.constant 640 : i32
    %mul3A_127 = arith.muli %arg1, %mul3A_126 : i32
    %add3A_128 = arith.constant 64 : i32
    %add3A_129 = arith.addi %mul3A_127, %add3A_128 : i32
    %dma_wait3A_130 = arith.constant 1 : i32
    %dma_wait3A_131 = arith.constant 0 : i32
    %dma_wait3A_132 = tpu.memref_slice %arg11[%add3A_129, %dma_wait3A_131] : memref<10240x64xf32, #tpu.memory_space<vmem_shared>> -> memref<64x64xf32, #tpu.memory_space<vmem_shared>>
    %dma_wait3A_133 = tpu.memref_slice %arg14[%dma_wait3A_130] : memref<2x!tpu.dma_semaphore, #tpu.memory_space<semaphore_mem>> -> memref<1x!tpu.dma_semaphore, #tpu.memory_space<semaphore_mem>>
    %dma_wait3A_134 = tpu.memref_squeeze %dma_wait3A_133 : memref<1x!tpu.dma_semaphore, #tpu.memory_space<semaphore_mem>> -> memref<!tpu.dma_semaphore, #tpu.memory_space<semaphore_mem>>
    %dma_wait3A_135 = arith.constant 0 : i32
    %dma_wait3A_136 = tpu.memref_slice %arg11[%add3A_129, %dma_wait3A_135] : memref<10240x64xf32, #tpu.memory_space<vmem_shared>> -> memref<64x64xf32, #tpu.memory_space<vmem_shared>>
    tpu.wait_dma2 semaphore(%dma_wait3A_134 : memref<!tpu.dma_semaphore, #tpu.memory_space<semaphore_mem>>) src(%arg9 : memref<64x64xf32, #tpu.memory_space<vmem>>) dst(%dma_wait3A_136 : memref<64x64xf32, #tpu.memory_space<vmem_shared>>)
    %mul3A_137 = arith.constant 640 : i32
    %mul3A_138 = arith.muli %arg1, %mul3A_137 : i32
    %add3A_139 = arith.constant 128 : i32
    %add3A_140 = arith.addi %mul3A_138, %add3A_139 : i32
    %dma_wait3A_141 = arith.constant 0 : i32
    %dma_wait3A_142 = arith.constant 0 : i32
    %dma_wait3A_143 = tpu.memref_slice %arg11[%add3A_140, %dma_wait3A_142] : memref<10240x64xf32, #tpu.memory_space<vmem_shared>> -> memref<64x64xf32, #tpu.memory_space<vmem_shared>>
    %dma_wait3A_144 = tpu.memref_slice %arg14[%dma_wait3A_141] : memref<2x!tpu.dma_semaphore, #tpu.memory_space<semaphore_mem>> -> memref<1x!tpu.dma_semaphore, #tpu.memory_space<semaphore_mem>>
    %dma_wait3A_145 = tpu.memref_squeeze %dma_wait3A_144 : memref<1x!tpu.dma_semaphore, #tpu.memory_space<semaphore_mem>> -> memref<!tpu.dma_semaphore, #tpu.memory_space<semaphore_mem>>
    %dma_wait3A_146 = arith.constant 0 : i32
    %dma_wait3A_147 = tpu.memref_slice %arg11[%add3A_140, %dma_wait3A_146] : memref<10240x64xf32, #tpu.memory_space<vmem_shared>> -> memref<64x64xf32, #tpu.memory_space<vmem_shared>>
    tpu.wait_dma2 semaphore(%dma_wait3A_145 : memref<!tpu.dma_semaphore, #tpu.memory_space<semaphore_mem>>) src(%arg9 : memref<64x64xf32, #tpu.memory_space<vmem>>) dst(%dma_wait3A_147 : memref<64x64xf32, #tpu.memory_space<vmem_shared>>)
    %mul3A_148 = arith.constant 640 : i32
    %mul3A_149 = arith.muli %arg1, %mul3A_148 : i32
    %add3A_150 = arith.constant 192 : i32
    %add3A_151 = arith.addi %mul3A_149, %add3A_150 : i32
    %dma_wait3A_152 = arith.constant 1 : i32
    %dma_wait3A_153 = arith.constant 0 : i32
    %dma_wait3A_154 = tpu.memref_slice %arg11[%add3A_151, %dma_wait3A_153] : memref<10240x64xf32, #tpu.memory_space<vmem_shared>> -> memref<64x64xf32, #tpu.memory_space<vmem_shared>>
    %dma_wait3A_155 = tpu.memref_slice %arg14[%dma_wait3A_152] : memref<2x!tpu.dma_semaphore, #tpu.memory_space<semaphore_mem>> -> memref<1x!tpu.dma_semaphore, #tpu.memory_space<semaphore_mem>>
    %dma_wait3A_156 = tpu.memref_squeeze %dma_wait3A_155 : memref<1x!tpu.dma_semaphore, #tpu.memory_space<semaphore_mem>> -> memref<!tpu.dma_semaphore, #tpu.memory_space<semaphore_mem>>
    %dma_wait3A_157 = arith.constant 0 : i32
    %dma_wait3A_158 = tpu.memref_slice %arg11[%add3A_151, %dma_wait3A_157] : memref<10240x64xf32, #tpu.memory_space<vmem_shared>> -> memref<64x64xf32, #tpu.memory_space<vmem_shared>>
    tpu.wait_dma2 semaphore(%dma_wait3A_156 : memref<!tpu.dma_semaphore, #tpu.memory_space<semaphore_mem>>) src(%arg9 : memref<64x64xf32, #tpu.memory_space<vmem>>) dst(%dma_wait3A_158 : memref<64x64xf32, #tpu.memory_space<vmem_shared>>)
    %mul3A_159 = arith.constant 640 : i32
    %mul3A_160 = arith.muli %arg1, %mul3A_159 : i32
    %add3A_161 = arith.constant 256 : i32
    %add3A_162 = arith.addi %mul3A_160, %add3A_161 : i32
    %dma_wait3A_163 = arith.constant 0 : i32
    %dma_wait3A_164 = arith.constant 0 : i32
    %dma_wait3A_165 = tpu.memref_slice %arg11[%add3A_162, %dma_wait3A_164] : memref<10240x64xf32, #tpu.memory_space<vmem_shared>> -> memref<64x64xf32, #tpu.memory_space<vmem_shared>>
    %dma_wait3A_166 = tpu.memref_slice %arg14[%dma_wait3A_163] : memref<2x!tpu.dma_semaphore, #tpu.memory_space<semaphore_mem>> -> memref<1x!tpu.dma_semaphore, #tpu.memory_space<semaphore_mem>>
    %dma_wait3A_167 = tpu.memref_squeeze %dma_wait3A_166 : memref<1x!tpu.dma_semaphore, #tpu.memory_space<semaphore_mem>> -> memref<!tpu.dma_semaphore, #tpu.memory_space<semaphore_mem>>
    %dma_wait3A_168 = arith.constant 0 : i32
    %dma_wait3A_169 = tpu.memref_slice %arg11[%add3A_162, %dma_wait3A_168] : memref<10240x64xf32, #tpu.memory_space<vmem_shared>> -> memref<64x64xf32, #tpu.memory_space<vmem_shared>>
    tpu.wait_dma2 semaphore(%dma_wait3A_167 : memref<!tpu.dma_semaphore, #tpu.memory_space<semaphore_mem>>) src(%arg9 : memref<64x64xf32, #tpu.memory_space<vmem>>) dst(%dma_wait3A_169 : memref<64x64xf32, #tpu.memory_space<vmem_shared>>)
    %mul3A_170 = arith.constant 640 : i32
    %mul3A_171 = arith.muli %arg1, %mul3A_170 : i32
    %add3A_172 = arith.constant 320 : i32
    %add3A_173 = arith.addi %mul3A_171, %add3A_172 : i32
    %dma_wait3A_174 = arith.constant 1 : i32
    %dma_wait3A_175 = arith.constant 0 : i32
    %dma_wait3A_176 = tpu.memref_slice %arg11[%add3A_173, %dma_wait3A_175] : memref<10240x64xf32, #tpu.memory_space<vmem_shared>> -> memref<64x64xf32, #tpu.memory_space<vmem_shared>>
    %dma_wait3A_177 = tpu.memref_slice %arg14[%dma_wait3A_174] : memref<2x!tpu.dma_semaphore, #tpu.memory_space<semaphore_mem>> -> memref<1x!tpu.dma_semaphore, #tpu.memory_space<semaphore_mem>>
    %dma_wait3A_178 = tpu.memref_squeeze %dma_wait3A_177 : memref<1x!tpu.dma_semaphore, #tpu.memory_space<semaphore_mem>> -> memref<!tpu.dma_semaphore, #tpu.memory_space<semaphore_mem>>
    %dma_wait3A_179 = arith.constant 0 : i32
    %dma_wait3A_180 = tpu.memref_slice %arg11[%add3A_173, %dma_wait3A_179] : memref<10240x64xf32, #tpu.memory_space<vmem_shared>> -> memref<64x64xf32, #tpu.memory_space<vmem_shared>>
    tpu.wait_dma2 semaphore(%dma_wait3A_178 : memref<!tpu.dma_semaphore, #tpu.memory_space<semaphore_mem>>) src(%arg9 : memref<64x64xf32, #tpu.memory_space<vmem>>) dst(%dma_wait3A_180 : memref<64x64xf32, #tpu.memory_space<vmem_shared>>)
    %mul3A_181 = arith.constant 640 : i32
    %mul3A_182 = arith.muli %arg1, %mul3A_181 : i32
    %add3A_183 = arith.constant 384 : i32
    %add3A_184 = arith.addi %mul3A_182, %add3A_183 : i32
    %dma_wait3A_185 = arith.constant 0 : i32
    %dma_wait3A_186 = arith.constant 0 : i32
    %dma_wait3A_187 = tpu.memref_slice %arg11[%add3A_184, %dma_wait3A_186] : memref<10240x64xf32, #tpu.memory_space<vmem_shared>> -> memref<64x64xf32, #tpu.memory_space<vmem_shared>>
    %dma_wait3A_188 = tpu.memref_slice %arg14[%dma_wait3A_185] : memref<2x!tpu.dma_semaphore, #tpu.memory_space<semaphore_mem>> -> memref<1x!tpu.dma_semaphore, #tpu.memory_space<semaphore_mem>>
    %dma_wait3A_189 = tpu.memref_squeeze %dma_wait3A_188 : memref<1x!tpu.dma_semaphore, #tpu.memory_space<semaphore_mem>> -> memref<!tpu.dma_semaphore, #tpu.memory_space<semaphore_mem>>
    %dma_wait3A_190 = arith.constant 0 : i32
    %dma_wait3A_191 = tpu.memref_slice %arg11[%add3A_184, %dma_wait3A_190] : memref<10240x64xf32, #tpu.memory_space<vmem_shared>> -> memref<64x64xf32, #tpu.memory_space<vmem_shared>>
    tpu.wait_dma2 semaphore(%dma_wait3A_189 : memref<!tpu.dma_semaphore, #tpu.memory_space<semaphore_mem>>) src(%arg9 : memref<64x64xf32, #tpu.memory_space<vmem>>) dst(%dma_wait3A_191 : memref<64x64xf32, #tpu.memory_space<vmem_shared>>)
    %mul3A_192 = arith.constant 640 : i32
    %mul3A_193 = arith.muli %arg1, %mul3A_192 : i32
    %add3A_194 = arith.constant 448 : i32
    %add3A_195 = arith.addi %mul3A_193, %add3A_194 : i32
    %dma_wait3A_196 = arith.constant 1 : i32
    %dma_wait3A_197 = arith.constant 0 : i32
    %dma_wait3A_198 = tpu.memref_slice %arg11[%add3A_195, %dma_wait3A_197] : memref<10240x64xf32, #tpu.memory_space<vmem_shared>> -> memref<64x64xf32, #tpu.memory_space<vmem_shared>>
    %dma_wait3A_199 = tpu.memref_slice %arg14[%dma_wait3A_196] : memref<2x!tpu.dma_semaphore, #tpu.memory_space<semaphore_mem>> -> memref<1x!tpu.dma_semaphore, #tpu.memory_space<semaphore_mem>>
    %dma_wait3A_200 = tpu.memref_squeeze %dma_wait3A_199 : memref<1x!tpu.dma_semaphore, #tpu.memory_space<semaphore_mem>> -> memref<!tpu.dma_semaphore, #tpu.memory_space<semaphore_mem>>
    %dma_wait3A_201 = arith.constant 0 : i32
    %dma_wait3A_202 = tpu.memref_slice %arg11[%add3A_195, %dma_wait3A_201] : memref<10240x64xf32, #tpu.memory_space<vmem_shared>> -> memref<64x64xf32, #tpu.memory_space<vmem_shared>>
    tpu.wait_dma2 semaphore(%dma_wait3A_200 : memref<!tpu.dma_semaphore, #tpu.memory_space<semaphore_mem>>) src(%arg9 : memref<64x64xf32, #tpu.memory_space<vmem>>) dst(%dma_wait3A_202 : memref<64x64xf32, #tpu.memory_space<vmem_shared>>)
    %mul3A_203 = arith.constant 640 : i32
    %mul3A_204 = arith.muli %arg1, %mul3A_203 : i32
    %add3A_205 = arith.constant 512 : i32
    %add3A_206 = arith.addi %mul3A_204, %add3A_205 : i32
    %dma_wait3A_207 = arith.constant 0 : i32
    %dma_wait3A_208 = arith.constant 0 : i32
    %dma_wait3A_209 = tpu.memref_slice %arg11[%add3A_206, %dma_wait3A_208] : memref<10240x64xf32, #tpu.memory_space<vmem_shared>> -> memref<64x64xf32, #tpu.memory_space<vmem_shared>>
    %dma_wait3A_210 = tpu.memref_slice %arg14[%dma_wait3A_207] : memref<2x!tpu.dma_semaphore, #tpu.memory_space<semaphore_mem>> -> memref<1x!tpu.dma_semaphore, #tpu.memory_space<semaphore_mem>>
    %dma_wait3A_211 = tpu.memref_squeeze %dma_wait3A_210 : memref<1x!tpu.dma_semaphore, #tpu.memory_space<semaphore_mem>> -> memref<!tpu.dma_semaphore, #tpu.memory_space<semaphore_mem>>
    %dma_wait3A_212 = arith.constant 0 : i32
    %dma_wait3A_213 = tpu.memref_slice %arg11[%add3A_206, %dma_wait3A_212] : memref<10240x64xf32, #tpu.memory_space<vmem_shared>> -> memref<64x64xf32, #tpu.memory_space<vmem_shared>>
    tpu.wait_dma2 semaphore(%dma_wait3A_211 : memref<!tpu.dma_semaphore, #tpu.memory_space<semaphore_mem>>) src(%arg9 : memref<64x64xf32, #tpu.memory_space<vmem>>) dst(%dma_wait3A_213 : memref<64x64xf32, #tpu.memory_space<vmem_shared>>)
    %mul3A_214 = arith.constant 640 : i32
    %mul3A_215 = arith.muli %arg1, %mul3A_214 : i32
    %add3A_216 = arith.constant 576 : i32
    %add3A_217 = arith.addi %mul3A_215, %add3A_216 : i32
    %dma_wait3A_218 = arith.constant 1 : i32
    %dma_wait3A_219 = arith.constant 0 : i32
    %dma_wait3A_220 = tpu.memref_slice %arg11[%add3A_217, %dma_wait3A_219] : memref<10240x64xf32, #tpu.memory_space<vmem_shared>> -> memref<64x64xf32, #tpu.memory_space<vmem_shared>>
    %dma_wait3A_221 = tpu.memref_slice %arg14[%dma_wait3A_218] : memref<2x!tpu.dma_semaphore, #tpu.memory_space<semaphore_mem>> -> memref<1x!tpu.dma_semaphore, #tpu.memory_space<semaphore_mem>>
    %dma_wait3A_222 = tpu.memref_squeeze %dma_wait3A_221 : memref<1x!tpu.dma_semaphore, #tpu.memory_space<semaphore_mem>> -> memref<!tpu.dma_semaphore, #tpu.memory_space<semaphore_mem>>
    %dma_wait3A_223 = arith.constant 0 : i32
    %dma_wait3A_224 = tpu.memref_slice %arg11[%add3A_217, %dma_wait3A_223] : memref<10240x64xf32, #tpu.memory_space<vmem_shared>> -> memref<64x64xf32, #tpu.memory_space<vmem_shared>>
    tpu.wait_dma2 semaphore(%dma_wait3A_222 : memref<!tpu.dma_semaphore, #tpu.memory_space<semaphore_mem>>) src(%arg9 : memref<64x64xf32, #tpu.memory_space<vmem>>) dst(%dma_wait3A_224 : memref<64x64xf32, #tpu.memory_space<vmem_shared>>)
    %barrier3A = arith.constant 0 : index
    tpu.barrier barrier_id(%barrier3A)
    "tpu.region"() ({
      %run_scoped3A_577 = tpu.sem_alloc : memref<!tpu.dma_semaphore, #tpu.memory_space<semaphore_mem>>
      %dma_start3A_578 = arith.constant 0 : i32
      %dma_start3A_579 = arith.constant 0 : i32
      %dma_start3A_580 = tpu.memref_slice %arg3[%add3A, %dma_start3A_578, %dma_start3A_579] : memref<32x100x100xi32, #tpu.memory_space<hbm>> -> memref<1x100x100xi32, #tpu.memory_space<hbm>>
      %dma_start3A_581 = tpu.memref_squeeze %dma_start3A_580 : memref<1x100x100xi32, #tpu.memory_space<hbm>> -> memref<100x100xi32, #tpu.memory_space<hbm>>
      %dma_start3A_582 = arith.constant 0 : i32
      %dma_start3A_583 = arith.constant 0 : i32
      %dma_start3A_584 = tpu.memref_slice %arg3[%add3A, %dma_start3A_582, %dma_start3A_583] : memref<32x100x100xi32, #tpu.memory_space<hbm>> -> memref<1x100x100xi32, #tpu.memory_space<hbm>>
      %dma_start3A_585 = tpu.memref_squeeze %dma_start3A_584 : memref<1x100x100xi32, #tpu.memory_space<hbm>> -> memref<100x100xi32, #tpu.memory_space<hbm>>
      tpu.enqueue_dma source(%dma_start3A_585 : memref<100x100xi32, #tpu.memory_space<hbm>>) target(%arg6 : memref<100x100xi32, #tpu.memory_space<vmem>>) target_semaphore(%run_scoped3A_577 : memref<!tpu.dma_semaphore, #tpu.memory_space<semaphore_mem>>)
      %dma_wait3A_586 = arith.constant 0 : i32
      %dma_wait3A_587 = arith.constant 0 : i32
      %dma_wait3A_588 = tpu.memref_slice %arg3[%add3A, %dma_wait3A_586, %dma_wait3A_587] : memref<32x100x100xi32, #tpu.memory_space<hbm>> -> memref<1x100x100xi32, #tpu.memory_space<hbm>>
      %dma_wait3A_589 = tpu.memref_squeeze %dma_wait3A_588 : memref<1x100x100xi32, #tpu.memory_space<hbm>> -> memref<100x100xi32, #tpu.memory_space<hbm>>
      %dma_wait3A_590 = arith.constant 0 : i32
      %dma_wait3A_591 = arith.constant 0 : i32
      %dma_wait3A_592 = tpu.memref_slice %arg3[%add3A, %dma_wait3A_590, %dma_wait3A_591] : memref<32x100x100xi32, #tpu.memory_space<hbm>> -> memref<1x100x100xi32, #tpu.memory_space<hbm>>
      %dma_wait3A_593 = tpu.memref_squeeze %dma_wait3A_592 : memref<1x100x100xi32, #tpu.memory_space<hbm>> -> memref<100x100xi32, #tpu.memory_space<hbm>>
      tpu.wait_dma2 semaphore(%run_scoped3A_577 : memref<!tpu.dma_semaphore, #tpu.memory_space<semaphore_mem>>) src(%dma_wait3A_593 : memref<100x100xi32, #tpu.memory_space<hbm>>) dst(%arg6 : memref<100x100xi32, #tpu.memory_space<vmem>>)
      tpu.yield
    }) : () -> ()
    "tpu.region"() ({
      %run_scoped3A_577 = tpu.sem_alloc : memref<!tpu.dma_semaphore, #tpu.memory_space<semaphore_mem>>
      %dma_start3A_578 = arith.constant 0 : i32
      %dma_start3A_579 = arith.constant 0 : i32
      %dma_start3A_580 = tpu.memref_slice %arg4[%add3A, %dma_start3A_578, %dma_start3A_579] : memref<32x100x100xi32, #tpu.memory_space<hbm>> -> memref<1x100x100xi32, #tpu.memory_space<hbm>>
      %dma_start3A_581 = tpu.memref_squeeze %dma_start3A_580 : memref<1x100x100xi32, #tpu.memory_space<hbm>> -> memref<100x100xi32, #tpu.memory_space<hbm>>
      %dma_start3A_582 = arith.constant 0 : i32
      %dma_start3A_583 = arith.constant 0 : i32
      %dma_start3A_584 = tpu.memref_slice %arg4[%add3A, %dma_start3A_582, %dma_start3A_583] : memref<32x100x100xi32, #tpu.memory_space<hbm>> -> memref<1x100x100xi32, #tpu.memory_space<hbm>>
      %dma_start3A_585 = tpu.memref_squeeze %dma_start3A_584 : memref<1x100x100xi32, #tpu.memory_space<hbm>> -> memref<100x100xi32, #tpu.memory_space<hbm>>
      tpu.enqueue_dma source(%dma_start3A_585 : memref<100x100xi32, #tpu.memory_space<hbm>>) target(%arg7 : memref<100x100xi32, #tpu.memory_space<vmem>>) target_semaphore(%run_scoped3A_577 : memref<!tpu.dma_semaphore, #tpu.memory_space<semaphore_mem>>)
      %dma_wait3A_586 = arith.constant 0 : i32
      %dma_wait3A_587 = arith.constant 0 : i32
      %dma_wait3A_588 = tpu.memref_slice %arg4[%add3A, %dma_wait3A_586, %dma_wait3A_587] : memref<32x100x100xi32, #tpu.memory_space<hbm>> -> memref<1x100x100xi32, #tpu.memory_space<hbm>>
      %dma_wait3A_589 = tpu.memref_squeeze %dma_wait3A_588 : memref<1x100x100xi32, #tpu.memory_space<hbm>> -> memref<100x100xi32, #tpu.memory_space<hbm>>
      %dma_wait3A_590 = arith.constant 0 : i32
      %dma_wait3A_591 = arith.constant 0 : i32
      %dma_wait3A_592 = tpu.memref_slice %arg4[%add3A, %dma_wait3A_590, %dma_wait3A_591] : memref<32x100x100xi32, #tpu.memory_space<hbm>> -> memref<1x100x100xi32, #tpu.memory_space<hbm>>
      %dma_wait3A_593 = tpu.memref_squeeze %dma_wait3A_592 : memref<1x100x100xi32, #tpu.memory_space<hbm>> -> memref<100x100xi32, #tpu.memory_space<hbm>>
      tpu.wait_dma2 semaphore(%run_scoped3A_577 : memref<!tpu.dma_semaphore, #tpu.memory_space<semaphore_mem>>) src(%dma_wait3A_593 : memref<100x100xi32, #tpu.memory_space<hbm>>) dst(%arg7 : memref<100x100xi32, #tpu.memory_space<vmem>>)
      tpu.yield
    }) : () -> ()
    %dma_start3A_225 = arith.constant 0 : i32
    %dma_start3A_226 = arith.constant 0 : i32
    %dma_start3A_227 = arith.constant 0 : i32
    %dma_start3A_228 = arith.constant 0 : i32
    %dma_start3A_229 = arith.constant 0 : i32
    %dma_start3A_230 = tpu.memref_slice %arg8[%dma_start3A_226, %dma_start3A_228, %dma_start3A_229] : memref<5x100x64xf32, #tpu.memory_space<vmem>> -> memref<1x100x64xf32, #tpu.memory_space<vmem>>
    %dma_start3A_231 = tpu.memref_squeeze %dma_start3A_230 : memref<1x100x64xf32, #tpu.memory_space<vmem>> -> memref<100x64xf32, #tpu.memory_space<vmem>>
    %dma_start3A_232 = arith.constant 0 : i32
    %dma_start3A_233 = tpu.memref_slice %arg6[%dma_start3A_225, %dma_start3A_232] : memref<100x100xi32, #tpu.memory_space<vmem>> -> memref<1x100xi32, #tpu.memory_space<vmem>>
    %dma_start3A_234 = tpu.memref_squeeze %dma_start3A_233 : memref<1x100xi32, #tpu.memory_space<vmem>> -> memref<100xi32, #tpu.memory_space<vmem>>
    %dma_start3A_235 = arith.constant 0 : i32
    %dma_start3A_236 = arith.constant 0 : i32
    %dma_start3A_237 = tpu.memref_slice %arg2[%dma_start3A_235, %dma_start3A_236] : memref<10000x64xf32, #tpu.memory_space<hbm>> -> memref<10000x64xf32, #tpu.memory_space<hbm>>
    %dma_start3A_238 = tpu.memref_slice %arg12[%dma_start3A_227] : memref<5x!tpu.dma_semaphore, #tpu.memory_space<semaphore_mem>> -> memref<1x!tpu.dma_semaphore, #tpu.memory_space<semaphore_mem>>
    %dma_start3A_239 = tpu.memref_squeeze %dma_start3A_238 : memref<1x!tpu.dma_semaphore, #tpu.memory_space<semaphore_mem>> -> memref<!tpu.dma_semaphore, #tpu.memory_space<semaphore_mem>>
    tpu.enqueue_indirect_dma source(%dma_start3A_237 : memref<10000x64xf32, #tpu.memory_space<hbm>>) target(%dma_start3A_231 : memref<100x64xf32, #tpu.memory_space<vmem>>) offsets(%dma_start3A_234 : memref<100xi32, #tpu.memory_space<vmem>>) semaphore(%dma_start3A_239 : memref<!tpu.dma_semaphore, #tpu.memory_space<semaphore_mem>>)
    %dma_start3A_240 = arith.constant 1 : i32
    %dma_start3A_241 = arith.constant 1 : i32
    %dma_start3A_242 = arith.constant 1 : i32
    %dma_start3A_243 = arith.constant 0 : i32
    %dma_start3A_244 = arith.constant 0 : i32
    %dma_start3A_245 = tpu.memref_slice %arg8[%dma_start3A_241, %dma_start3A_243, %dma_start3A_244] : memref<5x100x64xf32, #tpu.memory_space<vmem>> -> memref<1x100x64xf32, #tpu.memory_space<vmem>>
    %dma_start3A_246 = tpu.memref_squeeze %dma_start3A_245 : memref<1x100x64xf32, #tpu.memory_space<vmem>> -> memref<100x64xf32, #tpu.memory_space<vmem>>
    %dma_start3A_247 = arith.constant 0 : i32
    %dma_start3A_248 = tpu.memref_slice %arg6[%dma_start3A_240, %dma_start3A_247] : memref<100x100xi32, #tpu.memory_space<vmem>> -> memref<1x100xi32, #tpu.memory_space<vmem>>
    %dma_start3A_249 = tpu.memref_squeeze %dma_start3A_248 : memref<1x100xi32, #tpu.memory_space<vmem>> -> memref<100xi32, #tpu.memory_space<vmem>>
    %dma_start3A_250 = arith.constant 0 : i32
    %dma_start3A_251 = arith.constant 0 : i32
    %dma_start3A_252 = tpu.memref_slice %arg2[%dma_start3A_250, %dma_start3A_251] : memref<10000x64xf32, #tpu.memory_space<hbm>> -> memref<10000x64xf32, #tpu.memory_space<hbm>>
    %dma_start3A_253 = tpu.memref_slice %arg12[%dma_start3A_242] : memref<5x!tpu.dma_semaphore, #tpu.memory_space<semaphore_mem>> -> memref<1x!tpu.dma_semaphore, #tpu.memory_space<semaphore_mem>>
    %dma_start3A_254 = tpu.memref_squeeze %dma_start3A_253 : memref<1x!tpu.dma_semaphore, #tpu.memory_space<semaphore_mem>> -> memref<!tpu.dma_semaphore, #tpu.memory_space<semaphore_mem>>
    tpu.enqueue_indirect_dma source(%dma_start3A_252 : memref<10000x64xf32, #tpu.memory_space<hbm>>) target(%dma_start3A_246 : memref<100x64xf32, #tpu.memory_space<vmem>>) offsets(%dma_start3A_249 : memref<100xi32, #tpu.memory_space<vmem>>) semaphore(%dma_start3A_254 : memref<!tpu.dma_semaphore, #tpu.memory_space<semaphore_mem>>)
    %dma_start3A_255 = arith.constant 2 : i32
    %dma_start3A_256 = arith.constant 2 : i32
    %dma_start3A_257 = arith.constant 2 : i32
    %dma_start3A_258 = arith.constant 0 : i32
    %dma_start3A_259 = arith.constant 0 : i32
    %dma_start3A_260 = tpu.memref_slice %arg8[%dma_start3A_256, %dma_start3A_258, %dma_start3A_259] : memref<5x100x64xf32, #tpu.memory_space<vmem>> -> memref<1x100x64xf32, #tpu.memory_space<vmem>>
    %dma_start3A_261 = tpu.memref_squeeze %dma_start3A_260 : memref<1x100x64xf32, #tpu.memory_space<vmem>> -> memref<100x64xf32, #tpu.memory_space<vmem>>
    %dma_start3A_262 = arith.constant 0 : i32
    %dma_start3A_263 = tpu.memref_slice %arg6[%dma_start3A_255, %dma_start3A_262] : memref<100x100xi32, #tpu.memory_space<vmem>> -> memref<1x100xi32, #tpu.memory_space<vmem>>
    %dma_start3A_264 = tpu.memref_squeeze %dma_start3A_263 : memref<1x100xi32, #tpu.memory_space<vmem>> -> memref<100xi32, #tpu.memory_space<vmem>>
    %dma_start3A_265 = arith.constant 0 : i32
    %dma_start3A_266 = arith.constant 0 : i32
    %dma_start3A_267 = tpu.memref_slice %arg2[%dma_start3A_265, %dma_start3A_266] : memref<10000x64xf32, #tpu.memory_space<hbm>> -> memref<10000x64xf32, #tpu.memory_space<hbm>>
    %dma_start3A_268 = tpu.memref_slice %arg12[%dma_start3A_257] : memref<5x!tpu.dma_semaphore, #tpu.memory_space<semaphore_mem>> -> memref<1x!tpu.dma_semaphore, #tpu.memory_space<semaphore_mem>>
    %dma_start3A_269 = tpu.memref_squeeze %dma_start3A_268 : memref<1x!tpu.dma_semaphore, #tpu.memory_space<semaphore_mem>> -> memref<!tpu.dma_semaphore, #tpu.memory_space<semaphore_mem>>
    tpu.enqueue_indirect_dma source(%dma_start3A_267 : memref<10000x64xf32, #tpu.memory_space<hbm>>) target(%dma_start3A_261 : memref<100x64xf32, #tpu.memory_space<vmem>>) offsets(%dma_start3A_264 : memref<100xi32, #tpu.memory_space<vmem>>) semaphore(%dma_start3A_269 : memref<!tpu.dma_semaphore, #tpu.memory_space<semaphore_mem>>)
    %dma_start3A_270 = arith.constant 3 : i32
    %dma_start3A_271 = arith.constant 3 : i32
    %dma_start3A_272 = arith.constant 3 : i32
    %dma_start3A_273 = arith.constant 0 : i32
    %dma_start3A_274 = arith.constant 0 : i32
    %dma_start3A_275 = tpu.memref_slice %arg8[%dma_start3A_271, %dma_start3A_273, %dma_start3A_274] : memref<5x100x64xf32, #tpu.memory_space<vmem>> -> memref<1x100x64xf32, #tpu.memory_space<vmem>>
    %dma_start3A_276 = tpu.memref_squeeze %dma_start3A_275 : memref<1x100x64xf32, #tpu.memory_space<vmem>> -> memref<100x64xf32, #tpu.memory_space<vmem>>
    %dma_start3A_277 = arith.constant 0 : i32
    %dma_start3A_278 = tpu.memref_slice %arg6[%dma_start3A_270, %dma_start3A_277] : memref<100x100xi32, #tpu.memory_space<vmem>> -> memref<1x100xi32, #tpu.memory_space<vmem>>
    %dma_start3A_279 = tpu.memref_squeeze %dma_start3A_278 : memref<1x100xi32, #tpu.memory_space<vmem>> -> memref<100xi32, #tpu.memory_space<vmem>>
    %dma_start3A_280 = arith.constant 0 : i32
    %dma_start3A_281 = arith.constant 0 : i32
    %dma_start3A_282 = tpu.memref_slice %arg2[%dma_start3A_280, %dma_start3A_281] : memref<10000x64xf32, #tpu.memory_space<hbm>> -> memref<10000x64xf32, #tpu.memory_space<hbm>>
    %dma_start3A_283 = tpu.memref_slice %arg12[%dma_start3A_272] : memref<5x!tpu.dma_semaphore, #tpu.memory_space<semaphore_mem>> -> memref<1x!tpu.dma_semaphore, #tpu.memory_space<semaphore_mem>>
    %dma_start3A_284 = tpu.memref_squeeze %dma_start3A_283 : memref<1x!tpu.dma_semaphore, #tpu.memory_space<semaphore_mem>> -> memref<!tpu.dma_semaphore, #tpu.memory_space<semaphore_mem>>
    tpu.enqueue_indirect_dma source(%dma_start3A_282 : memref<10000x64xf32, #tpu.memory_space<hbm>>) target(%dma_start3A_276 : memref<100x64xf32, #tpu.memory_space<vmem>>) offsets(%dma_start3A_279 : memref<100xi32, #tpu.memory_space<vmem>>) semaphore(%dma_start3A_284 : memref<!tpu.dma_semaphore, #tpu.memory_space<semaphore_mem>>)
    %dma_start3A_285 = arith.constant 4 : i32
    %dma_start3A_286 = arith.constant 4 : i32
    %dma_start3A_287 = arith.constant 4 : i32
    %dma_start3A_288 = arith.constant 0 : i32
    %dma_start3A_289 = arith.constant 0 : i32
    %dma_start3A_290 = tpu.memref_slice %arg8[%dma_start3A_286, %dma_start3A_288, %dma_start3A_289] : memref<5x100x64xf32, #tpu.memory_space<vmem>> -> memref<1x100x64xf32, #tpu.memory_space<vmem>>
    %dma_start3A_291 = tpu.memref_squeeze %dma_start3A_290 : memref<1x100x64xf32, #tpu.memory_space<vmem>> -> memref<100x64xf32, #tpu.memory_space<vmem>>
    %dma_start3A_292 = arith.constant 0 : i32
    %dma_start3A_293 = tpu.memref_slice %arg6[%dma_start3A_285, %dma_start3A_292] : memref<100x100xi32, #tpu.memory_space<vmem>> -> memref<1x100xi32, #tpu.memory_space<vmem>>
    %dma_start3A_294 = tpu.memref_squeeze %dma_start3A_293 : memref<1x100xi32, #tpu.memory_space<vmem>> -> memref<100xi32, #tpu.memory_space<vmem>>
    %dma_start3A_295 = arith.constant 0 : i32
    %dma_start3A_296 = arith.constant 0 : i32
    %dma_start3A_297 = tpu.memref_slice %arg2[%dma_start3A_295, %dma_start3A_296] : memref<10000x64xf32, #tpu.memory_space<hbm>> -> memref<10000x64xf32, #tpu.memory_space<hbm>>
    %dma_start3A_298 = tpu.memref_slice %arg12[%dma_start3A_287] : memref<5x!tpu.dma_semaphore, #tpu.memory_space<semaphore_mem>> -> memref<1x!tpu.dma_semaphore, #tpu.memory_space<semaphore_mem>>
    %dma_start3A_299 = tpu.memref_squeeze %dma_start3A_298 : memref<1x!tpu.dma_semaphore, #tpu.memory_space<semaphore_mem>> -> memref<!tpu.dma_semaphore, #tpu.memory_space<semaphore_mem>>
    tpu.enqueue_indirect_dma source(%dma_start3A_297 : memref<10000x64xf32, #tpu.memory_space<hbm>>) target(%dma_start3A_291 : memref<100x64xf32, #tpu.memory_space<vmem>>) offsets(%dma_start3A_294 : memref<100xi32, #tpu.memory_space<vmem>>) semaphore(%dma_start3A_299 : memref<!tpu.dma_semaphore, #tpu.memory_space<semaphore_mem>>)
    %scan3A_300 = arith.constant 0 : i32
    %scan3A_301 = arith.constant 0 : i32
    %scan3A_302 = arith.constant 20 : i32
    %scan3A_303 = arith.addi %scan3A_301, %scan3A_302 : i32
    %scan3A_304 = arith.constant 1 : i32
    scf.for %scan3A_577 = %scan3A_301 to %scan3A_303 step %scan3A_304  : i32 {
      %mul3A_578 = arith.constant 5 : i32
      %mul3A_579 = arith.muli %mul3A_578, %scan3A_577 : i32
      %add3A_580 = arith.constant 0 : i32
      %add3A_581 = arith.addi %mul3A_579, %add3A_580 : i32
      %dma_wait3A_582 = arith.constant 0 : i32
      %dma_wait3A_583 = arith.constant 0 : i32
      %dma_wait3A_584 = arith.constant 0 : i32
      %dma_wait3A_585 = arith.constant 0 : i32
      %dma_wait3A_586 = tpu.memref_slice %arg8[%dma_wait3A_582, %dma_wait3A_584, %dma_wait3A_585] : memref<5x100x64xf32, #tpu.memory_space<vmem>> -> memref<1x100x64xf32, #tpu.memory_space<vmem>>
      %dma_wait3A_587 = tpu.memref_squeeze %dma_wait3A_586 : memref<1x100x64xf32, #tpu.memory_space<vmem>> -> memref<100x64xf32, #tpu.memory_space<vmem>>
      %dma_wait3A_588 = arith.constant 0 : i32
      %dma_wait3A_589 = tpu.memref_slice %arg6[%add3A_581, %dma_wait3A_588] : memref<100x100xi32, #tpu.memory_space<vmem>> -> memref<1x100xi32, #tpu.memory_space<vmem>>
      %dma_wait3A_590 = tpu.memref_squeeze %dma_wait3A_589 : memref<1x100xi32, #tpu.memory_space<vmem>> -> memref<100xi32, #tpu.memory_space<vmem>>
      %dma_wait3A_591 = arith.constant 0 : i32
      %dma_wait3A_592 = arith.constant 0 : i32
      %dma_wait3A_593 = tpu.memref_slice %arg2[%dma_wait3A_591, %dma_wait3A_592] : memref<10000x64xf32, #tpu.memory_space<hbm>> -> memref<10000x64xf32, #tpu.memory_space<hbm>>
      %dma_wait3A_594 = tpu.memref_slice %arg12[%dma_wait3A_583] : memref<5x!tpu.dma_semaphore, #tpu.memory_space<semaphore_mem>> -> memref<1x!tpu.dma_semaphore, #tpu.memory_space<semaphore_mem>>
      %dma_wait3A_595 = tpu.memref_squeeze %dma_wait3A_594 : memref<1x!tpu.dma_semaphore, #tpu.memory_space<semaphore_mem>> -> memref<!tpu.dma_semaphore, #tpu.memory_space<semaphore_mem>>
      tpu.wait_indirect_dma semaphore(%dma_wait3A_595 : memref<!tpu.dma_semaphore, #tpu.memory_space<semaphore_mem>>) src(%dma_wait3A_593 : memref<10000x64xf32, #tpu.memory_space<hbm>>) dst(%dma_wait3A_587 : memref<100x64xf32, #tpu.memory_space<vmem>>)
      %add3A_596 = arith.constant 0 : i32
      %add3A_597 = arith.addi %mul3A_579, %add3A_596 : i32
      %dma_start3A_598 = arith.constant 0 : i32
      %dma_start3A_599 = arith.constant 0 : i32
      %dma_start3A_600 = arith.constant 0 : i32
      %dma_start3A_601 = arith.constant 0 : i32
      %dma_start3A_602 = tpu.memref_slice %arg8[%dma_start3A_598, %dma_start3A_600, %dma_start3A_601] : memref<5x100x64xf32, #tpu.memory_space<vmem>> -> memref<1x100x64xf32, #tpu.memory_space<vmem>>
      %dma_start3A_603 = tpu.memref_squeeze %dma_start3A_602 : memref<1x100x64xf32, #tpu.memory_space<vmem>> -> memref<100x64xf32, #tpu.memory_space<vmem>>
      %dma_start3A_604 = arith.constant 0 : i32
      %dma_start3A_605 = tpu.memref_slice %arg7[%add3A_597, %dma_start3A_604] : memref<100x100xi32, #tpu.memory_space<vmem>> -> memref<1x100xi32, #tpu.memory_space<vmem>>
      %dma_start3A_606 = tpu.memref_squeeze %dma_start3A_605 : memref<1x100xi32, #tpu.memory_space<vmem>> -> memref<100xi32, #tpu.memory_space<vmem>>
      %dma_start3A_607 = arith.constant 0 : i32
      %dma_start3A_608 = arith.constant 0 : i32
      %dma_start3A_609 = tpu.memref_slice %arg11[%dma_start3A_607, %dma_start3A_608] : memref<10240x64xf32, #tpu.memory_space<vmem_shared>> -> memref<10240x64xf32, #tpu.memory_space<vmem_shared>>
      %dma_start3A_610 = tpu.memref_slice %arg13[%dma_start3A_599] : memref<5x!tpu.dma_semaphore, #tpu.memory_space<semaphore_mem>> -> memref<1x!tpu.dma_semaphore, #tpu.memory_space<semaphore_mem>>
      %dma_start3A_611 = tpu.memref_squeeze %dma_start3A_610 : memref<1x!tpu.dma_semaphore, #tpu.memory_space<semaphore_mem>> -> memref<!tpu.dma_semaphore, #tpu.memory_space<semaphore_mem>>
      tpu.enqueue_indirect_dma source(%dma_start3A_603 : memref<100x64xf32, #tpu.memory_space<vmem>>) target(%dma_start3A_609 : memref<10240x64xf32, #tpu.memory_space<vmem_shared>>) offsets(%dma_start3A_606 : memref<100xi32, #tpu.memory_space<vmem>>) semaphore(%dma_start3A_611 : memref<!tpu.dma_semaphore, #tpu.memory_space<semaphore_mem>>) {add = true}
      %add3A_612 = arith.constant 1 : i32
      %add3A_613 = arith.addi %mul3A_579, %add3A_612 : i32
      %dma_wait3A_614 = arith.constant 1 : i32
      %dma_wait3A_615 = arith.constant 1 : i32
      %dma_wait3A_616 = arith.constant 0 : i32
      %dma_wait3A_617 = arith.constant 0 : i32
      %dma_wait3A_618 = tpu.memref_slice %arg8[%dma_wait3A_614, %dma_wait3A_616, %dma_wait3A_617] : memref<5x100x64xf32, #tpu.memory_space<vmem>> -> memref<1x100x64xf32, #tpu.memory_space<vmem>>
      %dma_wait3A_619 = tpu.memref_squeeze %dma_wait3A_618 : memref<1x100x64xf32, #tpu.memory_space<vmem>> -> memref<100x64xf32, #tpu.memory_space<vmem>>
      %dma_wait3A_620 = arith.constant 0 : i32
      %dma_wait3A_621 = tpu.memref_slice %arg6[%add3A_613, %dma_wait3A_620] : memref<100x100xi32, #tpu.memory_space<vmem>> -> memref<1x100xi32, #tpu.memory_space<vmem>>
      %dma_wait3A_622 = tpu.memref_squeeze %dma_wait3A_621 : memref<1x100xi32, #tpu.memory_space<vmem>> -> memref<100xi32, #tpu.memory_space<vmem>>
      %dma_wait3A_623 = arith.constant 0 : i32
      %dma_wait3A_624 = arith.constant 0 : i32
      %dma_wait3A_625 = tpu.memref_slice %arg2[%dma_wait3A_623, %dma_wait3A_624] : memref<10000x64xf32, #tpu.memory_space<hbm>> -> memref<10000x64xf32, #tpu.memory_space<hbm>>
      %dma_wait3A_626 = tpu.memref_slice %arg12[%dma_wait3A_615] : memref<5x!tpu.dma_semaphore, #tpu.memory_space<semaphore_mem>> -> memref<1x!tpu.dma_semaphore, #tpu.memory_space<semaphore_mem>>
      %dma_wait3A_627 = tpu.memref_squeeze %dma_wait3A_626 : memref<1x!tpu.dma_semaphore, #tpu.memory_space<semaphore_mem>> -> memref<!tpu.dma_semaphore, #tpu.memory_space<semaphore_mem>>
      tpu.wait_indirect_dma semaphore(%dma_wait3A_627 : memref<!tpu.dma_semaphore, #tpu.memory_space<semaphore_mem>>) src(%dma_wait3A_625 : memref<10000x64xf32, #tpu.memory_space<hbm>>) dst(%dma_wait3A_619 : memref<100x64xf32, #tpu.memory_space<vmem>>)
      %add3A_628 = arith.constant 1 : i32
      %add3A_629 = arith.addi %mul3A_579, %add3A_628 : i32
      %dma_start3A_630 = arith.constant 1 : i32
      %dma_start3A_631 = arith.constant 1 : i32
      %dma_start3A_632 = arith.constant 0 : i32
      %dma_start3A_633 = arith.constant 0 : i32
      %dma_start3A_634 = tpu.memref_slice %arg8[%dma_start3A_630, %dma_start3A_632, %dma_start3A_633] : memref<5x100x64xf32, #tpu.memory_space<vmem>> -> memref<1x100x64xf32, #tpu.memory_space<vmem>>
      %dma_start3A_635 = tpu.memref_squeeze %dma_start3A_634 : memref<1x100x64xf32, #tpu.memory_space<vmem>> -> memref<100x64xf32, #tpu.memory_space<vmem>>
      %dma_start3A_636 = arith.constant 0 : i32
      %dma_start3A_637 = tpu.memref_slice %arg7[%add3A_629, %dma_start3A_636] : memref<100x100xi32, #tpu.memory_space<vmem>> -> memref<1x100xi32, #tpu.memory_space<vmem>>
      %dma_start3A_638 = tpu.memref_squeeze %dma_start3A_637 : memref<1x100xi32, #tpu.memory_space<vmem>> -> memref<100xi32, #tpu.memory_space<vmem>>
      %dma_start3A_639 = arith.constant 0 : i32
      %dma_start3A_640 = arith.constant 0 : i32
      %dma_start3A_641 = tpu.memref_slice %arg11[%dma_start3A_639, %dma_start3A_640] : memref<10240x64xf32, #tpu.memory_space<vmem_shared>> -> memref<10240x64xf32, #tpu.memory_space<vmem_shared>>
      %dma_start3A_642 = tpu.memref_slice %arg13[%dma_start3A_631] : memref<5x!tpu.dma_semaphore, #tpu.memory_space<semaphore_mem>> -> memref<1x!tpu.dma_semaphore, #tpu.memory_space<semaphore_mem>>
      %dma_start3A_643 = tpu.memref_squeeze %dma_start3A_642 : memref<1x!tpu.dma_semaphore, #tpu.memory_space<semaphore_mem>> -> memref<!tpu.dma_semaphore, #tpu.memory_space<semaphore_mem>>
      tpu.enqueue_indirect_dma source(%dma_start3A_635 : memref<100x64xf32, #tpu.memory_space<vmem>>) target(%dma_start3A_641 : memref<10240x64xf32, #tpu.memory_space<vmem_shared>>) offsets(%dma_start3A_638 : memref<100xi32, #tpu.memory_space<vmem>>) semaphore(%dma_start3A_643 : memref<!tpu.dma_semaphore, #tpu.memory_space<semaphore_mem>>) {add = true}
      %add3A_644 = arith.constant 2 : i32
      %add3A_645 = arith.addi %mul3A_579, %add3A_644 : i32
      %dma_wait3A_646 = arith.constant 2 : i32
      %dma_wait3A_647 = arith.constant 2 : i32
      %dma_wait3A_648 = arith.constant 0 : i32
      %dma_wait3A_649 = arith.constant 0 : i32
      %dma_wait3A_650 = tpu.memref_slice %arg8[%dma_wait3A_646, %dma_wait3A_648, %dma_wait3A_649] : memref<5x100x64xf32, #tpu.memory_space<vmem>> -> memref<1x100x64xf32, #tpu.memory_space<vmem>>
      %dma_wait3A_651 = tpu.memref_squeeze %dma_wait3A_650 : memref<1x100x64xf32, #tpu.memory_space<vmem>> -> memref<100x64xf32, #tpu.memory_space<vmem>>
      %dma_wait3A_652 = arith.constant 0 : i32
      %dma_wait3A_653 = tpu.memref_slice %arg6[%add3A_645, %dma_wait3A_652] : memref<100x100xi32, #tpu.memory_space<vmem>> -> memref<1x100xi32, #tpu.memory_space<vmem>>
      %dma_wait3A_654 = tpu.memref_squeeze %dma_wait3A_653 : memref<1x100xi32, #tpu.memory_space<vmem>> -> memref<100xi32, #tpu.memory_space<vmem>>
      %dma_wait3A_655 = arith.constant 0 : i32
      %dma_wait3A_656 = arith.constant 0 : i32
      %dma_wait3A_657 = tpu.memref_slice %arg2[%dma_wait3A_655, %dma_wait3A_656] : memref<10000x64xf32, #tpu.memory_space<hbm>> -> memref<10000x64xf32, #tpu.memory_space<hbm>>
      %dma_wait3A_658 = tpu.memref_slice %arg12[%dma_wait3A_647] : memref<5x!tpu.dma_semaphore, #tpu.memory_space<semaphore_mem>> -> memref<1x!tpu.dma_semaphore, #tpu.memory_space<semaphore_mem>>
      %dma_wait3A_659 = tpu.memref_squeeze %dma_wait3A_658 : memref<1x!tpu.dma_semaphore, #tpu.memory_space<semaphore_mem>> -> memref<!tpu.dma_semaphore, #tpu.memory_space<semaphore_mem>>
      tpu.wait_indirect_dma semaphore(%dma_wait3A_659 : memref<!tpu.dma_semaphore, #tpu.memory_space<semaphore_mem>>) src(%dma_wait3A_657 : memref<10000x64xf32, #tpu.memory_space<hbm>>) dst(%dma_wait3A_651 : memref<100x64xf32, #tpu.memory_space<vmem>>)
      %add3A_660 = arith.constant 2 : i32
      %add3A_661 = arith.addi %mul3A_579, %add3A_660 : i32
      %dma_start3A_662 = arith.constant 2 : i32
      %dma_start3A_663 = arith.constant 2 : i32
      %dma_start3A_664 = arith.constant 0 : i32
      %dma_start3A_665 = arith.constant 0 : i32
      %dma_start3A_666 = tpu.memref_slice %arg8[%dma_start3A_662, %dma_start3A_664, %dma_start3A_665] : memref<5x100x64xf32, #tpu.memory_space<vmem>> -> memref<1x100x64xf32, #tpu.memory_space<vmem>>
      %dma_start3A_667 = tpu.memref_squeeze %dma_start3A_666 : memref<1x100x64xf32, #tpu.memory_space<vmem>> -> memref<100x64xf32, #tpu.memory_space<vmem>>
      %dma_start3A_668 = arith.constant 0 : i32
      %dma_start3A_669 = tpu.memref_slice %arg7[%add3A_661, %dma_start3A_668] : memref<100x100xi32, #tpu.memory_space<vmem>> -> memref<1x100xi32, #tpu.memory_space<vmem>>
      %dma_start3A_670 = tpu.memref_squeeze %dma_start3A_669 : memref<1x100xi32, #tpu.memory_space<vmem>> -> memref<100xi32, #tpu.memory_space<vmem>>
      %dma_start3A_671 = arith.constant 0 : i32
      %dma_start3A_672 = arith.constant 0 : i32
      %dma_start3A_673 = tpu.memref_slice %arg11[%dma_start3A_671, %dma_start3A_672] : memref<10240x64xf32, #tpu.memory_space<vmem_shared>> -> memref<10240x64xf32, #tpu.memory_space<vmem_shared>>
      %dma_start3A_674 = tpu.memref_slice %arg13[%dma_start3A_663] : memref<5x!tpu.dma_semaphore, #tpu.memory_space<semaphore_mem>> -> memref<1x!tpu.dma_semaphore, #tpu.memory_space<semaphore_mem>>
      %dma_start3A_675 = tpu.memref_squeeze %dma_start3A_674 : memref<1x!tpu.dma_semaphore, #tpu.memory_space<semaphore_mem>> -> memref<!tpu.dma_semaphore, #tpu.memory_space<semaphore_mem>>
      tpu.enqueue_indirect_dma source(%dma_start3A_667 : memref<100x64xf32, #tpu.memory_space<vmem>>) target(%dma_start3A_673 : memref<10240x64xf32, #tpu.memory_space<vmem_shared>>) offsets(%dma_start3A_670 : memref<100xi32, #tpu.memory_space<vmem>>) semaphore(%dma_start3A_675 : memref<!tpu.dma_semaphore, #tpu.memory_space<semaphore_mem>>) {add = true}
      %add3A_676 = arith.constant 3 : i32
      %add3A_677 = arith.addi %mul3A_579, %add3A_676 : i32
      %dma_wait3A_678 = arith.constant 3 : i32
      %dma_wait3A_679 = arith.constant 3 : i32
      %dma_wait3A_680 = arith.constant 0 : i32
      %dma_wait3A_681 = arith.constant 0 : i32
      %dma_wait3A_682 = tpu.memref_slice %arg8[%dma_wait3A_678, %dma_wait3A_680, %dma_wait3A_681] : memref<5x100x64xf32, #tpu.memory_space<vmem>> -> memref<1x100x64xf32, #tpu.memory_space<vmem>>
      %dma_wait3A_683 = tpu.memref_squeeze %dma_wait3A_682 : memref<1x100x64xf32, #tpu.memory_space<vmem>> -> memref<100x64xf32, #tpu.memory_space<vmem>>
      %dma_wait3A_684 = arith.constant 0 : i32
      %dma_wait3A_685 = tpu.memref_slice %arg6[%add3A_677, %dma_wait3A_684] : memref<100x100xi32, #tpu.memory_space<vmem>> -> memref<1x100xi32, #tpu.memory_space<vmem>>
      %dma_wait3A_686 = tpu.memref_squeeze %dma_wait3A_685 : memref<1x100xi32, #tpu.memory_space<vmem>> -> memref<100xi32, #tpu.memory_space<vmem>>
      %dma_wait3A_687 = arith.constant 0 : i32
      %dma_wait3A_688 = arith.constant 0 : i32
      %dma_wait3A_689 = tpu.memref_slice %arg2[%dma_wait3A_687, %dma_wait3A_688] : memref<10000x64xf32, #tpu.memory_space<hbm>> -> memref<10000x64xf32, #tpu.memory_space<hbm>>
      %dma_wait3A_690 = tpu.memref_slice %arg12[%dma_wait3A_679] : memref<5x!tpu.dma_semaphore, #tpu.memory_space<semaphore_mem>> -> memref<1x!tpu.dma_semaphore, #tpu.memory_space<semaphore_mem>>
      %dma_wait3A_691 = tpu.memref_squeeze %dma_wait3A_690 : memref<1x!tpu.dma_semaphore, #tpu.memory_space<semaphore_mem>> -> memref<!tpu.dma_semaphore, #tpu.memory_space<semaphore_mem>>
      tpu.wait_indirect_dma semaphore(%dma_wait3A_691 : memref<!tpu.dma_semaphore, #tpu.memory_space<semaphore_mem>>) src(%dma_wait3A_689 : memref<10000x64xf32, #tpu.memory_space<hbm>>) dst(%dma_wait3A_683 : memref<100x64xf32, #tpu.memory_space<vmem>>)
      %add3A_692 = arith.constant 3 : i32
      %add3A_693 = arith.addi %mul3A_579, %add3A_692 : i32
      %dma_start3A_694 = arith.constant 3 : i32
      %dma_start3A_695 = arith.constant 3 : i32
      %dma_start3A_696 = arith.constant 0 : i32
      %dma_start3A_697 = arith.constant 0 : i32
      %dma_start3A_698 = tpu.memref_slice %arg8[%dma_start3A_694, %dma_start3A_696, %dma_start3A_697] : memref<5x100x64xf32, #tpu.memory_space<vmem>> -> memref<1x100x64xf32, #tpu.memory_space<vmem>>
      %dma_start3A_699 = tpu.memref_squeeze %dma_start3A_698 : memref<1x100x64xf32, #tpu.memory_space<vmem>> -> memref<100x64xf32, #tpu.memory_space<vmem>>
      %dma_start3A_700 = arith.constant 0 : i32
      %dma_start3A_701 = tpu.memref_slice %arg7[%add3A_693, %dma_start3A_700] : memref<100x100xi32, #tpu.memory_space<vmem>> -> memref<1x100xi32, #tpu.memory_space<vmem>>
      %dma_start3A_702 = tpu.memref_squeeze %dma_start3A_701 : memref<1x100xi32, #tpu.memory_space<vmem>> -> memref<100xi32, #tpu.memory_space<vmem>>
      %dma_start3A_703 = arith.constant 0 : i32
      %dma_start3A_704 = arith.constant 0 : i32
      %dma_start3A_705 = tpu.memref_slice %arg11[%dma_start3A_703, %dma_start3A_704] : memref<10240x64xf32, #tpu.memory_space<vmem_shared>> -> memref<10240x64xf32, #tpu.memory_space<vmem_shared>>
      %dma_start3A_706 = tpu.memref_slice %arg13[%dma_start3A_695] : memref<5x!tpu.dma_semaphore, #tpu.memory_space<semaphore_mem>> -> memref<1x!tpu.dma_semaphore, #tpu.memory_space<semaphore_mem>>
      %dma_start3A_707 = tpu.memref_squeeze %dma_start3A_706 : memref<1x!tpu.dma_semaphore, #tpu.memory_space<semaphore_mem>> -> memref<!tpu.dma_semaphore, #tpu.memory_space<semaphore_mem>>
      tpu.enqueue_indirect_dma source(%dma_start3A_699 : memref<100x64xf32, #tpu.memory_space<vmem>>) target(%dma_start3A_705 : memref<10240x64xf32, #tpu.memory_space<vmem_shared>>) offsets(%dma_start3A_702 : memref<100xi32, #tpu.memory_space<vmem>>) semaphore(%dma_start3A_707 : memref<!tpu.dma_semaphore, #tpu.memory_space<semaphore_mem>>) {add = true}
      %add3A_708 = arith.constant 4 : i32
      %add3A_709 = arith.addi %mul3A_579, %add3A_708 : i32
      %dma_wait3A_710 = arith.constant 4 : i32
      %dma_wait3A_711 = arith.constant 4 : i32
      %dma_wait3A_712 = arith.constant 0 : i32
      %dma_wait3A_713 = arith.constant 0 : i32
      %dma_wait3A_714 = tpu.memref_slice %arg8[%dma_wait3A_710, %dma_wait3A_712, %dma_wait3A_713] : memref<5x100x64xf32, #tpu.memory_space<vmem>> -> memref<1x100x64xf32, #tpu.memory_space<vmem>>
      %dma_wait3A_715 = tpu.memref_squeeze %dma_wait3A_714 : memref<1x100x64xf32, #tpu.memory_space<vmem>> -> memref<100x64xf32, #tpu.memory_space<vmem>>
      %dma_wait3A_716 = arith.constant 0 : i32
      %dma_wait3A_717 = tpu.memref_slice %arg6[%add3A_709, %dma_wait3A_716] : memref<100x100xi32, #tpu.memory_space<vmem>> -> memref<1x100xi32, #tpu.memory_space<vmem>>
      %dma_wait3A_718 = tpu.memref_squeeze %dma_wait3A_717 : memref<1x100xi32, #tpu.memory_space<vmem>> -> memref<100xi32, #tpu.memory_space<vmem>>
      %dma_wait3A_719 = arith.constant 0 : i32
      %dma_wait3A_720 = arith.constant 0 : i32
      %dma_wait3A_721 = tpu.memref_slice %arg2[%dma_wait3A_719, %dma_wait3A_720] : memref<10000x64xf32, #tpu.memory_space<hbm>> -> memref<10000x64xf32, #tpu.memory_space<hbm>>
      %dma_wait3A_722 = tpu.memref_slice %arg12[%dma_wait3A_711] : memref<5x!tpu.dma_semaphore, #tpu.memory_space<semaphore_mem>> -> memref<1x!tpu.dma_semaphore, #tpu.memory_space<semaphore_mem>>
      %dma_wait3A_723 = tpu.memref_squeeze %dma_wait3A_722 : memref<1x!tpu.dma_semaphore, #tpu.memory_space<semaphore_mem>> -> memref<!tpu.dma_semaphore, #tpu.memory_space<semaphore_mem>>
      tpu.wait_indirect_dma semaphore(%dma_wait3A_723 : memref<!tpu.dma_semaphore, #tpu.memory_space<semaphore_mem>>) src(%dma_wait3A_721 : memref<10000x64xf32, #tpu.memory_space<hbm>>) dst(%dma_wait3A_715 : memref<100x64xf32, #tpu.memory_space<vmem>>)
      %add3A_724 = arith.constant 4 : i32
      %add3A_725 = arith.addi %mul3A_579, %add3A_724 : i32
      %dma_start3A_726 = arith.constant 4 : i32
      %dma_start3A_727 = arith.constant 4 : i32
      %dma_start3A_728 = arith.constant 0 : i32
      %dma_start3A_729 = arith.constant 0 : i32
      %dma_start3A_730 = tpu.memref_slice %arg8[%dma_start3A_726, %dma_start3A_728, %dma_start3A_729] : memref<5x100x64xf32, #tpu.memory_space<vmem>> -> memref<1x100x64xf32, #tpu.memory_space<vmem>>
      %dma_start3A_731 = tpu.memref_squeeze %dma_start3A_730 : memref<1x100x64xf32, #tpu.memory_space<vmem>> -> memref<100x64xf32, #tpu.memory_space<vmem>>
      %dma_start3A_732 = arith.constant 0 : i32
      %dma_start3A_733 = tpu.memref_slice %arg7[%add3A_725, %dma_start3A_732] : memref<100x100xi32, #tpu.memory_space<vmem>> -> memref<1x100xi32, #tpu.memory_space<vmem>>
      %dma_start3A_734 = tpu.memref_squeeze %dma_start3A_733 : memref<1x100xi32, #tpu.memory_space<vmem>> -> memref<100xi32, #tpu.memory_space<vmem>>
      %dma_start3A_735 = arith.constant 0 : i32
      %dma_start3A_736 = arith.constant 0 : i32
      %dma_start3A_737 = tpu.memref_slice %arg11[%dma_start3A_735, %dma_start3A_736] : memref<10240x64xf32, #tpu.memory_space<vmem_shared>> -> memref<10240x64xf32, #tpu.memory_space<vmem_shared>>
      %dma_start3A_738 = tpu.memref_slice %arg13[%dma_start3A_727] : memref<5x!tpu.dma_semaphore, #tpu.memory_space<semaphore_mem>> -> memref<1x!tpu.dma_semaphore, #tpu.memory_space<semaphore_mem>>
      %dma_start3A_739 = tpu.memref_squeeze %dma_start3A_738 : memref<1x!tpu.dma_semaphore, #tpu.memory_space<semaphore_mem>> -> memref<!tpu.dma_semaphore, #tpu.memory_space<semaphore_mem>>
      tpu.enqueue_indirect_dma source(%dma_start3A_731 : memref<100x64xf32, #tpu.memory_space<vmem>>) target(%dma_start3A_737 : memref<10240x64xf32, #tpu.memory_space<vmem_shared>>) offsets(%dma_start3A_734 : memref<100xi32, #tpu.memory_space<vmem>>) semaphore(%dma_start3A_739 : memref<!tpu.dma_semaphore, #tpu.memory_space<semaphore_mem>>) {add = true}
      %add3A_740 = arith.constant 0 : i32
      %add3A_741 = arith.addi %mul3A_579, %add3A_740 : i32
      %add3A_742 = arith.constant 5 : i32
      %add3A_743 = arith.addi %add3A_741, %add3A_742 : i32
      %lt3A = arith.constant 100 : i32
      %lt3A_744 = arith.cmpi slt, %add3A_743, %lt3A : i32
      %convert_element_type3A = arith.extui %lt3A_744 : i1 to i32
      %cond3A = arith.constant 0 : i32
      %cond3A_745 = arith.cmpi ne, %convert_element_type3A, %cond3A : i32
      scf.if %cond3A_745 {
        %add3A_782 = arith.constant 0 : i32
        %add3A_783 = arith.addi %mul3A_579, %add3A_782 : i32
        %dma_wait3A_784 = arith.constant 0 : i32
        %dma_wait3A_785 = arith.constant 0 : i32
        %dma_wait3A_786 = arith.constant 0 : i32
        %dma_wait3A_787 = arith.constant 0 : i32
        %dma_wait3A_788 = tpu.memref_slice %arg8[%dma_wait3A_784, %dma_wait3A_786, %dma_wait3A_787] : memref<5x100x64xf32, #tpu.memory_space<vmem>> -> memref<1x100x64xf32, #tpu.memory_space<vmem>>
        %dma_wait3A_789 = tpu.memref_squeeze %dma_wait3A_788 : memref<1x100x64xf32, #tpu.memory_space<vmem>> -> memref<100x64xf32, #tpu.memory_space<vmem>>
        %dma_wait3A_790 = arith.constant 0 : i32
        %dma_wait3A_791 = tpu.memref_slice %arg7[%add3A_783, %dma_wait3A_790] : memref<100x100xi32, #tpu.memory_space<vmem>> -> memref<1x100xi32, #tpu.memory_space<vmem>>
        %dma_wait3A_792 = tpu.memref_squeeze %dma_wait3A_791 : memref<1x100xi32, #tpu.memory_space<vmem>> -> memref<100xi32, #tpu.memory_space<vmem>>
        %dma_wait3A_793 = arith.constant 0 : i32
        %dma_wait3A_794 = arith.constant 0 : i32
        %dma_wait3A_795 = tpu.memref_slice %arg11[%dma_wait3A_793, %dma_wait3A_794] : memref<10240x64xf32, #tpu.memory_space<vmem_shared>> -> memref<10240x64xf32, #tpu.memory_space<vmem_shared>>
        %dma_wait3A_796 = tpu.memref_slice %arg13[%dma_wait3A_785] : memref<5x!tpu.dma_semaphore, #tpu.memory_space<semaphore_mem>> -> memref<1x!tpu.dma_semaphore, #tpu.memory_space<semaphore_mem>>
        %dma_wait3A_797 = tpu.memref_squeeze %dma_wait3A_796 : memref<1x!tpu.dma_semaphore, #tpu.memory_space<semaphore_mem>> -> memref<!tpu.dma_semaphore, #tpu.memory_space<semaphore_mem>>
        tpu.wait_indirect_dma semaphore(%dma_wait3A_797 : memref<!tpu.dma_semaphore, #tpu.memory_space<semaphore_mem>>) src(%dma_wait3A_789 : memref<100x64xf32, #tpu.memory_space<vmem>>) dst(%dma_wait3A_795 : memref<10240x64xf32, #tpu.memory_space<vmem_shared>>)
        %add3A_798 = arith.constant 0 : i32
        %add3A_799 = arith.addi %mul3A_579, %add3A_798 : i32
        %add3A_800 = arith.constant 5 : i32
        %add3A_801 = arith.addi %add3A_799, %add3A_800 : i32
        %dma_start3A_802 = arith.constant 0 : i32
        %dma_start3A_803 = arith.constant 0 : i32
        %dma_start3A_804 = arith.constant 0 : i32
        %dma_start3A_805 = arith.constant 0 : i32
        %dma_start3A_806 = tpu.memref_slice %arg8[%dma_start3A_802, %dma_start3A_804, %dma_start3A_805] : memref<5x100x64xf32, #tpu.memory_space<vmem>> -> memref<1x100x64xf32, #tpu.memory_space<vmem>>
        %dma_start3A_807 = tpu.memref_squeeze %dma_start3A_806 : memref<1x100x64xf32, #tpu.memory_space<vmem>> -> memref<100x64xf32, #tpu.memory_space<vmem>>
        %dma_start3A_808 = arith.constant 0 : i32
        %dma_start3A_809 = tpu.memref_slice %arg6[%add3A_801, %dma_start3A_808] : memref<100x100xi32, #tpu.memory_space<vmem>> -> memref<1x100xi32, #tpu.memory_space<vmem>>
        %dma_start3A_810 = tpu.memref_squeeze %dma_start3A_809 : memref<1x100xi32, #tpu.memory_space<vmem>> -> memref<100xi32, #tpu.memory_space<vmem>>
        %dma_start3A_811 = arith.constant 0 : i32
        %dma_start3A_812 = arith.constant 0 : i32
        %dma_start3A_813 = tpu.memref_slice %arg2[%dma_start3A_811, %dma_start3A_812] : memref<10000x64xf32, #tpu.memory_space<hbm>> -> memref<10000x64xf32, #tpu.memory_space<hbm>>
        %dma_start3A_814 = tpu.memref_slice %arg12[%dma_start3A_803] : memref<5x!tpu.dma_semaphore, #tpu.memory_space<semaphore_mem>> -> memref<1x!tpu.dma_semaphore, #tpu.memory_space<semaphore_mem>>
        %dma_start3A_815 = tpu.memref_squeeze %dma_start3A_814 : memref<1x!tpu.dma_semaphore, #tpu.memory_space<semaphore_mem>> -> memref<!tpu.dma_semaphore, #tpu.memory_space<semaphore_mem>>
        tpu.enqueue_indirect_dma source(%dma_start3A_813 : memref<10000x64xf32, #tpu.memory_space<hbm>>) target(%dma_start3A_807 : memref<100x64xf32, #tpu.memory_space<vmem>>) offsets(%dma_start3A_810 : memref<100xi32, #tpu.memory_space<vmem>>) semaphore(%dma_start3A_815 : memref<!tpu.dma_semaphore, #tpu.memory_space<semaphore_mem>>)
      } else {
      }
      %add3A_746 = arith.constant 1 : i32
      %add3A_747 = arith.addi %mul3A_579, %add3A_746 : i32
      %add3A_748 = arith.constant 5 : i32
      %add3A_749 = arith.addi %add3A_747, %add3A_748 : i32
      %lt3A_750 = arith.constant 100 : i32
      %lt3A_751 = arith.cmpi slt, %add3A_749, %lt3A_750 : i32
      %convert_element_type3A_752 = arith.extui %lt3A_751 : i1 to i32
      %cond3A_753 = arith.constant 0 : i32
      %cond3A_754 = arith.cmpi ne, %convert_element_type3A_752, %cond3A_753 : i32
      scf.if %cond3A_754 {
        %add3A_782 = arith.constant 1 : i32
        %add3A_783 = arith.addi %mul3A_579, %add3A_782 : i32
        %dma_wait3A_784 = arith.constant 1 : i32
        %dma_wait3A_785 = arith.constant 1 : i32
        %dma_wait3A_786 = arith.constant 0 : i32
        %dma_wait3A_787 = arith.constant 0 : i32
        %dma_wait3A_788 = tpu.memref_slice %arg8[%dma_wait3A_784, %dma_wait3A_786, %dma_wait3A_787] : memref<5x100x64xf32, #tpu.memory_space<vmem>> -> memref<1x100x64xf32, #tpu.memory_space<vmem>>
        %dma_wait3A_789 = tpu.memref_squeeze %dma_wait3A_788 : memref<1x100x64xf32, #tpu.memory_space<vmem>> -> memref<100x64xf32, #tpu.memory_space<vmem>>
        %dma_wait3A_790 = arith.constant 0 : i32
        %dma_wait3A_791 = tpu.memref_slice %arg7[%add3A_783, %dma_wait3A_790] : memref<100x100xi32, #tpu.memory_space<vmem>> -> memref<1x100xi32, #tpu.memory_space<vmem>>
        %dma_wait3A_792 = tpu.memref_squeeze %dma_wait3A_791 : memref<1x100xi32, #tpu.memory_space<vmem>> -> memref<100xi32, #tpu.memory_space<vmem>>
        %dma_wait3A_793 = arith.constant 0 : i32
        %dma_wait3A_794 = arith.constant 0 : i32
        %dma_wait3A_795 = tpu.memref_slice %arg11[%dma_wait3A_793, %dma_wait3A_794] : memref<10240x64xf32, #tpu.memory_space<vmem_shared>> -> memref<10240x64xf32, #tpu.memory_space<vmem_shared>>
        %dma_wait3A_796 = tpu.memref_slice %arg13[%dma_wait3A_785] : memref<5x!tpu.dma_semaphore, #tpu.memory_space<semaphore_mem>> -> memref<1x!tpu.dma_semaphore, #tpu.memory_space<semaphore_mem>>
        %dma_wait3A_797 = tpu.memref_squeeze %dma_wait3A_796 : memref<1x!tpu.dma_semaphore, #tpu.memory_space<semaphore_mem>> -> memref<!tpu.dma_semaphore, #tpu.memory_space<semaphore_mem>>
        tpu.wait_indirect_dma semaphore(%dma_wait3A_797 : memref<!tpu.dma_semaphore, #tpu.memory_space<semaphore_mem>>) src(%dma_wait3A_789 : memref<100x64xf32, #tpu.memory_space<vmem>>) dst(%dma_wait3A_795 : memref<10240x64xf32, #tpu.memory_space<vmem_shared>>)
        %add3A_798 = arith.constant 1 : i32
        %add3A_799 = arith.addi %mul3A_579, %add3A_798 : i32
        %add3A_800 = arith.constant 5 : i32
        %add3A_801 = arith.addi %add3A_799, %add3A_800 : i32
        %dma_start3A_802 = arith.constant 1 : i32
        %dma_start3A_803 = arith.constant 1 : i32
        %dma_start3A_804 = arith.constant 0 : i32
        %dma_start3A_805 = arith.constant 0 : i32
        %dma_start3A_806 = tpu.memref_slice %arg8[%dma_start3A_802, %dma_start3A_804, %dma_start3A_805] : memref<5x100x64xf32, #tpu.memory_space<vmem>> -> memref<1x100x64xf32, #tpu.memory_space<vmem>>
        %dma_start3A_807 = tpu.memref_squeeze %dma_start3A_806 : memref<1x100x64xf32, #tpu.memory_space<vmem>> -> memref<100x64xf32, #tpu.memory_space<vmem>>
        %dma_start3A_808 = arith.constant 0 : i32
        %dma_start3A_809 = tpu.memref_slice %arg6[%add3A_801, %dma_start3A_808] : memref<100x100xi32, #tpu.memory_space<vmem>> -> memref<1x100xi32, #tpu.memory_space<vmem>>
        %dma_start3A_810 = tpu.memref_squeeze %dma_start3A_809 : memref<1x100xi32, #tpu.memory_space<vmem>> -> memref<100xi32, #tpu.memory_space<vmem>>
        %dma_start3A_811 = arith.constant 0 : i32
        %dma_start3A_812 = arith.constant 0 : i32
        %dma_start3A_813 = tpu.memref_slice %arg2[%dma_start3A_811, %dma_start3A_812] : memref<10000x64xf32, #tpu.memory_space<hbm>> -> memref<10000x64xf32, #tpu.memory_space<hbm>>
        %dma_start3A_814 = tpu.memref_slice %arg12[%dma_start3A_803] : memref<5x!tpu.dma_semaphore, #tpu.memory_space<semaphore_mem>> -> memref<1x!tpu.dma_semaphore, #tpu.memory_space<semaphore_mem>>
        %dma_start3A_815 = tpu.memref_squeeze %dma_start3A_814 : memref<1x!tpu.dma_semaphore, #tpu.memory_space<semaphore_mem>> -> memref<!tpu.dma_semaphore, #tpu.memory_space<semaphore_mem>>
        tpu.enqueue_indirect_dma source(%dma_start3A_813 : memref<10000x64xf32, #tpu.memory_space<hbm>>) target(%dma_start3A_807 : memref<100x64xf32, #tpu.memory_space<vmem>>) offsets(%dma_start3A_810 : memref<100xi32, #tpu.memory_space<vmem>>) semaphore(%dma_start3A_815 : memref<!tpu.dma_semaphore, #tpu.memory_space<semaphore_mem>>)
      } else {
      }
      %add3A_755 = arith.constant 2 : i32
      %add3A_756 = arith.addi %mul3A_579, %add3A_755 : i32
      %add3A_757 = arith.constant 5 : i32
      %add3A_758 = arith.addi %add3A_756, %add3A_757 : i32
      %lt3A_759 = arith.constant 100 : i32
      %lt3A_760 = arith.cmpi slt, %add3A_758, %lt3A_759 : i32
      %convert_element_type3A_761 = arith.extui %lt3A_760 : i1 to i32
      %cond3A_762 = arith.constant 0 : i32
      %cond3A_763 = arith.cmpi ne, %convert_element_type3A_761, %cond3A_762 : i32
      scf.if %cond3A_763 {
        %add3A_782 = arith.constant 2 : i32
        %add3A_783 = arith.addi %mul3A_579, %add3A_782 : i32
        %dma_wait3A_784 = arith.constant 2 : i32
        %dma_wait3A_785 = arith.constant 2 : i32
        %dma_wait3A_786 = arith.constant 0 : i32
        %dma_wait3A_787 = arith.constant 0 : i32
        %dma_wait3A_788 = tpu.memref_slice %arg8[%dma_wait3A_784, %dma_wait3A_786, %dma_wait3A_787] : memref<5x100x64xf32, #tpu.memory_space<vmem>> -> memref<1x100x64xf32, #tpu.memory_space<vmem>>
        %dma_wait3A_789 = tpu.memref_squeeze %dma_wait3A_788 : memref<1x100x64xf32, #tpu.memory_space<vmem>> -> memref<100x64xf32, #tpu.memory_space<vmem>>
        %dma_wait3A_790 = arith.constant 0 : i32
        %dma_wait3A_791 = tpu.memref_slice %arg7[%add3A_783, %dma_wait3A_790] : memref<100x100xi32, #tpu.memory_space<vmem>> -> memref<1x100xi32, #tpu.memory_space<vmem>>
        %dma_wait3A_792 = tpu.memref_squeeze %dma_wait3A_791 : memref<1x100xi32, #tpu.memory_space<vmem>> -> memref<100xi32, #tpu.memory_space<vmem>>
        %dma_wait3A_793 = arith.constant 0 : i32
        %dma_wait3A_794 = arith.constant 0 : i32
        %dma_wait3A_795 = tpu.memref_slice %arg11[%dma_wait3A_793, %dma_wait3A_794] : memref<10240x64xf32, #tpu.memory_space<vmem_shared>> -> memref<10240x64xf32, #tpu.memory_space<vmem_shared>>
        %dma_wait3A_796 = tpu.memref_slice %arg13[%dma_wait3A_785] : memref<5x!tpu.dma_semaphore, #tpu.memory_space<semaphore_mem>> -> memref<1x!tpu.dma_semaphore, #tpu.memory_space<semaphore_mem>>
        %dma_wait3A_797 = tpu.memref_squeeze %dma_wait3A_796 : memref<1x!tpu.dma_semaphore, #tpu.memory_space<semaphore_mem>> -> memref<!tpu.dma_semaphore, #tpu.memory_space<semaphore_mem>>
        tpu.wait_indirect_dma semaphore(%dma_wait3A_797 : memref<!tpu.dma_semaphore, #tpu.memory_space<semaphore_mem>>) src(%dma_wait3A_789 : memref<100x64xf32, #tpu.memory_space<vmem>>) dst(%dma_wait3A_795 : memref<10240x64xf32, #tpu.memory_space<vmem_shared>>)
        %add3A_798 = arith.constant 2 : i32
        %add3A_799 = arith.addi %mul3A_579, %add3A_798 : i32
        %add3A_800 = arith.constant 5 : i32
        %add3A_801 = arith.addi %add3A_799, %add3A_800 : i32
        %dma_start3A_802 = arith.constant 2 : i32
        %dma_start3A_803 = arith.constant 2 : i32
        %dma_start3A_804 = arith.constant 0 : i32
        %dma_start3A_805 = arith.constant 0 : i32
        %dma_start3A_806 = tpu.memref_slice %arg8[%dma_start3A_802, %dma_start3A_804, %dma_start3A_805] : memref<5x100x64xf32, #tpu.memory_space<vmem>> -> memref<1x100x64xf32, #tpu.memory_space<vmem>>
        %dma_start3A_807 = tpu.memref_squeeze %dma_start3A_806 : memref<1x100x64xf32, #tpu.memory_space<vmem>> -> memref<100x64xf32, #tpu.memory_space<vmem>>
        %dma_start3A_808 = arith.constant 0 : i32
        %dma_start3A_809 = tpu.memref_slice %arg6[%add3A_801, %dma_start3A_808] : memref<100x100xi32, #tpu.memory_space<vmem>> -> memref<1x100xi32, #tpu.memory_space<vmem>>
        %dma_start3A_810 = tpu.memref_squeeze %dma_start3A_809 : memref<1x100xi32, #tpu.memory_space<vmem>> -> memref<100xi32, #tpu.memory_space<vmem>>
        %dma_start3A_811 = arith.constant 0 : i32
        %dma_start3A_812 = arith.constant 0 : i32
        %dma_start3A_813 = tpu.memref_slice %arg2[%dma_start3A_811, %dma_start3A_812] : memref<10000x64xf32, #tpu.memory_space<hbm>> -> memref<10000x64xf32, #tpu.memory_space<hbm>>
        %dma_start3A_814 = tpu.memref_slice %arg12[%dma_start3A_803] : memref<5x!tpu.dma_semaphore, #tpu.memory_space<semaphore_mem>> -> memref<1x!tpu.dma_semaphore, #tpu.memory_space<semaphore_mem>>
        %dma_start3A_815 = tpu.memref_squeeze %dma_start3A_814 : memref<1x!tpu.dma_semaphore, #tpu.memory_space<semaphore_mem>> -> memref<!tpu.dma_semaphore, #tpu.memory_space<semaphore_mem>>
        tpu.enqueue_indirect_dma source(%dma_start3A_813 : memref<10000x64xf32, #tpu.memory_space<hbm>>) target(%dma_start3A_807 : memref<100x64xf32, #tpu.memory_space<vmem>>) offsets(%dma_start3A_810 : memref<100xi32, #tpu.memory_space<vmem>>) semaphore(%dma_start3A_815 : memref<!tpu.dma_semaphore, #tpu.memory_space<semaphore_mem>>)
      } else {
      }
      %add3A_764 = arith.constant 3 : i32
      %add3A_765 = arith.addi %mul3A_579, %add3A_764 : i32
      %add3A_766 = arith.constant 5 : i32
      %add3A_767 = arith.addi %add3A_765, %add3A_766 : i32
      %lt3A_768 = arith.constant 100 : i32
      %lt3A_769 = arith.cmpi slt, %add3A_767, %lt3A_768 : i32
      %convert_element_type3A_770 = arith.extui %lt3A_769 : i1 to i32
      %cond3A_771 = arith.constant 0 : i32
      %cond3A_772 = arith.cmpi ne, %convert_element_type3A_770, %cond3A_771 : i32
      scf.if %cond3A_772 {
        %add3A_782 = arith.constant 3 : i32
        %add3A_783 = arith.addi %mul3A_579, %add3A_782 : i32
        %dma_wait3A_784 = arith.constant 3 : i32
        %dma_wait3A_785 = arith.constant 3 : i32
        %dma_wait3A_786 = arith.constant 0 : i32
        %dma_wait3A_787 = arith.constant 0 : i32
        %dma_wait3A_788 = tpu.memref_slice %arg8[%dma_wait3A_784, %dma_wait3A_786, %dma_wait3A_787] : memref<5x100x64xf32, #tpu.memory_space<vmem>> -> memref<1x100x64xf32, #tpu.memory_space<vmem>>
        %dma_wait3A_789 = tpu.memref_squeeze %dma_wait3A_788 : memref<1x100x64xf32, #tpu.memory_space<vmem>> -> memref<100x64xf32, #tpu.memory_space<vmem>>
        %dma_wait3A_790 = arith.constant 0 : i32
        %dma_wait3A_791 = tpu.memref_slice %arg7[%add3A_783, %dma_wait3A_790] : memref<100x100xi32, #tpu.memory_space<vmem>> -> memref<1x100xi32, #tpu.memory_space<vmem>>
        %dma_wait3A_792 = tpu.memref_squeeze %dma_wait3A_791 : memref<1x100xi32, #tpu.memory_space<vmem>> -> memref<100xi32, #tpu.memory_space<vmem>>
        %dma_wait3A_793 = arith.constant 0 : i32
        %dma_wait3A_794 = arith.constant 0 : i32
        %dma_wait3A_795 = tpu.memref_slice %arg11[%dma_wait3A_793, %dma_wait3A_794] : memref<10240x64xf32, #tpu.memory_space<vmem_shared>> -> memref<10240x64xf32, #tpu.memory_space<vmem_shared>>
        %dma_wait3A_796 = tpu.memref_slice %arg13[%dma_wait3A_785] : memref<5x!tpu.dma_semaphore, #tpu.memory_space<semaphore_mem>> -> memref<1x!tpu.dma_semaphore, #tpu.memory_space<semaphore_mem>>
        %dma_wait3A_797 = tpu.memref_squeeze %dma_wait3A_796 : memref<1x!tpu.dma_semaphore, #tpu.memory_space<semaphore_mem>> -> memref<!tpu.dma_semaphore, #tpu.memory_space<semaphore_mem>>
        tpu.wait_indirect_dma semaphore(%dma_wait3A_797 : memref<!tpu.dma_semaphore, #tpu.memory_space<semaphore_mem>>) src(%dma_wait3A_789 : memref<100x64xf32, #tpu.memory_space<vmem>>) dst(%dma_wait3A_795 : memref<10240x64xf32, #tpu.memory_space<vmem_shared>>)
        %add3A_798 = arith.constant 3 : i32
        %add3A_799 = arith.addi %mul3A_579, %add3A_798 : i32
        %add3A_800 = arith.constant 5 : i32
        %add3A_801 = arith.addi %add3A_799, %add3A_800 : i32
        %dma_start3A_802 = arith.constant 3 : i32
        %dma_start3A_803 = arith.constant 3 : i32
        %dma_start3A_804 = arith.constant 0 : i32
        %dma_start3A_805 = arith.constant 0 : i32
        %dma_start3A_806 = tpu.memref_slice %arg8[%dma_start3A_802, %dma_start3A_804, %dma_start3A_805] : memref<5x100x64xf32, #tpu.memory_space<vmem>> -> memref<1x100x64xf32, #tpu.memory_space<vmem>>
        %dma_start3A_807 = tpu.memref_squeeze %dma_start3A_806 : memref<1x100x64xf32, #tpu.memory_space<vmem>> -> memref<100x64xf32, #tpu.memory_space<vmem>>
        %dma_start3A_808 = arith.constant 0 : i32
        %dma_start3A_809 = tpu.memref_slice %arg6[%add3A_801, %dma_start3A_808] : memref<100x100xi32, #tpu.memory_space<vmem>> -> memref<1x100xi32, #tpu.memory_space<vmem>>
        %dma_start3A_810 = tpu.memref_squeeze %dma_start3A_809 : memref<1x100xi32, #tpu.memory_space<vmem>> -> memref<100xi32, #tpu.memory_space<vmem>>
        %dma_start3A_811 = arith.constant 0 : i32
        %dma_start3A_812 = arith.constant 0 : i32
        %dma_start3A_813 = tpu.memref_slice %arg2[%dma_start3A_811, %dma_start3A_812] : memref<10000x64xf32, #tpu.memory_space<hbm>> -> memref<10000x64xf32, #tpu.memory_space<hbm>>
        %dma_start3A_814 = tpu.memref_slice %arg12[%dma_start3A_803] : memref<5x!tpu.dma_semaphore, #tpu.memory_space<semaphore_mem>> -> memref<1x!tpu.dma_semaphore, #tpu.memory_space<semaphore_mem>>
        %dma_start3A_815 = tpu.memref_squeeze %dma_start3A_814 : memref<1x!tpu.dma_semaphore, #tpu.memory_space<semaphore_mem>> -> memref<!tpu.dma_semaphore, #tpu.memory_space<semaphore_mem>>
        tpu.enqueue_indirect_dma source(%dma_start3A_813 : memref<10000x64xf32, #tpu.memory_space<hbm>>) target(%dma_start3A_807 : memref<100x64xf32, #tpu.memory_space<vmem>>) offsets(%dma_start3A_810 : memref<100xi32, #tpu.memory_space<vmem>>) semaphore(%dma_start3A_815 : memref<!tpu.dma_semaphore, #tpu.memory_space<semaphore_mem>>)
      } else {
      }
      %add3A_773 = arith.constant 4 : i32
      %add3A_774 = arith.addi %mul3A_579, %add3A_773 : i32
      %add3A_775 = arith.constant 5 : i32
      %add3A_776 = arith.addi %add3A_774, %add3A_775 : i32
      %lt3A_777 = arith.constant 100 : i32
      %lt3A_778 = arith.cmpi slt, %add3A_776, %lt3A_777 : i32
      %convert_element_type3A_779 = arith.extui %lt3A_778 : i1 to i32
      %cond3A_780 = arith.constant 0 : i32
      %cond3A_781 = arith.cmpi ne, %convert_element_type3A_779, %cond3A_780 : i32
      scf.if %cond3A_781 {
        %add3A_782 = arith.constant 4 : i32
        %add3A_783 = arith.addi %mul3A_579, %add3A_782 : i32
        %dma_wait3A_784 = arith.constant 4 : i32
        %dma_wait3A_785 = arith.constant 4 : i32
        %dma_wait3A_786 = arith.constant 0 : i32
        %dma_wait3A_787 = arith.constant 0 : i32
        %dma_wait3A_788 = tpu.memref_slice %arg8[%dma_wait3A_784, %dma_wait3A_786, %dma_wait3A_787] : memref<5x100x64xf32, #tpu.memory_space<vmem>> -> memref<1x100x64xf32, #tpu.memory_space<vmem>>
        %dma_wait3A_789 = tpu.memref_squeeze %dma_wait3A_788 : memref<1x100x64xf32, #tpu.memory_space<vmem>> -> memref<100x64xf32, #tpu.memory_space<vmem>>
        %dma_wait3A_790 = arith.constant 0 : i32
        %dma_wait3A_791 = tpu.memref_slice %arg7[%add3A_783, %dma_wait3A_790] : memref<100x100xi32, #tpu.memory_space<vmem>> -> memref<1x100xi32, #tpu.memory_space<vmem>>
        %dma_wait3A_792 = tpu.memref_squeeze %dma_wait3A_791 : memref<1x100xi32, #tpu.memory_space<vmem>> -> memref<100xi32, #tpu.memory_space<vmem>>
        %dma_wait3A_793 = arith.constant 0 : i32
        %dma_wait3A_794 = arith.constant 0 : i32
        %dma_wait3A_795 = tpu.memref_slice %arg11[%dma_wait3A_793, %dma_wait3A_794] : memref<10240x64xf32, #tpu.memory_space<vmem_shared>> -> memref<10240x64xf32, #tpu.memory_space<vmem_shared>>
        %dma_wait3A_796 = tpu.memref_slice %arg13[%dma_wait3A_785] : memref<5x!tpu.dma_semaphore, #tpu.memory_space<semaphore_mem>> -> memref<1x!tpu.dma_semaphore, #tpu.memory_space<semaphore_mem>>
        %dma_wait3A_797 = tpu.memref_squeeze %dma_wait3A_796 : memref<1x!tpu.dma_semaphore, #tpu.memory_space<semaphore_mem>> -> memref<!tpu.dma_semaphore, #tpu.memory_space<semaphore_mem>>
        tpu.wait_indirect_dma semaphore(%dma_wait3A_797 : memref<!tpu.dma_semaphore, #tpu.memory_space<semaphore_mem>>) src(%dma_wait3A_789 : memref<100x64xf32, #tpu.memory_space<vmem>>) dst(%dma_wait3A_795 : memref<10240x64xf32, #tpu.memory_space<vmem_shared>>)
        %add3A_798 = arith.constant 4 : i32
        %add3A_799 = arith.addi %mul3A_579, %add3A_798 : i32
        %add3A_800 = arith.constant 5 : i32
        %add3A_801 = arith.addi %add3A_799, %add3A_800 : i32
        %dma_start3A_802 = arith.constant 4 : i32
        %dma_start3A_803 = arith.constant 4 : i32
        %dma_start3A_804 = arith.constant 0 : i32
        %dma_start3A_805 = arith.constant 0 : i32
        %dma_start3A_806 = tpu.memref_slice %arg8[%dma_start3A_802, %dma_start3A_804, %dma_start3A_805] : memref<5x100x64xf32, #tpu.memory_space<vmem>> -> memref<1x100x64xf32, #tpu.memory_space<vmem>>
        %dma_start3A_807 = tpu.memref_squeeze %dma_start3A_806 : memref<1x100x64xf32, #tpu.memory_space<vmem>> -> memref<100x64xf32, #tpu.memory_space<vmem>>
        %dma_start3A_808 = arith.constant 0 : i32
        %dma_start3A_809 = tpu.memref_slice %arg6[%add3A_801, %dma_start3A_808] : memref<100x100xi32, #tpu.memory_space<vmem>> -> memref<1x100xi32, #tpu.memory_space<vmem>>
        %dma_start3A_810 = tpu.memref_squeeze %dma_start3A_809 : memref<1x100xi32, #tpu.memory_space<vmem>> -> memref<100xi32, #tpu.memory_space<vmem>>
        %dma_start3A_811 = arith.constant 0 : i32
        %dma_start3A_812 = arith.constant 0 : i32
        %dma_start3A_813 = tpu.memref_slice %arg2[%dma_start3A_811, %dma_start3A_812] : memref<10000x64xf32, #tpu.memory_space<hbm>> -> memref<10000x64xf32, #tpu.memory_space<hbm>>
        %dma_start3A_814 = tpu.memref_slice %arg12[%dma_start3A_803] : memref<5x!tpu.dma_semaphore, #tpu.memory_space<semaphore_mem>> -> memref<1x!tpu.dma_semaphore, #tpu.memory_space<semaphore_mem>>
        %dma_start3A_815 = tpu.memref_squeeze %dma_start3A_814 : memref<1x!tpu.dma_semaphore, #tpu.memory_space<semaphore_mem>> -> memref<!tpu.dma_semaphore, #tpu.memory_space<semaphore_mem>>
        tpu.enqueue_indirect_dma source(%dma_start3A_813 : memref<10000x64xf32, #tpu.memory_space<hbm>>) target(%dma_start3A_807 : memref<100x64xf32, #tpu.memory_space<vmem>>) offsets(%dma_start3A_810 : memref<100xi32, #tpu.memory_space<vmem>>) semaphore(%dma_start3A_815 : memref<!tpu.dma_semaphore, #tpu.memory_space<semaphore_mem>>)
      } else {
      }
    }
    %scan3A_305 = arith.constant 20 : i32
    %dma_wait3A_306 = arith.constant 0 : i32
    %dma_wait3A_307 = arith.constant 95 : i32
    %dma_wait3A_308 = arith.constant 0 : i32
    %dma_wait3A_309 = arith.constant 0 : i32
    %dma_wait3A_310 = arith.constant 0 : i32
    %dma_wait3A_311 = tpu.memref_slice %arg8[%dma_wait3A_306, %dma_wait3A_309, %dma_wait3A_310] : memref<5x100x64xf32, #tpu.memory_space<vmem>> -> memref<1x100x64xf32, #tpu.memory_space<vmem>>
    %dma_wait3A_312 = tpu.memref_squeeze %dma_wait3A_311 : memref<1x100x64xf32, #tpu.memory_space<vmem>> -> memref<100x64xf32, #tpu.memory_space<vmem>>
    %dma_wait3A_313 = arith.constant 0 : i32
    %dma_wait3A_314 = tpu.memref_slice %arg7[%dma_wait3A_307, %dma_wait3A_313] : memref<100x100xi32, #tpu.memory_space<vmem>> -> memref<1x100xi32, #tpu.memory_space<vmem>>
    %dma_wait3A_315 = tpu.memref_squeeze %dma_wait3A_314 : memref<1x100xi32, #tpu.memory_space<vmem>> -> memref<100xi32, #tpu.memory_space<vmem>>
    %dma_wait3A_316 = arith.constant 0 : i32
    %dma_wait3A_317 = arith.constant 0 : i32
    %dma_wait3A_318 = tpu.memref_slice %arg11[%dma_wait3A_316, %dma_wait3A_317] : memref<10240x64xf32, #tpu.memory_space<vmem_shared>> -> memref<10240x64xf32, #tpu.memory_space<vmem_shared>>
    %dma_wait3A_319 = tpu.memref_slice %arg13[%dma_wait3A_308] : memref<5x!tpu.dma_semaphore, #tpu.memory_space<semaphore_mem>> -> memref<1x!tpu.dma_semaphore, #tpu.memory_space<semaphore_mem>>
    %dma_wait3A_320 = tpu.memref_squeeze %dma_wait3A_319 : memref<1x!tpu.dma_semaphore, #tpu.memory_space<semaphore_mem>> -> memref<!tpu.dma_semaphore, #tpu.memory_space<semaphore_mem>>
    tpu.wait_indirect_dma semaphore(%dma_wait3A_320 : memref<!tpu.dma_semaphore, #tpu.memory_space<semaphore_mem>>) src(%dma_wait3A_312 : memref<100x64xf32, #tpu.memory_space<vmem>>) dst(%dma_wait3A_318 : memref<10240x64xf32, #tpu.memory_space<vmem_shared>>)
    %dma_wait3A_321 = arith.constant 1 : i32
    %dma_wait3A_322 = arith.constant 96 : i32
    %dma_wait3A_323 = arith.constant 1 : i32
    %dma_wait3A_324 = arith.constant 0 : i32
    %dma_wait3A_325 = arith.constant 0 : i32
    %dma_wait3A_326 = tpu.memref_slice %arg8[%dma_wait3A_321, %dma_wait3A_324, %dma_wait3A_325] : memref<5x100x64xf32, #tpu.memory_space<vmem>> -> memref<1x100x64xf32, #tpu.memory_space<vmem>>
    %dma_wait3A_327 = tpu.memref_squeeze %dma_wait3A_326 : memref<1x100x64xf32, #tpu.memory_space<vmem>> -> memref<100x64xf32, #tpu.memory_space<vmem>>
    %dma_wait3A_328 = arith.constant 0 : i32
    %dma_wait3A_329 = tpu.memref_slice %arg7[%dma_wait3A_322, %dma_wait3A_328] : memref<100x100xi32, #tpu.memory_space<vmem>> -> memref<1x100xi32, #tpu.memory_space<vmem>>
    %dma_wait3A_330 = tpu.memref_squeeze %dma_wait3A_329 : memref<1x100xi32, #tpu.memory_space<vmem>> -> memref<100xi32, #tpu.memory_space<vmem>>
    %dma_wait3A_331 = arith.constant 0 : i32
    %dma_wait3A_332 = arith.constant 0 : i32
    %dma_wait3A_333 = tpu.memref_slice %arg11[%dma_wait3A_331, %dma_wait3A_332] : memref<10240x64xf32, #tpu.memory_space<vmem_shared>> -> memref<10240x64xf32, #tpu.memory_space<vmem_shared>>
    %dma_wait3A_334 = tpu.memref_slice %arg13[%dma_wait3A_323] : memref<5x!tpu.dma_semaphore, #tpu.memory_space<semaphore_mem>> -> memref<1x!tpu.dma_semaphore, #tpu.memory_space<semaphore_mem>>
    %dma_wait3A_335 = tpu.memref_squeeze %dma_wait3A_334 : memref<1x!tpu.dma_semaphore, #tpu.memory_space<semaphore_mem>> -> memref<!tpu.dma_semaphore, #tpu.memory_space<semaphore_mem>>
    tpu.wait_indirect_dma semaphore(%dma_wait3A_335 : memref<!tpu.dma_semaphore, #tpu.memory_space<semaphore_mem>>) src(%dma_wait3A_327 : memref<100x64xf32, #tpu.memory_space<vmem>>) dst(%dma_wait3A_333 : memref<10240x64xf32, #tpu.memory_space<vmem_shared>>)
    %dma_wait3A_336 = arith.constant 2 : i32
    %dma_wait3A_337 = arith.constant 97 : i32
    %dma_wait3A_338 = arith.constant 2 : i32
    %dma_wait3A_339 = arith.constant 0 : i32
    %dma_wait3A_340 = arith.constant 0 : i32
    %dma_wait3A_341 = tpu.memref_slice %arg8[%dma_wait3A_336, %dma_wait3A_339, %dma_wait3A_340] : memref<5x100x64xf32, #tpu.memory_space<vmem>> -> memref<1x100x64xf32, #tpu.memory_space<vmem>>
    %dma_wait3A_342 = tpu.memref_squeeze %dma_wait3A_341 : memref<1x100x64xf32, #tpu.memory_space<vmem>> -> memref<100x64xf32, #tpu.memory_space<vmem>>
    %dma_wait3A_343 = arith.constant 0 : i32
    %dma_wait3A_344 = tpu.memref_slice %arg7[%dma_wait3A_337, %dma_wait3A_343] : memref<100x100xi32, #tpu.memory_space<vmem>> -> memref<1x100xi32, #tpu.memory_space<vmem>>
    %dma_wait3A_345 = tpu.memref_squeeze %dma_wait3A_344 : memref<1x100xi32, #tpu.memory_space<vmem>> -> memref<100xi32, #tpu.memory_space<vmem>>
    %dma_wait3A_346 = arith.constant 0 : i32
    %dma_wait3A_347 = arith.constant 0 : i32
    %dma_wait3A_348 = tpu.memref_slice %arg11[%dma_wait3A_346, %dma_wait3A_347] : memref<10240x64xf32, #tpu.memory_space<vmem_shared>> -> memref<10240x64xf32, #tpu.memory_space<vmem_shared>>
    %dma_wait3A_349 = tpu.memref_slice %arg13[%dma_wait3A_338] : memref<5x!tpu.dma_semaphore, #tpu.memory_space<semaphore_mem>> -> memref<1x!tpu.dma_semaphore, #tpu.memory_space<semaphore_mem>>
    %dma_wait3A_350 = tpu.memref_squeeze %dma_wait3A_349 : memref<1x!tpu.dma_semaphore, #tpu.memory_space<semaphore_mem>> -> memref<!tpu.dma_semaphore, #tpu.memory_space<semaphore_mem>>
    tpu.wait_indirect_dma semaphore(%dma_wait3A_350 : memref<!tpu.dma_semaphore, #tpu.memory_space<semaphore_mem>>) src(%dma_wait3A_342 : memref<100x64xf32, #tpu.memory_space<vmem>>) dst(%dma_wait3A_348 : memref<10240x64xf32, #tpu.memory_space<vmem_shared>>)
    %dma_wait3A_351 = arith.constant 3 : i32
    %dma_wait3A_352 = arith.constant 98 : i32
    %dma_wait3A_353 = arith.constant 3 : i32
    %dma_wait3A_354 = arith.constant 0 : i32
    %dma_wait3A_355 = arith.constant 0 : i32
    %dma_wait3A_356 = tpu.memref_slice %arg8[%dma_wait3A_351, %dma_wait3A_354, %dma_wait3A_355] : memref<5x100x64xf32, #tpu.memory_space<vmem>> -> memref<1x100x64xf32, #tpu.memory_space<vmem>>
    %dma_wait3A_357 = tpu.memref_squeeze %dma_wait3A_356 : memref<1x100x64xf32, #tpu.memory_space<vmem>> -> memref<100x64xf32, #tpu.memory_space<vmem>>
    %dma_wait3A_358 = arith.constant 0 : i32
    %dma_wait3A_359 = tpu.memref_slice %arg7[%dma_wait3A_352, %dma_wait3A_358] : memref<100x100xi32, #tpu.memory_space<vmem>> -> memref<1x100xi32, #tpu.memory_space<vmem>>
    %dma_wait3A_360 = tpu.memref_squeeze %dma_wait3A_359 : memref<1x100xi32, #tpu.memory_space<vmem>> -> memref<100xi32, #tpu.memory_space<vmem>>
    %dma_wait3A_361 = arith.constant 0 : i32
    %dma_wait3A_362 = arith.constant 0 : i32
    %dma_wait3A_363 = tpu.memref_slice %arg11[%dma_wait3A_361, %dma_wait3A_362] : memref<10240x64xf32, #tpu.memory_space<vmem_shared>> -> memref<10240x64xf32, #tpu.memory_space<vmem_shared>>
    %dma_wait3A_364 = tpu.memref_slice %arg13[%dma_wait3A_353] : memref<5x!tpu.dma_semaphore, #tpu.memory_space<semaphore_mem>> -> memref<1x!tpu.dma_semaphore, #tpu.memory_space<semaphore_mem>>
    %dma_wait3A_365 = tpu.memref_squeeze %dma_wait3A_364 : memref<1x!tpu.dma_semaphore, #tpu.memory_space<semaphore_mem>> -> memref<!tpu.dma_semaphore, #tpu.memory_space<semaphore_mem>>
    tpu.wait_indirect_dma semaphore(%dma_wait3A_365 : memref<!tpu.dma_semaphore, #tpu.memory_space<semaphore_mem>>) src(%dma_wait3A_357 : memref<100x64xf32, #tpu.memory_space<vmem>>) dst(%dma_wait3A_363 : memref<10240x64xf32, #tpu.memory_space<vmem_shared>>)
    %dma_wait3A_366 = arith.constant 4 : i32
    %dma_wait3A_367 = arith.constant 99 : i32
    %dma_wait3A_368 = arith.constant 4 : i32
    %dma_wait3A_369 = arith.constant 0 : i32
    %dma_wait3A_370 = arith.constant 0 : i32
    %dma_wait3A_371 = tpu.memref_slice %arg8[%dma_wait3A_366, %dma_wait3A_369, %dma_wait3A_370] : memref<5x100x64xf32, #tpu.memory_space<vmem>> -> memref<1x100x64xf32, #tpu.memory_space<vmem>>
    %dma_wait3A_372 = tpu.memref_squeeze %dma_wait3A_371 : memref<1x100x64xf32, #tpu.memory_space<vmem>> -> memref<100x64xf32, #tpu.memory_space<vmem>>
    %dma_wait3A_373 = arith.constant 0 : i32
    %dma_wait3A_374 = tpu.memref_slice %arg7[%dma_wait3A_367, %dma_wait3A_373] : memref<100x100xi32, #tpu.memory_space<vmem>> -> memref<1x100xi32, #tpu.memory_space<vmem>>
    %dma_wait3A_375 = tpu.memref_squeeze %dma_wait3A_374 : memref<1x100xi32, #tpu.memory_space<vmem>> -> memref<100xi32, #tpu.memory_space<vmem>>
    %dma_wait3A_376 = arith.constant 0 : i32
    %dma_wait3A_377 = arith.constant 0 : i32
    %dma_wait3A_378 = tpu.memref_slice %arg11[%dma_wait3A_376, %dma_wait3A_377] : memref<10240x64xf32, #tpu.memory_space<vmem_shared>> -> memref<10240x64xf32, #tpu.memory_space<vmem_shared>>
    %dma_wait3A_379 = tpu.memref_slice %arg13[%dma_wait3A_368] : memref<5x!tpu.dma_semaphore, #tpu.memory_space<semaphore_mem>> -> memref<1x!tpu.dma_semaphore, #tpu.memory_space<semaphore_mem>>
    %dma_wait3A_380 = tpu.memref_squeeze %dma_wait3A_379 : memref<1x!tpu.dma_semaphore, #tpu.memory_space<semaphore_mem>> -> memref<!tpu.dma_semaphore, #tpu.memory_space<semaphore_mem>>
    tpu.wait_indirect_dma semaphore(%dma_wait3A_380 : memref<!tpu.dma_semaphore, #tpu.memory_space<semaphore_mem>>) src(%dma_wait3A_372 : memref<100x64xf32, #tpu.memory_space<vmem>>) dst(%dma_wait3A_378 : memref<10240x64xf32, #tpu.memory_space<vmem_shared>>)
    %barrier3A_381 = arith.constant 0 : index
    tpu.barrier barrier_id(%barrier3A_381)
    %mul3A_382 = arith.constant 640 : i32
    %mul3A_383 = arith.muli %arg1, %mul3A_382 : i32
    %add3A_384 = arith.constant 0 : i32
    %add3A_385 = arith.addi %mul3A_383, %add3A_384 : i32
    %run_scoped3A = arith.constant 0 : i32
    "tpu.region"() ({
      %run_scoped3A_577 = tpu.sem_alloc : memref<!tpu.dma_semaphore, #tpu.memory_space<semaphore_mem>>
      %dma_start3A_578 = arith.constant 0 : i32
      %dma_start3A_579 = arith.constant 0 : i32
      %dma_start3A_580 = tpu.memref_slice %arg10[%run_scoped3A, %dma_start3A_578, %dma_start3A_579] : memref<2x160x64xf32, #tpu.memory_space<vmem>> -> memref<1x160x64xf32, #tpu.memory_space<vmem>>
      %dma_start3A_581 = tpu.memref_squeeze %dma_start3A_580 : memref<1x160x64xf32, #tpu.memory_space<vmem>> -> memref<160x64xf32, #tpu.memory_space<vmem>>
      %dma_start3A_582 = arith.constant 0 : i32
      %dma_start3A_583 = tpu.memref_slice %arg11[%add3A_385, %dma_start3A_582] : memref<10240x64xf32, #tpu.memory_space<vmem_shared>> -> memref<160x64xf32, #tpu.memory_space<vmem_shared>>
      %dma_start3A_584 = arith.constant 0 : i32
      %dma_start3A_585 = arith.constant 0 : i32
      %dma_start3A_586 = tpu.memref_slice %arg10[%run_scoped3A, %dma_start3A_584, %dma_start3A_585] : memref<2x160x64xf32, #tpu.memory_space<vmem>> -> memref<1x160x64xf32, #tpu.memory_space<vmem>>
      %dma_start3A_587 = tpu.memref_squeeze %dma_start3A_586 : memref<1x160x64xf32, #tpu.memory_space<vmem>> -> memref<160x64xf32, #tpu.memory_space<vmem>>
      %dma_start3A_588 = arith.constant 0 : i32
      %dma_start3A_589 = tpu.memref_slice %arg11[%add3A_385, %dma_start3A_588] : memref<10240x64xf32, #tpu.memory_space<vmem_shared>> -> memref<160x64xf32, #tpu.memory_space<vmem_shared>>
      tpu.enqueue_dma source(%dma_start3A_589 : memref<160x64xf32, #tpu.memory_space<vmem_shared>>) target(%dma_start3A_587 : memref<160x64xf32, #tpu.memory_space<vmem>>) target_semaphore(%run_scoped3A_577 : memref<!tpu.dma_semaphore, #tpu.memory_space<semaphore_mem>>)
      %dma_wait3A_590 = arith.constant 0 : i32
      %dma_wait3A_591 = arith.constant 0 : i32
      %dma_wait3A_592 = tpu.memref_slice %arg10[%run_scoped3A, %dma_wait3A_590, %dma_wait3A_591] : memref<2x160x64xf32, #tpu.memory_space<vmem>> -> memref<1x160x64xf32, #tpu.memory_space<vmem>>
      %dma_wait3A_593 = tpu.memref_squeeze %dma_wait3A_592 : memref<1x160x64xf32, #tpu.memory_space<vmem>> -> memref<160x64xf32, #tpu.memory_space<vmem>>
      %dma_wait3A_594 = arith.constant 0 : i32
      %dma_wait3A_595 = tpu.memref_slice %arg11[%add3A_385, %dma_wait3A_594] : memref<10240x64xf32, #tpu.memory_space<vmem_shared>> -> memref<160x64xf32, #tpu.memory_space<vmem_shared>>
      %dma_wait3A_596 = arith.constant 0 : i32
      %dma_wait3A_597 = arith.constant 0 : i32
      %dma_wait3A_598 = tpu.memref_slice %arg10[%run_scoped3A, %dma_wait3A_596, %dma_wait3A_597] : memref<2x160x64xf32, #tpu.memory_space<vmem>> -> memref<1x160x64xf32, #tpu.memory_space<vmem>>
      %dma_wait3A_599 = tpu.memref_squeeze %dma_wait3A_598 : memref<1x160x64xf32, #tpu.memory_space<vmem>> -> memref<160x64xf32, #tpu.memory_space<vmem>>
      %dma_wait3A_600 = arith.constant 0 : i32
      %dma_wait3A_601 = tpu.memref_slice %arg11[%add3A_385, %dma_wait3A_600] : memref<10240x64xf32, #tpu.memory_space<vmem_shared>> -> memref<160x64xf32, #tpu.memory_space<vmem_shared>>
      tpu.wait_dma2 semaphore(%run_scoped3A_577 : memref<!tpu.dma_semaphore, #tpu.memory_space<semaphore_mem>>) src(%dma_wait3A_601 : memref<160x64xf32, #tpu.memory_space<vmem_shared>>) dst(%dma_wait3A_599 : memref<160x64xf32, #tpu.memory_space<vmem>>)
      tpu.yield
    }) : () -> ()
    %mul3A_386 = arith.constant 640 : i32
    %mul3A_387 = arith.muli %arg1, %mul3A_386 : i32
    %add3A_388 = arith.constant 0 : i32
    %add3A_389 = arith.addi %mul3A_387, %add3A_388 : i32
    %dma_start3A_390 = arith.constant 0 : i32
    %dma_start3A_391 = arith.constant 0 : i32
    %dma_start3A_392 = arith.constant 0 : i32
    %dma_start3A_393 = arith.constant 0 : i32
    %dma_start3A_394 = tpu.memref_slice %arg10[%dma_start3A_390, %dma_start3A_392, %dma_start3A_393] : memref<2x160x64xf32, #tpu.memory_space<vmem>> -> memref<1x160x64xf32, #tpu.memory_space<vmem>>
    %dma_start3A_395 = tpu.memref_squeeze %dma_start3A_394 : memref<1x160x64xf32, #tpu.memory_space<vmem>> -> memref<160x64xf32, #tpu.memory_space<vmem>>
    %dma_start3A_396 = arith.constant 0 : i32
    %dma_start3A_397 = tpu.memref_slice %arg5[%arg0, %add3A_389, %dma_start3A_396] : memref<2x10240x64xf32, #tpu.memory_space<hbm>> -> memref<1x160x64xf32, #tpu.memory_space<hbm>>
    %dma_start3A_398 = tpu.memref_squeeze %dma_start3A_397 : memref<1x160x64xf32, #tpu.memory_space<hbm>> -> memref<160x64xf32, #tpu.memory_space<hbm>>
    %dma_start3A_399 = tpu.memref_slice %arg14[%dma_start3A_391] : memref<2x!tpu.dma_semaphore, #tpu.memory_space<semaphore_mem>> -> memref<1x!tpu.dma_semaphore, #tpu.memory_space<semaphore_mem>>
    %dma_start3A_400 = tpu.memref_squeeze %dma_start3A_399 : memref<1x!tpu.dma_semaphore, #tpu.memory_space<semaphore_mem>> -> memref<!tpu.dma_semaphore, #tpu.memory_space<semaphore_mem>>
    %dma_start3A_401 = arith.constant 0 : i32
    %dma_start3A_402 = tpu.memref_slice %arg5[%arg0, %add3A_389, %dma_start3A_401] : memref<2x10240x64xf32, #tpu.memory_space<hbm>> -> memref<1x160x64xf32, #tpu.memory_space<hbm>>
    %dma_start3A_403 = tpu.memref_squeeze %dma_start3A_402 : memref<1x160x64xf32, #tpu.memory_space<hbm>> -> memref<160x64xf32, #tpu.memory_space<hbm>>
    %dma_start3A_404 = arith.constant 0 : i32
    %dma_start3A_405 = arith.constant 0 : i32
    %dma_start3A_406 = tpu.memref_slice %arg10[%dma_start3A_390, %dma_start3A_404, %dma_start3A_405] : memref<2x160x64xf32, #tpu.memory_space<vmem>> -> memref<1x160x64xf32, #tpu.memory_space<vmem>>
    %dma_start3A_407 = tpu.memref_squeeze %dma_start3A_406 : memref<1x160x64xf32, #tpu.memory_space<vmem>> -> memref<160x64xf32, #tpu.memory_space<vmem>>
    tpu.enqueue_dma source(%dma_start3A_407 : memref<160x64xf32, #tpu.memory_space<vmem>>) target(%dma_start3A_403 : memref<160x64xf32, #tpu.memory_space<hbm>>) target_semaphore(%dma_start3A_400 : memref<!tpu.dma_semaphore, #tpu.memory_space<semaphore_mem>>)
    %mul3A_408 = arith.constant 640 : i32
    %mul3A_409 = arith.muli %arg1, %mul3A_408 : i32
    %add3A_410 = arith.constant 160 : i32
    %add3A_411 = arith.addi %mul3A_409, %add3A_410 : i32
    %run_scoped3A_412 = arith.constant 1 : i32
    "tpu.region"() ({
      %run_scoped3A_577 = tpu.sem_alloc : memref<!tpu.dma_semaphore, #tpu.memory_space<semaphore_mem>>
      %dma_start3A_578 = arith.constant 0 : i32
      %dma_start3A_579 = arith.constant 0 : i32
      %dma_start3A_580 = tpu.memref_slice %arg10[%run_scoped3A_412, %dma_start3A_578, %dma_start3A_579] : memref<2x160x64xf32, #tpu.memory_space<vmem>> -> memref<1x160x64xf32, #tpu.memory_space<vmem>>
      %dma_start3A_581 = tpu.memref_squeeze %dma_start3A_580 : memref<1x160x64xf32, #tpu.memory_space<vmem>> -> memref<160x64xf32, #tpu.memory_space<vmem>>
      %dma_start3A_582 = arith.constant 0 : i32
      %dma_start3A_583 = tpu.memref_slice %arg11[%add3A_411, %dma_start3A_582] : memref<10240x64xf32, #tpu.memory_space<vmem_shared>> -> memref<160x64xf32, #tpu.memory_space<vmem_shared>>
      %dma_start3A_584 = arith.constant 0 : i32
      %dma_start3A_585 = arith.constant 0 : i32
      %dma_start3A_586 = tpu.memref_slice %arg10[%run_scoped3A_412, %dma_start3A_584, %dma_start3A_585] : memref<2x160x64xf32, #tpu.memory_space<vmem>> -> memref<1x160x64xf32, #tpu.memory_space<vmem>>
      %dma_start3A_587 = tpu.memref_squeeze %dma_start3A_586 : memref<1x160x64xf32, #tpu.memory_space<vmem>> -> memref<160x64xf32, #tpu.memory_space<vmem>>
      %dma_start3A_588 = arith.constant 0 : i32
      %dma_start3A_589 = tpu.memref_slice %arg11[%add3A_411, %dma_start3A_588] : memref<10240x64xf32, #tpu.memory_space<vmem_shared>> -> memref<160x64xf32, #tpu.memory_space<vmem_shared>>
      tpu.enqueue_dma source(%dma_start3A_589 : memref<160x64xf32, #tpu.memory_space<vmem_shared>>) target(%dma_start3A_587 : memref<160x64xf32, #tpu.memory_space<vmem>>) target_semaphore(%run_scoped3A_577 : memref<!tpu.dma_semaphore, #tpu.memory_space<semaphore_mem>>)
      %dma_wait3A_590 = arith.constant 0 : i32
      %dma_wait3A_591 = arith.constant 0 : i32
      %dma_wait3A_592 = tpu.memref_slice %arg10[%run_scoped3A_412, %dma_wait3A_590, %dma_wait3A_591] : memref<2x160x64xf32, #tpu.memory_space<vmem>> -> memref<1x160x64xf32, #tpu.memory_space<vmem>>
      %dma_wait3A_593 = tpu.memref_squeeze %dma_wait3A_592 : memref<1x160x64xf32, #tpu.memory_space<vmem>> -> memref<160x64xf32, #tpu.memory_space<vmem>>
      %dma_wait3A_594 = arith.constant 0 : i32
      %dma_wait3A_595 = tpu.memref_slice %arg11[%add3A_411, %dma_wait3A_594] : memref<10240x64xf32, #tpu.memory_space<vmem_shared>> -> memref<160x64xf32, #tpu.memory_space<vmem_shared>>
      %dma_wait3A_596 = arith.constant 0 : i32
      %dma_wait3A_597 = arith.constant 0 : i32
      %dma_wait3A_598 = tpu.memref_slice %arg10[%run_scoped3A_412, %dma_wait3A_596, %dma_wait3A_597] : memref<2x160x64xf32, #tpu.memory_space<vmem>> -> memref<1x160x64xf32, #tpu.memory_space<vmem>>
      %dma_wait3A_599 = tpu.memref_squeeze %dma_wait3A_598 : memref<1x160x64xf32, #tpu.memory_space<vmem>> -> memref<160x64xf32, #tpu.memory_space<vmem>>
      %dma_wait3A_600 = arith.constant 0 : i32
      %dma_wait3A_601 = tpu.memref_slice %arg11[%add3A_411, %dma_wait3A_600] : memref<10240x64xf32, #tpu.memory_space<vmem_shared>> -> memref<160x64xf32, #tpu.memory_space<vmem_shared>>
      tpu.wait_dma2 semaphore(%run_scoped3A_577 : memref<!tpu.dma_semaphore, #tpu.memory_space<semaphore_mem>>) src(%dma_wait3A_601 : memref<160x64xf32, #tpu.memory_space<vmem_shared>>) dst(%dma_wait3A_599 : memref<160x64xf32, #tpu.memory_space<vmem>>)
      tpu.yield
    }) : () -> ()
    %mul3A_413 = arith.constant 640 : i32
    %mul3A_414 = arith.muli %arg1, %mul3A_413 : i32
    %add3A_415 = arith.constant 160 : i32
    %add3A_416 = arith.addi %mul3A_414, %add3A_415 : i32
    %dma_start3A_417 = arith.constant 1 : i32
    %dma_start3A_418 = arith.constant 1 : i32
    %dma_start3A_419 = arith.constant 0 : i32
    %dma_start3A_420 = arith.constant 0 : i32
    %dma_start3A_421 = tpu.memref_slice %arg10[%dma_start3A_417, %dma_start3A_419, %dma_start3A_420] : memref<2x160x64xf32, #tpu.memory_space<vmem>> -> memref<1x160x64xf32, #tpu.memory_space<vmem>>
    %dma_start3A_422 = tpu.memref_squeeze %dma_start3A_421 : memref<1x160x64xf32, #tpu.memory_space<vmem>> -> memref<160x64xf32, #tpu.memory_space<vmem>>
    %dma_start3A_423 = arith.constant 0 : i32
    %dma_start3A_424 = tpu.memref_slice %arg5[%arg0, %add3A_416, %dma_start3A_423] : memref<2x10240x64xf32, #tpu.memory_space<hbm>> -> memref<1x160x64xf32, #tpu.memory_space<hbm>>
    %dma_start3A_425 = tpu.memref_squeeze %dma_start3A_424 : memref<1x160x64xf32, #tpu.memory_space<hbm>> -> memref<160x64xf32, #tpu.memory_space<hbm>>
    %dma_start3A_426 = tpu.memref_slice %arg14[%dma_start3A_418] : memref<2x!tpu.dma_semaphore, #tpu.memory_space<semaphore_mem>> -> memref<1x!tpu.dma_semaphore, #tpu.memory_space<semaphore_mem>>
    %dma_start3A_427 = tpu.memref_squeeze %dma_start3A_426 : memref<1x!tpu.dma_semaphore, #tpu.memory_space<semaphore_mem>> -> memref<!tpu.dma_semaphore, #tpu.memory_space<semaphore_mem>>
    %dma_start3A_428 = arith.constant 0 : i32
    %dma_start3A_429 = tpu.memref_slice %arg5[%arg0, %add3A_416, %dma_start3A_428] : memref<2x10240x64xf32, #tpu.memory_space<hbm>> -> memref<1x160x64xf32, #tpu.memory_space<hbm>>
    %dma_start3A_430 = tpu.memref_squeeze %dma_start3A_429 : memref<1x160x64xf32, #tpu.memory_space<hbm>> -> memref<160x64xf32, #tpu.memory_space<hbm>>
    %dma_start3A_431 = arith.constant 0 : i32
    %dma_start3A_432 = arith.constant 0 : i32
    %dma_start3A_433 = tpu.memref_slice %arg10[%dma_start3A_417, %dma_start3A_431, %dma_start3A_432] : memref<2x160x64xf32, #tpu.memory_space<vmem>> -> memref<1x160x64xf32, #tpu.memory_space<vmem>>
    %dma_start3A_434 = tpu.memref_squeeze %dma_start3A_433 : memref<1x160x64xf32, #tpu.memory_space<vmem>> -> memref<160x64xf32, #tpu.memory_space<vmem>>
    tpu.enqueue_dma source(%dma_start3A_434 : memref<160x64xf32, #tpu.memory_space<vmem>>) target(%dma_start3A_430 : memref<160x64xf32, #tpu.memory_space<hbm>>) target_semaphore(%dma_start3A_427 : memref<!tpu.dma_semaphore, #tpu.memory_space<semaphore_mem>>)
    %mul3A_435 = arith.constant 640 : i32
    %mul3A_436 = arith.muli %arg1, %mul3A_435 : i32
    %add3A_437 = arith.constant 0 : i32
    %add3A_438 = arith.addi %mul3A_436, %add3A_437 : i32
    %dma_wait3A_439 = arith.constant 0 : i32
    %dma_wait3A_440 = arith.constant 0 : i32
    %dma_wait3A_441 = arith.constant 0 : i32
    %dma_wait3A_442 = arith.constant 0 : i32
    %dma_wait3A_443 = tpu.memref_slice %arg10[%dma_wait3A_439, %dma_wait3A_441, %dma_wait3A_442] : memref<2x160x64xf32, #tpu.memory_space<vmem>> -> memref<1x160x64xf32, #tpu.memory_space<vmem>>
    %dma_wait3A_444 = tpu.memref_squeeze %dma_wait3A_443 : memref<1x160x64xf32, #tpu.memory_space<vmem>> -> memref<160x64xf32, #tpu.memory_space<vmem>>
    %dma_wait3A_445 = arith.constant 0 : i32
    %dma_wait3A_446 = tpu.memref_slice %arg5[%arg0, %add3A_438, %dma_wait3A_445] : memref<2x10240x64xf32, #tpu.memory_space<hbm>> -> memref<1x160x64xf32, #tpu.memory_space<hbm>>
    %dma_wait3A_447 = tpu.memref_squeeze %dma_wait3A_446 : memref<1x160x64xf32, #tpu.memory_space<hbm>> -> memref<160x64xf32, #tpu.memory_space<hbm>>
    %dma_wait3A_448 = tpu.memref_slice %arg14[%dma_wait3A_440] : memref<2x!tpu.dma_semaphore, #tpu.memory_space<semaphore_mem>> -> memref<1x!tpu.dma_semaphore, #tpu.memory_space<semaphore_mem>>
    %dma_wait3A_449 = tpu.memref_squeeze %dma_wait3A_448 : memref<1x!tpu.dma_semaphore, #tpu.memory_space<semaphore_mem>> -> memref<!tpu.dma_semaphore, #tpu.memory_space<semaphore_mem>>
    %dma_wait3A_450 = arith.constant 0 : i32
    %dma_wait3A_451 = tpu.memref_slice %arg5[%arg0, %add3A_438, %dma_wait3A_450] : memref<2x10240x64xf32, #tpu.memory_space<hbm>> -> memref<1x160x64xf32, #tpu.memory_space<hbm>>
    %dma_wait3A_452 = tpu.memref_squeeze %dma_wait3A_451 : memref<1x160x64xf32, #tpu.memory_space<hbm>> -> memref<160x64xf32, #tpu.memory_space<hbm>>
    %dma_wait3A_453 = arith.constant 0 : i32
    %dma_wait3A_454 = arith.constant 0 : i32
    %dma_wait3A_455 = tpu.memref_slice %arg10[%dma_wait3A_439, %dma_wait3A_453, %dma_wait3A_454] : memref<2x160x64xf32, #tpu.memory_space<vmem>> -> memref<1x160x64xf32, #tpu.memory_space<vmem>>
    %dma_wait3A_456 = tpu.memref_squeeze %dma_wait3A_455 : memref<1x160x64xf32, #tpu.memory_space<vmem>> -> memref<160x64xf32, #tpu.memory_space<vmem>>
    tpu.wait_dma2 semaphore(%dma_wait3A_449 : memref<!tpu.dma_semaphore, #tpu.memory_space<semaphore_mem>>) src(%dma_wait3A_456 : memref<160x64xf32, #tpu.memory_space<vmem>>) dst(%dma_wait3A_452 : memref<160x64xf32, #tpu.memory_space<hbm>>)
    %mul3A_457 = arith.constant 640 : i32
    %mul3A_458 = arith.muli %arg1, %mul3A_457 : i32
    %add3A_459 = arith.constant 320 : i32
    %add3A_460 = arith.addi %mul3A_458, %add3A_459 : i32
    %run_scoped3A_461 = arith.constant 0 : i32
    "tpu.region"() ({
      %run_scoped3A_577 = tpu.sem_alloc : memref<!tpu.dma_semaphore, #tpu.memory_space<semaphore_mem>>
      %dma_start3A_578 = arith.constant 0 : i32
      %dma_start3A_579 = arith.constant 0 : i32
      %dma_start3A_580 = tpu.memref_slice %arg10[%run_scoped3A_461, %dma_start3A_578, %dma_start3A_579] : memref<2x160x64xf32, #tpu.memory_space<vmem>> -> memref<1x160x64xf32, #tpu.memory_space<vmem>>
      %dma_start3A_581 = tpu.memref_squeeze %dma_start3A_580 : memref<1x160x64xf32, #tpu.memory_space<vmem>> -> memref<160x64xf32, #tpu.memory_space<vmem>>
      %dma_start3A_582 = arith.constant 0 : i32
      %dma_start3A_583 = tpu.memref_slice %arg11[%add3A_460, %dma_start3A_582] : memref<10240x64xf32, #tpu.memory_space<vmem_shared>> -> memref<160x64xf32, #tpu.memory_space<vmem_shared>>
      %dma_start3A_584 = arith.constant 0 : i32
      %dma_start3A_585 = arith.constant 0 : i32
      %dma_start3A_586 = tpu.memref_slice %arg10[%run_scoped3A_461, %dma_start3A_584, %dma_start3A_585] : memref<2x160x64xf32, #tpu.memory_space<vmem>> -> memref<1x160x64xf32, #tpu.memory_space<vmem>>
      %dma_start3A_587 = tpu.memref_squeeze %dma_start3A_586 : memref<1x160x64xf32, #tpu.memory_space<vmem>> -> memref<160x64xf32, #tpu.memory_space<vmem>>
      %dma_start3A_588 = arith.constant 0 : i32
      %dma_start3A_589 = tpu.memref_slice %arg11[%add3A_460, %dma_start3A_588] : memref<10240x64xf32, #tpu.memory_space<vmem_shared>> -> memref<160x64xf32, #tpu.memory_space<vmem_shared>>
      tpu.enqueue_dma source(%dma_start3A_589 : memref<160x64xf32, #tpu.memory_space<vmem_shared>>) target(%dma_start3A_587 : memref<160x64xf32, #tpu.memory_space<vmem>>) target_semaphore(%run_scoped3A_577 : memref<!tpu.dma_semaphore, #tpu.memory_space<semaphore_mem>>)
      %dma_wait3A_590 = arith.constant 0 : i32
      %dma_wait3A_591 = arith.constant 0 : i32
      %dma_wait3A_592 = tpu.memref_slice %arg10[%run_scoped3A_461, %dma_wait3A_590, %dma_wait3A_591] : memref<2x160x64xf32, #tpu.memory_space<vmem>> -> memref<1x160x64xf32, #tpu.memory_space<vmem>>
      %dma_wait3A_593 = tpu.memref_squeeze %dma_wait3A_592 : memref<1x160x64xf32, #tpu.memory_space<vmem>> -> memref<160x64xf32, #tpu.memory_space<vmem>>
      %dma_wait3A_594 = arith.constant 0 : i32
      %dma_wait3A_595 = tpu.memref_slice %arg11[%add3A_460, %dma_wait3A_594] : memref<10240x64xf32, #tpu.memory_space<vmem_shared>> -> memref<160x64xf32, #tpu.memory_space<vmem_shared>>
      %dma_wait3A_596 = arith.constant 0 : i32
      %dma_wait3A_597 = arith.constant 0 : i32
      %dma_wait3A_598 = tpu.memref_slice %arg10[%run_scoped3A_461, %dma_wait3A_596, %dma_wait3A_597] : memref<2x160x64xf32, #tpu.memory_space<vmem>> -> memref<1x160x64xf32, #tpu.memory_space<vmem>>
      %dma_wait3A_599 = tpu.memref_squeeze %dma_wait3A_598 : memref<1x160x64xf32, #tpu.memory_space<vmem>> -> memref<160x64xf32, #tpu.memory_space<vmem>>
      %dma_wait3A_600 = arith.constant 0 : i32
      %dma_wait3A_601 = tpu.memref_slice %arg11[%add3A_460, %dma_wait3A_600] : memref<10240x64xf32, #tpu.memory_space<vmem_shared>> -> memref<160x64xf32, #tpu.memory_space<vmem_shared>>
      tpu.wait_dma2 semaphore(%run_scoped3A_577 : memref<!tpu.dma_semaphore, #tpu.memory_space<semaphore_mem>>) src(%dma_wait3A_601 : memref<160x64xf32, #tpu.memory_space<vmem_shared>>) dst(%dma_wait3A_599 : memref<160x64xf32, #tpu.memory_space<vmem>>)
      tpu.yield
    }) : () -> ()
    %mul3A_462 = arith.constant 640 : i32
    %mul3A_463 = arith.muli %arg1, %mul3A_462 : i32
    %add3A_464 = arith.constant 320 : i32
    %add3A_465 = arith.addi %mul3A_463, %add3A_464 : i32
    %dma_start3A_466 = arith.constant 0 : i32
    %dma_start3A_467 = arith.constant 0 : i32
    %dma_start3A_468 = arith.constant 0 : i32
    %dma_start3A_469 = arith.constant 0 : i32
    %dma_start3A_470 = tpu.memref_slice %arg10[%dma_start3A_466, %dma_start3A_468, %dma_start3A_469] : memref<2x160x64xf32, #tpu.memory_space<vmem>> -> memref<1x160x64xf32, #tpu.memory_space<vmem>>
    %dma_start3A_471 = tpu.memref_squeeze %dma_start3A_470 : memref<1x160x64xf32, #tpu.memory_space<vmem>> -> memref<160x64xf32, #tpu.memory_space<vmem>>
    %dma_start3A_472 = arith.constant 0 : i32
    %dma_start3A_473 = tpu.memref_slice %arg5[%arg0, %add3A_465, %dma_start3A_472] : memref<2x10240x64xf32, #tpu.memory_space<hbm>> -> memref<1x160x64xf32, #tpu.memory_space<hbm>>
    %dma_start3A_474 = tpu.memref_squeeze %dma_start3A_473 : memref<1x160x64xf32, #tpu.memory_space<hbm>> -> memref<160x64xf32, #tpu.memory_space<hbm>>
    %dma_start3A_475 = tpu.memref_slice %arg14[%dma_start3A_467] : memref<2x!tpu.dma_semaphore, #tpu.memory_space<semaphore_mem>> -> memref<1x!tpu.dma_semaphore, #tpu.memory_space<semaphore_mem>>
    %dma_start3A_476 = tpu.memref_squeeze %dma_start3A_475 : memref<1x!tpu.dma_semaphore, #tpu.memory_space<semaphore_mem>> -> memref<!tpu.dma_semaphore, #tpu.memory_space<semaphore_mem>>
    %dma_start3A_477 = arith.constant 0 : i32
    %dma_start3A_478 = tpu.memref_slice %arg5[%arg0, %add3A_465, %dma_start3A_477] : memref<2x10240x64xf32, #tpu.memory_space<hbm>> -> memref<1x160x64xf32, #tpu.memory_space<hbm>>
    %dma_start3A_479 = tpu.memref_squeeze %dma_start3A_478 : memref<1x160x64xf32, #tpu.memory_space<hbm>> -> memref<160x64xf32, #tpu.memory_space<hbm>>
    %dma_start3A_480 = arith.constant 0 : i32
    %dma_start3A_481 = arith.constant 0 : i32
    %dma_start3A_482 = tpu.memref_slice %arg10[%dma_start3A_466, %dma_start3A_480, %dma_start3A_481] : memref<2x160x64xf32, #tpu.memory_space<vmem>> -> memref<1x160x64xf32, #tpu.memory_space<vmem>>
    %dma_start3A_483 = tpu.memref_squeeze %dma_start3A_482 : memref<1x160x64xf32, #tpu.memory_space<vmem>> -> memref<160x64xf32, #tpu.memory_space<vmem>>
    tpu.enqueue_dma source(%dma_start3A_483 : memref<160x64xf32, #tpu.memory_space<vmem>>) target(%dma_start3A_479 : memref<160x64xf32, #tpu.memory_space<hbm>>) target_semaphore(%dma_start3A_476 : memref<!tpu.dma_semaphore, #tpu.memory_space<semaphore_mem>>)
    %mul3A_484 = arith.constant 640 : i32
    %mul3A_485 = arith.muli %arg1, %mul3A_484 : i32
    %add3A_486 = arith.constant 160 : i32
    %add3A_487 = arith.addi %mul3A_485, %add3A_486 : i32
    %dma_wait3A_488 = arith.constant 1 : i32
    %dma_wait3A_489 = arith.constant 1 : i32
    %dma_wait3A_490 = arith.constant 0 : i32
    %dma_wait3A_491 = arith.constant 0 : i32
    %dma_wait3A_492 = tpu.memref_slice %arg10[%dma_wait3A_488, %dma_wait3A_490, %dma_wait3A_491] : memref<2x160x64xf32, #tpu.memory_space<vmem>> -> memref<1x160x64xf32, #tpu.memory_space<vmem>>
    %dma_wait3A_493 = tpu.memref_squeeze %dma_wait3A_492 : memref<1x160x64xf32, #tpu.memory_space<vmem>> -> memref<160x64xf32, #tpu.memory_space<vmem>>
    %dma_wait3A_494 = arith.constant 0 : i32
    %dma_wait3A_495 = tpu.memref_slice %arg5[%arg0, %add3A_487, %dma_wait3A_494] : memref<2x10240x64xf32, #tpu.memory_space<hbm>> -> memref<1x160x64xf32, #tpu.memory_space<hbm>>
    %dma_wait3A_496 = tpu.memref_squeeze %dma_wait3A_495 : memref<1x160x64xf32, #tpu.memory_space<hbm>> -> memref<160x64xf32, #tpu.memory_space<hbm>>
    %dma_wait3A_497 = tpu.memref_slice %arg14[%dma_wait3A_489] : memref<2x!tpu.dma_semaphore, #tpu.memory_space<semaphore_mem>> -> memref<1x!tpu.dma_semaphore, #tpu.memory_space<semaphore_mem>>
    %dma_wait3A_498 = tpu.memref_squeeze %dma_wait3A_497 : memref<1x!tpu.dma_semaphore, #tpu.memory_space<semaphore_mem>> -> memref<!tpu.dma_semaphore, #tpu.memory_space<semaphore_mem>>
    %dma_wait3A_499 = arith.constant 0 : i32
    %dma_wait3A_500 = tpu.memref_slice %arg5[%arg0, %add3A_487, %dma_wait3A_499] : memref<2x10240x64xf32, #tpu.memory_space<hbm>> -> memref<1x160x64xf32, #tpu.memory_space<hbm>>
    %dma_wait3A_501 = tpu.memref_squeeze %dma_wait3A_500 : memref<1x160x64xf32, #tpu.memory_space<hbm>> -> memref<160x64xf32, #tpu.memory_space<hbm>>
    %dma_wait3A_502 = arith.constant 0 : i32
    %dma_wait3A_503 = arith.constant 0 : i32
    %dma_wait3A_504 = tpu.memref_slice %arg10[%dma_wait3A_488, %dma_wait3A_502, %dma_wait3A_503] : memref<2x160x64xf32, #tpu.memory_space<vmem>> -> memref<1x160x64xf32, #tpu.memory_space<vmem>>
    %dma_wait3A_505 = tpu.memref_squeeze %dma_wait3A_504 : memref<1x160x64xf32, #tpu.memory_space<vmem>> -> memref<160x64xf32, #tpu.memory_space<vmem>>
    tpu.wait_dma2 semaphore(%dma_wait3A_498 : memref<!tpu.dma_semaphore, #tpu.memory_space<semaphore_mem>>) src(%dma_wait3A_505 : memref<160x64xf32, #tpu.memory_space<vmem>>) dst(%dma_wait3A_501 : memref<160x64xf32, #tpu.memory_space<hbm>>)
    %mul3A_506 = arith.constant 640 : i32
    %mul3A_507 = arith.muli %arg1, %mul3A_506 : i32
    %add3A_508 = arith.constant 480 : i32
    %add3A_509 = arith.addi %mul3A_507, %add3A_508 : i32
    %run_scoped3A_510 = arith.constant 1 : i32
    "tpu.region"() ({
      %run_scoped3A_577 = tpu.sem_alloc : memref<!tpu.dma_semaphore, #tpu.memory_space<semaphore_mem>>
      %dma_start3A_578 = arith.constant 0 : i32
      %dma_start3A_579 = arith.constant 0 : i32
      %dma_start3A_580 = tpu.memref_slice %arg10[%run_scoped3A_510, %dma_start3A_578, %dma_start3A_579] : memref<2x160x64xf32, #tpu.memory_space<vmem>> -> memref<1x160x64xf32, #tpu.memory_space<vmem>>
      %dma_start3A_581 = tpu.memref_squeeze %dma_start3A_580 : memref<1x160x64xf32, #tpu.memory_space<vmem>> -> memref<160x64xf32, #tpu.memory_space<vmem>>
      %dma_start3A_582 = arith.constant 0 : i32
      %dma_start3A_583 = tpu.memref_slice %arg11[%add3A_509, %dma_start3A_582] : memref<10240x64xf32, #tpu.memory_space<vmem_shared>> -> memref<160x64xf32, #tpu.memory_space<vmem_shared>>
      %dma_start3A_584 = arith.constant 0 : i32
      %dma_start3A_585 = arith.constant 0 : i32
      %dma_start3A_586 = tpu.memref_slice %arg10[%run_scoped3A_510, %dma_start3A_584, %dma_start3A_585] : memref<2x160x64xf32, #tpu.memory_space<vmem>> -> memref<1x160x64xf32, #tpu.memory_space<vmem>>
      %dma_start3A_587 = tpu.memref_squeeze %dma_start3A_586 : memref<1x160x64xf32, #tpu.memory_space<vmem>> -> memref<160x64xf32, #tpu.memory_space<vmem>>
      %dma_start3A_588 = arith.constant 0 : i32
      %dma_start3A_589 = tpu.memref_slice %arg11[%add3A_509, %dma_start3A_588] : memref<10240x64xf32, #tpu.memory_space<vmem_shared>> -> memref<160x64xf32, #tpu.memory_space<vmem_shared>>
      tpu.enqueue_dma source(%dma_start3A_589 : memref<160x64xf32, #tpu.memory_space<vmem_shared>>) target(%dma_start3A_587 : memref<160x64xf32, #tpu.memory_space<vmem>>) target_semaphore(%run_scoped3A_577 : memref<!tpu.dma_semaphore, #tpu.memory_space<semaphore_mem>>)
      %dma_wait3A_590 = arith.constant 0 : i32
      %dma_wait3A_591 = arith.constant 0 : i32
      %dma_wait3A_592 = tpu.memref_slice %arg10[%run_scoped3A_510, %dma_wait3A_590, %dma_wait3A_591] : memref<2x160x64xf32, #tpu.memory_space<vmem>> -> memref<1x160x64xf32, #tpu.memory_space<vmem>>
      %dma_wait3A_593 = tpu.memref_squeeze %dma_wait3A_592 : memref<1x160x64xf32, #tpu.memory_space<vmem>> -> memref<160x64xf32, #tpu.memory_space<vmem>>
      %dma_wait3A_594 = arith.constant 0 : i32
      %dma_wait3A_595 = tpu.memref_slice %arg11[%add3A_509, %dma_wait3A_594] : memref<10240x64xf32, #tpu.memory_space<vmem_shared>> -> memref<160x64xf32, #tpu.memory_space<vmem_shared>>
      %dma_wait3A_596 = arith.constant 0 : i32
      %dma_wait3A_597 = arith.constant 0 : i32
      %dma_wait3A_598 = tpu.memref_slice %arg10[%run_scoped3A_510, %dma_wait3A_596, %dma_wait3A_597] : memref<2x160x64xf32, #tpu.memory_space<vmem>> -> memref<1x160x64xf32, #tpu.memory_space<vmem>>
      %dma_wait3A_599 = tpu.memref_squeeze %dma_wait3A_598 : memref<1x160x64xf32, #tpu.memory_space<vmem>> -> memref<160x64xf32, #tpu.memory_space<vmem>>
      %dma_wait3A_600 = arith.constant 0 : i32
      %dma_wait3A_601 = tpu.memref_slice %arg11[%add3A_509, %dma_wait3A_600] : memref<10240x64xf32, #tpu.memory_space<vmem_shared>> -> memref<160x64xf32, #tpu.memory_space<vmem_shared>>
      tpu.wait_dma2 semaphore(%run_scoped3A_577 : memref<!tpu.dma_semaphore, #tpu.memory_space<semaphore_mem>>) src(%dma_wait3A_601 : memref<160x64xf32, #tpu.memory_space<vmem_shared>>) dst(%dma_wait3A_599 : memref<160x64xf32, #tpu.memory_space<vmem>>)
      tpu.yield
    }) : () -> ()
    %mul3A_511 = arith.constant 640 : i32
    %mul3A_512 = arith.muli %arg1, %mul3A_511 : i32
    %add3A_513 = arith.constant 480 : i32
    %add3A_514 = arith.addi %mul3A_512, %add3A_513 : i32
    %dma_start3A_515 = arith.constant 1 : i32
    %dma_start3A_516 = arith.constant 1 : i32
    %dma_start3A_517 = arith.constant 0 : i32
    %dma_start3A_518 = arith.constant 0 : i32
    %dma_start3A_519 = tpu.memref_slice %arg10[%dma_start3A_515, %dma_start3A_517, %dma_start3A_518] : memref<2x160x64xf32, #tpu.memory_space<vmem>> -> memref<1x160x64xf32, #tpu.memory_space<vmem>>
    %dma_start3A_520 = tpu.memref_squeeze %dma_start3A_519 : memref<1x160x64xf32, #tpu.memory_space<vmem>> -> memref<160x64xf32, #tpu.memory_space<vmem>>
    %dma_start3A_521 = arith.constant 0 : i32
    %dma_start3A_522 = tpu.memref_slice %arg5[%arg0, %add3A_514, %dma_start3A_521] : memref<2x10240x64xf32, #tpu.memory_space<hbm>> -> memref<1x160x64xf32, #tpu.memory_space<hbm>>
    %dma_start3A_523 = tpu.memref_squeeze %dma_start3A_522 : memref<1x160x64xf32, #tpu.memory_space<hbm>> -> memref<160x64xf32, #tpu.memory_space<hbm>>
    %dma_start3A_524 = tpu.memref_slice %arg14[%dma_start3A_516] : memref<2x!tpu.dma_semaphore, #tpu.memory_space<semaphore_mem>> -> memref<1x!tpu.dma_semaphore, #tpu.memory_space<semaphore_mem>>
    %dma_start3A_525 = tpu.memref_squeeze %dma_start3A_524 : memref<1x!tpu.dma_semaphore, #tpu.memory_space<semaphore_mem>> -> memref<!tpu.dma_semaphore, #tpu.memory_space<semaphore_mem>>
    %dma_start3A_526 = arith.constant 0 : i32
    %dma_start3A_527 = tpu.memref_slice %arg5[%arg0, %add3A_514, %dma_start3A_526] : memref<2x10240x64xf32, #tpu.memory_space<hbm>> -> memref<1x160x64xf32, #tpu.memory_space<hbm>>
    %dma_start3A_528 = tpu.memref_squeeze %dma_start3A_527 : memref<1x160x64xf32, #tpu.memory_space<hbm>> -> memref<160x64xf32, #tpu.memory_space<hbm>>
    %dma_start3A_529 = arith.constant 0 : i32
    %dma_start3A_530 = arith.constant 0 : i32
    %dma_start3A_531 = tpu.memref_slice %arg10[%dma_start3A_515, %dma_start3A_529, %dma_start3A_530] : memref<2x160x64xf32, #tpu.memory_space<vmem>> -> memref<1x160x64xf32, #tpu.memory_space<vmem>>
    %dma_start3A_532 = tpu.memref_squeeze %dma_start3A_531 : memref<1x160x64xf32, #tpu.memory_space<vmem>> -> memref<160x64xf32, #tpu.memory_space<vmem>>
    tpu.enqueue_dma source(%dma_start3A_532 : memref<160x64xf32, #tpu.memory_space<vmem>>) target(%dma_start3A_528 : memref<160x64xf32, #tpu.memory_space<hbm>>) target_semaphore(%dma_start3A_525 : memref<!tpu.dma_semaphore, #tpu.memory_space<semaphore_mem>>)
    %mul3A_533 = arith.constant 640 : i32
    %mul3A_534 = arith.muli %arg1, %mul3A_533 : i32
    %add3A_535 = arith.constant 320 : i32
    %add3A_536 = arith.addi %mul3A_534, %add3A_535 : i32
    %dma_wait3A_537 = arith.constant 0 : i32
    %dma_wait3A_538 = arith.constant 0 : i32
    %dma_wait3A_539 = arith.constant 0 : i32
    %dma_wait3A_540 = arith.constant 0 : i32
    %dma_wait3A_541 = tpu.memref_slice %arg10[%dma_wait3A_537, %dma_wait3A_539, %dma_wait3A_540] : memref<2x160x64xf32, #tpu.memory_space<vmem>> -> memref<1x160x64xf32, #tpu.memory_space<vmem>>
    %dma_wait3A_542 = tpu.memref_squeeze %dma_wait3A_541 : memref<1x160x64xf32, #tpu.memory_space<vmem>> -> memref<160x64xf32, #tpu.memory_space<vmem>>
    %dma_wait3A_543 = arith.constant 0 : i32
    %dma_wait3A_544 = tpu.memref_slice %arg5[%arg0, %add3A_536, %dma_wait3A_543] : memref<2x10240x64xf32, #tpu.memory_space<hbm>> -> memref<1x160x64xf32, #tpu.memory_space<hbm>>
    %dma_wait3A_545 = tpu.memref_squeeze %dma_wait3A_544 : memref<1x160x64xf32, #tpu.memory_space<hbm>> -> memref<160x64xf32, #tpu.memory_space<hbm>>
    %dma_wait3A_546 = tpu.memref_slice %arg14[%dma_wait3A_538] : memref<2x!tpu.dma_semaphore, #tpu.memory_space<semaphore_mem>> -> memref<1x!tpu.dma_semaphore, #tpu.memory_space<semaphore_mem>>
    %dma_wait3A_547 = tpu.memref_squeeze %dma_wait3A_546 : memref<1x!tpu.dma_semaphore, #tpu.memory_space<semaphore_mem>> -> memref<!tpu.dma_semaphore, #tpu.memory_space<semaphore_mem>>
    %dma_wait3A_548 = arith.constant 0 : i32
    %dma_wait3A_549 = tpu.memref_slice %arg5[%arg0, %add3A_536, %dma_wait3A_548] : memref<2x10240x64xf32, #tpu.memory_space<hbm>> -> memref<1x160x64xf32, #tpu.memory_space<hbm>>
    %dma_wait3A_550 = tpu.memref_squeeze %dma_wait3A_549 : memref<1x160x64xf32, #tpu.memory_space<hbm>> -> memref<160x64xf32, #tpu.memory_space<hbm>>
    %dma_wait3A_551 = arith.constant 0 : i32
    %dma_wait3A_552 = arith.constant 0 : i32
    %dma_wait3A_553 = tpu.memref_slice %arg10[%dma_wait3A_537, %dma_wait3A_551, %dma_wait3A_552] : memref<2x160x64xf32, #tpu.memory_space<vmem>> -> memref<1x160x64xf32, #tpu.memory_space<vmem>>
    %dma_wait3A_554 = tpu.memref_squeeze %dma_wait3A_553 : memref<1x160x64xf32, #tpu.memory_space<vmem>> -> memref<160x64xf32, #tpu.memory_space<vmem>>
    tpu.wait_dma2 semaphore(%dma_wait3A_547 : memref<!tpu.dma_semaphore, #tpu.memory_space<semaphore_mem>>) src(%dma_wait3A_554 : memref<160x64xf32, #tpu.memory_space<vmem>>) dst(%dma_wait3A_550 : memref<160x64xf32, #tpu.memory_space<hbm>>)
    %mul3A_555 = arith.constant 640 : i32
    %mul3A_556 = arith.muli %arg1, %mul3A_555 : i32
    %add3A_557 = arith.constant 480 : i32
    %add3A_558 = arith.addi %mul3A_556, %add3A_557 : i32
    %dma_wait3A_559 = arith.constant 1 : i32
    %dma_wait3A_560 = arith.constant 1 : i32
    %dma_wait3A_561 = arith.constant 0 : i32
    %dma_wait3A_562 = arith.constant 0 : i32
    %dma_wait3A_563 = tpu.memref_slice %arg10[%dma_wait3A_559, %dma_wait3A_561, %dma_wait3A_562] : memref<2x160x64xf32, #tpu.memory_space<vmem>> -> memref<1x160x64xf32, #tpu.memory_space<vmem>>
    %dma_wait3A_564 = tpu.memref_squeeze %dma_wait3A_563 : memref<1x160x64xf32, #tpu.memory_space<vmem>> -> memref<160x64xf32, #tpu.memory_space<vmem>>
    %dma_wait3A_565 = arith.constant 0 : i32
    %dma_wait3A_566 = tpu.memref_slice %arg5[%arg0, %add3A_558, %dma_wait3A_565] : memref<2x10240x64xf32, #tpu.memory_space<hbm>> -> memref<1x160x64xf32, #tpu.memory_space<hbm>>
    %dma_wait3A_567 = tpu.memref_squeeze %dma_wait3A_566 : memref<1x160x64xf32, #tpu.memory_space<hbm>> -> memref<160x64xf32, #tpu.memory_space<hbm>>
    %dma_wait3A_568 = tpu.memref_slice %arg14[%dma_wait3A_560] : memref<2x!tpu.dma_semaphore, #tpu.memory_space<semaphore_mem>> -> memref<1x!tpu.dma_semaphore, #tpu.memory_space<semaphore_mem>>
    %dma_wait3A_569 = tpu.memref_squeeze %dma_wait3A_568 : memref<1x!tpu.dma_semaphore, #tpu.memory_space<semaphore_mem>> -> memref<!tpu.dma_semaphore, #tpu.memory_space<semaphore_mem>>
    %dma_wait3A_570 = arith.constant 0 : i32
    %dma_wait3A_571 = tpu.memref_slice %arg5[%arg0, %add3A_558, %dma_wait3A_570] : memref<2x10240x64xf32, #tpu.memory_space<hbm>> -> memref<1x160x64xf32, #tpu.memory_space<hbm>>
    %dma_wait3A_572 = tpu.memref_squeeze %dma_wait3A_571 : memref<1x160x64xf32, #tpu.memory_space<hbm>> -> memref<160x64xf32, #tpu.memory_space<hbm>>
    %dma_wait3A_573 = arith.constant 0 : i32
    %dma_wait3A_574 = arith.constant 0 : i32
    %dma_wait3A_575 = tpu.memref_slice %arg10[%dma_wait3A_559, %dma_wait3A_573, %dma_wait3A_574] : memref<2x160x64xf32, #tpu.memory_space<vmem>> -> memref<1x160x64xf32, #tpu.memory_space<vmem>>
    %dma_wait3A_576 = tpu.memref_squeeze %dma_wait3A_575 : memref<1x160x64xf32, #tpu.memory_space<vmem>> -> memref<160x64xf32, #tpu.memory_space<vmem>>
    tpu.wait_dma2 semaphore(%dma_wait3A_569 : memref<!tpu.dma_semaphore, #tpu.memory_space<semaphore_mem>>) src(%dma_wait3A_576 : memref<160x64xf32, #tpu.memory_space<vmem>>) dst(%dma_wait3A_572 : memref<160x64xf32, #tpu.memory_space<hbm>>)
    return
  }
}

module attributes {stable_mosaic.version = 14 : i64} {
  func.func @_enc1_body(%arg0: i32, %arg1: memref<2x1024xf32, #tpu.memory_space<vmem>>, %arg2: memref<2x1024xf32, #tpu.memory_space<vmem>>, %arg3: memref<1024x128xf32, #tpu.memory_space<vmem>>, %arg4: memref<128x64xf32, #tpu.memory_space<vmem>>, %arg5: memref<1024xf32, #tpu.memory_space<vmem>>, %arg6: memref<1024xf32, #tpu.memory_space<vmem>>, %arg7: memref<1024x64xf32, #tpu.memory_space<vmem>>) attributes {dimension_semantics = [#tpu.dimension_semantics<arbitrary>], iteration_bounds = array<i64: 10>, scalar_prefetch = 0 : i64, scratch_operands = 0 : i64, tpu.core_type = #tpu.core_type<tc>, window_params = [{transform_indices = @transform_0, window_bounds = array<i64: 2, 1024>}, {transform_indices = @transform_1, window_bounds = array<i64: 2, 1024>}, {transform_indices = @transform_2, window_bounds = array<i64: 1024, 128>}, {pipeline_mode = #tpu.pipeline_mode<synchronous>, transform_indices = @transform_3, window_bounds = array<i64: 128, 64>}, {transform_indices = @transform_4, window_bounds = array<i64: 1024>}, {transform_indices = @transform_5, window_bounds = array<i64: 1024>}, {transform_indices = @transform_6, window_bounds = array<i64: 1024, 64>}]} {
    %get3A = arith.constant 0 : index
    %get3A_0 = arith.constant 0 : index
    %get3A_1 = vector.load %arg1[%get3A, %get3A_0] : memref<2x1024xf32, #tpu.memory_space<vmem>>, vector<1x1024xf32>
    %get3A_2 = vector.shape_cast %get3A_1 : vector<1x1024xf32> to vector<1024xf32>
    %get3A_3 = arith.constant 1 : index
    %get3A_4 = arith.constant 0 : index
    %get3A_5 = vector.load %arg1[%get3A_3, %get3A_4] : memref<2x1024xf32, #tpu.memory_space<vmem>>, vector<1x1024xf32>
    %get3A_6 = vector.shape_cast %get3A_5 : vector<1x1024xf32> to vector<1024xf32>
    %add3A = arith.addf %get3A_2, %get3A_6 : vector<1024xf32>
    %max3A = arith.constant 1.000000e+00 : f32
    %max3A_7 = vector.broadcast %max3A : f32 to vector<1024xf32>
    %max3A_8 = arith.maximumf %add3A, %max3A_7 : vector<1024xf32>
    %rsqrt3A = math.rsqrt %max3A_8 : vector<1024xf32>
    %get3A_9 = arith.constant 0 : index
    %get3A_10 = arith.constant 0 : index
    %get3A_11 = vector.load %arg2[%get3A_9, %get3A_10] : memref<2x1024xf32, #tpu.memory_space<vmem>>, vector<1x1024xf32>
    %get3A_12 = vector.shape_cast %get3A_11 : vector<1x1024xf32> to vector<1024xf32>
    %get3A_13 = arith.constant 1 : index
    %get3A_14 = arith.constant 0 : index
    %get3A_15 = vector.load %arg2[%get3A_13, %get3A_14] : memref<2x1024xf32, #tpu.memory_space<vmem>>, vector<1x1024xf32>
    %get3A_16 = vector.shape_cast %get3A_15 : vector<1x1024xf32> to vector<1024xf32>
    %add3A_17 = arith.addf %get3A_12, %get3A_16 : vector<1024xf32>
    %max3A_18 = arith.constant 1.000000e+00 : f32
    %max3A_19 = vector.broadcast %max3A_18 : f32 to vector<1024xf32>
    %max3A_20 = arith.maximumf %add3A_17, %max3A_19 : vector<1024xf32>
    %rsqrt3A_21 = math.rsqrt %max3A_20 : vector<1024xf32>
    %swap3A = arith.constant 0 : index
    %swap3A_22 = vector.load %arg5[%swap3A] : memref<1024xf32, #tpu.memory_space<vmem>>, vector<1024xf32>
    tpu.vector_store %arg5[%swap3A], %rsqrt3A {strides = array<i32>} : memref<1024xf32, #tpu.memory_space<vmem>>, vector<1024xf32>,
    %swap3A_23 = arith.constant 0 : index
    %swap3A_24 = vector.load %arg6[%swap3A_23] : memref<1024xf32, #tpu.memory_space<vmem>>, vector<1024xf32>
    tpu.vector_store %arg6[%swap3A_23], %rsqrt3A_21 {strides = array<i32>} : memref<1024xf32, #tpu.memory_space<vmem>>, vector<1024xf32>,
    %get3A_25 = arith.constant 0 : index
    %get3A_26 = arith.constant 0 : index
    %get3A_27 = vector.load %arg3[%get3A_25, %get3A_26] : memref<1024x128xf32, #tpu.memory_space<vmem>>, vector<1024x128xf32>
    %broadcast_in_dim3A = vector.shape_cast %rsqrt3A : vector<1024xf32> to vector<1024x1xf32>
    %mul3A = vector.broadcast %broadcast_in_dim3A : vector<1024x1xf32> to vector<1024x128xf32>
    %mul3A_28 = arith.mulf %get3A_27, %mul3A : vector<1024x128xf32>
    %get3A_29 = arith.constant 0 : index
    %get3A_30 = arith.constant 0 : index
    %get3A_31 = vector.load %arg4[%get3A_29, %get3A_30] : memref<128x64xf32, #tpu.memory_space<vmem>>, vector<128x64xf32>
    %dot_general3A = arith.constant dense<0.000000e+00> : vector<1024x64xf32>
    %dot_general3A_32 = tpu.matmul %mul3A_28, %get3A_31, %dot_general3A {dimension_numbers = #tpu.dot_dimension_numbers<[1], [0], [0], [1], [0, 0, 1, 1], [], []>, transpose_lhs_hint = false} : vector<1024x128xf32>, vector<128x64xf32>, vector<1024x64xf32> -> vector<1024x64xf32>
    %swap3A_33 = arith.constant 0 : index
    %swap3A_34 = arith.constant 0 : index
    %swap3A_35 = vector.load %arg7[%swap3A_33, %swap3A_34] : memref<1024x64xf32, #tpu.memory_space<vmem>>, vector<1024x64xf32>
    tpu.vector_store %arg7[%swap3A_33, %swap3A_34], %dot_general3A_32 {strides = array<i32>} : memref<1024x64xf32, #tpu.memory_space<vmem>>, vector<1024x64xf32>,
    return
  }
  func.func @transform_0(%arg0: i32) -> (i32, i32) {
    %c0_i32 = arith.constant 0 : i32
    %c0_i32_0 = arith.constant 0 : i32
    return %c0_i32, %arg0 : i32, i32
  }
  func.func @transform_1(%arg0: i32) -> (i32, i32) {
    %c0_i32 = arith.constant 0 : i32
    %c0_i32_0 = arith.constant 0 : i32
    return %c0_i32, %arg0 : i32, i32
  }
  func.func @transform_2(%arg0: i32) -> (i32, i32) {
    %c0_i32 = arith.constant 0 : i32
    %c0_i32_0 = arith.constant 0 : i32
    return %arg0, %c0_i32 : i32, i32
  }
  func.func @transform_3(%arg0: i32) -> (i32, i32) {
    %c0_i32 = arith.constant 0 : i32
    %c0_i32_0 = arith.constant 0 : i32
    %c0_i32_1 = arith.constant 0 : i32
    return %c0_i32, %c0_i32_0 : i32, i32
  }
  func.func @transform_4(%arg0: i32) -> i32 {
    %c0_i32 = arith.constant 0 : i32
    return %arg0 : i32
  }
  func.func @transform_5(%arg0: i32) -> i32 {
    %c0_i32 = arith.constant 0 : i32
    return %arg0 : i32
  }
  func.func @transform_6(%arg0: i32) -> (i32, i32) {
    %c0_i32 = arith.constant 0 : i32
    %c0_i32_0 = arith.constant 0 : i32
    return %arg0, %c0_i32 : i32, i32
  }
}

module attributes {stable_mosaic.version = 14 : i64} {
  func.func @_enc2_body(%arg0: i32, %arg1: memref<2x1024x64xf32, #tpu.memory_space<vmem>>, %arg2: memref<1024xf32, #tpu.memory_space<vmem>>, %arg3: memref<1024xf32, #tpu.memory_space<vmem>>, %arg4: memref<1x64xf32, #tpu.memory_space<vmem>>, %arg5: memref<64x64xf32, #tpu.memory_space<vmem>>, %arg6: memref<1024x64xf32, #tpu.memory_space<vmem>>) attributes {dimension_semantics = [#tpu.dimension_semantics<arbitrary>], iteration_bounds = array<i64: 10>, scalar_prefetch = 0 : i64, scratch_operands = 0 : i64, tpu.core_type = #tpu.core_type<tc>, window_params = [{transform_indices = @transform_0, window_bounds = array<i64: 2, 1024, 64>}, {transform_indices = @transform_1, window_bounds = array<i64: 1024>}, {transform_indices = @transform_2, window_bounds = array<i64: 1024>}, {pipeline_mode = #tpu.pipeline_mode<synchronous>, transform_indices = @transform_3, window_bounds = array<i64: 1, 64>}, {pipeline_mode = #tpu.pipeline_mode<synchronous>, transform_indices = @transform_4, window_bounds = array<i64: 64, 64>}, {transform_indices = @transform_5, window_bounds = array<i64: 1024, 64>}]} {
    %get3A = arith.constant 0 : index
    %get3A_0 = arith.constant 0 : index
    %get3A_1 = arith.constant 0 : index
    %get3A_2 = vector.load %arg1[%get3A, %get3A_0, %get3A_1] : memref<2x1024x64xf32, #tpu.memory_space<vmem>>, vector<1x1024x64xf32>
    %get3A_3 = vector.shape_cast %get3A_2 : vector<1x1024x64xf32> to vector<1024x64xf32>
    %get3A_4 = arith.constant 1 : index
    %get3A_5 = arith.constant 0 : index
    %get3A_6 = arith.constant 0 : index
    %get3A_7 = vector.load %arg1[%get3A_4, %get3A_5, %get3A_6] : memref<2x1024x64xf32, #tpu.memory_space<vmem>>, vector<1x1024x64xf32>
    %get3A_8 = vector.shape_cast %get3A_7 : vector<1x1024x64xf32> to vector<1024x64xf32>
    %add3A = arith.addf %get3A_3, %get3A_8 : vector<1024x64xf32>
    %get3A_9 = arith.constant 0 : index
    %get3A_10 = vector.load %arg2[%get3A_9] : memref<1024xf32, #tpu.memory_space<vmem>>, vector<1024xf32>
    %broadcast_in_dim3A = vector.shape_cast %get3A_10 : vector<1024xf32> to vector<1024x1xf32>
    %mul3A = vector.broadcast %broadcast_in_dim3A : vector<1024x1xf32> to vector<1024x64xf32>
    %mul3A_11 = arith.mulf %add3A, %mul3A : vector<1024x64xf32>
    %get3A_12 = arith.constant 0 : index
    %get3A_13 = arith.constant 0 : index
    %get3A_14 = vector.load %arg4[%get3A_12, %get3A_13] : memref<1x64xf32, #tpu.memory_space<vmem>>, vector<1x64xf32>
    %add3A_15 = vector.broadcast %get3A_14 : vector<1x64xf32> to vector<1024x64xf32>
    %add3A_16 = arith.addf %mul3A_11, %add3A_15 : vector<1024x64xf32>
    %max3A = arith.constant 0.000000e+00 : f32
    %max3A_17 = vector.broadcast %max3A : f32 to vector<1024x64xf32>
    %max3A_18 = arith.maximumf %add3A_16, %max3A_17 : vector<1024x64xf32>
    %get3A_19 = arith.constant 0 : index
    %get3A_20 = vector.load %arg3[%get3A_19] : memref<1024xf32, #tpu.memory_space<vmem>>, vector<1024xf32>
    %broadcast_in_dim3A_21 = vector.shape_cast %get3A_20 : vector<1024xf32> to vector<1024x1xf32>
    %mul3A_22 = vector.broadcast %broadcast_in_dim3A_21 : vector<1024x1xf32> to vector<1024x64xf32>
    %mul3A_23 = arith.mulf %max3A_18, %mul3A_22 : vector<1024x64xf32>
    %get3A_24 = arith.constant 0 : index
    %get3A_25 = arith.constant 0 : index
    %get3A_26 = vector.load %arg5[%get3A_24, %get3A_25] : memref<64x64xf32, #tpu.memory_space<vmem>>, vector<64x64xf32>
    %dot_general3A = arith.constant dense<0.000000e+00> : vector<1024x64xf32>
    %dot_general3A_27 = tpu.matmul %mul3A_23, %get3A_26, %dot_general3A {dimension_numbers = #tpu.dot_dimension_numbers<[1], [0], [0], [1], [0, 0, 1, 1], [], []>, transpose_lhs_hint = false} : vector<1024x64xf32>, vector<64x64xf32>, vector<1024x64xf32> -> vector<1024x64xf32>
    %swap3A = arith.constant 0 : index
    %swap3A_28 = arith.constant 0 : index
    %swap3A_29 = vector.load %arg6[%swap3A, %swap3A_28] : memref<1024x64xf32, #tpu.memory_space<vmem>>, vector<1024x64xf32>
    tpu.vector_store %arg6[%swap3A, %swap3A_28], %dot_general3A_27 {strides = array<i32>} : memref<1024x64xf32, #tpu.memory_space<vmem>>, vector<1024x64xf32>,
    return
  }
  func.func @transform_0(%arg0: i32) -> (i32, i32, i32) {
    %c0_i32 = arith.constant 0 : i32
    %c0_i32_0 = arith.constant 0 : i32
    %c0_i32_1 = arith.constant 0 : i32
    return %c0_i32, %arg0, %c0_i32_0 : i32, i32, i32
  }
  func.func @transform_1(%arg0: i32) -> i32 {
    %c0_i32 = arith.constant 0 : i32
    return %arg0 : i32
  }
  func.func @transform_2(%arg0: i32) -> i32 {
    %c0_i32 = arith.constant 0 : i32
    return %arg0 : i32
  }
  func.func @transform_3(%arg0: i32) -> (i32, i32) {
    %c0_i32 = arith.constant 0 : i32
    %c0_i32_0 = arith.constant 0 : i32
    %c0_i32_1 = arith.constant 0 : i32
    return %c0_i32, %c0_i32_0 : i32, i32
  }
  func.func @transform_4(%arg0: i32) -> (i32, i32) {
    %c0_i32 = arith.constant 0 : i32
    %c0_i32_0 = arith.constant 0 : i32
    %c0_i32_1 = arith.constant 0 : i32
    return %c0_i32, %c0_i32_0 : i32, i32
  }
  func.func @transform_5(%arg0: i32) -> (i32, i32) {
    %c0_i32 = arith.constant 0 : i32
    %c0_i32_0 = arith.constant 0 : i32
    return %arg0, %c0_i32 : i32, i32
  }
}

module attributes {stable_mosaic.version = 14 : i64} {
  func.func @_dec_body(%arg0: i32, %arg1: memref<2x256x64xf32, #tpu.memory_space<vmem>>, %arg2: memref<2x10240x64xf32, #tpu.memory_space<vmem>>, %arg3: memref<256xf32, #tpu.memory_space<vmem>>, %arg4: memref<10240xf32, #tpu.memory_space<vmem>>, %arg5: memref<1x64xf32, #tpu.memory_space<vmem>>, %arg6: memref<256x10240xf32, #tpu.memory_space<vmem>>) attributes {dimension_semantics = [#tpu.dimension_semantics<arbitrary>], iteration_bounds = array<i64: 40>, scalar_prefetch = 0 : i64, scratch_operands = 0 : i64, tpu.core_type = #tpu.core_type<tc>, window_params = [{transform_indices = @transform_0, window_bounds = array<i64: 2, 256, 64>}, {pipeline_mode = #tpu.pipeline_mode<synchronous>, transform_indices = @transform_1, window_bounds = array<i64: 2, 10240, 64>}, {transform_indices = @transform_2, window_bounds = array<i64: 256>}, {pipeline_mode = #tpu.pipeline_mode<synchronous>, transform_indices = @transform_3, window_bounds = array<i64: 10240>}, {pipeline_mode = #tpu.pipeline_mode<synchronous>, transform_indices = @transform_4, window_bounds = array<i64: 1, 64>}, {transform_indices = @transform_5, window_bounds = array<i64: 256, 10240>}]} {
    %get3A = arith.constant 0 : index
    %get3A_0 = arith.constant 0 : index
    %get3A_1 = arith.constant 0 : index
    %get3A_2 = vector.load %arg1[%get3A, %get3A_0, %get3A_1] : memref<2x256x64xf32, #tpu.memory_space<vmem>>, vector<1x256x64xf32>
    %get3A_3 = vector.shape_cast %get3A_2 : vector<1x256x64xf32> to vector<256x64xf32>
    %get3A_4 = arith.constant 1 : index
    %get3A_5 = arith.constant 0 : index
    %get3A_6 = arith.constant 0 : index
    %get3A_7 = vector.load %arg1[%get3A_4, %get3A_5, %get3A_6] : memref<2x256x64xf32, #tpu.memory_space<vmem>>, vector<1x256x64xf32>
    %get3A_8 = vector.shape_cast %get3A_7 : vector<1x256x64xf32> to vector<256x64xf32>
    %add3A = arith.addf %get3A_3, %get3A_8 : vector<256x64xf32>
    %get3A_9 = arith.constant 0 : index
    %get3A_10 = vector.load %arg3[%get3A_9] : memref<256xf32, #tpu.memory_space<vmem>>, vector<256xf32>
    %broadcast_in_dim3A = vector.shape_cast %get3A_10 : vector<256xf32> to vector<256x1xf32>
    %mul3A = vector.broadcast %broadcast_in_dim3A : vector<256x1xf32> to vector<256x64xf32>
    %mul3A_11 = arith.mulf %add3A, %mul3A : vector<256x64xf32>
    %get3A_12 = arith.constant 0 : index
    %get3A_13 = arith.constant 0 : index
    %get3A_14 = vector.load %arg5[%get3A_12, %get3A_13] : memref<1x64xf32, #tpu.memory_space<vmem>>, vector<1x64xf32>
    %add3A_15 = vector.broadcast %get3A_14 : vector<1x64xf32> to vector<256x64xf32>
    %add3A_16 = arith.addf %mul3A_11, %add3A_15 : vector<256x64xf32>
    %get3A_17 = arith.constant 0 : index
    %get3A_18 = arith.constant 0 : index
    %get3A_19 = arith.constant 0 : index
    %get3A_20 = vector.load %arg2[%get3A_17, %get3A_18, %get3A_19] : memref<2x10240x64xf32, #tpu.memory_space<vmem>>, vector<1x10240x64xf32>
    %get3A_21 = vector.shape_cast %get3A_20 : vector<1x10240x64xf32> to vector<10240x64xf32>
    %get3A_22 = arith.constant 1 : index
    %get3A_23 = arith.constant 0 : index
    %get3A_24 = arith.constant 0 : index
    %get3A_25 = vector.load %arg2[%get3A_22, %get3A_23, %get3A_24] : memref<2x10240x64xf32, #tpu.memory_space<vmem>>, vector<1x10240x64xf32>
    %get3A_26 = vector.shape_cast %get3A_25 : vector<1x10240x64xf32> to vector<10240x64xf32>
    %add3A_27 = arith.addf %get3A_21, %get3A_26 : vector<10240x64xf32>
    %get3A_28 = arith.constant 0 : index
    %get3A_29 = vector.load %arg4[%get3A_28] : memref<10240xf32, #tpu.memory_space<vmem>>, vector<10240xf32>
    %broadcast_in_dim3A_30 = vector.shape_cast %get3A_29 : vector<10240xf32> to vector<10240x1xf32>
    %mul3A_31 = vector.broadcast %broadcast_in_dim3A_30 : vector<10240x1xf32> to vector<10240x64xf32>
    %mul3A_32 = arith.mulf %add3A_27, %mul3A_31 : vector<10240x64xf32>
    %get3A_33 = arith.constant 0 : index
    %get3A_34 = arith.constant 0 : index
    %get3A_35 = vector.load %arg5[%get3A_33, %get3A_34] : memref<1x64xf32, #tpu.memory_space<vmem>>, vector<1x64xf32>
    %add3A_36 = vector.broadcast %get3A_35 : vector<1x64xf32> to vector<10240x64xf32>
    %add3A_37 = arith.addf %mul3A_32, %add3A_36 : vector<10240x64xf32>
    %dot_general3A = arith.constant dense<0.000000e+00> : vector<256x10240xf32>
    %dot_general3A_38 = tpu.matmul %add3A_16, %add3A_37, %dot_general3A {dimension_numbers = #tpu.dot_dimension_numbers<[1], [1], [0], [0], [0, 0, 1, 0], [], []>, transpose_lhs_hint = false} : vector<256x64xf32>, vector<10240x64xf32>, vector<256x10240xf32> -> vector<256x10240xf32>
    %mul3A_39 = arith.constant 5.000000e-01 : f32
    %mul3A_40 = vector.broadcast %mul3A_39 : f32 to vector<256x10240xf32>
    %mul3A_41 = arith.mulf %dot_general3A_38, %mul3A_40 : vector<256x10240xf32>
    %tanh3A = math.tanh %mul3A_41 : vector<256x10240xf32>
    %mul3A_42 = arith.constant 5.000000e-01 : f32
    %mul3A_43 = vector.broadcast %mul3A_42 : f32 to vector<256x10240xf32>
    %mul3A_44 = arith.mulf %mul3A_43, %tanh3A : vector<256x10240xf32>
    %add3A_45 = arith.constant 5.000000e-01 : f32
    %add3A_46 = vector.broadcast %add3A_45 : f32 to vector<256x10240xf32>
    %add3A_47 = arith.addf %mul3A_44, %add3A_46 : vector<256x10240xf32>
    %swap3A = arith.constant 0 : index
    %swap3A_48 = arith.constant 0 : index
    %swap3A_49 = vector.load %arg6[%swap3A, %swap3A_48] : memref<256x10240xf32, #tpu.memory_space<vmem>>, vector<256x10240xf32>
    tpu.vector_store %arg6[%swap3A, %swap3A_48], %add3A_47 {strides = array<i32>} : memref<256x10240xf32, #tpu.memory_space<vmem>>, vector<256x10240xf32>,
    return
  }
  func.func @transform_0(%arg0: i32) -> (i32, i32, i32) {
    %c0_i32 = arith.constant 0 : i32
    %c0_i32_0 = arith.constant 0 : i32
    %c0_i32_1 = arith.constant 0 : i32
    return %c0_i32, %arg0, %c0_i32_0 : i32, i32, i32
  }
  func.func @transform_1(%arg0: i32) -> (i32, i32, i32) {
    %c0_i32 = arith.constant 0 : i32
    %c0_i32_0 = arith.constant 0 : i32
    %c0_i32_1 = arith.constant 0 : i32
    %c0_i32_2 = arith.constant 0 : i32
    return %c0_i32, %c0_i32_0, %c0_i32_1 : i32, i32, i32
  }
  func.func @transform_2(%arg0: i32) -> i32 {
    %c0_i32 = arith.constant 0 : i32
    return %arg0 : i32
  }
  func.func @transform_3(%arg0: i32) -> i32 {
    %c0_i32 = arith.constant 0 : i32
    %c0_i32_0 = arith.constant 0 : i32
    return %c0_i32 : i32
  }
  func.func @transform_4(%arg0: i32) -> (i32, i32) {
    %c0_i32 = arith.constant 0 : i32
    %c0_i32_0 = arith.constant 0 : i32
    %c0_i32_1 = arith.constant 0 : i32
    return %c0_i32, %c0_i32_0 : i32, i32
  }
  func.func @transform_5(%arg0: i32) -> (i32, i32) {
    %c0_i32 = arith.constant 0 : i32
    %c0_i32_0 = arith.constant 0 : i32
    return %arg0, %c0_i32 : i32, i32
  }
}

</mosaic_0001>

<sc_bundles>
// kernel: kernel.11.cloned.1.call-start
scs
__scs_entry_jumppad:
0x0: {  	(pc) =	sbr.rel $0x88, $3  }
0x1: {  	(tag) =	ssettag $0x0;
	lr =	simm.s32 $0x1  }
0x2: {  	[smem:$0x3F9B] =	sst lr;
	_ =	strace $0xD0000000  }
0x3: {  	_ = 	snop  }
0x4: {  	_ = 	snop  }
0x5: {  	_ = 	snop  }
0x6: {  	_ = 	snop  }
0x7: {  	_ = 	snop  }
__scs_overlays_trampoline_lowered:
0x8: {  	[smem:$0x3FAA] =	sst s0  }
0x9: {  	[smem:$0x3FAB] =	sst s1  }
0xa: {  	[smem:$0x3FAC] =	sst s2  }
0xb: {  	[smem:$0x3FAD] =	sst s3  }
0xc: {  	[smem:$0x3FAE] =	sst s4  }
0xd: {  	[smem:$0x3FAF] =	sst s5  }
0xe: {  	[smem:$0x3FB0] =	sst s6  }
0xf: {  	[smem:$0x3FB1] =	sst s7  }
0x10: {  	[smem:$0x3FB2] =	sst s8  }
0x11: {  	[smem:$0x3FB3] =	sst s9;
	s0 =	simm.s32 @!p0 $0x0  }
0x12: {  	s1 =	sld [smem:$0x3F99];
	s0 =	simm.s32 @p0 $0x1  }
0x13: {  	[smem:$0x3FB4] =	sst s0;
	s0 =	simm.s32 @!p1 $0x0  }
0x14: {  	s2 =	sld [smem:$0x3F98];
	s0 =	simm.s32 @p1 $0x1  }
0x15: {  	[smem:$0x3FB5] =	sst s0;
	s0 =	simm.s32 @!p2 $0x0  }
0x16: {  	s3 =	sld [smem:$0x3FDB];
	s0 =	simm.s32 @p2 $0x1  }
0x17: {  	s4 =	simm.s32 $0x1BF5;
	[smem:$0x3FB7] =	sst s0  }
0x18: {  	s0 =	sld [smem:$0x3F9A];
	_ =	swait.ge [sflag:s4], $0x0  }
0x19: {  	s7 =	sld [smem:$0x3F9B]  }
0x1a: {  	s8 =	sadd.s32 $0xFFFFE003, lr  }
0x1b: {  	s9 =	sadd.s32 $0xFFFFFEF7, lr;
	s5 =	simm.s32 $0xFFFFFFFF;
	p2 =	slt.u32 s8, $0xFFFFF086  }
0x1c: {  	p1 =	slt.u32 s9, $0xF7A;
	s5 =	simm.s32 @!p2 $0x0  }
0x1d: {  	s5 =	simm.s32 @p1 $0x1;
	p0 =	seq.s32 s7, s2  }
0x1e: {  	s7 =	smul.u32 @!p0 $0xF7A, s2;
	p2 =	seq.s32 @!p0 s5, $0x0  }
0x1f: {  	s9 =	smul.u32 $0xF7A, s1;
	s8 =	simm.s32 @!p0 $0x1BF5;
	p2 =	por !p2, p0  }
0x20: {  	[sflag:s8] =	ssyncset.s32 @!p0 $0xFFFFF086;
	s6 =	sadd.s32 @!p0 s3, s7;
	s7 =	simm.s32 @!p0 $0x108  }
0x21: {  	s3 =	sadd.s32 s3, s9;
	s6 =	sadd.s32 @!p0 $0x88, s6;
	s7 =	simm.s32 @p2 $0x1082  }
0x22: {  	[simem:s7], [sflag:s8] =	dma.local @!p0 [hbm:s6], $0xF7A  }
0x23: {  	s9 =	sor.u32 $0xD0000000, s2;
	s6 =	simm.s32 $0x108;
	_ =	swait.ge @!p0 [sflag:s8], $0x0  }
0x24: {  	s3 =	sadd.s32 $0x88, s3;
	s6 =	simm.s32 @!p1 $0x1082;
	[sflag:s4] =	ssyncset.s32 $0xFFFFF086  }
0x25: {  	[simem:s6], [sflag:s4] =	dma.local [hbm:s3], $0xF7A  }
0x26: {  	[smem:$0x3F9B] =	sst s1;
	(tag) =	ssettag s2;
	_ =	strace s9  }
0x27: {  	s1 =	sld [smem:$0x3FAB]  }
0x28: {  	s2 =	sld [smem:$0x3FAC]  }
0x29: {  	s4 =	sld [smem:$0x3FAE]  }
0x2a: {  	p0 =	seq.s32 s5, $0x0;
	s5 =	sld [smem:$0x3FAF]  }
0x2b: {  	s6 =	sld [smem:$0x3FB0]  }
0x2c: {  	s7 =	sld [smem:$0x3FB1]  }
0x2d: {  	s3 =	simm.s32 $0x108;
	s8 =	sld [smem:$0x3FB2]  }
0x2e: {  	s3 =	simm.s32 @!p0 $0x1082;
	s9 =	sld [smem:$0x3FB3]  }
0x2f: {  	lr =	sadd.s32 s0, s3;
	s0 =	sld [smem:$0x3FAA]  }
0x30: {  	s3 =	sld [smem:$0x3FAD]  }
0x31: {  	[smem:$0x3FB6] =	sst s10  }
0x32: {  	s10 =	sld [smem:$0x3FB4];
	_ =	sdelay $0x3  }
0x33: {  	p0 =	seq.s32 s10, $0x1;
	s10 =	sld [smem:$0x3FB6];
	_ =	sdelay $0x3  }
0x34: {  	[smem:$0x3FB6] =	sst s10  }
0x35: {  	s10 =	sld [smem:$0x3FB5];
	_ =	sdelay $0x3  }
0x36: {  	p1 =	seq.s32 s10, $0x1;
	s10 =	sld [smem:$0x3FB6];
	_ =	sdelay $0x3  }
0x37: {  	[smem:$0x3FB6] =	sst s10  }
0x38: {  	s10 =	sld [smem:$0x3FB7]  }
0x39: {  	_ = 	snop;
	(pc) =	sbr.ind lr, $3  }
0x3a: {  	_ = 	snop  }
0x3b: {  	_ = 	snop  }
0x3c: {  	p2 =	seq.s32 s10, $0x1;
	s10 =	sld [smem:$0x3FB6]  }
0x3d: {  	_ =	shalt  }
0x3e: {  	_ =	shalt  }
0x3f: {  	_ =	shalt  }
0x40: {  	_ =	shalt  }
0x41: {  	_ =	shalt  }
0x42: {  	_ =	shalt  }
0x43: {  	_ =	shalt  }
0x44: {  	_ =	shalt  }
0x45: {  	_ =	shalt  }
0x46: {  	_ =	shalt  }
0x47: {  	_ =	shalt  }
0x48: {  	_ =	shalt  }
0x49: {  	_ =	shalt  }
0x4a: {  	_ =	shalt  }
0x4b: {  	_ =	shalt  }
0x4c: {  	_ =	shalt  }
0x4d: {  	_ =	shalt  }
0x4e: {  	_ =	shalt  }
0x4f: {  	_ =	shalt  }
0x50: {  	_ =	shalt  }
0x51: {  	_ =	shalt  }
0x52: {  	_ =	shalt  }
0x53: {  	_ =	shalt  }
0x54: {  	_ =	shalt  }
0x55: {  	_ =	shalt  }
0x56: {  	_ =	shalt  }
0x57: {  	_ =	shalt  }
0x58: {  	_ =	shalt  }
0x59: {  	_ =	shalt  }
0x5a: {  	_ =	shalt  }
0x5b: {  	_ =	shalt  }
0x5c: {  	_ =	shalt  }
0x5d: {  	_ =	shalt  }
0x5e: {  	_ =	shalt  }
0x5f: {  	_ =	shalt  }
0x60: {  	_ =	shalt  }
0x61: {  	_ =	shalt  }
0x62: {  	_ =	shalt  }
0x63: {  	_ =	shalt  }
0x64: {  	_ =	shalt  }
0x65: {  	_ =	shalt  }
0x66: {  	_ =	shalt  }
0x67: {  	_ =	shalt  }
0x68: {  	_ =	shalt  }
0x69: {  	_ =	shalt  }
0x6a: {  	_ =	shalt  }
0x6b: {  	_ =	shalt  }
0x6c: {  	_ =	shalt  }
0x6d: {  	_ =	shalt  }
0x6e: {  	_ =	shalt  }
0x6f: {  	_ =	shalt  }
0x70: {  	_ =	shalt  }
0x71: {  	_ =	shalt  }
0x72: {  	_ =	shalt  }
0x73: {  	_ =	shalt  }
0x74: {  	_ =	shalt  }
0x75: {  	_ =	shalt  }
0x76: {  	_ =	shalt  }
0x77: {  	_ =	shalt  }
0x78: {  	_ =	shalt  }
0x79: {  	_ =	shalt  }
0x7a: {  	_ =	shalt  }
0x7b: {  	_ =	shalt  }
0x7c: {  	_ =	shalt  }
0x7d: {  	_ =	shalt  }
0x7e: {  	_ =	shalt  }
0x7f: {  	_ =	shalt  }
0x80: {  	_ =	shalt  }
0x81: {  	_ =	shalt  }
0x82: {  	_ =	shalt  }
0x83: {  	_ =	shalt  }
0x84: {  	_ =	shalt  }
0x85: {  	_ =	shalt  }
0x86: {  	_ =	shalt  }
0x87: {  	_ =	shalt  }
.Lfunc_end0:
.L_simem_size_0:
called_computation.1_lowered:
.L_overlay_start_0:
0x88: {  	s2 =	sld [smem:$0x3FD9]  }
0x89: {  	s3 =	sld [smem:$0x3FFE];
	_ =	sdelay $0x1  }
0x8a: {  	s1 =	srdreg.scid  }
0x8b: {  	s0 =	sand.u32 $0x1, s1  }
0x8c: {  	s17 =	sshll.u32 s0, $0xA;
	s2 =	sadd.s32 s3, s2  }
0x8d: {  	s2 =	sadd.s32 s2, s17  }
0x8e: {  	[smem:$0x3FC2] =	sst s2  }
0x8f: {  	_ = 	snop  }
0x90: {  	s2 =	sld [smem:$0x3FD0];
	(tm) =	ssettm $0x1  }
0x91: {  	s18 =	sld [smem:$0x3FFB];
	_ =	sdelay $0x3  }
0x92: {  	_ =	strace s18  }
0x93: {  	s3 =	sld [smem:$0x3FFC];
	_ =	sdelay $0x3  }
0x94: {  	_ =	strace s3  }
0x95: {  	s3 =	sld [smem:$0x3FFD];
	_ =	sdelay $0x3  }
0x96: {  	_ =	strace s3  }
0x97: {  	_ =	strace $0x8FFFFFFF  }
0x98: {  	s19 =	sld [smem:$0x3FDB];
	_ =	sdelay $0x1  }
0x99: {  	s4 =	simm.s32 $_scs_section_size  }
0x9a: {  	s5 =	simm.s32 $_size__tile_overlayer_lowered;
	s6 =	simm.s32 $_tile_overlayer_lowered  }
0x9b: {  	s22 =	simm.s32 $0x1BFF;
	s21 =	sshll.u32 s6, $0x1;
	s3 =	sadd.s32 s4, s19  }
0x9c: {  	s7 =	simm.s32 $0x0;
	s20 =	sshll.u32 s5, $0x1;
	s5 =	sadd.s32 s21, s3  }
0x9d: {  	[timem:s7], [sflag:s22] =	dma.local [hbm:s5], s20  }
0x9e: {  	_ =	swait.ge [sflag:s22], s20  }
0x9f: {  	s4 =	ssub.s32 $0x0, s20;
	[sflag:s22] =	ssyncset.done $0x0  }
0xa0: {  	[sflag:s22] =	ssyncadd.s32 s4;
	_ =	sdelay $0x1  }
0xa1: {  	s23 =	simm.s32 $0x1B8B  }
0xa2: {  	_ =	swait.ge [sflag:s23], $0x1  }
0xa3: {  	[sflag:s23] =	ssyncset.done $0x0  }
0xa4: {  	s25 =	simm.s32 $0x1B8E;
	s24 =	sld [smem:$0x3FFE];
	[sflag:s23] =	ssyncadd.s32 $0xFFFFFFFF  }
0xa5: {  	s26 =	simm.s32 $execute0_lowered;
	[smem:$0x3FD2] =	sst s25  }
0xa6: {  	s5 =	sshll.u32 s26, $0x1;
	_ =	strace $0x80000049;
	[dreg:$0x1] =	wrdreg $0xFFFFFFFF  }
0xa7: {  	s28 =	simm.s32 $_size_execute0_lowered;
	s3 =	sadd.s32 s3, s5;
	[dreg:$0x0] =	wrdreg $0x0  }
0xa8: {  	s5 =	sshll.u32 s28, $0x1;
	[dreg:$0x2] =	wrdreg s3  }
0xa9: {  	[dreg:$0x3] =	wrdreg s5  }
0xaa: {  	[dreg:$0x4] =	wrdreg $0xC0  }
0xab: {  	_ =	task [dreg:s7], $0x5FFFF  }
0xac: {  	[dreg:$0x1] =	wrdreg $0xFFFFFFFF  }
0xad: {  	[dreg:$0x0] =	wrdreg $0x60  }
0xae: {  	[dreg:$0x2] =	wrdreg s24  }
0xaf: {  	[dreg:$0x3] =	wrdreg s2  }
0xb0: {  	[dreg:$0x4] =	wrdreg $0x12E400  }
0xb1: {  	[dreg:$0x5] =	wrdreg $0x9  }
0xb2: {  	_ =	task.clear_ibuf [dreg:s7], $0x6FFFF;
	_ =	strace $0x90000049  }
0xb3: {  	s29 =	simm.s32 $0x9;
	_ =	strace $0x8000004B  }
0xb4: {  	_ =	swait.ge [sflag:s29], $0x1  }
0xb5: {  	[sflag:s29] =	ssyncadd.s32 $0xFFFFFFFF  }
0xb6: {  	_ =	strace $0x9000004B  }
0xb7: {  	_ =	sfence  }
0xb8: {  	s30 =	sld [smem:$0x0];
	_ =	sdelay $0x2  }
0xb9: {  	s31 =	sshll.u32 s1, $0xD;
	s1 =	sshrl.u32 s1, $0x2  }
0xba: {  	s3 =	sand.u32 $0x4000, s31;
	s1 =	sadd.s32 s1, s30  }
0xbb: {  	s0 =	sor.u32 s3, s0;
	s1 =	sshll.u32 s1, $0x11  }
0xbc: {  	s0 =	sor.u32 s1, s0  }
0xbd: {  	s0 =	sadd.s32 $0x8F2B, s0  }
0xbe: {  	[sflag:s0] =	ssyncadd.remote.s32 $0x1  }
0xbf: {  	_ =	sfence.sel $0xFFFF  }
0xc0: {  	[dreg:$0x0] =	wrdreg $0xFFFFFFFF;
	(pc) =	sbr.abs _section_cstart, $3  }
0xc1: {  	[dreg:$0x1] =	wrdreg $0xFFFFFFFF  }
0xc2: {  	_ =	task.clear_ibuf [dreg:s7], $0x2FFFF;
	_ =	strace $0x9FFFFFFF  }
0xc3: {  	(tm) =	ssettm $0x7FFFFFFF  }
tec
execute0_lowered:
.L_overlay_start_1:
0x0: {  	(tag) =	ssettag $0x1  }
0x1: {  	s0 =	rddreg [dreg:$0x0]  }
0x2: {  	s1 =	srdreg.scid;
	s6 =	rddreg [dreg:$0x1]  }
0x3: {  	s2 =	rddreg [dreg:$0x2];
	s9 =	stileid.u32  }
0x4: {  	s3 =	simm.s32 $0x0;
	s28 =	simm.s32 $0xD;
	s30 =	simm.s32 $0x64  }
0x5: {  	s31 =	simm.s32 $0x5140;
	s29 =	simm.s32 $0x9C40;
	s1 =	sand.u32 $0x1, s1  }
0x6: {  	[smem:$0x7FF] =	sst s3;
	s7 =	smul.u32 $0x28000, s9;
	s4 =	sshll.u32 s1, $0x4  }
0x7: {  	_ =	strace $0x8000004A;
	s8 =	ssub.s32 $0x2, s1;
	s1 =	smul.u32 $0xA0000, s1  }
0x8: {  	s4 =	sor.u32 s9, s4;
	s9 =	smul.u32 $0xA000, s9;
	s7 =	sshrl.u32 s7, $0x2  }
0x9: {  	s10 =	sshrl.u32 s8, $0x1;
	s5 =	smul.u32 $0x514, s4;
	s7 =	sadd.s32 s7, s2  }
0xa: {  	s4 =	sadd.s32 $0x16200, s0;
	s8 =	ssub.s32 s8, s10;
	s10 =	sadd.s32 $0x1000, s7  }
0xb: {  	s11 =	sadd.s32 $0x2000, s7;
	s12 =	sadd.s32 $0x3000, s7;
	s13 =	sadd.s32 $0x4000, s7  }
0xc: {  	s14 =	sadd.s32 $0x7000, s7;
	s15 =	sadd.s32 $0x8000, s7;
	[dreg:$0x4] =	wrdreg s10  }
0xd: {  	s16 =	sadd.s32 s9, s1;
	s18 =	sadd.s32 $0x2800, s9;
	[dreg:$0x5] =	wrdreg s11  }
0xe: {  	s26 =	smax.u32 s8, $0x1;
	s8 =	simm.s32 $0x2;
	[dreg:$0x6] =	wrdreg s12  }
0xf: {  	s0 =	sadd.s32 s5, s0;
	s5 =	sadd.s32 s9, s2;
	[dreg:$0x7] =	wrdreg s13  }
0x10: {  	s11 =	sadd.s32 $0x5000, s9;
	s12 =	sadd.s32 $0x6000, s7;
	[dreg:$0x9] =	wrdreg s14  }
0x11: {  	[dreg:$0xa] =	wrdreg s15;
	s7 =	sadd.s32 $0x9000, s7;
	s20 =	sadd.s32 s18, s2  }
0x12: {  	s21 =	sadd.s32 s1, s18;
	s9 =	sadd.s32 $0x7800, s9;
	[dreg:$0x14] =	wrdreg s26  }
0x13: {  	s26 =	simm.s32 $0xC;
	s13 =	simm.s32 $0x6;
	s14 =	simm.s32 $0x7  }
0x14: {  	s15 =	simm.s32 $0x8;
	s18 =	simm.s32 $0xDE40;
	[dreg:$0x8] =	wrdreg s12  }
0x15: {  	s10 =	sadd.s32 s11, s2;
	[dreg:$0xb] =	wrdreg s7;
	s17 =	sadd.s32 $0xBE00, s0  }
0x16: {  	s7 =	sshrl.u32 s16, $0x3;
	s0 =	sadd.s32 $0x1A00, s0;
	[dreg:$0xf] =	wrdreg s20  }
0x17: {  	s22 =	sadd.s32 s1, s11;
	s1 =	sadd.s32 s1, s9;
	s25 =	sadd.s32 s9, s2  }
0x18: {  	s9 =	simm.s32 $0x3;
	s11 =	simm.s32 $0x4;
	s12 =	simm.s32 $0x5  }
0x19: {  	s16 =	simm.s32 $0x9;
	s20 =	simm.s32 $0x0;
	[dreg:$0xc] =	wrdreg s17  }
0x1a: {  	[dreg:$0xd] =	wrdreg s0;
	s19 =	sadd.s32 s6, s7;
	s0 =	sshrl.u32 s21, $0x3  }
0x1b: {  	s7 =	sshrl.u32 s22, $0x3;
	s24 =	sshrl.u32 s1, $0x3;
	[dreg:$0x12] =	wrdreg s25  }
0x1c: {  	s25 =	simm.s32 $0xB;
	s1 =	simm.s32 $0x6A40;
	s17 =	simm.s32 $0xA  }
0x1d: {  	[dreg:$0xe] =	wrdreg s19;
	s0 =	sadd.s32 s6, s0;
	s23 =	sadd.s32 s6, s7  }
0x1e: {  	s7 =	simm.s32 $0x1;
	s19 =	simm.s32 $0x10640;
	[dreg:$0x10] =	wrdreg s0  }
0x1f: {  	[dreg:$0x11] =	wrdreg s23;
	s0 =	sadd.s32 s6, s24;
	s24 =	simm.s32 $0xCE40  }
0x20: {  	v0 =	vimm.f32 $0.0e+00;
	s6 =	simm.s32 $0xB540;
	[dreg:$0x13] =	wrdreg s0;
	s0 =	simm.s32 $0x8340  }
.LBB2_1:
0x21: {  	s22 =	simm.s32 $0x100;
	s21 =	simm.s32 $0x0  }
.LBB2_2:
0x22: {  	p0 =	sne.s32 s22, $0x3F00;
	[tilespmem:s21+$0xCE70] =	vst v0;
	s23 =	smov.u32 s22;
	s22 =	sadd.s32 $0x100, s22  }
.Ltmp0:
0x23: {  	[tilespmem:s21+$0xCE60] =	vst v0;
	(pc) =	sbr.rel @p0 .LBB2_2-.Ltmp0, $3  }
0x24: {  	[tilespmem:s21+$0xCE40] =	vst v0  }
0x25: {  	[tilespmem:s21+$0xCE50] =	vst v0;
	_ =	sdelay $0x1  }
0x26: {  	s21 =	sshra.s32 s23, $0x2  }
0x27: {  	[tilespmem:s21+$0xCE70] =	vst v0  }
0x28: {  	[tilespmem:s21+$0xCE60] =	vst v0  }
0x29: {  	[tilespmem:s21+$0xCE40] =	vst v0  }
0x2a: {  	[tilespmem:s21+$0xCE50] =	vst v0  }
0x2b: {  	[spmem:s5] =	stream.linear.scatter [tilespmem:s24], [sflag:$0xB], $0x1000, $0x38;
	[tilespmem:$0x1CE40] =	vst v63  }
0x2c: {  	s23 =	rddreg [dreg:$0x4]  }
0x2d: {  	[spmem:s23] =	stream.linear.scatter [tilespmem:s24], [sflag:$0xC], $0x1000, $0x38;
	[tilespmem:$0x1CE40] =	vst v63  }
0x2e: {  	s22 =	rddreg [dreg:$0x5]  }
0x2f: {  	[spmem:s22] =	stream.linear.scatter [tilespmem:s24], [sflag:$0xB], $0x1000, $0x38;
	[tilespmem:$0x1CE40] =	vst v63  }
0x30: {  	s23 =	rddreg [dreg:$0x6]  }
0x31: {  	[spmem:s23] =	stream.linear.scatter [tilespmem:s24], [sflag:$0xC], $0x1000, $0x38;
	[tilespmem:$0x1CE40] =	vst v63  }
0x32: {  	s22 =	rddreg [dreg:$0x7]  }
0x33: {  	[spmem:s22] =	stream.linear.scatter [tilespmem:s24], [sflag:$0xB], $0x1000, $0x38;
	[tilespmem:$0x1CE40] =	vst v63  }
0x34: {  	_ = 	snop  }
0x35: {  	[spmem:s10] =	stream.linear.scatter [tilespmem:s24], [sflag:$0xC], $0x1000, $0x38;
	[tilespmem:$0x1CE40] =	vst v63  }
0x36: {  	s23 =	rddreg [dreg:$0x8]  }
0x37: {  	[spmem:s23] =	stream.linear.scatter [tilespmem:s24], [sflag:$0xB], $0x1000, $0x38;
	[tilespmem:$0x1CE40] =	vst v63  }
0x38: {  	s22 =	rddreg [dreg:$0x9]  }
0x39: {  	[spmem:s22] =	stream.linear.scatter [tilespmem:s24], [sflag:$0xC], $0x1000, $0x38;
	[tilespmem:$0x1CE40] =	vst v63  }
0x3a: {  	s23 =	rddreg [dreg:$0xa]  }
0x3b: {  	[spmem:s23] =	stream.linear.scatter [tilespmem:s24], [sflag:$0xB], $0x1000, $0x38;
	[tilespmem:$0x1CE40] =	vst v63  }
0x3c: {  	s22 =	rddreg [dreg:$0xb]  }
0x3d: {  	[spmem:s22] =	stream.linear.scatter [tilespmem:s24], [sflag:$0xC], $0x1000, $0x38;
	[tilespmem:$0x1CE40] =	vst v63  }
0x3e: {  	_ =	swait.ge [sflag:s25], $0x1000  }
0x3f: {  	[sflag:s25] =	ssyncset.done $0x0  }
0x40: {  	[sflag:s25] =	ssyncadd.s32 $0xFFFFF000  }
0x41: {  	_ =	swait.ge [sflag:s26], $0x1000  }
0x42: {  	[sflag:s26] =	ssyncset.done $0x0  }
0x43: {  	[sflag:s26] =	ssyncadd.s32 $0xFFFFF000  }
0x44: {  	_ =	swait.ge [sflag:s25], $0x1000  }
0x45: {  	[sflag:s25] =	ssyncset.done $0x0  }
0x46: {  	[sflag:s25] =	ssyncadd.s32 $0xFFFFF000  }
0x47: {  	_ =	swait.ge [sflag:s26], $0x1000  }
0x48: {  	[sflag:s26] =	ssyncset.done $0x0  }
0x49: {  	[sflag:s26] =	ssyncadd.s32 $0xFFFFF000  }
0x4a: {  	_ =	swait.ge [sflag:s25], $0x1000  }
0x4b: {  	[sflag:s25] =	ssyncset.done $0x0  }
0x4c: {  	[sflag:s25] =	ssyncadd.s32 $0xFFFFF000  }
0x4d: {  	_ =	swait.ge [sflag:s26], $0x1000  }
0x4e: {  	[sflag:s26] =	ssyncset.done $0x0  }
0x4f: {  	[sflag:s26] =	ssyncadd.s32 $0xFFFFF000  }
0x50: {  	_ =	swait.ge [sflag:s25], $0x1000  }
0x51: {  	[sflag:s25] =	ssyncset.done $0x0  }
0x52: {  	[sflag:s25] =	ssyncadd.s32 $0xFFFFF000  }
0x53: {  	_ =	swait.ge [sflag:s26], $0x1000  }
0x54: {  	[sflag:s26] =	ssyncset.done $0x0  }
0x55: {  	[sflag:s26] =	ssyncadd.s32 $0xFFFFF000  }
0x56: {  	_ =	swait.ge [sflag:s25], $0x1000  }
0x57: {  	[sflag:s25] =	ssyncset.done $0x0  }
0x58: {  	[sflag:s25] =	ssyncadd.s32 $0xFFFFF000  }
0x59: {  	_ =	swait.ge [sflag:s26], $0x1000  }
0x5a: {  	[sflag:s26] =	ssyncset.done $0x0  }
0x5b: {  	[sflag:s26] =	ssyncadd.s32 $0xFFFFF000  }
0x5c: {  	[bflag:$0x0] =	sbarrier.arrive $0xFFFF  }
0x5d: {  	s21 =	simm.s32 $0x0;
	s22 =	rddreg [dreg:$0xc]  }
0x5e: {  	[tilespmem:s21], [sflag:$0xD] =	stream.linear.gather [hbm4b:s22+s21], $0x28A0, $0x38;
	[tilespmem:$0x1CE40] =	vst v63  }
0x5f: {  	_ =	swait.ge [sflag:s28], $0x28A0  }
0x60: {  	[sflag:s28] =	ssyncset.done $0x0  }
0x61: {  	s23 =	simm.s32 $0x28A0;
	s22 =	rddreg [dreg:$0xd];
	[sflag:s28] =	ssyncadd.s32 $0xFFFFD760  }
0x62: {  	[tilespmem:s23], [sflag:$0xD] =	stream.linear.gather [hbm4b:s22+s21], $0x28A0, $0x38;
	[tilespmem:$0x1CE40] =	vst v63  }
0x63: {  	_ =	swait.ge [sflag:s28], $0x28A0  }
0x64: {  	[sflag:s28] =	ssyncset.done $0x0  }
0x65: {  	[sflag:s28] =	ssyncadd.s32 $0xFFFFD760  }
0x66: {  	[tilespmem:s31], [sflag:$0x1] =	stream.indirect.gather [hbm4b:s4+s30], $0x40, s21, s30, $0xb8;
	[tilespmem:$0x1CE40] =	vst v63  }
0x67: {  	s23 =	simm.s32 $0x68  }
0x68: {  	[tilespmem:s1], [sflag:$0x2] =	stream.indirect.gather [hbm4b:s4+s30], $0x40, s23, s30, $0xb8;
	[tilespmem:$0x1CE40] =	vst v63  }
0x69: {  	s22 =	simm.s32 $0xD0  }
0x6a: {  	[tilespmem:s0], [sflag:$0x3] =	stream.indirect.gather [hbm4b:s4+s30], $0x40, s22, s30, $0xb8;
	[tilespmem:$0x1CE40] =	vst v63  }
0x6b: {  	s23 =	simm.s32 $0x138  }
0x6c: {  	[tilespmem:s29], [sflag:$0x4] =	stream.indirect.gather [hbm4b:s4+s30], $0x40, s23, s30, $0xb8;
	[tilespmem:$0x1CE40] =	vst v63  }
0x6d: {  	s22 =	simm.s32 $0x1A0  }
0x6e: {  	[tilespmem:s6], [sflag:$0x5] =	stream.indirect.gather [hbm4b:s4+s30], $0x40, s22, s30, $0xb8;
	[tilespmem:$0x1CE40] =	vst v63  }
0x6f: {  	_ =	swait.ge [sflag:s7], $0x1900  }
0x70: {  	[sflag:s7] =	ssyncset.done $0x0  }
0x71: {  	s23 =	simm.s32 $0x28A0;
	[sflag:s7] =	ssyncadd.s32 $0xFFFFE700  }
0x72: {  	[spmem:s2] =	stream.indirect.scatter.add.f32 [tilespmem:s31], [sflag:$0x6], $0x40, s23, s30, $0xb8;
	[tilespmem:$0x1CE40] =	vst v63  }
0x73: {  	_ =	swait.ge [sflag:s8], $0x1900  }
0x74: {  	[sflag:s8] =	ssyncset.done $0x0  }
0x75: {  	s22 =	simm.s32 $0x2908;
	[sflag:s8] =	ssyncadd.s32 $0xFFFFE700  }
0x76: {  	[spmem:s2] =	stream.indirect.scatter.add.f32 [tilespmem:s1], [sflag:$0x7], $0x40, s22, s30, $0xb8;
	[tilespmem:$0x1CE40] =	vst v63  }
0x77: {  	_ =	swait.ge [sflag:s9], $0x1900  }
0x78: {  	[sflag:s9] =	ssyncset.done $0x0  }
0x79: {  	s23 =	simm.s32 $0x2970;
	[sflag:s9] =	ssyncadd.s32 $0xFFFFE700  }
0x7a: {  	[spmem:s2] =	stream.indirect.scatter.add.f32 [tilespmem:s0], [sflag:$0x8], $0x40, s23, s30, $0xb8;
	[tilespmem:$0x1CE40] =	vst v63  }
0x7b: {  	_ =	swait.ge [sflag:s11], $0x1900  }
0x7c: {  	[sflag:s11] =	ssyncset.done $0x0  }
0x7d: {  	s22 =	simm.s32 $0x29D8;
	[sflag:s11] =	ssyncadd.s32 $0xFFFFE700  }
0x7e: {  	[spmem:s2] =	stream.indirect.scatter.add.f32 [tilespmem:s29], [sflag:$0x9], $0x40, s22, s30, $0xb8;
	[tilespmem:$0x1CE40] =	vst v63  }
0x7f: {  	_ =	swait.ge [sflag:s12], $0x1900  }
0x80: {  	[sflag:s12] =	ssyncset.done $0x0  }
0x81: {  	s23 =	simm.s32 $0x2A40;
	[sflag:s12] =	ssyncadd.s32 $0xFFFFE700  }
0x82: {  	[spmem:s2] =	stream.indirect.scatter.add.f32 [tilespmem:s6], [sflag:$0xA], $0x40, s23, s30, $0xb8;
	[tilespmem:$0x1CE40] =	vst v63  }
0x83: {  	_ =	swait.ge [sflag:s13], $0x1900  }
0x84: {  	[sflag:s13] =	ssyncset.done $0x0  }
0x85: {  	s22 =	simm.s32 $0x208;
	[sflag:s13] =	ssyncadd.s32 $0xFFFFE700  }
0x86: {  	[tilespmem:s31], [sflag:$0x1] =	stream.indirect.gather [hbm4b:s4+s30], $0x40, s22, s30, $0xb8;
	[tilespmem:$0x1CE40] =	vst v63  }
0x87: {  	_ =	swait.ge [sflag:s14], $0x1900  }
0x88: {  	[sflag:s14] =	ssyncset.done $0x0  }
0x89: {  	s23 =	simm.s32 $0x270;
	[sflag:s14] =	ssyncadd.s32 $0xFFFFE700  }
0x8a: {  	[tilespmem:s1], [sflag:$0x2] =	stream.indirect.gather [hbm4b:s4+s30], $0x40, s23, s30, $0xb8;
	[tilespmem:$0x1CE40] =	vst v63  }
0x8b: {  	_ =	swait.ge [sflag:s15], $0x1900  }
0x8c: {  	[sflag:s15] =	ssyncset.done $0x0  }
0x8d: {  	s22 =	simm.s32 $0x2D8;
	[sflag:s15] =	ssyncadd.s32 $0xFFFFE700  }
0x8e: {  	[tilespmem:s0], [sflag:$0x3] =	stream.indirect.gather [hbm4b:s4+s30], $0x40, s22, s30, $0xb8;
	[tilespmem:$0x1CE40] =	vst v63  }
0x8f: {  	_ =	swait.ge [sflag:s16], $0x1900  }
0x90: {  	[sflag:s16] =	ssyncset.done $0x0  }
0x91: {  	s23 =	simm.s32 $0x340;
	[sflag:s16] =	ssyncadd.s32 $0xFFFFE700  }
0x92: {  	[tilespmem:s29], [sflag:$0x4] =	stream.indirect.gather [hbm4b:s4+s30], $0x40, s23, s30, $0xb8;
	[tilespmem:$0x1CE40] =	vst v63  }
0x93: {  	_ =	swait.ge [sflag:s17], $0x1900  }
0x94: {  	[sflag:s17] =	ssyncset.done $0x0  }
0x95: {  	s21 =	simm.s32 $0x820;
	s22 =	simm.s32 $0x3A8;
	[sflag:s17] =	ssyncadd.s32 $0xFFFFE700  }
.LBB2_4:
0x96: {  	[tilespmem:s6], [sflag:$0x5] =	stream.indirect.gather [hbm4b:s4+s30], $0x40, s22, s30, $0xb8;
	[tilespmem:$0x1CE40] =	vst v63  }
0x97: {  	s22 =	smov.u32 s21  }
0x98: {  	p0 =	sne.s32 s21, $0x9240;
	s21 =	sadd.s32 $0x820, s21;
	_ =	swait.ge [sflag:s7], $0x1900  }
0x99: {  	s22 =	sshra.s32 s22, $0x2;
	[sflag:s7] =	ssyncset.done $0x0  }
0x9a: {  	s23 =	sadd.s32 $0x28A0, s22;
	[sflag:s7] =	ssyncadd.s32 $0xFFFFE700  }
0x9b: {  	[spmem:s2] =	stream.indirect.scatter.add.f32 [tilespmem:s31], [sflag:$0x6], $0x40, s23, s30, $0xb8;
	[tilespmem:$0x1CE40] =	vst v63  }
0x9c: {  	_ =	swait.ge [sflag:s8], $0x1900  }
0x9d: {  	[sflag:s8] =	ssyncset.done $0x0  }
0x9e: {  	s23 =	sadd.s32 $0x2908, s22;
	[sflag:s8] =	ssyncadd.s32 $0xFFFFE700  }
0x9f: {  	[spmem:s2] =	stream.indirect.scatter.add.f32 [tilespmem:s1], [sflag:$0x7], $0x40, s23, s30, $0xb8;
	[tilespmem:$0x1CE40] =	vst v63  }
0xa0: {  	_ =	swait.ge [sflag:s9], $0x1900  }
0xa1: {  	[sflag:s9] =	ssyncset.done $0x0  }
0xa2: {  	s23 =	sadd.s32 $0x2970, s22;
	[sflag:s9] =	ssyncadd.s32 $0xFFFFE700  }
0xa3: {  	[spmem:s2] =	stream.indirect.scatter.add.f32 [tilespmem:s0], [sflag:$0x8], $0x40, s23, s30, $0xb8;
	[tilespmem:$0x1CE40] =	vst v63  }
0xa4: {  	_ =	swait.ge [sflag:s11], $0x1900  }
0xa5: {  	[sflag:s11] =	ssyncset.done $0x0  }
0xa6: {  	s23 =	sadd.s32 $0x29D8, s22;
	[sflag:s11] =	ssyncadd.s32 $0xFFFFE700  }
0xa7: {  	[spmem:s2] =	stream.indirect.scatter.add.f32 [tilespmem:s29], [sflag:$0x9], $0x40, s23, s30, $0xb8;
	[tilespmem:$0x1CE40] =	vst v63  }
0xa8: {  	_ =	swait.ge [sflag:s12], $0x1900  }
0xa9: {  	[sflag:s12] =	ssyncset.done $0x0  }
0xaa: {  	s23 =	sadd.s32 $0x2A40, s22;
	[sflag:s12] =	ssyncadd.s32 $0xFFFFE700  }
0xab: {  	[spmem:s2] =	stream.indirect.scatter.add.f32 [tilespmem:s6], [sflag:$0xA], $0x40, s23, s30, $0xb8;
	[tilespmem:$0x1CE40] =	vst v63  }
0xac: {  	_ =	swait.ge [sflag:s13], $0x1900  }
0xad: {  	[sflag:s13] =	ssyncset.done $0x0  }
0xae: {  	s23 =	sadd.s32 $0x208, s22;
	[sflag:s13] =	ssyncadd.s32 $0xFFFFE700  }
0xaf: {  	[tilespmem:s31], [sflag:$0x1] =	stream.indirect.gather [hbm4b:s4+s30], $0x40, s23, s30, $0xb8;
	[tilespmem:$0x1CE40] =	vst v63  }
0xb0: {  	_ =	swait.ge [sflag:s14], $0x1900  }
0xb1: {  	[sflag:s14] =	ssyncset.done $0x0  }
0xb2: {  	s23 =	sadd.s32 $0x270, s22;
	[sflag:s14] =	ssyncadd.s32 $0xFFFFE700  }
0xb3: {  	[tilespmem:s1], [sflag:$0x2] =	stream.indirect.gather [hbm4b:s4+s30], $0x40, s23, s30, $0xb8;
	[tilespmem:$0x1CE40] =	vst v63  }
0xb4: {  	_ =	swait.ge [sflag:s15], $0x1900  }
0xb5: {  	[sflag:s15] =	ssyncset.done $0x0  }
0xb6: {  	s23 =	sadd.s32 $0x2D8, s22;
	[sflag:s15] =	ssyncadd.s32 $0xFFFFE700  }
0xb7: {  	[tilespmem:s0], [sflag:$0x3] =	stream.indirect.gather [hbm4b:s4+s30], $0x40, s23, s30, $0xb8;
	[tilespmem:$0x1CE40] =	vst v63  }
0xb8: {  	_ =	swait.ge [sflag:s16], $0x1900  }
0xb9: {  	[sflag:s16] =	ssyncset.done $0x0  }
.Ltmp1:
0xba: {  	s23 =	sadd.s32 $0x340, s22;
	[sflag:s16] =	ssyncadd.s32 $0xFFFFE700;
	(pc) =	sbr.rel @p0 .LBB2_4-.Ltmp1, $4  }
0xbb: {  	[tilespmem:s29], [sflag:$0x4] =	stream.indirect.gather [hbm4b:s4+s30], $0x40, s23, s30, $0xb8;
	[tilespmem:$0x1CE40] =	vst v63  }
0xbc: {  	_ =	swait.ge [sflag:s17], $0x1900  }
0xbd: {  	[sflag:s17] =	ssyncset.done $0x0  }
0xbe: {  	s22 =	sadd.s32 $0x3A8, s22;
	[sflag:s17] =	ssyncadd.s32 $0xFFFFE700  }
0xbf: {  	[tilespmem:s6], [sflag:$0x5] =	stream.indirect.gather [hbm4b:s4+s30], $0x40, s22, s30, $0xb8;
	[tilespmem:$0x1CE40] =	vst v63  }
0xc0: {  	_ =	swait.ge [sflag:s7], $0x1900  }
0xc1: {  	[sflag:s7] =	ssyncset.done $0x0  }
0xc2: {  	s21 =	simm.s32 $0x4F38;
	[sflag:s7] =	ssyncadd.s32 $0xFFFFE700  }
0xc3: {  	[spmem:s2] =	stream.indirect.scatter.add.f32 [tilespmem:s31], [sflag:$0x6], $0x40, s21, s30, $0xb8;
	[tilespmem:$0x1CE40] =	vst v63  }
0xc4: {  	_ =	swait.ge [sflag:s8], $0x1900  }
0xc5: {  	[sflag:s8] =	ssyncset.done $0x0  }
0xc6: {  	s23 =	simm.s32 $0x4FA0;
	[sflag:s8] =	ssyncadd.s32 $0xFFFFE700  }
0xc7: {  	[spmem:s2] =	stream.indirect.scatter.add.f32 [tilespmem:s1], [sflag:$0x7], $0x40, s23, s30, $0xb8;
	[tilespmem:$0x1CE40] =	vst v63  }
0xc8: {  	_ =	swait.ge [sflag:s9], $0x1900  }
0xc9: {  	[sflag:s9] =	ssyncset.done $0x0  }
0xca: {  	s22 =	simm.s32 $0x5008;
	[sflag:s9] =	ssyncadd.s32 $0xFFFFE700  }
0xcb: {  	[spmem:s2] =	stream.indirect.scatter.add.f32 [tilespmem:s0], [sflag:$0x8], $0x40, s22, s30, $0xb8;
	[tilespmem:$0x1CE40] =	vst v63  }
0xcc: {  	_ =	swait.ge [sflag:s11], $0x1900  }
0xcd: {  	[sflag:s11] =	ssyncset.done $0x0  }
0xce: {  	s23 =	simm.s32 $0x5070;
	[sflag:s11] =	ssyncadd.s32 $0xFFFFE700  }
0xcf: {  	[spmem:s2] =	stream.indirect.scatter.add.f32 [tilespmem:s29], [sflag:$0x9], $0x40, s23, s30, $0xb8;
	[tilespmem:$0x1CE40] =	vst v63  }
0xd0: {  	_ =	swait.ge [sflag:s12], $0x1900  }
0xd1: {  	[sflag:s12] =	ssyncset.done $0x0  }
0xd2: {  	s22 =	simm.s32 $0x50D8;
	[sflag:s12] =	ssyncadd.s32 $0xFFFFE700  }
0xd3: {  	[spmem:s2] =	stream.indirect.scatter.add.f32 [tilespmem:s6], [sflag:$0xA], $0x40, s22, s30, $0xb8;
	[tilespmem:$0x1CE40] =	vst v63  }
0xd4: {  	_ =	swait.ge [sflag:s13], $0x1900  }
0xd5: {  	[sflag:s13] =	ssyncset.done $0x0  }
0xd6: {  	[sflag:s13] =	ssyncadd.s32 $0xFFFFE700  }
0xd7: {  	_ =	swait.ge [sflag:s14], $0x1900  }
0xd8: {  	[sflag:s14] =	ssyncset.done $0x0  }
0xd9: {  	[sflag:s14] =	ssyncadd.s32 $0xFFFFE700  }
0xda: {  	_ =	swait.ge [sflag:s15], $0x1900  }
0xdb: {  	[sflag:s15] =	ssyncset.done $0x0  }
0xdc: {  	[sflag:s15] =	ssyncadd.s32 $0xFFFFE700  }
0xdd: {  	_ =	swait.ge [sflag:s16], $0x1900  }
0xde: {  	[sflag:s16] =	ssyncset.done $0x0  }
0xdf: {  	[sflag:s16] =	ssyncadd.s32 $0xFFFFE700  }
0xe0: {  	_ =	swait.ge [sflag:s17], $0x1900  }
0xe1: {  	[sflag:s17] =	ssyncset.done $0x0  }
0xe2: {  	[sflag:s17] =	ssyncadd.s32 $0xFFFFE700  }
0xe3: {  	[bflag:$0x0] =	sbarrier.arrive $0xFFFF  }
0xe4: {  	[tilespmem:s18], [sflag:$0xD] =	stream.linear.gather [spmem:s5], $0x2800, $0x38;
	[tilespmem:$0x1CE40] =	vst v63  }
0xe5: {  	_ =	swait.ge [sflag:s28], $0x2800  }
0xe6: {  	[sflag:s28] =	ssyncset.done $0x0  }
0xe7: {  	s23 =	rddreg [dreg:$0xe];
	[sflag:s28] =	ssyncadd.s32 $0xFFFFD800  }
0xe8: {  	[hbm4b:s23+s3] =	stream.linear.scatter [tilespmem:s18], [sflag:$0xB], $0x2800, $0x38;
	[tilespmem:$0x1CE40] =	vst v63  }
0xe9: {  	s22 =	rddreg [dreg:$0xf]  }
0xea: {  	[tilespmem:s19], [sflag:$0xD] =	stream.linear.gather [spmem:s22], $0x2800, $0x38;
	[tilespmem:$0x1CE40] =	vst v63  }
0xeb: {  	_ =	swait.ge [sflag:s28], $0x2800  }
0xec: {  	[sflag:s28] =	ssyncset.done $0x0  }
0xed: {  	s23 =	rddreg [dreg:$0x10];
	[sflag:s28] =	ssyncadd.s32 $0xFFFFD800  }
0xee: {  	[hbm4b:s23+s3] =	stream.linear.scatter [tilespmem:s19], [sflag:$0xC], $0x2800, $0x38;
	[tilespmem:$0x1CE40] =	vst v63  }
0xef: {  	_ =	swait.ge [sflag:s25], $0x2800  }
0xf0: {  	[sflag:s25] =	ssyncset.done $0x0  }
0xf1: {  	[sflag:s25] =	ssyncadd.s32 $0xFFFFD800  }
0xf2: {  	[tilespmem:s18], [sflag:$0xD] =	stream.linear.gather [spmem:s10], $0x2800, $0x38;
	[tilespmem:$0x1CE40] =	vst v63  }
0xf3: {  	_ =	swait.ge [sflag:s28], $0x2800  }
0xf4: {  	[sflag:s28] =	ssyncset.done $0x0  }
0xf5: {  	s22 =	rddreg [dreg:$0x11];
	[sflag:s28] =	ssyncadd.s32 $0xFFFFD800  }
0xf6: {  	[hbm4b:s22+s3] =	stream.linear.scatter [tilespmem:s18], [sflag:$0xB], $0x2800, $0x38;
	[tilespmem:$0x1CE40] =	vst v63  }
0xf7: {  	_ =	swait.ge [sflag:s26], $0x2800  }
0xf8: {  	[sflag:s26] =	ssyncset.done $0x0  }
0xf9: {  	s23 =	rddreg [dreg:$0x12];
	[sflag:s26] =	ssyncadd.s32 $0xFFFFD800  }
0xfa: {  	[tilespmem:s19], [sflag:$0xD] =	stream.linear.gather [spmem:s23], $0x2800, $0x38;
	[tilespmem:$0x1CE40] =	vst v63  }
0xfb: {  	_ =	swait.ge [sflag:s28], $0x2800  }
0xfc: {  	[sflag:s28] =	ssyncset.done $0x0  }
0xfd: {  	s22 =	rddreg [dreg:$0x13];
	[sflag:s28] =	ssyncadd.s32 $0xFFFFD800  }
0xfe: {  	[hbm4b:s22+s3] =	stream.linear.scatter [tilespmem:s19], [sflag:$0xC], $0x2800, $0x38;
	[tilespmem:$0x1CE40] =	vst v63  }
0xff: {  	_ =	swait.ge [sflag:s25], $0x2800  }
0x100: {  	[sflag:s25] =	ssyncset.done $0x0  }
0x101: {  	[sflag:s25] =	ssyncadd.s32 $0xFFFFD800  }
0x102: {  	_ =	swait.ge [sflag:s26], $0x2800  }
0x103: {  	s20 =	sadd.s32 $0x1, s20;
	s23 =	rddreg [dreg:$0x14]  }
0x104: {  	p0 =	sne.s32 s20, s23  }
.Ltmp2:
0x105: {  	_ = 	snop;
	(pc) =	sbr.rel @p0 .LBB2_1-.Ltmp2, $3  }
0x106: {  	_ =	sdelay $0x1  }
0x107: {  	[sflag:s26] =	ssyncset.done $0x0  }
0x108: {  	[sflag:s26] =	ssyncadd.s32 $0xFFFFD800  }
0x109: {  	_ =	sfence.sel $0x180000  }
0x10a: {  	[bflag:$0x0] =	sbarrier.arrive $0xFFFF  }
0x10b: {  	_ =	strace $0x9000004A  }
0x10c: {  	s0 =	stileid.u32;
	[bflag:$0x2] =	sbarrier.arrive $0xFFFF  }
0x10d: {  	p0 =	sne.s32 s0, $0x0;
	s0 =	rddreg [dreg:$0x3]  }
0x10e: {  	s0 =	sadd.s32 @!p0 $0x100000, s0  }
0x10f: {  	[sflag:s0] =	ssyncadd.tile.s32 @!p0 $0x1;
	_ =	shalt  }
.Lfunc_end2:
_tile_overlayer_lowered:
.L_overlay_start_2:
0x110: {  	(tag) =	ssettag $0x2  }
0x111: {  	s0 =	rddreg [dreg:$0x0];
	s2 =	stileid.u32  }
0x112: {  	s1 =	rddreg [dreg:$0x1];
	p0 =	sne.s32 s2, $0x0  }
0x113: {  	s3 =	rddreg [dreg:$0x2];
	[bflag:$0x3] =	sbarrier.arrive $0xFFFF;
	s2 =	simm.s32 @!p0 $0x1C0D  }
0x114: {  	[timem:s3], [sflag:s2] =	dma.local @!p0 [hbm:s0], s1  }
0x115: {  	s0 =	simm.s32 @!p0 $0xD  }
0x116: {  	_ =	swait.ge @!p0 [sflag:s0], s1  }
0x117: {  	s1 =	ssub.s32 @!p0 $0x0, s1;
	[sflag:s0] =	ssyncset.done @!p0 $0x0  }
0x118: {  	[sflag:s0] =	ssyncadd.s32 @!p0 s1  }
0x119: {  	[bflag:$0x3] =	sbarrier.arrive $0xFFFF  }
0x11a: {  	_ =	shalt  }

// kernel: kernel.14.cloned.1.call-start
scs
__scs_entry_jumppad:
0x0: {  	(pc) =	sbr.rel $0x88, $3  }
0x1: {  	(tag) =	ssettag $0x0;
	lr =	simm.s32 $0x1  }
0x2: {  	[smem:$0x3F9B] =	sst lr;
	_ =	strace $0xD0000000  }
0x3: {  	_ = 	snop  }
0x4: {  	_ = 	snop  }
0x5: {  	_ = 	snop  }
0x6: {  	_ = 	snop  }
0x7: {  	_ = 	snop  }
__scs_overlays_trampoline_lowered:
0x8: {  	[smem:$0x3FAA] =	sst s0  }
0x9: {  	[smem:$0x3FAB] =	sst s1  }
0xa: {  	[smem:$0x3FAC] =	sst s2  }
0xb: {  	[smem:$0x3FAD] =	sst s3  }
0xc: {  	[smem:$0x3FAE] =	sst s4  }
0xd: {  	[smem:$0x3FAF] =	sst s5  }
0xe: {  	[smem:$0x3FB0] =	sst s6  }
0xf: {  	[smem:$0x3FB1] =	sst s7  }
0x10: {  	[smem:$0x3FB2] =	sst s8  }
0x11: {  	[smem:$0x3FB3] =	sst s9;
	s0 =	simm.s32 @!p0 $0x0  }
0x12: {  	s1 =	sld [smem:$0x3F99];
	s0 =	simm.s32 @p0 $0x1  }
0x13: {  	[smem:$0x3FB4] =	sst s0;
	s0 =	simm.s32 @!p1 $0x0  }
0x14: {  	s2 =	sld [smem:$0x3F98];
	s0 =	simm.s32 @p1 $0x1  }
0x15: {  	[smem:$0x3FB5] =	sst s0;
	s0 =	simm.s32 @!p2 $0x0  }
0x16: {  	s3 =	sld [smem:$0x3FDB];
	s0 =	simm.s32 @p2 $0x1  }
0x17: {  	s4 =	simm.s32 $0x1BF5;
	[smem:$0x3FB7] =	sst s0  }
0x18: {  	s0 =	sld [smem:$0x3F9A];
	_ =	swait.ge [sflag:s4], $0x0  }
0x19: {  	s7 =	sld [smem:$0x3F9B]  }
0x1a: {  	s8 =	sadd.s32 $0xFFFFE003, lr  }
0x1b: {  	s9 =	sadd.s32 $0xFFFFFEF7, lr;
	s5 =	simm.s32 $0xFFFFFFFF;
	p2 =	slt.u32 s8, $0xFFFFF086  }
0x1c: {  	p1 =	slt.u32 s9, $0xF7A;
	s5 =	simm.s32 @!p2 $0x0  }
0x1d: {  	s5 =	simm.s32 @p1 $0x1;
	p0 =	seq.s32 s7, s2  }
0x1e: {  	s7 =	smul.u32 @!p0 $0xF7A, s2;
	p2 =	seq.s32 @!p0 s5, $0x0  }
0x1f: {  	s9 =	smul.u32 $0xF7A, s1;
	s8 =	simm.s32 @!p0 $0x1BF5;
	p2 =	por !p2, p0  }
0x20: {  	[sflag:s8] =	ssyncset.s32 @!p0 $0xFFFFF086;
	s6 =	sadd.s32 @!p0 s3, s7;
	s7 =	simm.s32 @!p0 $0x108  }
0x21: {  	s3 =	sadd.s32 s3, s9;
	s6 =	sadd.s32 @!p0 $0x88, s6;
	s7 =	simm.s32 @p2 $0x1082  }
0x22: {  	[simem:s7], [sflag:s8] =	dma.local @!p0 [hbm:s6], $0xF7A  }
0x23: {  	s9 =	sor.u32 $0xD0000000, s2;
	s6 =	simm.s32 $0x108;
	_ =	swait.ge @!p0 [sflag:s8], $0x0  }
0x24: {  	s3 =	sadd.s32 $0x88, s3;
	s6 =	simm.s32 @!p1 $0x1082;
	[sflag:s4] =	ssyncset.s32 $0xFFFFF086  }
0x25: {  	[simem:s6], [sflag:s4] =	dma.local [hbm:s3], $0xF7A  }
0x26: {  	[smem:$0x3F9B] =	sst s1;
	(tag) =	ssettag s2;
	_ =	strace s9  }
0x27: {  	s1 =	sld [smem:$0x3FAB]  }
0x28: {  	s2 =	sld [smem:$0x3FAC]  }
0x29: {  	s4 =	sld [smem:$0x3FAE]  }
0x2a: {  	p0 =	seq.s32 s5, $0x0;
	s5 =	sld [smem:$0x3FAF]  }
0x2b: {  	s6 =	sld [smem:$0x3FB0]  }
0x2c: {  	s7 =	sld [smem:$0x3FB1]  }
0x2d: {  	s3 =	simm.s32 $0x108;
	s8 =	sld [smem:$0x3FB2]  }
0x2e: {  	s3 =	simm.s32 @!p0 $0x1082;
	s9 =	sld [smem:$0x3FB3]  }
0x2f: {  	lr =	sadd.s32 s0, s3;
	s0 =	sld [smem:$0x3FAA]  }
0x30: {  	s3 =	sld [smem:$0x3FAD]  }
0x31: {  	[smem:$0x3FB6] =	sst s10  }
0x32: {  	s10 =	sld [smem:$0x3FB4];
	_ =	sdelay $0x3  }
0x33: {  	p0 =	seq.s32 s10, $0x1;
	s10 =	sld [smem:$0x3FB6];
	_ =	sdelay $0x3  }
0x34: {  	[smem:$0x3FB6] =	sst s10  }
0x35: {  	s10 =	sld [smem:$0x3FB5];
	_ =	sdelay $0x3  }
0x36: {  	p1 =	seq.s32 s10, $0x1;
	s10 =	sld [smem:$0x3FB6];
	_ =	sdelay $0x3  }
0x37: {  	[smem:$0x3FB6] =	sst s10  }
0x38: {  	s10 =	sld [smem:$0x3FB7]  }
0x39: {  	_ = 	snop;
	(pc) =	sbr.ind lr, $3  }
0x3a: {  	_ = 	snop  }
0x3b: {  	_ = 	snop  }
0x3c: {  	p2 =	seq.s32 s10, $0x1;
	s10 =	sld [smem:$0x3FB6]  }
0x3d: {  	_ =	shalt  }
0x3e: {  	_ =	shalt  }
0x3f: {  	_ =	shalt  }
0x40: {  	_ =	shalt  }
0x41: {  	_ =	shalt  }
0x42: {  	_ =	shalt  }
0x43: {  	_ =	shalt  }
0x44: {  	_ =	shalt  }
0x45: {  	_ =	shalt  }
0x46: {  	_ =	shalt  }
0x47: {  	_ =	shalt  }
0x48: {  	_ =	shalt  }
0x49: {  	_ =	shalt  }
0x4a: {  	_ =	shalt  }
0x4b: {  	_ =	shalt  }
0x4c: {  	_ =	shalt  }
0x4d: {  	_ =	shalt  }
0x4e: {  	_ =	shalt  }
0x4f: {  	_ =	shalt  }
0x50: {  	_ =	shalt  }
0x51: {  	_ =	shalt  }
0x52: {  	_ =	shalt  }
0x53: {  	_ =	shalt  }
0x54: {  	_ =	shalt  }
0x55: {  	_ =	shalt  }
0x56: {  	_ =	shalt  }
0x57: {  	_ =	shalt  }
0x58: {  	_ =	shalt  }
0x59: {  	_ =	shalt  }
0x5a: {  	_ =	shalt  }
0x5b: {  	_ =	shalt  }
0x5c: {  	_ =	shalt  }
0x5d: {  	_ =	shalt  }
0x5e: {  	_ =	shalt  }
0x5f: {  	_ =	shalt  }
0x60: {  	_ =	shalt  }
0x61: {  	_ =	shalt  }
0x62: {  	_ =	shalt  }
0x63: {  	_ =	shalt  }
0x64: {  	_ =	shalt  }
0x65: {  	_ =	shalt  }
0x66: {  	_ =	shalt  }
0x67: {  	_ =	shalt  }
0x68: {  	_ =	shalt  }
0x69: {  	_ =	shalt  }
0x6a: {  	_ =	shalt  }
0x6b: {  	_ =	shalt  }
0x6c: {  	_ =	shalt  }
0x6d: {  	_ =	shalt  }
0x6e: {  	_ =	shalt  }
0x6f: {  	_ =	shalt  }
0x70: {  	_ =	shalt  }
0x71: {  	_ =	shalt  }
0x72: {  	_ =	shalt  }
0x73: {  	_ =	shalt  }
0x74: {  	_ =	shalt  }
0x75: {  	_ =	shalt  }
0x76: {  	_ =	shalt  }
0x77: {  	_ =	shalt  }
0x78: {  	_ =	shalt  }
0x79: {  	_ =	shalt  }
0x7a: {  	_ =	shalt  }
0x7b: {  	_ =	shalt  }
0x7c: {  	_ =	shalt  }
0x7d: {  	_ =	shalt  }
0x7e: {  	_ =	shalt  }
0x7f: {  	_ =	shalt  }
0x80: {  	_ =	shalt  }
0x81: {  	_ =	shalt  }
0x82: {  	_ =	shalt  }
0x83: {  	_ =	shalt  }
0x84: {  	_ =	shalt  }
0x85: {  	_ =	shalt  }
0x86: {  	_ =	shalt  }
0x87: {  	_ =	shalt  }
.Lfunc_end0:
.L_simem_size_0:
called_computation.2_lowered:
.L_overlay_start_0:
0x88: {  	s2 =	sld [smem:$0x3FD9]  }
0x89: {  	s3 =	sld [smem:$0x3FFE];
	_ =	sdelay $0x1  }
0x8a: {  	s1 =	srdreg.scid  }
0x8b: {  	s0 =	sand.u32 $0x1, s1  }
0x8c: {  	s17 =	sshll.u32 s0, $0xA;
	s2 =	sadd.s32 s3, s2  }
0x8d: {  	s2 =	sadd.s32 s2, s17  }
0x8e: {  	[smem:$0x3FC2] =	sst s2  }
0x8f: {  	_ = 	snop  }
0x90: {  	s2 =	sld [smem:$0x3FD0];
	(tm) =	ssettm $0x1  }
0x91: {  	s18 =	sld [smem:$0x3FFB];
	_ =	sdelay $0x3  }
0x92: {  	_ =	strace s18  }
0x93: {  	s3 =	sld [smem:$0x3FFC];
	_ =	sdelay $0x3  }
0x94: {  	_ =	strace s3  }
0x95: {  	s3 =	sld [smem:$0x3FFD];
	_ =	sdelay $0x3  }
0x96: {  	_ =	strace s3  }
0x97: {  	_ =	strace $0x8FFFFFFF  }
0x98: {  	s19 =	sld [smem:$0x3FDB];
	_ =	sdelay $0x1  }
0x99: {  	s4 =	simm.s32 $_scs_section_size  }
0x9a: {  	s5 =	simm.s32 $_size__tile_overlayer_lowered;
	s6 =	simm.s32 $_tile_overlayer_lowered  }
0x9b: {  	s22 =	simm.s32 $0x1BFF;
	s21 =	sshll.u32 s6, $0x1;
	s3 =	sadd.s32 s4, s19  }
0x9c: {  	s7 =	simm.s32 $0x0;
	s20 =	sshll.u32 s5, $0x1;
	s5 =	sadd.s32 s21, s3  }
0x9d: {  	[timem:s7], [sflag:s22] =	dma.local [hbm:s5], s20  }
0x9e: {  	_ =	swait.ge [sflag:s22], s20  }
0x9f: {  	s4 =	ssub.s32 $0x0, s20;
	[sflag:s22] =	ssyncset.done $0x0  }
0xa0: {  	[sflag:s22] =	ssyncadd.s32 s4;
	_ =	sdelay $0x1  }
0xa1: {  	s23 =	simm.s32 $0x1B8B  }
0xa2: {  	_ =	swait.ge [sflag:s23], $0x1  }
0xa3: {  	[sflag:s23] =	ssyncset.done $0x0  }
0xa4: {  	s25 =	simm.s32 $0x1B8E;
	s24 =	sld [smem:$0x3FFE];
	[sflag:s23] =	ssyncadd.s32 $0xFFFFFFFF  }
0xa5: {  	s26 =	simm.s32 $execute0_lowered;
	[smem:$0x3FD2] =	sst s25  }
0xa6: {  	s5 =	sshll.u32 s26, $0x1;
	_ =	strace $0x8000004C;
	[dreg:$0x1] =	wrdreg $0xFFFFFFFF  }
0xa7: {  	s28 =	simm.s32 $_size_execute0_lowered;
	s3 =	sadd.s32 s3, s5;
	[dreg:$0x0] =	wrdreg $0x0  }
0xa8: {  	s5 =	sshll.u32 s28, $0x1;
	[dreg:$0x2] =	wrdreg s3  }
0xa9: {  	[dreg:$0x3] =	wrdreg s5  }
0xaa: {  	[dreg:$0x4] =	wrdreg $0xC0  }
0xab: {  	_ =	task [dreg:s7], $0x5FFFF  }
0xac: {  	[dreg:$0x1] =	wrdreg $0xFFFFFFFF  }
0xad: {  	[dreg:$0x0] =	wrdreg $0x60  }
0xae: {  	[dreg:$0x2] =	wrdreg s24  }
0xaf: {  	[dreg:$0x3] =	wrdreg s2  }
0xb0: {  	[dreg:$0x4] =	wrdreg $0x12E400  }
0xb1: {  	[dreg:$0x5] =	wrdreg $0x9  }
0xb2: {  	_ =	task.clear_ibuf [dreg:s7], $0x6FFFF;
	_ =	strace $0x9000004C  }
0xb3: {  	s29 =	simm.s32 $0x9;
	_ =	strace $0x8000004E  }
0xb4: {  	_ =	swait.ge [sflag:s29], $0x1  }
0xb5: {  	[sflag:s29] =	ssyncadd.s32 $0xFFFFFFFF  }
0xb6: {  	_ =	strace $0x9000004E  }
0xb7: {  	_ =	sfence  }
0xb8: {  	s30 =	sld [smem:$0x0];
	_ =	sdelay $0x2  }
0xb9: {  	s31 =	sshll.u32 s1, $0xD;
	s1 =	sshrl.u32 s1, $0x2  }
0xba: {  	s3 =	sand.u32 $0x4000, s31;
	s1 =	sadd.s32 s1, s30  }
0xbb: {  	s0 =	sor.u32 s3, s0;
	s1 =	sshll.u32 s1, $0x11  }
0xbc: {  	s0 =	sor.u32 s1, s0  }
0xbd: {  	s0 =	sadd.s32 $0x8F2B, s0  }
0xbe: {  	[sflag:s0] =	ssyncadd.remote.s32 $0x1  }
0xbf: {  	_ =	sfence.sel $0xFFFF  }
0xc0: {  	[dreg:$0x0] =	wrdreg $0xFFFFFFFF;
	(pc) =	sbr.abs _section_cstart, $3  }
0xc1: {  	[dreg:$0x1] =	wrdreg $0xFFFFFFFF  }
0xc2: {  	_ =	task.clear_ibuf [dreg:s7], $0x2FFFF;
	_ =	strace $0x9FFFFFFF  }
0xc3: {  	(tm) =	ssettm $0x7FFFFFFF  }
tec
execute0_lowered:
.L_overlay_start_1:
0x0: {  	(tag) =	ssettag $0x1  }
0x1: {  	s0 =	rddreg [dreg:$0x0]  }
0x2: {  	s1 =	srdreg.scid;
	s6 =	rddreg [dreg:$0x1]  }
0x3: {  	s2 =	rddreg [dreg:$0x2];
	s9 =	stileid.u32  }
0x4: {  	s3 =	simm.s32 $0x0;
	s28 =	simm.s32 $0xD;
	s30 =	simm.s32 $0x64  }
0x5: {  	s31 =	simm.s32 $0x5140;
	s29 =	simm.s32 $0x9C40;
	s1 =	sand.u32 $0x1, s1  }
0x6: {  	[smem:$0x7FF] =	sst s3;
	s7 =	smul.u32 $0x28000, s9;
	s4 =	sshll.u32 s1, $0x4  }
0x7: {  	_ =	strace $0x8000004D;
	s8 =	ssub.s32 $0x2, s1;
	s1 =	smul.u32 $0xA0000, s1  }
0x8: {  	s4 =	sor.u32 s9, s4;
	s9 =	smul.u32 $0xA000, s9;
	s7 =	sshrl.u32 s7, $0x2  }
0x9: {  	s10 =	sshrl.u32 s8, $0x1;
	s5 =	smul.u32 $0x514, s4;
	s7 =	sadd.s32 s7, s2  }
0xa: {  	s4 =	sadd.s32 $0x16200, s0;
	s8 =	ssub.s32 s8, s10;
	s10 =	sadd.s32 $0x1000, s7  }
0xb: {  	s11 =	sadd.s32 $0x2000, s7;
	s12 =	sadd.s32 $0x3000, s7;
	s13 =	sadd.s32 $0x4000, s7  }
0xc: {  	s14 =	sadd.s32 $0x7000, s7;
	s15 =	sadd.s32 $0x8000, s7;
	[dreg:$0x4] =	wrdreg s10  }
0xd: {  	s16 =	sadd.s32 s9, s1;
	s18 =	sadd.s32 $0x2800, s9;
	[dreg:$0x5] =	wrdreg s11  }
0xe: {  	s26 =	smax.u32 s8, $0x1;
	s8 =	simm.s32 $0x2;
	[dreg:$0x6] =	wrdreg s12  }
0xf: {  	s0 =	sadd.s32 s5, s0;
	s5 =	sadd.s32 s9, s2;
	[dreg:$0x7] =	wrdreg s13  }
0x10: {  	s11 =	sadd.s32 $0x5000, s9;
	s12 =	sadd.s32 $0x6000, s7;
	[dreg:$0x9] =	wrdreg s14  }
0x11: {  	[dreg:$0xa] =	wrdreg s15;
	s7 =	sadd.s32 $0x9000, s7;
	s20 =	sadd.s32 s18, s2  }
0x12: {  	s21 =	sadd.s32 s1, s18;
	s9 =	sadd.s32 $0x7800, s9;
	[dreg:$0x14] =	wrdreg s26  }
0x13: {  	s26 =	simm.s32 $0xC;
	s13 =	simm.s32 $0x6;
	s14 =	simm.s32 $0x7  }
0x14: {  	s15 =	simm.s32 $0x8;
	s18 =	simm.s32 $0xDE40;
	[dreg:$0x8] =	wrdreg s12  }
0x15: {  	s10 =	sadd.s32 s11, s2;
	[dreg:$0xb] =	wrdreg s7;
	s17 =	sadd.s32 $0xBE00, s0  }
0x16: {  	s7 =	sshrl.u32 s16, $0x3;
	s0 =	sadd.s32 $0x1A00, s0;
	[dreg:$0xf] =	wrdreg s20  }
0x17: {  	s22 =	sadd.s32 s1, s11;
	s1 =	sadd.s32 s1, s9;
	s25 =	sadd.s32 s9, s2  }
0x18: {  	s9 =	simm.s32 $0x3;
	s11 =	simm.s32 $0x4;
	s12 =	simm.s32 $0x5  }
0x19: {  	s16 =	simm.s32 $0x9;
	s20 =	simm.s32 $0x0;
	[dreg:$0xc] =	wrdreg s17  }
0x1a: {  	[dreg:$0xd] =	wrdreg s0;
	s19 =	sadd.s32 s6, s7;
	s0 =	sshrl.u32 s21, $0x3  }
0x1b: {  	s7 =	sshrl.u32 s22, $0x3;
	s24 =	sshrl.u32 s1, $0x3;
	[dreg:$0x12] =	wrdreg s25  }
0x1c: {  	s25 =	simm.s32 $0xB;
	s1 =	simm.s32 $0x6A40;
	s17 =	simm.s32 $0xA  }
0x1d: {  	[dreg:$0xe] =	wrdreg s19;
	s0 =	sadd.s32 s6, s0;
	s23 =	sadd.s32 s6, s7  }
0x1e: {  	s7 =	simm.s32 $0x1;
	s19 =	simm.s32 $0x10640;
	[dreg:$0x10] =	wrdreg s0  }
0x1f: {  	[dreg:$0x11] =	wrdreg s23;
	s0 =	sadd.s32 s6, s24;
	s24 =	simm.s32 $0xCE40  }
0x20: {  	v0 =	vimm.f32 $0.0e+00;
	s6 =	simm.s32 $0xB540;
	[dreg:$0x13] =	wrdreg s0;
	s0 =	simm.s32 $0x8340  }
.LBB2_1:
0x21: {  	s22 =	simm.s32 $0x100;
	s21 =	simm.s32 $0x0  }
.LBB2_2:
0x22: {  	p0 =	sne.s32 s22, $0x3F00;
	[tilespmem:s21+$0xCE70] =	vst v0;
	s23 =	smov.u32 s22;
	s22 =	sadd.s32 $0x100, s22  }
.Ltmp0:
0x23: {  	[tilespmem:s21+$0xCE60] =	vst v0;
	(pc) =	sbr.rel @p0 .LBB2_2-.Ltmp0, $3  }
0x24: {  	[tilespmem:s21+$0xCE40] =	vst v0  }
0x25: {  	[tilespmem:s21+$0xCE50] =	vst v0;
	_ =	sdelay $0x1  }
0x26: {  	s21 =	sshra.s32 s23, $0x2  }
0x27: {  	[tilespmem:s21+$0xCE70] =	vst v0  }
0x28: {  	[tilespmem:s21+$0xCE60] =	vst v0  }
0x29: {  	[tilespmem:s21+$0xCE40] =	vst v0  }
0x2a: {  	[tilespmem:s21+$0xCE50] =	vst v0  }
0x2b: {  	[spmem:s5] =	stream.linear.scatter [tilespmem:s24], [sflag:$0xB], $0x1000, $0x38;
	[tilespmem:$0x1CE40] =	vst v63  }
0x2c: {  	s23 =	rddreg [dreg:$0x4]  }
0x2d: {  	[spmem:s23] =	stream.linear.scatter [tilespmem:s24], [sflag:$0xC], $0x1000, $0x38;
	[tilespmem:$0x1CE40] =	vst v63  }
0x2e: {  	s22 =	rddreg [dreg:$0x5]  }
0x2f: {  	[spmem:s22] =	stream.linear.scatter [tilespmem:s24], [sflag:$0xB], $0x1000, $0x38;
	[tilespmem:$0x1CE40] =	vst v63  }
0x30: {  	s23 =	rddreg [dreg:$0x6]  }
0x31: {  	[spmem:s23] =	stream.linear.scatter [tilespmem:s24], [sflag:$0xC], $0x1000, $0x38;
	[tilespmem:$0x1CE40] =	vst v63  }
0x32: {  	s22 =	rddreg [dreg:$0x7]  }
0x33: {  	[spmem:s22] =	stream.linear.scatter [tilespmem:s24], [sflag:$0xB], $0x1000, $0x38;
	[tilespmem:$0x1CE40] =	vst v63  }
0x34: {  	_ = 	snop  }
0x35: {  	[spmem:s10] =	stream.linear.scatter [tilespmem:s24], [sflag:$0xC], $0x1000, $0x38;
	[tilespmem:$0x1CE40] =	vst v63  }
0x36: {  	s23 =	rddreg [dreg:$0x8]  }
0x37: {  	[spmem:s23] =	stream.linear.scatter [tilespmem:s24], [sflag:$0xB], $0x1000, $0x38;
	[tilespmem:$0x1CE40] =	vst v63  }
0x38: {  	s22 =	rddreg [dreg:$0x9]  }
0x39: {  	[spmem:s22] =	stream.linear.scatter [tilespmem:s24], [sflag:$0xC], $0x1000, $0x38;
	[tilespmem:$0x1CE40] =	vst v63  }
0x3a: {  	s23 =	rddreg [dreg:$0xa]  }
0x3b: {  	[spmem:s23] =	stream.linear.scatter [tilespmem:s24], [sflag:$0xB], $0x1000, $0x38;
	[tilespmem:$0x1CE40] =	vst v63  }
0x3c: {  	s22 =	rddreg [dreg:$0xb]  }
0x3d: {  	[spmem:s22] =	stream.linear.scatter [tilespmem:s24], [sflag:$0xC], $0x1000, $0x38;
	[tilespmem:$0x1CE40] =	vst v63  }
0x3e: {  	_ =	swait.ge [sflag:s25], $0x1000  }
0x3f: {  	[sflag:s25] =	ssyncset.done $0x0  }
0x40: {  	[sflag:s25] =	ssyncadd.s32 $0xFFFFF000  }
0x41: {  	_ =	swait.ge [sflag:s26], $0x1000  }
0x42: {  	[sflag:s26] =	ssyncset.done $0x0  }
0x43: {  	[sflag:s26] =	ssyncadd.s32 $0xFFFFF000  }
0x44: {  	_ =	swait.ge [sflag:s25], $0x1000  }
0x45: {  	[sflag:s25] =	ssyncset.done $0x0  }
0x46: {  	[sflag:s25] =	ssyncadd.s32 $0xFFFFF000  }
0x47: {  	_ =	swait.ge [sflag:s26], $0x1000  }
0x48: {  	[sflag:s26] =	ssyncset.done $0x0  }
0x49: {  	[sflag:s26] =	ssyncadd.s32 $0xFFFFF000  }
0x4a: {  	_ =	swait.ge [sflag:s25], $0x1000  }
0x4b: {  	[sflag:s25] =	ssyncset.done $0x0  }
0x4c: {  	[sflag:s25] =	ssyncadd.s32 $0xFFFFF000  }
0x4d: {  	_ =	swait.ge [sflag:s26], $0x1000  }
0x4e: {  	[sflag:s26] =	ssyncset.done $0x0  }
0x4f: {  	[sflag:s26] =	ssyncadd.s32 $0xFFFFF000  }
0x50: {  	_ =	swait.ge [sflag:s25], $0x1000  }
0x51: {  	[sflag:s25] =	ssyncset.done $0x0  }
0x52: {  	[sflag:s25] =	ssyncadd.s32 $0xFFFFF000  }
0x53: {  	_ =	swait.ge [sflag:s26], $0x1000  }
0x54: {  	[sflag:s26] =	ssyncset.done $0x0  }
0x55: {  	[sflag:s26] =	ssyncadd.s32 $0xFFFFF000  }
0x56: {  	_ =	swait.ge [sflag:s25], $0x1000  }
0x57: {  	[sflag:s25] =	ssyncset.done $0x0  }
0x58: {  	[sflag:s25] =	ssyncadd.s32 $0xFFFFF000  }
0x59: {  	_ =	swait.ge [sflag:s26], $0x1000  }
0x5a: {  	[sflag:s26] =	ssyncset.done $0x0  }
0x5b: {  	[sflag:s26] =	ssyncadd.s32 $0xFFFFF000  }
0x5c: {  	[bflag:$0x0] =	sbarrier.arrive $0xFFFF  }
0x5d: {  	s21 =	simm.s32 $0x0;
	s22 =	rddreg [dreg:$0xc]  }
0x5e: {  	[tilespmem:s21], [sflag:$0xD] =	stream.linear.gather [hbm4b:s22+s21], $0x28A0, $0x38;
	[tilespmem:$0x1CE40] =	vst v63  }
0x5f: {  	_ =	swait.ge [sflag:s28], $0x28A0  }
0x60: {  	[sflag:s28] =	ssyncset.done $0x0  }
0x61: {  	s23 =	simm.s32 $0x28A0;
	s22 =	rddreg [dreg:$0xd];
	[sflag:s28] =	ssyncadd.s32 $0xFFFFD760  }
0x62: {  	[tilespmem:s23], [sflag:$0xD] =	stream.linear.gather [hbm4b:s22+s21], $0x28A0, $0x38;
	[tilespmem:$0x1CE40] =	vst v63  }
0x63: {  	_ =	swait.ge [sflag:s28], $0x28A0  }
0x64: {  	[sflag:s28] =	ssyncset.done $0x0  }
0x65: {  	[sflag:s28] =	ssyncadd.s32 $0xFFFFD760  }
0x66: {  	[tilespmem:s31], [sflag:$0x1] =	stream.indirect.gather [hbm4b:s4+s30], $0x40, s21, s30, $0xb8;
	[tilespmem:$0x1CE40] =	vst v63  }
0x67: {  	s23 =	simm.s32 $0x68  }
0x68: {  	[tilespmem:s1], [sflag:$0x2] =	stream.indirect.gather [hbm4b:s4+s30], $0x40, s23, s30, $0xb8;
	[tilespmem:$0x1CE40] =	vst v63  }
0x69: {  	s22 =	simm.s32 $0xD0  }
0x6a: {  	[tilespmem:s0], [sflag:$0x3] =	stream.indirect.gather [hbm4b:s4+s30], $0x40, s22, s30, $0xb8;
	[tilespmem:$0x1CE40] =	vst v63  }
0x6b: {  	s23 =	simm.s32 $0x138  }
0x6c: {  	[tilespmem:s29], [sflag:$0x4] =	stream.indirect.gather [hbm4b:s4+s30], $0x40, s23, s30, $0xb8;
	[tilespmem:$0x1CE40] =	vst v63  }
0x6d: {  	s22 =	simm.s32 $0x1A0  }
0x6e: {  	[tilespmem:s6], [sflag:$0x5] =	stream.indirect.gather [hbm4b:s4+s30], $0x40, s22, s30, $0xb8;
	[tilespmem:$0x1CE40] =	vst v63  }
0x6f: {  	_ =	swait.ge [sflag:s7], $0x1900  }
0x70: {  	[sflag:s7] =	ssyncset.done $0x0  }
0x71: {  	s23 =	simm.s32 $0x28A0;
	[sflag:s7] =	ssyncadd.s32 $0xFFFFE700  }
0x72: {  	[spmem:s2] =	stream.indirect.scatter.add.f32 [tilespmem:s31], [sflag:$0x6], $0x40, s23, s30, $0xb8;
	[tilespmem:$0x1CE40] =	vst v63  }
0x73: {  	_ =	swait.ge [sflag:s8], $0x1900  }
0x74: {  	[sflag:s8] =	ssyncset.done $0x0  }
0x75: {  	s22 =	simm.s32 $0x2908;
	[sflag:s8] =	ssyncadd.s32 $0xFFFFE700  }
0x76: {  	[spmem:s2] =	stream.indirect.scatter.add.f32 [tilespmem:s1], [sflag:$0x7], $0x40, s22, s30, $0xb8;
	[tilespmem:$0x1CE40] =	vst v63  }
0x77: {  	_ =	swait.ge [sflag:s9], $0x1900  }
0x78: {  	[sflag:s9] =	ssyncset.done $0x0  }
0x79: {  	s23 =	simm.s32 $0x2970;
	[sflag:s9] =	ssyncadd.s32 $0xFFFFE700  }
0x7a: {  	[spmem:s2] =	stream.indirect.scatter.add.f32 [tilespmem:s0], [sflag:$0x8], $0x40, s23, s30, $0xb8;
	[tilespmem:$0x1CE40] =	vst v63  }
0x7b: {  	_ =	swait.ge [sflag:s11], $0x1900  }
0x7c: {  	[sflag:s11] =	ssyncset.done $0x0  }
0x7d: {  	s22 =	simm.s32 $0x29D8;
	[sflag:s11] =	ssyncadd.s32 $0xFFFFE700  }
0x7e: {  	[spmem:s2] =	stream.indirect.scatter.add.f32 [tilespmem:s29], [sflag:$0x9], $0x40, s22, s30, $0xb8;
	[tilespmem:$0x1CE40] =	vst v63  }
0x7f: {  	_ =	swait.ge [sflag:s12], $0x1900  }
0x80: {  	[sflag:s12] =	ssyncset.done $0x0  }
0x81: {  	s23 =	simm.s32 $0x2A40;
	[sflag:s12] =	ssyncadd.s32 $0xFFFFE700  }
0x82: {  	[spmem:s2] =	stream.indirect.scatter.add.f32 [tilespmem:s6], [sflag:$0xA], $0x40, s23, s30, $0xb8;
	[tilespmem:$0x1CE40] =	vst v63  }
0x83: {  	_ =	swait.ge [sflag:s13], $0x1900  }
0x84: {  	[sflag:s13] =	ssyncset.done $0x0  }
0x85: {  	s22 =	simm.s32 $0x208;
	[sflag:s13] =	ssyncadd.s32 $0xFFFFE700  }
0x86: {  	[tilespmem:s31], [sflag:$0x1] =	stream.indirect.gather [hbm4b:s4+s30], $0x40, s22, s30, $0xb8;
	[tilespmem:$0x1CE40] =	vst v63  }
0x87: {  	_ =	swait.ge [sflag:s14], $0x1900  }
0x88: {  	[sflag:s14] =	ssyncset.done $0x0  }
0x89: {  	s23 =	simm.s32 $0x270;
	[sflag:s14] =	ssyncadd.s32 $0xFFFFE700  }
0x8a: {  	[tilespmem:s1], [sflag:$0x2] =	stream.indirect.gather [hbm4b:s4+s30], $0x40, s23, s30, $0xb8;
	[tilespmem:$0x1CE40] =	vst v63  }
0x8b: {  	_ =	swait.ge [sflag:s15], $0x1900  }
0x8c: {  	[sflag:s15] =	ssyncset.done $0x0  }
0x8d: {  	s22 =	simm.s32 $0x2D8;
	[sflag:s15] =	ssyncadd.s32 $0xFFFFE700  }
0x8e: {  	[tilespmem:s0], [sflag:$0x3] =	stream.indirect.gather [hbm4b:s4+s30], $0x40, s22, s30, $0xb8;
	[tilespmem:$0x1CE40] =	vst v63  }
0x8f: {  	_ =	swait.ge [sflag:s16], $0x1900  }
0x90: {  	[sflag:s16] =	ssyncset.done $0x0  }
0x91: {  	s23 =	simm.s32 $0x340;
	[sflag:s16] =	ssyncadd.s32 $0xFFFFE700  }
0x92: {  	[tilespmem:s29], [sflag:$0x4] =	stream.indirect.gather [hbm4b:s4+s30], $0x40, s23, s30, $0xb8;
	[tilespmem:$0x1CE40] =	vst v63  }
0x93: {  	_ =	swait.ge [sflag:s17], $0x1900  }
0x94: {  	[sflag:s17] =	ssyncset.done $0x0  }
0x95: {  	s21 =	simm.s32 $0x820;
	s22 =	simm.s32 $0x3A8;
	[sflag:s17] =	ssyncadd.s32 $0xFFFFE700  }
.LBB2_4:
0x96: {  	[tilespmem:s6], [sflag:$0x5] =	stream.indirect.gather [hbm4b:s4+s30], $0x40, s22, s30, $0xb8;
	[tilespmem:$0x1CE40] =	vst v63  }
0x97: {  	s22 =	smov.u32 s21  }
0x98: {  	p0 =	sne.s32 s21, $0x9240;
	s21 =	sadd.s32 $0x820, s21;
	_ =	swait.ge [sflag:s7], $0x1900  }
0x99: {  	s22 =	sshra.s32 s22, $0x2;
	[sflag:s7] =	ssyncset.done $0x0  }
0x9a: {  	s23 =	sadd.s32 $0x28A0, s22;
	[sflag:s7] =	ssyncadd.s32 $0xFFFFE700  }
0x9b: {  	[spmem:s2] =	stream.indirect.scatter.add.f32 [tilespmem:s31], [sflag:$0x6], $0x40, s23, s30, $0xb8;
	[tilespmem:$0x1CE40] =	vst v63  }
0x9c: {  	_ =	swait.ge [sflag:s8], $0x1900  }
0x9d: {  	[sflag:s8] =	ssyncset.done $0x0  }
0x9e: {  	s23 =	sadd.s32 $0x2908, s22;
	[sflag:s8] =	ssyncadd.s32 $0xFFFFE700  }
0x9f: {  	[spmem:s2] =	stream.indirect.scatter.add.f32 [tilespmem:s1], [sflag:$0x7], $0x40, s23, s30, $0xb8;
	[tilespmem:$0x1CE40] =	vst v63  }
0xa0: {  	_ =	swait.ge [sflag:s9], $0x1900  }
0xa1: {  	[sflag:s9] =	ssyncset.done $0x0  }
0xa2: {  	s23 =	sadd.s32 $0x2970, s22;
	[sflag:s9] =	ssyncadd.s32 $0xFFFFE700  }
0xa3: {  	[spmem:s2] =	stream.indirect.scatter.add.f32 [tilespmem:s0], [sflag:$0x8], $0x40, s23, s30, $0xb8;
	[tilespmem:$0x1CE40] =	vst v63  }
0xa4: {  	_ =	swait.ge [sflag:s11], $0x1900  }
0xa5: {  	[sflag:s11] =	ssyncset.done $0x0  }
0xa6: {  	s23 =	sadd.s32 $0x29D8, s22;
	[sflag:s11] =	ssyncadd.s32 $0xFFFFE700  }
0xa7: {  	[spmem:s2] =	stream.indirect.scatter.add.f32 [tilespmem:s29], [sflag:$0x9], $0x40, s23, s30, $0xb8;
	[tilespmem:$0x1CE40] =	vst v63  }
0xa8: {  	_ =	swait.ge [sflag:s12], $0x1900  }
0xa9: {  	[sflag:s12] =	ssyncset.done $0x0  }
0xaa: {  	s23 =	sadd.s32 $0x2A40, s22;
	[sflag:s12] =	ssyncadd.s32 $0xFFFFE700  }
0xab: {  	[spmem:s2] =	stream.indirect.scatter.add.f32 [tilespmem:s6], [sflag:$0xA], $0x40, s23, s30, $0xb8;
	[tilespmem:$0x1CE40] =	vst v63  }
0xac: {  	_ =	swait.ge [sflag:s13], $0x1900  }
0xad: {  	[sflag:s13] =	ssyncset.done $0x0  }
0xae: {  	s23 =	sadd.s32 $0x208, s22;
	[sflag:s13] =	ssyncadd.s32 $0xFFFFE700  }
0xaf: {  	[tilespmem:s31], [sflag:$0x1] =	stream.indirect.gather [hbm4b:s4+s30], $0x40, s23, s30, $0xb8;
	[tilespmem:$0x1CE40] =	vst v63  }
0xb0: {  	_ =	swait.ge [sflag:s14], $0x1900  }
0xb1: {  	[sflag:s14] =	ssyncset.done $0x0  }
0xb2: {  	s23 =	sadd.s32 $0x270, s22;
	[sflag:s14] =	ssyncadd.s32 $0xFFFFE700  }
0xb3: {  	[tilespmem:s1], [sflag:$0x2] =	stream.indirect.gather [hbm4b:s4+s30], $0x40, s23, s30, $0xb8;
	[tilespmem:$0x1CE40] =	vst v63  }
0xb4: {  	_ =	swait.ge [sflag:s15], $0x1900  }
0xb5: {  	[sflag:s15] =	ssyncset.done $0x0  }
0xb6: {  	s23 =	sadd.s32 $0x2D8, s22;
	[sflag:s15] =	ssyncadd.s32 $0xFFFFE700  }
0xb7: {  	[tilespmem:s0], [sflag:$0x3] =	stream.indirect.gather [hbm4b:s4+s30], $0x40, s23, s30, $0xb8;
	[tilespmem:$0x1CE40] =	vst v63  }
0xb8: {  	_ =	swait.ge [sflag:s16], $0x1900  }
0xb9: {  	[sflag:s16] =	ssyncset.done $0x0  }
.Ltmp1:
0xba: {  	s23 =	sadd.s32 $0x340, s22;
	[sflag:s16] =	ssyncadd.s32 $0xFFFFE700;
	(pc) =	sbr.rel @p0 .LBB2_4-.Ltmp1, $4  }
0xbb: {  	[tilespmem:s29], [sflag:$0x4] =	stream.indirect.gather [hbm4b:s4+s30], $0x40, s23, s30, $0xb8;
	[tilespmem:$0x1CE40] =	vst v63  }
0xbc: {  	_ =	swait.ge [sflag:s17], $0x1900  }
0xbd: {  	[sflag:s17] =	ssyncset.done $0x0  }
0xbe: {  	s22 =	sadd.s32 $0x3A8, s22;
	[sflag:s17] =	ssyncadd.s32 $0xFFFFE700  }
0xbf: {  	[tilespmem:s6], [sflag:$0x5] =	stream.indirect.gather [hbm4b:s4+s30], $0x40, s22, s30, $0xb8;
	[tilespmem:$0x1CE40] =	vst v63  }
0xc0: {  	_ =	swait.ge [sflag:s7], $0x1900  }
0xc1: {  	[sflag:s7] =	ssyncset.done $0x0  }
0xc2: {  	s21 =	simm.s32 $0x4F38;
	[sflag:s7] =	ssyncadd.s32 $0xFFFFE700  }
0xc3: {  	[spmem:s2] =	stream.indirect.scatter.add.f32 [tilespmem:s31], [sflag:$0x6], $0x40, s21, s30, $0xb8;
	[tilespmem:$0x1CE40] =	vst v63  }
0xc4: {  	_ =	swait.ge [sflag:s8], $0x1900  }
0xc5: {  	[sflag:s8] =	ssyncset.done $0x0  }
0xc6: {  	s23 =	simm.s32 $0x4FA0;
	[sflag:s8] =	ssyncadd.s32 $0xFFFFE700  }
0xc7: {  	[spmem:s2] =	stream.indirect.scatter.add.f32 [tilespmem:s1], [sflag:$0x7], $0x40, s23, s30, $0xb8;
	[tilespmem:$0x1CE40] =	vst v63  }
0xc8: {  	_ =	swait.ge [sflag:s9], $0x1900  }
0xc9: {  	[sflag:s9] =	ssyncset.done $0x0  }
0xca: {  	s22 =	simm.s32 $0x5008;
	[sflag:s9] =	ssyncadd.s32 $0xFFFFE700  }
0xcb: {  	[spmem:s2] =	stream.indirect.scatter.add.f32 [tilespmem:s0], [sflag:$0x8], $0x40, s22, s30, $0xb8;
	[tilespmem:$0x1CE40] =	vst v63  }
0xcc: {  	_ =	swait.ge [sflag:s11], $0x1900  }
0xcd: {  	[sflag:s11] =	ssyncset.done $0x0  }
0xce: {  	s23 =	simm.s32 $0x5070;
	[sflag:s11] =	ssyncadd.s32 $0xFFFFE700  }
0xcf: {  	[spmem:s2] =	stream.indirect.scatter.add.f32 [tilespmem:s29], [sflag:$0x9], $0x40, s23, s30, $0xb8;
	[tilespmem:$0x1CE40] =	vst v63  }
0xd0: {  	_ =	swait.ge [sflag:s12], $0x1900  }
0xd1: {  	[sflag:s12] =	ssyncset.done $0x0  }
0xd2: {  	s22 =	simm.s32 $0x50D8;
	[sflag:s12] =	ssyncadd.s32 $0xFFFFE700  }
0xd3: {  	[spmem:s2] =	stream.indirect.scatter.add.f32 [tilespmem:s6], [sflag:$0xA], $0x40, s22, s30, $0xb8;
	[tilespmem:$0x1CE40] =	vst v63  }
0xd4: {  	_ =	swait.ge [sflag:s13], $0x1900  }
0xd5: {  	[sflag:s13] =	ssyncset.done $0x0  }
0xd6: {  	[sflag:s13] =	ssyncadd.s32 $0xFFFFE700  }
0xd7: {  	_ =	swait.ge [sflag:s14], $0x1900  }
0xd8: {  	[sflag:s14] =	ssyncset.done $0x0  }
0xd9: {  	[sflag:s14] =	ssyncadd.s32 $0xFFFFE700  }
0xda: {  	_ =	swait.ge [sflag:s15], $0x1900  }
0xdb: {  	[sflag:s15] =	ssyncset.done $0x0  }
0xdc: {  	[sflag:s15] =	ssyncadd.s32 $0xFFFFE700  }
0xdd: {  	_ =	swait.ge [sflag:s16], $0x1900  }
0xde: {  	[sflag:s16] =	ssyncset.done $0x0  }
0xdf: {  	[sflag:s16] =	ssyncadd.s32 $0xFFFFE700  }
0xe0: {  	_ =	swait.ge [sflag:s17], $0x1900  }
0xe1: {  	[sflag:s17] =	ssyncset.done $0x0  }
0xe2: {  	[sflag:s17] =	ssyncadd.s32 $0xFFFFE700  }
0xe3: {  	[bflag:$0x0] =	sbarrier.arrive $0xFFFF  }
0xe4: {  	[tilespmem:s18], [sflag:$0xD] =	stream.linear.gather [spmem:s5], $0x2800, $0x38;
	[tilespmem:$0x1CE40] =	vst v63  }
0xe5: {  	_ =	swait.ge [sflag:s28], $0x2800  }
0xe6: {  	[sflag:s28] =	ssyncset.done $0x0  }
0xe7: {  	s23 =	rddreg [dreg:$0xe];
	[sflag:s28] =	ssyncadd.s32 $0xFFFFD800  }
0xe8: {  	[hbm4b:s23+s3] =	stream.linear.scatter [tilespmem:s18], [sflag:$0xB], $0x2800, $0x38;
	[tilespmem:$0x1CE40] =	vst v63  }
0xe9: {  	s22 =	rddreg [dreg:$0xf]  }
0xea: {  	[tilespmem:s19], [sflag:$0xD] =	stream.linear.gather [spmem:s22], $0x2800, $0x38;
	[tilespmem:$0x1CE40] =	vst v63  }
0xeb: {  	_ =	swait.ge [sflag:s28], $0x2800  }
0xec: {  	[sflag:s28] =	ssyncset.done $0x0  }
0xed: {  	s23 =	rddreg [dreg:$0x10];
	[sflag:s28] =	ssyncadd.s32 $0xFFFFD800  }
0xee: {  	[hbm4b:s23+s3] =	stream.linear.scatter [tilespmem:s19], [sflag:$0xC], $0x2800, $0x38;
	[tilespmem:$0x1CE40] =	vst v63  }
0xef: {  	_ =	swait.ge [sflag:s25], $0x2800  }
0xf0: {  	[sflag:s25] =	ssyncset.done $0x0  }
0xf1: {  	[sflag:s25] =	ssyncadd.s32 $0xFFFFD800  }
0xf2: {  	[tilespmem:s18], [sflag:$0xD] =	stream.linear.gather [spmem:s10], $0x2800, $0x38;
	[tilespmem:$0x1CE40] =	vst v63  }
0xf3: {  	_ =	swait.ge [sflag:s28], $0x2800  }
0xf4: {  	[sflag:s28] =	ssyncset.done $0x0  }
0xf5: {  	s22 =	rddreg [dreg:$0x11];
	[sflag:s28] =	ssyncadd.s32 $0xFFFFD800  }
0xf6: {  	[hbm4b:s22+s3] =	stream.linear.scatter [tilespmem:s18], [sflag:$0xB], $0x2800, $0x38;
	[tilespmem:$0x1CE40] =	vst v63  }
0xf7: {  	_ =	swait.ge [sflag:s26], $0x2800  }
0xf8: {  	[sflag:s26] =	ssyncset.done $0x0  }
0xf9: {  	s23 =	rddreg [dreg:$0x12];
	[sflag:s26] =	ssyncadd.s32 $0xFFFFD800  }
0xfa: {  	[tilespmem:s19], [sflag:$0xD] =	stream.linear.gather [spmem:s23], $0x2800, $0x38;
	[tilespmem:$0x1CE40] =	vst v63  }
0xfb: {  	_ =	swait.ge [sflag:s28], $0x2800  }
0xfc: {  	[sflag:s28] =	ssyncset.done $0x0  }
0xfd: {  	s22 =	rddreg [dreg:$0x13];
	[sflag:s28] =	ssyncadd.s32 $0xFFFFD800  }
0xfe: {  	[hbm4b:s22+s3] =	stream.linear.scatter [tilespmem:s19], [sflag:$0xC], $0x2800, $0x38;
	[tilespmem:$0x1CE40] =	vst v63  }
0xff: {  	_ =	swait.ge [sflag:s25], $0x2800  }
0x100: {  	[sflag:s25] =	ssyncset.done $0x0  }
0x101: {  	[sflag:s25] =	ssyncadd.s32 $0xFFFFD800  }
0x102: {  	_ =	swait.ge [sflag:s26], $0x2800  }
0x103: {  	s20 =	sadd.s32 $0x1, s20;
	s23 =	rddreg [dreg:$0x14]  }
0x104: {  	p0 =	sne.s32 s20, s23  }
.Ltmp2:
0x105: {  	_ = 	snop;
	(pc) =	sbr.rel @p0 .LBB2_1-.Ltmp2, $3  }
0x106: {  	_ =	sdelay $0x1  }
0x107: {  	[sflag:s26] =	ssyncset.done $0x0  }
0x108: {  	[sflag:s26] =	ssyncadd.s32 $0xFFFFD800  }
0x109: {  	_ =	sfence.sel $0x180000  }
0x10a: {  	[bflag:$0x0] =	sbarrier.arrive $0xFFFF  }
0x10b: {  	_ =	strace $0x9000004D  }
0x10c: {  	s0 =	stileid.u32;
	[bflag:$0x2] =	sbarrier.arrive $0xFFFF  }
0x10d: {  	p0 =	sne.s32 s0, $0x0;
	s0 =	rddreg [dreg:$0x3]  }
0x10e: {  	s0 =	sadd.s32 @!p0 $0x100000, s0  }
0x10f: {  	[sflag:s0] =	ssyncadd.tile.s32 @!p0 $0x1;
	_ =	shalt  }
.Lfunc_end2:
_tile_overlayer_lowered:
.L_overlay_start_2:
0x110: {  	(tag) =	ssettag $0x2  }
0x111: {  	s0 =	rddreg [dreg:$0x0];
	s2 =	stileid.u32  }
0x112: {  	s1 =	rddreg [dreg:$0x1];
	p0 =	sne.s32 s2, $0x0  }
0x113: {  	s3 =	rddreg [dreg:$0x2];
	[bflag:$0x3] =	sbarrier.arrive $0xFFFF;
	s2 =	simm.s32 @!p0 $0x1C0D  }
0x114: {  	[timem:s3], [sflag:s2] =	dma.local @!p0 [hbm:s0], s1  }
0x115: {  	s0 =	simm.s32 @!p0 $0xD  }
0x116: {  	_ =	swait.ge @!p0 [sflag:s0], s1  }
0x117: {  	s1 =	ssub.s32 @!p0 $0x0, s1;
	[sflag:s0] =	ssyncset.done @!p0 $0x0  }
0x118: {  	[sflag:s0] =	ssyncadd.s32 @!p0 s1  }
0x119: {  	[bflag:$0x3] =	sbarrier.arrive $0xFFFF  }
0x11a: {  	_ =	shalt  }

// kernel: kernel.8.cloned.1.call-start
scs
__scs_entry_jumppad:
0x0: {  	(pc) =	sbr.rel $0x88, $3  }
0x1: {  	(tag) =	ssettag $0x0;
	lr =	simm.s32 $0x1  }
0x2: {  	[smem:$0x3F9B] =	sst lr;
	_ =	strace $0xD0000000  }
0x3: {  	_ = 	snop  }
0x4: {  	_ = 	snop  }
0x5: {  	_ = 	snop  }
0x6: {  	_ = 	snop  }
0x7: {  	_ = 	snop  }
__scs_overlays_trampoline_lowered:
0x8: {  	[smem:$0x3FAA] =	sst s0  }
0x9: {  	[smem:$0x3FAB] =	sst s1  }
0xa: {  	[smem:$0x3FAC] =	sst s2  }
0xb: {  	[smem:$0x3FAD] =	sst s3  }
0xc: {  	[smem:$0x3FAE] =	sst s4  }
0xd: {  	[smem:$0x3FAF] =	sst s5  }
0xe: {  	[smem:$0x3FB0] =	sst s6  }
0xf: {  	[smem:$0x3FB1] =	sst s7  }
0x10: {  	[smem:$0x3FB2] =	sst s8  }
0x11: {  	[smem:$0x3FB3] =	sst s9;
	s0 =	simm.s32 @!p0 $0x0  }
0x12: {  	s1 =	sld [smem:$0x3F99];
	s0 =	simm.s32 @p0 $0x1  }
0x13: {  	[smem:$0x3FB4] =	sst s0;
	s0 =	simm.s32 @!p1 $0x0  }
0x14: {  	s2 =	sld [smem:$0x3F98];
	s0 =	simm.s32 @p1 $0x1  }
0x15: {  	[smem:$0x3FB5] =	sst s0;
	s0 =	simm.s32 @!p2 $0x0  }
0x16: {  	s3 =	sld [smem:$0x3FDB];
	s0 =	simm.s32 @p2 $0x1  }
0x17: {  	s4 =	simm.s32 $0x1BF5;
	[smem:$0x3FB7] =	sst s0  }
0x18: {  	s0 =	sld [smem:$0x3F9A];
	_ =	swait.ge [sflag:s4], $0x0  }
0x19: {  	s7 =	sld [smem:$0x3F9B]  }
0x1a: {  	s8 =	sadd.s32 $0xFFFFE003, lr  }
0x1b: {  	s9 =	sadd.s32 $0xFFFFFEF7, lr;
	s5 =	simm.s32 $0xFFFFFFFF;
	p2 =	slt.u32 s8, $0xFFFFF086  }
0x1c: {  	p1 =	slt.u32 s9, $0xF7A;
	s5 =	simm.s32 @!p2 $0x0  }
0x1d: {  	s5 =	simm.s32 @p1 $0x1;
	p0 =	seq.s32 s7, s2  }
0x1e: {  	s7 =	smul.u32 @!p0 $0xF7A, s2;
	p2 =	seq.s32 @!p0 s5, $0x0  }
0x1f: {  	s9 =	smul.u32 $0xF7A, s1;
	s8 =	simm.s32 @!p0 $0x1BF5;
	p2 =	por !p2, p0  }
0x20: {  	[sflag:s8] =	ssyncset.s32 @!p0 $0xFFFFF086;
	s6 =	sadd.s32 @!p0 s3, s7;
	s7 =	simm.s32 @!p0 $0x108  }
0x21: {  	s3 =	sadd.s32 s3, s9;
	s6 =	sadd.s32 @!p0 $0x88, s6;
	s7 =	simm.s32 @p2 $0x1082  }
0x22: {  	[simem:s7], [sflag:s8] =	dma.local @!p0 [hbm:s6], $0xF7A  }
0x23: {  	s9 =	sor.u32 $0xD0000000, s2;
	s6 =	simm.s32 $0x108;
	_ =	swait.ge @!p0 [sflag:s8], $0x0  }
0x24: {  	s3 =	sadd.s32 $0x88, s3;
	s6 =	simm.s32 @!p1 $0x1082;
	[sflag:s4] =	ssyncset.s32 $0xFFFFF086  }
0x25: {  	[simem:s6], [sflag:s4] =	dma.local [hbm:s3], $0xF7A  }
0x26: {  	[smem:$0x3F9B] =	sst s1;
	(tag) =	ssettag s2;
	_ =	strace s9  }
0x27: {  	s1 =	sld [smem:$0x3FAB]  }
0x28: {  	s2 =	sld [smem:$0x3FAC]  }
0x29: {  	s4 =	sld [smem:$0x3FAE]  }
0x2a: {  	p0 =	seq.s32 s5, $0x0;
	s5 =	sld [smem:$0x3FAF]  }
0x2b: {  	s6 =	sld [smem:$0x3FB0]  }
0x2c: {  	s7 =	sld [smem:$0x3FB1]  }
0x2d: {  	s3 =	simm.s32 $0x108;
	s8 =	sld [smem:$0x3FB2]  }
0x2e: {  	s3 =	simm.s32 @!p0 $0x1082;
	s9 =	sld [smem:$0x3FB3]  }
0x2f: {  	lr =	sadd.s32 s0, s3;
	s0 =	sld [smem:$0x3FAA]  }
0x30: {  	s3 =	sld [smem:$0x3FAD]  }
0x31: {  	[smem:$0x3FB6] =	sst s10  }
0x32: {  	s10 =	sld [smem:$0x3FB4];
	_ =	sdelay $0x3  }
0x33: {  	p0 =	seq.s32 s10, $0x1;
	s10 =	sld [smem:$0x3FB6];
	_ =	sdelay $0x3  }
0x34: {  	[smem:$0x3FB6] =	sst s10  }
0x35: {  	s10 =	sld [smem:$0x3FB5];
	_ =	sdelay $0x3  }
0x36: {  	p1 =	seq.s32 s10, $0x1;
	s10 =	sld [smem:$0x3FB6];
	_ =	sdelay $0x3  }
0x37: {  	[smem:$0x3FB6] =	sst s10  }
0x38: {  	s10 =	sld [smem:$0x3FB7]  }
0x39: {  	_ = 	snop;
	(pc) =	sbr.ind lr, $3  }
0x3a: {  	_ = 	snop  }
0x3b: {  	_ = 	snop  }
0x3c: {  	p2 =	seq.s32 s10, $0x1;
	s10 =	sld [smem:$0x3FB6]  }
0x3d: {  	_ =	shalt  }
0x3e: {  	_ =	shalt  }
0x3f: {  	_ =	shalt  }
0x40: {  	_ =	shalt  }
0x41: {  	_ =	shalt  }
0x42: {  	_ =	shalt  }
0x43: {  	_ =	shalt  }
0x44: {  	_ =	shalt  }
0x45: {  	_ =	shalt  }
0x46: {  	_ =	shalt  }
0x47: {  	_ =	shalt  }
0x48: {  	_ =	shalt  }
0x49: {  	_ =	shalt  }
0x4a: {  	_ =	shalt  }
0x4b: {  	_ =	shalt  }
0x4c: {  	_ =	shalt  }
0x4d: {  	_ =	shalt  }
0x4e: {  	_ =	shalt  }
0x4f: {  	_ =	shalt  }
0x50: {  	_ =	shalt  }
0x51: {  	_ =	shalt  }
0x52: {  	_ =	shalt  }
0x53: {  	_ =	shalt  }
0x54: {  	_ =	shalt  }
0x55: {  	_ =	shalt  }
0x56: {  	_ =	shalt  }
0x57: {  	_ =	shalt  }
0x58: {  	_ =	shalt  }
0x59: {  	_ =	shalt  }
0x5a: {  	_ =	shalt  }
0x5b: {  	_ =	shalt  }
0x5c: {  	_ =	shalt  }
0x5d: {  	_ =	shalt  }
0x5e: {  	_ =	shalt  }
0x5f: {  	_ =	shalt  }
0x60: {  	_ =	shalt  }
0x61: {  	_ =	shalt  }
0x62: {  	_ =	shalt  }
0x63: {  	_ =	shalt  }
0x64: {  	_ =	shalt  }
0x65: {  	_ =	shalt  }
0x66: {  	_ =	shalt  }
0x67: {  	_ =	shalt  }
0x68: {  	_ =	shalt  }
0x69: {  	_ =	shalt  }
0x6a: {  	_ =	shalt  }
0x6b: {  	_ =	shalt  }
0x6c: {  	_ =	shalt  }
0x6d: {  	_ =	shalt  }
0x6e: {  	_ =	shalt  }
0x6f: {  	_ =	shalt  }
0x70: {  	_ =	shalt  }
0x71: {  	_ =	shalt  }
0x72: {  	_ =	shalt  }
0x73: {  	_ =	shalt  }
0x74: {  	_ =	shalt  }
0x75: {  	_ =	shalt  }
0x76: {  	_ =	shalt  }
0x77: {  	_ =	shalt  }
0x78: {  	_ =	shalt  }
0x79: {  	_ =	shalt  }
0x7a: {  	_ =	shalt  }
0x7b: {  	_ =	shalt  }
0x7c: {  	_ =	shalt  }
0x7d: {  	_ =	shalt  }
0x7e: {  	_ =	shalt  }
0x7f: {  	_ =	shalt  }
0x80: {  	_ =	shalt  }
0x81: {  	_ =	shalt  }
0x82: {  	_ =	shalt  }
0x83: {  	_ =	shalt  }
0x84: {  	_ =	shalt  }
0x85: {  	_ =	shalt  }
0x86: {  	_ =	shalt  }
0x87: {  	_ =	shalt  }
.Lfunc_end0:
.L_simem_size_0:
called_computation_lowered:
.L_overlay_start_0:
0x88: {  	s2 =	sld [smem:$0x3FD9]  }
0x89: {  	s3 =	sld [smem:$0x3FFE];
	_ =	sdelay $0x1  }
0x8a: {  	s1 =	srdreg.scid  }
0x8b: {  	s0 =	sand.u32 $0x1, s1  }
0x8c: {  	s17 =	sshll.u32 s0, $0xA;
	s2 =	sadd.s32 s3, s2  }
0x8d: {  	s2 =	sadd.s32 s2, s17  }
0x8e: {  	[smem:$0x3FC2] =	sst s2  }
0x8f: {  	_ = 	snop  }
0x90: {  	s2 =	sld [smem:$0x3FD0];
	(tm) =	ssettm $0x1  }
0x91: {  	s18 =	sld [smem:$0x3FFB];
	_ =	sdelay $0x3  }
0x92: {  	_ =	strace s18  }
0x93: {  	s3 =	sld [smem:$0x3FFC];
	_ =	sdelay $0x3  }
0x94: {  	_ =	strace s3  }
0x95: {  	s3 =	sld [smem:$0x3FFD];
	_ =	sdelay $0x3  }
0x96: {  	_ =	strace s3  }
0x97: {  	_ =	strace $0x8FFFFFFF  }
0x98: {  	s19 =	sld [smem:$0x3FDB];
	_ =	sdelay $0x1  }
0x99: {  	s4 =	simm.s32 $_scs_section_size  }
0x9a: {  	s5 =	simm.s32 $_size__tile_overlayer_lowered;
	s6 =	simm.s32 $_tile_overlayer_lowered  }
0x9b: {  	s22 =	simm.s32 $0x1BFF;
	s21 =	sshll.u32 s6, $0x1;
	s3 =	sadd.s32 s4, s19  }
0x9c: {  	s7 =	simm.s32 $0x0;
	s20 =	sshll.u32 s5, $0x1;
	s5 =	sadd.s32 s21, s3  }
0x9d: {  	[timem:s7], [sflag:s22] =	dma.local [hbm:s5], s20  }
0x9e: {  	_ =	swait.ge [sflag:s22], s20  }
0x9f: {  	s4 =	ssub.s32 $0x0, s20;
	[sflag:s22] =	ssyncset.done $0x0  }
0xa0: {  	[sflag:s22] =	ssyncadd.s32 s4;
	_ =	sdelay $0x1  }
0xa1: {  	s23 =	simm.s32 $0x1B8B  }
0xa2: {  	_ =	swait.ge [sflag:s23], $0x1  }
0xa3: {  	[sflag:s23] =	ssyncset.done $0x0  }
0xa4: {  	s25 =	simm.s32 $0x1B8E;
	s24 =	sld [smem:$0x3FFE];
	[sflag:s23] =	ssyncadd.s32 $0xFFFFFFFF  }
0xa5: {  	s26 =	simm.s32 $execute0_lowered;
	[smem:$0x3FD2] =	sst s25  }
0xa6: {  	s5 =	sshll.u32 s26, $0x1;
	_ =	strace $0x80000046;
	[dreg:$0x1] =	wrdreg $0xFFFFFFFF  }
0xa7: {  	s28 =	simm.s32 $_size_execute0_lowered;
	s3 =	sadd.s32 s3, s5;
	[dreg:$0x0] =	wrdreg $0x0  }
0xa8: {  	s5 =	sshll.u32 s28, $0x1;
	[dreg:$0x2] =	wrdreg s3  }
0xa9: {  	[dreg:$0x3] =	wrdreg s5  }
0xaa: {  	[dreg:$0x4] =	wrdreg $0xC0  }
0xab: {  	_ =	task [dreg:s7], $0x5FFFF  }
0xac: {  	[dreg:$0x1] =	wrdreg $0xFFFFFFFF  }
0xad: {  	[dreg:$0x0] =	wrdreg $0x60  }
0xae: {  	[dreg:$0x2] =	wrdreg s24  }
0xaf: {  	[dreg:$0x3] =	wrdreg s2  }
0xb0: {  	[dreg:$0x4] =	wrdreg $0x54400  }
0xb1: {  	[dreg:$0x5] =	wrdreg $0x56C00  }
0xb2: {  	[dreg:$0x6] =	wrdreg $0x9  }
0xb3: {  	_ =	task.clear_ibuf [dreg:s7], $0x7FFFF;
	_ =	strace $0x90000046  }
0xb4: {  	s29 =	simm.s32 $0x9;
	_ =	strace $0x80000048  }
0xb5: {  	_ =	swait.ge [sflag:s29], $0x1  }
0xb6: {  	[sflag:s29] =	ssyncadd.s32 $0xFFFFFFFF  }
0xb7: {  	_ =	strace $0x90000048  }
0xb8: {  	_ =	sfence  }
0xb9: {  	s30 =	sld [smem:$0x0];
	_ =	sdelay $0x2  }
0xba: {  	s31 =	sshll.u32 s1, $0xD;
	s1 =	sshrl.u32 s1, $0x2  }
0xbb: {  	s3 =	sand.u32 $0x4000, s31;
	s1 =	sadd.s32 s1, s30  }
0xbc: {  	s0 =	sor.u32 s3, s0;
	s1 =	sshll.u32 s1, $0x11  }
0xbd: {  	s0 =	sor.u32 s1, s0  }
0xbe: {  	s0 =	sadd.s32 $0x8F2B, s0  }
0xbf: {  	[sflag:s0] =	ssyncadd.remote.s32 $0x1  }
0xc0: {  	_ =	sfence.sel $0xFFFF  }
0xc1: {  	[dreg:$0x0] =	wrdreg $0xFFFFFFFF;
	(pc) =	sbr.abs _section_cstart, $3  }
0xc2: {  	[dreg:$0x1] =	wrdreg $0xFFFFFFFF  }
0xc3: {  	_ =	task.clear_ibuf [dreg:s7], $0x2FFFF;
	_ =	strace $0x9FFFFFFF  }
0xc4: {  	(tm) =	ssettm $0x7FFFFFFF  }
0xc5: {  	_ =	shalt  }
tec
execute0_lowered:
.L_overlay_start_1:
0x0: {  	(tag) =	ssettag $0x1  }
0x1: {  	s0 =	rddreg [dreg:$0x0]  }
0x2: {  	s1 =	rddreg [dreg:$0x1]  }
0x3: {  	s2 =	rddreg [dreg:$0x2]  }
0x4: {  	s4 =	srdreg.scid;
	s3 =	rddreg [dreg:$0x3]  }
0x5: {  	s8 =	stileid.u32;
	s12 =	simm.s32 $0x51C0;
	s13 =	simm.s32 $0xB  }
0x6: {  	s14 =	simm.s32 $0x28A0;
	s15 =	simm.s32 $0x64;
	s16 =	simm.s32 $0x5140  }
0x7: {  	s23 =	simm.s32 $0x1A0;
	s24 =	simm.s32 $0x2A40;
	s28 =	simm.s32 $0x2  }
0x8: {  	s29 =	simm.s32 $0x7;
	s30 =	simm.s32 $0x3;
	s31 =	simm.s32 $0x8  }
0x9: {  	s17 =	simm.s32 $0x5;
	s18 =	simm.s32 $0xA;
	s19 =	simm.s32 $0x0  }
0xa: {  	s5 =	sand.u32 $0x1, s4;
	s7 =	smul.u32 $0x280, s8;
	s4 =	simm.s32 $0x0  }
0xb: {  	s6 =	sshll.u32 s5, $0x4;
	s25 =	smul.u32 $0x2800, s5;
	[smem:$0x7FF] =	sst s4  }
0xc: {  	s5 =	ssub.s32 $0x2, s5;
	s6 =	sor.u32 s8, s6;
	_ =	strace $0x80000047  }
0xd: {  	s26 =	sshrl.u32 s5, $0x1;
	s6 =	smul.u32 $0x514, s6;
	s8 =	sadd.s32 s7, s25  }
0xe: {  	s11 =	ssub.s32 s5, s26;
	s5 =	sadd.s32 s7, s2;
	s25 =	simm.s32 $0x1  }
0xf: {  	s26 =	simm.s32 $0x6;
	s10 =	sshrl.u32 s8, $0x3;
	s11 =	smax.u32 s11, $0x1  }
0x10: {  	s9 =	sadd.s32 s6, s0;
	s0 =	sadd.s32 s10, s0;
	s6 =	sadd.s32 s7, s3  }
0x11: {  	s7 =	sadd.s32 $0xBE00, s9;
	s8 =	sadd.s32 $0x1A00, s9;
	s9 =	sadd.s32 s1, s10  }
0x12: {  	v0 =	vimm.f32 $1.000000000e+00;
	v1 =	vimm.f32 $0.0e+00;
	s10 =	sadd.s32 $0x16200, s0;
	s0 =	simm.s32 $0x4;
	s1 =	simm.s32 $0x9  }
.LBB2_1:
0x13: {  	[tilespmem:$0x5140] =	vst v0  }
0x14: {  	[tilespmem:$0x5150] =	vst v0  }
0x15: {  	[tilespmem:$0x5160] =	vst v0  }
0x16: {  	[tilespmem:$0x5170] =	vst v0  }
0x17: {  	[tilespmem:$0x5180] =	vst v0  }
0x18: {  	[tilespmem:$0x5190] =	vst v0  }
0x19: {  	[tilespmem:$0x51A0] =	vst v0  }
0x1a: {  	[tilespmem:$0x51B0] =	vst v0  }
0x1b: {  	[tilespmem:$0x51C0] =	vst v1  }
0x1c: {  	[tilespmem:$0x51D0] =	vst v1  }
0x1d: {  	[tilespmem:$0x51E0] =	vst v1  }
0x1e: {  	[tilespmem:$0x51F0] =	vst v1  }
0x1f: {  	[tilespmem:$0x5200] =	vst v1  }
0x20: {  	[tilespmem:$0x5210] =	vst v1  }
0x21: {  	[tilespmem:$0x5220] =	vst v1  }
0x22: {  	[tilespmem:$0x5230] =	vst v1  }
0x23: {  	[tilespmem:$0x5240] =	vst v1  }
0x24: {  	[tilespmem:$0x5250] =	vst v1  }
0x25: {  	[tilespmem:$0x5260] =	vst v1  }
0x26: {  	[tilespmem:$0x5270] =	vst v1  }
0x27: {  	[tilespmem:$0x5280] =	vst v1  }
0x28: {  	[tilespmem:$0x5290] =	vst v1  }
0x29: {  	[tilespmem:$0x52A0] =	vst v1  }
0x2a: {  	[tilespmem:$0x52B0] =	vst v1  }
0x2b: {  	[tilespmem:$0x52C0] =	vst v1  }
0x2c: {  	[tilespmem:$0x52D0] =	vst v1  }
0x2d: {  	[tilespmem:$0x52E0] =	vst v1  }
0x2e: {  	[tilespmem:$0x52F0] =	vst v1  }
0x2f: {  	[tilespmem:$0x5300] =	vst v1  }
0x30: {  	[tilespmem:$0x5310] =	vst v1  }
0x31: {  	[tilespmem:$0x5320] =	vst v1  }
0x32: {  	[tilespmem:$0x5330] =	vst v1  }
0x33: {  	[tilespmem:$0x5340] =	vst v1  }
0x34: {  	[tilespmem:$0x5350] =	vst v1  }
0x35: {  	[tilespmem:$0x5360] =	vst v1  }
0x36: {  	[tilespmem:$0x5370] =	vst v1  }
0x37: {  	[tilespmem:$0x5380] =	vst v1  }
0x38: {  	[tilespmem:$0x5390] =	vst v1  }
0x39: {  	[tilespmem:$0x53A0] =	vst v1  }
0x3a: {  	[tilespmem:$0x53B0] =	vst v1  }
0x3b: {  	[tilespmem:$0x53C0] =	vst v1  }
0x3c: {  	[tilespmem:$0x53D0] =	vst v1  }
0x3d: {  	[tilespmem:$0x53E0] =	vst v1  }
0x3e: {  	[tilespmem:$0x53F0] =	vst v1  }
0x3f: {  	[tilespmem:$0x5400] =	vst v1  }
0x40: {  	[tilespmem:$0x5410] =	vst v1  }
0x41: {  	[tilespmem:$0x5420] =	vst v1  }
0x42: {  	[tilespmem:$0x5430] =	vst v1  }
0x43: {  	[spmem:s5] =	stream.linear.scatter [tilespmem:s12], [sflag:$0xB], $0x280, $0x38;
	[tilespmem:$0x5940] =	vst v63  }
0x44: {  	_ =	swait.ge [sflag:s13], $0x280  }
0x45: {  	[sflag:s13] =	ssyncset.done $0x0  }
0x46: {  	[sflag:s13] =	ssyncadd.s32 $0xFFFFFD80  }
0x47: {  	[spmem:s6] =	stream.linear.scatter [tilespmem:s12], [sflag:$0xB], $0x280, $0x38;
	[tilespmem:$0x5940] =	vst v63  }
0x48: {  	_ =	swait.ge [sflag:s13], $0x280  }
0x49: {  	[sflag:s13] =	ssyncset.done $0x0  }
0x4a: {  	[sflag:s13] =	ssyncadd.s32 $0xFFFFFD80  }
0x4b: {  	[bflag:$0x0] =	sbarrier.arrive $0xFFFF  }
0x4c: {  	[tilespmem:s4], [sflag:$0xB] =	stream.linear.gather [hbm4b:s7+s4], $0x28A0, $0x38;
	[tilespmem:$0x5940] =	vst v63  }
0x4d: {  	_ =	swait.ge [sflag:s13], $0x28A0  }
0x4e: {  	[sflag:s13] =	ssyncset.done $0x0  }
0x4f: {  	[sflag:s13] =	ssyncadd.s32 $0xFFFFD760  }
0x50: {  	[tilespmem:s14], [sflag:$0xB] =	stream.linear.gather [hbm4b:s8+s4], $0x28A0, $0x38;
	[tilespmem:$0x5940] =	vst v63  }
0x51: {  	_ =	swait.ge [sflag:s13], $0x28A0  }
0x52: {  	[sflag:s13] =	ssyncset.done $0x0  }
0x53: {  	[sflag:s13] =	ssyncadd.s32 $0xFFFFD760  }
0x54: {  	[spmem:s2] =	stream.indirect.scatter.add.f32 [tilespmem:s16], [sflag:$0x1], $0x1, s4, s15, $0xb8;
	[tilespmem:$0x5940] =	vst v63  }
0x55: {  	_ = 	snop  }
0x56: {  	[spmem:s3] =	stream.indirect.scatter.add.f32 [tilespmem:s16], [sflag:$0x6], $0x1, s14, s15, $0xb8;
	[tilespmem:$0x5940] =	vst v63  }
0x57: {  	s20 =	simm.s32 $0x68  }
0x58: {  	[spmem:s2] =	stream.indirect.scatter.add.f32 [tilespmem:s16], [sflag:$0x2], $0x1, s20, s15, $0xb8;
	[tilespmem:$0x5940] =	vst v63  }
0x59: {  	s21 =	simm.s32 $0x2908  }
0x5a: {  	[spmem:s3] =	stream.indirect.scatter.add.f32 [tilespmem:s16], [sflag:$0x7], $0x1, s21, s15, $0xb8;
	[tilespmem:$0x5940] =	vst v63  }
0x5b: {  	s22 =	simm.s32 $0xD0  }
0x5c: {  	[spmem:s2] =	stream.indirect.scatter.add.f32 [tilespmem:s16], [sflag:$0x3], $0x1, s22, s15, $0xb8;
	[tilespmem:$0x5940] =	vst v63  }
0x5d: {  	s21 =	simm.s32 $0x2970  }
0x5e: {  	[spmem:s3] =	stream.indirect.scatter.add.f32 [tilespmem:s16], [sflag:$0x8], $0x1, s21, s15, $0xb8;
	[tilespmem:$0x5940] =	vst v63  }
0x5f: {  	s22 =	simm.s32 $0x138  }
0x60: {  	[spmem:s2] =	stream.indirect.scatter.add.f32 [tilespmem:s16], [sflag:$0x4], $0x1, s22, s15, $0xb8;
	[tilespmem:$0x5940] =	vst v63  }
0x61: {  	s21 =	simm.s32 $0x29D8  }
0x62: {  	[spmem:s3] =	stream.indirect.scatter.add.f32 [tilespmem:s16], [sflag:$0x9], $0x1, s21, s15, $0xb8;
	[tilespmem:$0x5940] =	vst v63  }
0x63: {  	_ = 	snop  }
0x64: {  	[spmem:s2] =	stream.indirect.scatter.add.f32 [tilespmem:s16], [sflag:$0x5], $0x1, s23, s15, $0xb8;
	[tilespmem:$0x5940] =	vst v63  }
0x65: {  	_ = 	snop  }
0x66: {  	[spmem:s3] =	stream.indirect.scatter.add.f32 [tilespmem:s16], [sflag:$0xA], $0x1, s24, s15, $0xb8;
	[tilespmem:$0x5940] =	vst v63  }
0x67: {  	_ =	swait.ge [sflag:s25], $0x64  }
0x68: {  	[sflag:s25] =	ssyncset.done $0x0  }
0x69: {  	[sflag:s25] =	ssyncadd.s32 $0xFFFFFF9C  }
0x6a: {  	_ =	swait.ge [sflag:s26], $0x64  }
0x6b: {  	[sflag:s26] =	ssyncset.done $0x0  }
0x6c: {  	s22 =	simm.s32 $0x208;
	[sflag:s26] =	ssyncadd.s32 $0xFFFFFF9C  }
0x6d: {  	[spmem:s2] =	stream.indirect.scatter.add.f32 [tilespmem:s16], [sflag:$0x1], $0x1, s22, s15, $0xb8;
	[tilespmem:$0x5940] =	vst v63  }
0x6e: {  	s21 =	simm.s32 $0x2AA8  }
0x6f: {  	[spmem:s3] =	stream.indirect.scatter.add.f32 [tilespmem:s16], [sflag:$0x6], $0x1, s21, s15, $0xb8;
	[tilespmem:$0x5940] =	vst v63  }
0x70: {  	_ =	swait.ge [sflag:s28], $0x64  }
0x71: {  	[sflag:s28] =	ssyncset.done $0x0  }
0x72: {  	[sflag:s28] =	ssyncadd.s32 $0xFFFFFF9C  }
0x73: {  	_ =	swait.ge [sflag:s29], $0x64  }
0x74: {  	[sflag:s29] =	ssyncset.done $0x0  }
0x75: {  	s22 =	simm.s32 $0x270;
	[sflag:s29] =	ssyncadd.s32 $0xFFFFFF9C  }
0x76: {  	[spmem:s2] =	stream.indirect.scatter.add.f32 [tilespmem:s16], [sflag:$0x2], $0x1, s22, s15, $0xb8;
	[tilespmem:$0x5940] =	vst v63  }
0x77: {  	s21 =	simm.s32 $0x2B10  }
0x78: {  	[spmem:s3] =	stream.indirect.scatter.add.f32 [tilespmem:s16], [sflag:$0x7], $0x1, s21, s15, $0xb8;
	[tilespmem:$0x5940] =	vst v63  }
0x79: {  	_ =	swait.ge [sflag:s30], $0x64  }
0x7a: {  	[sflag:s30] =	ssyncset.done $0x0  }
0x7b: {  	[sflag:s30] =	ssyncadd.s32 $0xFFFFFF9C  }
0x7c: {  	_ =	swait.ge [sflag:s31], $0x64  }
0x7d: {  	[sflag:s31] =	ssyncset.done $0x0  }
0x7e: {  	s22 =	simm.s32 $0x2D8;
	[sflag:s31] =	ssyncadd.s32 $0xFFFFFF9C  }
0x7f: {  	[spmem:s2] =	stream.indirect.scatter.add.f32 [tilespmem:s16], [sflag:$0x3], $0x1, s22, s15, $0xb8;
	[tilespmem:$0x5940] =	vst v63  }
0x80: {  	s21 =	simm.s32 $0x2B78  }
0x81: {  	[spmem:s3] =	stream.indirect.scatter.add.f32 [tilespmem:s16], [sflag:$0x8], $0x1, s21, s15, $0xb8;
	[tilespmem:$0x5940] =	vst v63  }
0x82: {  	_ =	swait.ge [sflag:s0], $0x64  }
0x83: {  	[sflag:s0] =	ssyncset.done $0x0  }
0x84: {  	[sflag:s0] =	ssyncadd.s32 $0xFFFFFF9C  }
0x85: {  	_ =	swait.ge [sflag:s1], $0x64  }
0x86: {  	[sflag:s1] =	ssyncset.done $0x0  }
0x87: {  	s22 =	simm.s32 $0x340;
	[sflag:s1] =	ssyncadd.s32 $0xFFFFFF9C  }
0x88: {  	[spmem:s2] =	stream.indirect.scatter.add.f32 [tilespmem:s16], [sflag:$0x4], $0x1, s22, s15, $0xb8;
	[tilespmem:$0x5940] =	vst v63  }
0x89: {  	s21 =	simm.s32 $0x2BE0  }
0x8a: {  	[spmem:s3] =	stream.indirect.scatter.add.f32 [tilespmem:s16], [sflag:$0x9], $0x1, s21, s15, $0xb8;
	[tilespmem:$0x5940] =	vst v63  }
0x8b: {  	_ =	swait.ge [sflag:s17], $0x64  }
0x8c: {  	[sflag:s17] =	ssyncset.done $0x0  }
0x8d: {  	[sflag:s17] =	ssyncadd.s32 $0xFFFFFF9C  }
0x8e: {  	_ =	swait.ge [sflag:s18], $0x64  }
0x8f: {  	s20 =	simm.s32 $0x820;
	[sflag:s18] =	ssyncset.done $0x0  }
0x90: {  	s22 =	simm.s32 $0x3A8;
	s21 =	simm.s32 $0x2C48;
	[sflag:s18] =	ssyncadd.s32 $0xFFFFFF9C  }
0x91: {  	[spmem:s2] =	stream.indirect.scatter.add.f32 [tilespmem:s16], [sflag:$0x5], $0x1, s22, s15, $0xb8;
	[tilespmem:$0x5940] =	vst v63  }
.LBB2_2:
0x92: {  	[spmem:s3] =	stream.indirect.scatter.add.f32 [tilespmem:s16], [sflag:$0xA], $0x1, s21, s15, $0xb8;
	[tilespmem:$0x5940] =	vst v63  }
0x93: {  	s21 =	smov.u32 s20  }
0x94: {  	p0 =	sne.s32 s20, $0x9240;
	s20 =	sadd.s32 $0x820, s20;
	_ =	swait.ge [sflag:s25], $0x64  }
0x95: {  	[sflag:s25] =	ssyncset.done $0x0  }
0x96: {  	[sflag:s25] =	ssyncadd.s32 $0xFFFFFF9C  }
0x97: {  	_ =	swait.ge [sflag:s26], $0x64  }
0x98: {  	s21 =	sshra.s32 s21, $0x2;
	[sflag:s26] =	ssyncset.done $0x0  }
0x99: {  	s22 =	sadd.s32 $0x208, s21;
	[sflag:s26] =	ssyncadd.s32 $0xFFFFFF9C  }
0x9a: {  	[spmem:s2] =	stream.indirect.scatter.add.f32 [tilespmem:s16], [sflag:$0x1], $0x1, s22, s15, $0xb8;
	[tilespmem:$0x5940] =	vst v63  }
0x9b: {  	s22 =	sadd.s32 $0x2AA8, s21  }
0x9c: {  	[spmem:s3] =	stream.indirect.scatter.add.f32 [tilespmem:s16], [sflag:$0x6], $0x1, s22, s15, $0xb8;
	[tilespmem:$0x5940] =	vst v63  }
0x9d: {  	_ =	swait.ge [sflag:s28], $0x64  }
0x9e: {  	[sflag:s28] =	ssyncset.done $0x0  }
0x9f: {  	[sflag:s28] =	ssyncadd.s32 $0xFFFFFF9C  }
0xa0: {  	_ =	swait.ge [sflag:s29], $0x64  }
0xa1: {  	[sflag:s29] =	ssyncset.done $0x0  }
0xa2: {  	s22 =	sadd.s32 $0x270, s21;
	[sflag:s29] =	ssyncadd.s32 $0xFFFFFF9C  }
0xa3: {  	[spmem:s2] =	stream.indirect.scatter.add.f32 [tilespmem:s16], [sflag:$0x2], $0x1, s22, s15, $0xb8;
	[tilespmem:$0x5940] =	vst v63  }
0xa4: {  	s22 =	sadd.s32 $0x2B10, s21  }
0xa5: {  	[spmem:s3] =	stream.indirect.scatter.add.f32 [tilespmem:s16], [sflag:$0x7], $0x1, s22, s15, $0xb8;
	[tilespmem:$0x5940] =	vst v63  }
0xa6: {  	_ =	swait.ge [sflag:s30], $0x64  }
0xa7: {  	[sflag:s30] =	ssyncset.done $0x0  }
0xa8: {  	[sflag:s30] =	ssyncadd.s32 $0xFFFFFF9C  }
0xa9: {  	_ =	swait.ge [sflag:s31], $0x64  }
0xaa: {  	[sflag:s31] =	ssyncset.done $0x0  }
0xab: {  	s22 =	sadd.s32 $0x2D8, s21;
	[sflag:s31] =	ssyncadd.s32 $0xFFFFFF9C  }
0xac: {  	[spmem:s2] =	stream.indirect.scatter.add.f32 [tilespmem:s16], [sflag:$0x3], $0x1, s22, s15, $0xb8;
	[tilespmem:$0x5940] =	vst v63  }
0xad: {  	s22 =	sadd.s32 $0x2B78, s21  }
0xae: {  	[spmem:s3] =	stream.indirect.scatter.add.f32 [tilespmem:s16], [sflag:$0x8], $0x1, s22, s15, $0xb8;
	[tilespmem:$0x5940] =	vst v63  }
0xaf: {  	_ =	swait.ge [sflag:s0], $0x64  }
0xb0: {  	[sflag:s0] =	ssyncset.done $0x0  }
0xb1: {  	[sflag:s0] =	ssyncadd.s32 $0xFFFFFF9C  }
0xb2: {  	_ =	swait.ge [sflag:s1], $0x64  }
0xb3: {  	[sflag:s1] =	ssyncset.done $0x0  }
0xb4: {  	s22 =	sadd.s32 $0x340, s21;
	[sflag:s1] =	ssyncadd.s32 $0xFFFFFF9C  }
0xb5: {  	[spmem:s2] =	stream.indirect.scatter.add.f32 [tilespmem:s16], [sflag:$0x4], $0x1, s22, s15, $0xb8;
	[tilespmem:$0x5940] =	vst v63  }
0xb6: {  	s22 =	sadd.s32 $0x2BE0, s21  }
0xb7: {  	[spmem:s3] =	stream.indirect.scatter.add.f32 [tilespmem:s16], [sflag:$0x9], $0x1, s22, s15, $0xb8;
	[tilespmem:$0x5940] =	vst v63  }
0xb8: {  	_ =	swait.ge [sflag:s17], $0x64  }
0xb9: {  	[sflag:s17] =	ssyncset.done $0x0  }
0xba: {  	[sflag:s17] =	ssyncadd.s32 $0xFFFFFF9C  }
.Ltmp0:
0xbb: {  	_ =	swait.ge [sflag:s18], $0x64;
	(pc) =	sbr.rel @p0 .LBB2_2-.Ltmp0, $4  }
0xbc: {  	[sflag:s18] =	ssyncset.done $0x0  }
0xbd: {  	s22 =	sadd.s32 $0x3A8, s21;
	[sflag:s18] =	ssyncadd.s32 $0xFFFFFF9C  }
0xbe: {  	[spmem:s2] =	stream.indirect.scatter.add.f32 [tilespmem:s16], [sflag:$0x5], $0x1, s22, s15, $0xb8;
	[tilespmem:$0x5940] =	vst v63  }
0xbf: {  	s21 =	sadd.s32 $0x2C48, s21  }
0xc0: {  	[spmem:s3] =	stream.indirect.scatter.add.f32 [tilespmem:s16], [sflag:$0xA], $0x1, s21, s15, $0xb8;
	[tilespmem:$0x5940] =	vst v63  }
0xc1: {  	_ =	swait.ge [sflag:s25], $0x64  }
0xc2: {  	[sflag:s25] =	ssyncset.done $0x0  }
0xc3: {  	[sflag:s25] =	ssyncadd.s32 $0xFFFFFF9C  }
0xc4: {  	_ =	swait.ge [sflag:s26], $0x64  }
0xc5: {  	[sflag:s26] =	ssyncset.done $0x0  }
0xc6: {  	[sflag:s26] =	ssyncadd.s32 $0xFFFFFF9C  }
0xc7: {  	_ =	swait.ge [sflag:s28], $0x64  }
0xc8: {  	[sflag:s28] =	ssyncset.done $0x0  }
0xc9: {  	[sflag:s28] =	ssyncadd.s32 $0xFFFFFF9C  }
0xca: {  	_ =	swait.ge [sflag:s29], $0x64  }
0xcb: {  	[sflag:s29] =	ssyncset.done $0x0  }
0xcc: {  	[sflag:s29] =	ssyncadd.s32 $0xFFFFFF9C  }
0xcd: {  	_ =	swait.ge [sflag:s30], $0x64  }
0xce: {  	[sflag:s30] =	ssyncset.done $0x0  }
0xcf: {  	[sflag:s30] =	ssyncadd.s32 $0xFFFFFF9C  }
0xd0: {  	_ =	swait.ge [sflag:s31], $0x64  }
0xd1: {  	[sflag:s31] =	ssyncset.done $0x0  }
0xd2: {  	[sflag:s31] =	ssyncadd.s32 $0xFFFFFF9C  }
0xd3: {  	_ =	swait.ge [sflag:s0], $0x64  }
0xd4: {  	[sflag:s0] =	ssyncset.done $0x0  }
0xd5: {  	[sflag:s0] =	ssyncadd.s32 $0xFFFFFF9C  }
0xd6: {  	_ =	swait.ge [sflag:s1], $0x64  }
0xd7: {  	[sflag:s1] =	ssyncset.done $0x0  }
0xd8: {  	[sflag:s1] =	ssyncadd.s32 $0xFFFFFF9C  }
0xd9: {  	_ =	swait.ge [sflag:s17], $0x64  }
0xda: {  	[sflag:s17] =	ssyncset.done $0x0  }
0xdb: {  	[sflag:s17] =	ssyncadd.s32 $0xFFFFFF9C  }
0xdc: {  	_ =	swait.ge [sflag:s18], $0x64  }
0xdd: {  	[sflag:s18] =	ssyncset.done $0x0  }
0xde: {  	[sflag:s18] =	ssyncadd.s32 $0xFFFFFF9C  }
0xdf: {  	[bflag:$0x0] =	sbarrier.arrive $0xFFFF  }
0xe0: {  	[tilespmem:s12], [sflag:$0xB] =	stream.linear.gather [spmem:s5], $0x280, $0x38;
	[tilespmem:$0x5940] =	vst v63  }
0xe1: {  	_ =	swait.ge [sflag:s13], $0x280  }
0xe2: {  	[sflag:s13] =	ssyncset.done $0x0  }
0xe3: {  	[sflag:s13] =	ssyncadd.s32 $0xFFFFFD80  }
0xe4: {  	[hbm4b:s9+s4] =	stream.linear.scatter [tilespmem:s12], [sflag:$0xB], $0x280, $0x38;
	[tilespmem:$0x5940] =	vst v63  }
0xe5: {  	_ =	swait.ge [sflag:s13], $0x280  }
0xe6: {  	[sflag:s13] =	ssyncset.done $0x0  }
0xe7: {  	[sflag:s13] =	ssyncadd.s32 $0xFFFFFD80  }
0xe8: {  	[tilespmem:s12], [sflag:$0xB] =	stream.linear.gather [spmem:s6], $0x280, $0x38;
	[tilespmem:$0x5940] =	vst v63  }
0xe9: {  	s19 =	sadd.s32 $0x1, s19;
	_ =	swait.ge [sflag:s13], $0x280  }
0xea: {  	p0 =	sne.s32 s19, s11;
	[sflag:s13] =	ssyncset.done $0x0  }
.Ltmp1:
0xeb: {  	[sflag:s13] =	ssyncadd.s32 $0xFFFFFD80;
	(pc) =	sbr.rel @p0 .LBB2_1-.Ltmp1, $4  }
0xec: {  	[hbm4b:s10+s4] =	stream.linear.scatter [tilespmem:s12], [sflag:$0xB], $0x280, $0x38;
	[tilespmem:$0x5940] =	vst v63  }
0xed: {  	_ =	swait.ge [sflag:s13], $0x280  }
0xee: {  	[sflag:s13] =	ssyncset.done $0x0  }
0xef: {  	[sflag:s13] =	ssyncadd.s32 $0xFFFFFD80  }
0xf0: {  	_ =	sfence.sel $0x180000  }
0xf1: {  	[bflag:$0x0] =	sbarrier.arrive $0xFFFF  }
0xf2: {  	_ =	strace $0x90000047  }
0xf3: {  	s0 =	stileid.u32;
	[bflag:$0x2] =	sbarrier.arrive $0xFFFF  }
0xf4: {  	p0 =	sne.s32 s0, $0x0;
	s0 =	rddreg [dreg:$0x4]  }
0xf5: {  	s0 =	sadd.s32 @!p0 $0x100000, s0  }
0xf6: {  	[sflag:s0] =	ssyncadd.tile.s32 @!p0 $0x1;
	_ =	shalt  }
.Lfunc_end2:
_tile_overlayer_lowered:
.L_overlay_start_2:
0xf7: {  	(tag) =	ssettag $0x2  }
0xf8: {  	s0 =	rddreg [dreg:$0x0];
	s2 =	stileid.u32  }
0xf9: {  	s1 =	rddreg [dreg:$0x1];
	p0 =	sne.s32 s2, $0x0  }
0xfa: {  	s3 =	rddreg [dreg:$0x2];
	[bflag:$0x3] =	sbarrier.arrive $0xFFFF;
	s2 =	simm.s32 @!p0 $0x1C0B  }
0xfb: {  	[timem:s3], [sflag:s2] =	dma.local @!p0 [hbm:s0], s1  }
0xfc: {  	s0 =	simm.s32 @!p0 $0xB  }
0xfd: {  	_ =	swait.ge @!p0 [sflag:s0], s1  }
0xfe: {  	s1 =	ssub.s32 @!p0 $0x0, s1;
	[sflag:s0] =	ssyncset.done @!p0 $0x0  }
0xff: {  	[sflag:s0] =	ssyncadd.s32 @!p0 s1  }
0x100: {  	[bflag:$0x3] =	sbarrier.arrive $0xFFFF  }
0x101: {  	_ =	shalt  }

</sc_bundles>
